<compile_context>
chip_gen: v7x
topology: tpu7x:2x2x1
jax: 0.10.2.dev20260603
libtpu: 0.0.44.dev20260713+nightly
codegen_flags: <defaults>
</compile_context>

<pallas_src>
import functools

import jax
import jax.numpy as jnp
from jax import lax
from jax.experimental import pallas as pl
from jax.experimental.pallas import tpu as pltpu
from jax.experimental.pallas import tpu_sc as plsc

N = 10000
M = 10000
E = 320000
H = 128

_NC = 2
_NS = 16
_NW = _NC * _NS
_CHUNK = 125
_ROWS_PER_W = E // _CHUNK // _NW
_IDX_BLOCK = 40


def _lrelu(v):
    return jnp.where(v >= 0, v, 0.01 * v)


_RB = 2000


def _rb_spec():
    return pl.BlockSpec((_RB, H), lambda i: (i, 0))


def _full(shape):
    nd = len(shape)
    return pl.BlockSpec(shape, lambda i: (0,) * nd)


def _tc_pre(x_e, x, W1e, b1e, W2e, b2e, W1n, b1n):
    def body(xe_ref, x_ref, w1e, bb1e, w2e, bb2e, w1n, bb1n, oxe, oh1):
        t = _lrelu(jnp.dot(xe_ref[...], w1e[...],
                           preferred_element_type=jnp.float32) + bb1e[...])
        oxe[...] = _lrelu(jnp.dot(t, w2e[...],
                                  preferred_element_type=jnp.float32) + bb2e[...])
        oh1[...] = _lrelu(jnp.dot(x_ref[...], w1n[...],
                                  preferred_element_type=jnp.float32) + bb1n[...])

    return pl.pallas_call(
        body,
        grid=(M // _RB,),
        in_specs=[_rb_spec(), _rb_spec(), _full((H, H)), _full((H,)),
                  _full((H, H)), _full((H,)), _full((H, H)), _full((H,))],
        out_specs=[_rb_spec(), _rb_spec()],
        out_shape=[jax.ShapeDtypeStruct((M, H), jnp.float32),
                   jax.ShapeDtypeStruct((N, H), jnp.float32)],
    )(x_e, x, W1e, b1e, W2e, b2e, W1n, b1n)


def _tc_agg_div(p, degp):
    def body(p_ref, d_ref, o_ref):
        deg = jnp.maximum(jnp.sum(d_ref[...], axis=1), 1.0)
        o_ref[...] = (p_ref[0] + p_ref[1]) / deg[:, None]

    return pl.pallas_call(
        body,
        grid=(M // _RB,),
        in_specs=[pl.BlockSpec((2, _RB, H), lambda i: (0, i, 0)),
                  pl.BlockSpec((_RB, _NW), lambda i: (i, 0))],
        out_specs=_rb_spec(),
        out_shape=jax.ShapeDtypeStruct((M, H), jnp.float32),
    )(p, degp)


def _tc_mid(h1, p, degnp, xe, W2n, b2n, Wq, bq, Wk, bk, att):
    def body(h1_ref, p_ref, d_ref, xe_ref, w2n, bb2n, wq, bbq, wk, bbk,
             att_ref, ok, osq, osk):
        deg = jnp.maximum(jnp.sum(d_ref[...], axis=1), 1.0)
        n_agg = (p_ref[0] + p_ref[1]) / deg[:, None]
        h = _lrelu(jnp.dot(h1_ref[...] + n_agg, w2n[...],
                           preferred_element_type=jnp.float32) + bb2n[...])
        kk = jnp.dot(xe_ref[...], wk[...],
                     preferred_element_type=jnp.float32) + bbk[...]
        ok[...] = kk
        attq = att_ref[:H].reshape(H, 1)
        attk = att_ref[H:].reshape(H, 1)
        wqv = jnp.dot(wq[...], attq, preferred_element_type=jnp.float32)
        cq = jnp.sum(bbq[...] * attq[:, 0])
        i = pl.program_id(0)
        osq[pl.ds(i, 1), :] = (jnp.dot(h, wqv, preferred_element_type=jnp.float32)[:, 0]
                               + cq)[None, :]
        osk[pl.ds(i, 1), :] = jnp.dot(kk, attk,
                                      preferred_element_type=jnp.float32)[:, 0][None, :]

    return pl.pallas_call(
        body,
        grid=(N // _RB,),
        in_specs=[_rb_spec(), pl.BlockSpec((2, _RB, H), lambda i: (0, i, 0)),
                  pl.BlockSpec((_RB, _NW), lambda i: (i, 0)), _rb_spec(),
                  _full((H, H)), _full((H,)), _full((H, H)), _full((H,)),
                  _full((H, H)), _full((H,)), _full((2 * H,))],
        out_specs=[_rb_spec(), pl.BlockSpec((N // _RB, _RB), lambda i: (0, 0)),
                   pl.BlockSpec((M // _RB, _RB), lambda i: (0, 0))],
        out_shape=[jax.ShapeDtypeStruct((M, H), jnp.float32),
                   jax.ShapeDtypeStruct((N // _RB, _RB), jnp.float32),
                   jax.ShapeDtypeStruct((M // _RB, _RB), jnp.float32)],
    )(h1, p, degnp, xe, W2n, b2n, Wq, bq, Wk, bk, att)


def _tc_bv(sq2, sk2):
    def body(sq_ref, sk_ref, o_ref):
        m = jnp.max(sq_ref[...]) + jnp.max(sk_ref[...])
        o_ref[...] = jnp.broadcast_to(_lrelu(m), (16,))

    return pl.pallas_call(
        body,
        out_shape=jax.ShapeDtypeStruct((16,), jnp.float32),
    )(sq2, sk2)


def _tc_rec(denp):
    def body(d_ref, o_ref):
        o_ref[...] = 1.0 / (jnp.sum(d_ref[...], axis=0) + 1e-16)

    return pl.pallas_call(
        body,
        out_shape=jax.ShapeDtypeStruct((N,), jnp.float32),
    )(denp)


def _tc_add2(p):
    def body(p_ref, o_ref):
        o_ref[...] = p_ref[0] + p_ref[1]

    return pl.pallas_call(
        body,
        grid=(N // _RB,),
        in_specs=[pl.BlockSpec((2, _RB, H), lambda i: (0, i, 0))],
        out_specs=_rb_spec(),
        out_shape=jax.ShapeDtypeStruct((N, H), jnp.float32),
    )(p)


def _tc_stats(a, b):
    def body(a_ref, b_ref, o_ref):
        i = pl.program_id(0)
        av = a_ref[...]
        bv = b_ref[...]
        val = jnp.stack([jnp.sum(av, 0), jnp.sum(av * av, 0),
                         jnp.sum(bv, 0), jnp.sum(bv * bv, 0)], 0)

        @pl.when(i == 0)
        def _():
            o_ref[...] = val

        @pl.when(i > 0)
        def _():
            o_ref[...] = o_ref[...] + val

    return pl.pallas_call(
        body,
        grid=(M // _RB,),
        in_specs=[_rb_spec(), _rb_spec()],
        out_specs=pl.BlockSpec((4, H), lambda i: (0, 0)),
        out_shape=jax.ShapeDtypeStruct((4, H), jnp.float32),
    )(a, b)


def _gn_factors(s1, s2, gamma, beta, alpha, eps=1e-5):
    mean = s1 / M
    var = s2 / M - (2.0 * alpha - alpha * alpha) * mean * mean
    scale = gamma / jnp.sqrt(var + eps)
    return scale, beta - scale * alpha * mean


def _tc_fuse(hm, xe, st, g1, be1, a1, Wf, bf):
    def body(hm_ref, xe_ref, st_ref, g_ref, be_ref, a_ref, wf, bbf, ou, ost):
        i = pl.program_id(0)
        sc_a, off_a = _gn_factors(st_ref[0], st_ref[1], g_ref[0, :H],
                                  be_ref[0, :H], a_ref[0, :H])
        sc_b, off_b = _gn_factors(st_ref[2], st_ref[3], g_ref[0, H:],
                                  be_ref[0, H:], a_ref[0, H:])
        za = hm_ref[...] * sc_a + off_a
        zb = xe_ref[...] * sc_b + off_b
        u = _lrelu(jnp.dot(za, wf[:H], preferred_element_type=jnp.float32)
                   + jnp.dot(zb, wf[H:], preferred_element_type=jnp.float32)
                   + bbf[...])
        ou[...] = u
        val = jnp.stack([jnp.sum(u, 0), jnp.sum(u * u, 0)], 0)

        @pl.when(i == 0)
        def _():
            ost[...] = val

        @pl.when(i > 0)
        def _():
            ost[...] = ost[...] + val

    return pl.pallas_call(
        body,
        grid=(M // _RB,),
        in_specs=[_rb_spec(), _rb_spec(), _full((4, H)), _full((1, 2 * H)),
                  _full((1, 2 * H)), _full((1, 2 * H)), _full((2 * H, H)),
                  _full((H,))],
        out_specs=[_rb_spec(), pl.BlockSpec((2, H), lambda i: (0, 0))],
        out_shape=[jax.ShapeDtypeStruct((M, H), jnp.float32),
                   jax.ShapeDtypeStruct((2, H), jnp.float32)],
    )(hm, xe, st, g1.reshape(1, -1), be1.reshape(1, -1), a1.reshape(1, -1),
      Wf, bf)


def _tc_out(u, st, g2, be2, a2, Wc1, bc1, Wc2, bc2):
    def body(u_ref, st_ref, g_ref, be_ref, a_ref, wc1, bbc1, wc2, bbc2, o_ref):
        sc, off = _gn_factors(st_ref[0], st_ref[1], g_ref[0], be_ref[0],
                              a_ref[0])
        z = _lrelu(u_ref[...] * sc + off)
        z = _lrelu(jnp.dot(z, wc1[...], preferred_element_type=jnp.float32)
                   + bbc1[...])
        o_ref[...] = jnp.dot(z, wc2[...],
                             preferred_element_type=jnp.float32) + bbc2[...]

    D_OUT = Wc2.shape[1]
    return pl.pallas_call(
        body,
        grid=(M // _RB,),
        in_specs=[_rb_spec(), _full((2, H)), _full((1, H)), _full((1, H)),
                  _full((1, H)), _full((H, H)), _full((H,)),
                  _full((H, D_OUT)), _full((D_OUT,))],
        out_specs=pl.BlockSpec((_RB, D_OUT), lambda i: (i, 0)),
        out_shape=jax.ShapeDtypeStruct((M, D_OUT), jnp.float32),
    )(u, st, g2.reshape(1, -1), be2.reshape(1, -1), a2.reshape(1, -1),
      Wc1, bc1, Wc2, bc2)


def _seg_sum_body(table, gidx, sidx, zeros, out, gidx_v, sidx_v, rows0, rows1,
                  acc, gsem0, gsem1):
    c = lax.axis_index("c")
    s = lax.axis_index("s")
    w = s * _NC + c

    rows_per_sub = 624
    pltpu.sync_copy(zeros.at[pl.ds(s * rows_per_sub, rows_per_sub)],
                    acc.at[pl.ds(s * rows_per_sub, rows_per_sub)])

    @pl.when(s == 0)
    def _():
        pltpu.sync_copy(zeros.at[pl.ds(_NS * rows_per_sub, M - _NS * rows_per_sub)],
                        acc.at[pl.ds(_NS * rows_per_sub, M - _NS * rows_per_sub)])
    plsc.subcore_barrier()

    rows = (rows0, rows1)
    sems = (gsem0, gsem1)
    descs = [None, None]

    def start(j, b):
        descs[b] = pltpu.async_copy(table.at[gidx_v.at[j]], rows[b], sems[b])

    for blk in range(_ROWS_PER_W // _IDX_BLOCK):
        base = w * _ROWS_PER_W + blk * _IDX_BLOCK
        pltpu.sync_copy(gidx.at[pl.ds(base, _IDX_BLOCK)], gidx_v)
        pltpu.sync_copy(sidx.at[pl.ds(base, _IDX_BLOCK)], sidx_v)
        start(0, 0)
        for j in range(_IDX_BLOCK):
            b = j & 1
            if j + 1 < _IDX_BLOCK:
                start(j + 1, (j + 1) & 1)
            descs[b].wait()
            pltpu.sync_copy(rows[b], acc.at[sidx_v.at[j]], add=True)

    plsc.subcore_barrier()
    pltpu.sync_copy(acc.at[pl.ds(s * rows_per_sub, rows_per_sub)],
                    out.at[c].at[pl.ds(s * rows_per_sub, rows_per_sub)])

    @pl.when(s == 0)
    def _():
        pltpu.sync_copy(acc.at[pl.ds(_NS * rows_per_sub, M - _NS * rows_per_sub)],
                        out.at[c].at[pl.ds(_NS * rows_per_sub, M - _NS * rows_per_sub)])


_EPW = E // _NW
_NV = _EPW // 16
_SLOTS = 8


def _attn_ex_body(sq, sk, srcf, dstf, bv, ex_out, denp_out,
                  sq_v, sk_v, src_v, dst_v, ex_v, b_v, dacc):
    c = lax.axis_index("c")
    s = lax.axis_index("s")
    w = s * _NC + c
    base = w * _EPW
    pltpu.sync_copy(sq, sq_v)
    pltpu.sync_copy(sk, sk_v)
    pltpu.sync_copy(srcf.at[pl.ds(base, _EPW)], src_v)
    pltpu.sync_copy(dstf.at[pl.ds(base, _EPW)], dst_v)
    pltpu.sync_copy(bv, b_v)
    b16 = b_v[...]
    iota = lax.iota(jnp.int32, 16)
    mlo = iota < _SLOTS
    mhi = jnp.logical_not(mlo)
    slot_off = (iota % _SLOTS) * N

    def zbody(v, _):
        dacc[pl.ds(v * 16, 16)] = jnp.zeros((16,), jnp.float32)
        return 0

    lax.fori_loop(0, _SLOTS * N // 16, zbody, 0)

    def body(v, _):
        s16 = src_v[pl.ds(v * 16, 16)]
        d16 = dst_v[pl.ds(v * 16, 16)]
        a = plsc.load_gather(sq_v, [s16])
        b = plsc.load_gather(sk_v, [d16])
        sc = a + b
        sc = jnp.where(sc >= 0, sc, 0.01 * sc)
        e = jnp.exp(sc - b16)
        ex_v[pl.ds(v * 16, 16)] = e
        didx = slot_off + s16
        plsc.addupdate_scatter(dacc, [didx], e, mask=mlo)
        plsc.addupdate_scatter(dacc, [didx], e, mask=mhi)
        return 0

    lax.fori_loop(0, _NV, body, 0)

    def rbody(v, _):
        acc = dacc[pl.ds(v * 16, 16)]
        for k in range(1, _SLOTS):
            acc = acc + dacc[pl.ds(k * N + v * 16, 16)]
        dacc[pl.ds(v * 16, 16)] = acc
        return 0

    lax.fori_loop(0, N // 16, rbody, 0)
    pltpu.sync_copy(ex_v, ex_out.at[pl.ds(base, _EPW)])
    pltpu.sync_copy(dacc.at[pl.ds(0, N)], denp_out.at[pl.ds(w * N, N)])


def _attn_ex(sq, sk, srcf, dstf, bv):
    f = pl.kernel(
        _attn_ex_body,
        compiler_params=pltpu.CompilerParams(needs_layout_passes=False),
        out_type=(jax.ShapeDtypeStruct((E,), jnp.float32),
                  jax.ShapeDtypeStruct((_NW * N,), jnp.float32)),
        mesh=plsc.VectorSubcoreMesh(core_axis_name="c", subcore_axis_name="s"),
        scratch_types=[
            pltpu.VMEM((N,), jnp.float32),
            pltpu.VMEM((M,), jnp.float32),
            pltpu.VMEM((_EPW,), jnp.int32),
            pltpu.VMEM((_EPW,), jnp.int32),
            pltpu.VMEM((_EPW,), jnp.float32),
            pltpu.VMEM((16,), jnp.float32),
            pltpu.VMEM((_SLOTS * N,), jnp.float32),
        ],
    )
    return f(sq, sk, srcf, dstf, bv)


def _deg_body(idxf, out, idx_v, dacc):
    c = lax.axis_index("c")
    s = lax.axis_index("s")
    w = s * _NC + c
    base = w * _EPW
    pltpu.sync_copy(idxf.at[pl.ds(base, _EPW)], idx_v)
    iota = lax.iota(jnp.int32, 16)
    mlo = iota < _SLOTS
    mhi = jnp.logical_not(mlo)
    slot_off = (iota % _SLOTS) * N
    ones16 = jnp.ones((16,), jnp.float32)

    def zbody(v, _):
        dacc[pl.ds(v * 16, 16)] = jnp.zeros((16,), jnp.float32)
        return 0

    lax.fori_loop(0, _SLOTS * N // 16, zbody, 0)

    def body(v, _):
        i16 = idx_v[pl.ds(v * 16, 16)]
        didx = slot_off + i16
        plsc.addupdate_scatter(dacc, [didx], ones16, mask=mlo)
        plsc.addupdate_scatter(dacc, [didx], ones16, mask=mhi)
        return 0

    lax.fori_loop(0, _NV, body, 0)

    def rbody(v, _):
        acc = dacc[pl.ds(v * 16, 16)]
        for k in range(1, _SLOTS):
            acc = acc + dacc[pl.ds(k * N + v * 16, 16)]
        dacc[pl.ds(v * 16, 16)] = acc
        return 0

    lax.fori_loop(0, N // 16, rbody, 0)
    pltpu.sync_copy(dacc.at[pl.ds(0, N)], out.at[pl.ds(w * N, N)])


def _deg(idxf):
    f = pl.kernel(
        _deg_body,
        compiler_params=pltpu.CompilerParams(needs_layout_passes=False),
        out_type=jax.ShapeDtypeStruct((_NW * N,), jnp.float32),
        mesh=plsc.VectorSubcoreMesh(core_axis_name="c", subcore_axis_name="s"),
        scratch_types=[
            pltpu.VMEM((_EPW,), jnp.int32),
            pltpu.VMEM((_SLOTS * N,), jnp.float32),
        ],
    )
    return f(idxf)


_HN_BLK = 16


def _hn_body(ktab, src2d, dst2d, ex2d, rec, zeros, out,
             src_v, dst_v, ex_v, rec_v, al_v, rows0, rows1, acc, gsem0, gsem1):
    c = lax.axis_index("c")
    s = lax.axis_index("s")
    w = s * _NC + c

    rows_per_sub = 624
    pltpu.sync_copy(zeros.at[pl.ds(s * rows_per_sub, rows_per_sub)],
                    acc.at[pl.ds(s * rows_per_sub, rows_per_sub)])

    @pl.when(s == 0)
    def _():
        pltpu.sync_copy(zeros.at[pl.ds(_NS * rows_per_sub, N - _NS * rows_per_sub)],
                        acc.at[pl.ds(_NS * rows_per_sub, N - _NS * rows_per_sub)])

    pltpu.sync_copy(rec, rec_v)
    plsc.subcore_barrier()

    rows = (rows0, rows1)
    sems = (gsem0, gsem1)
    descs = [None, None]

    def start(j, b):
        descs[b] = pltpu.async_copy(ktab.at[dst_v.at[j]], rows[b], sems[b])

    offs = [v * 16 for v in range(7)] + [_CHUNK - 16]
    for blk in range(_ROWS_PER_W // _HN_BLK):
        rbase = w * _ROWS_PER_W + blk * _HN_BLK
        pltpu.sync_copy(src2d.at[pl.ds(rbase, _HN_BLK)], src_v)
        pltpu.sync_copy(dst2d.at[pl.ds(rbase, _HN_BLK)], dst_v)
        pltpu.sync_copy(ex2d.at[pl.ds(rbase, _HN_BLK)], ex_v)
        for j in range(_HN_BLK):
            for off in offs:
                s16 = src_v[j, pl.ds(off, 16)]
                e16 = ex_v[j, pl.ds(off, 16)]
                al_v[pl.ds(j * _CHUNK + off, 16)] = \
                    e16 * plsc.load_gather(rec_v, [s16])
        start(0, 0)
        for j in range(_HN_BLK):
            b = j & 1
            if j + 1 < _HN_BLK:
                start(j + 1, (j + 1) & 1)
            descs[b].wait()

            def ebody(i, _):
                sp = plsc.load_gather(al_v, [jnp.full((16,), j * _CHUNK, jnp.int32) + i])
                for t in range(8):
                    rows[b][i, pl.ds(t * 16, 16)] = rows[b][i, pl.ds(t * 16, 16)] * sp
                return 0

            lax.fori_loop(0, _CHUNK, ebody, 0)
            pltpu.sync_copy(rows[b], acc.at[src_v.at[j]], add=True)

    plsc.subcore_barrier()
    pltpu.sync_copy(acc.at[pl.ds(s * rows_per_sub, rows_per_sub)],
                    out.at[c].at[pl.ds(s * rows_per_sub, rows_per_sub)])

    @pl.when(s == 0)
    def _():
        pltpu.sync_copy(acc.at[pl.ds(_NS * rows_per_sub, N - _NS * rows_per_sub)],
                        out.at[c].at[pl.ds(_NS * rows_per_sub, N - _NS * rows_per_sub)])


def _hn_pass(ktab, src2d, dst2d, ex2d, rec, zeros):
    f = pl.kernel(
        _hn_body,
        compiler_params=pltpu.CompilerParams(needs_layout_passes=False),
        out_type=jax.ShapeDtypeStruct((_NC, N, H), jnp.float32),
        mesh=plsc.VectorSubcoreMesh(core_axis_name="c", subcore_axis_name="s"),
        scratch_types=[
            pltpu.VMEM((_HN_BLK, _CHUNK), jnp.int32),
            pltpu.VMEM((_HN_BLK, _CHUNK), jnp.int32),
            pltpu.VMEM((_HN_BLK, _CHUNK), jnp.float32),
            pltpu.VMEM((N,), jnp.float32),
            pltpu.VMEM((_HN_BLK * _CHUNK,), jnp.float32),
            pltpu.VMEM((_CHUNK, H), jnp.float32),
            pltpu.VMEM((_CHUNK, H), jnp.float32),
            pltpu.VMEM_SHARED((N, H), jnp.float32),
            pltpu.SemaphoreType.DMA,
            pltpu.SemaphoreType.DMA,
        ],
    )
    return f(ktab, src2d, dst2d, ex2d, rec, zeros)


_MIN_OWN = 312
_MIN_ACC = 328
_SC_BLK = 4000
_MCAP = 8192


def _min_body(hn, srcf, dstf, out, sb0, db0, sb1, db1, msrc, mdlo,
              rows0, rows1, acc, ssem0, ssem1, gsem0, gsem1):
    c = lax.axis_index("c")
    s = lax.axis_index("s")
    w = s * _NC + c
    lo = w * _MIN_OWN
    hi = jnp.where(w == _NW - 1, M, lo + _MIN_OWN)
    lo16 = jnp.broadcast_to(lo, (16,))
    hi16 = jnp.broadcast_to(hi, (16,))
    sbufs = (sb0, sb1)
    dbufs = (db0, db1)
    ssems = (ssem0, ssem1)
    rbufs = (rows0, rows1)
    gsems = (gsem0, gsem1)

    def zb(v, _):
        msrc[pl.ds(v * 16, 16)] = jnp.zeros((16,), jnp.int32)
        return 0

    lax.fori_loop(0, _MCAP // 16, zb, 0)

    inf16 = jnp.full((16,), jnp.inf, jnp.float32)

    def accinit(v, _):
        acc[v // 8, pl.ds((v % 8) * 16, 16)] = inf16
        return 0

    lax.fori_loop(0, _MIN_ACC * 8, accinit, 0)

    nblk = E // _SC_BLK
    iota16 = lax.iota(jnp.int32, 16)

    def stage_start(blk, b):
        pltpu.async_copy(srcf.at[pl.ds(blk * _SC_BLK, _SC_BLK)], sbufs[b], ssems[b])
        pltpu.async_copy(dstf.at[pl.ds(blk * _SC_BLK, _SC_BLK)], dbufs[b], ssems[b])

    def stage_wait(b):
        pltpu.make_async_copy(srcf.at[pl.ds(0, _SC_BLK)], sbufs[b], ssems[b]).wait()
        pltpu.make_async_copy(dstf.at[pl.ds(0, _SC_BLK)], dbufs[b], ssems[b]).wait()

    def gather_start(cidx, rb):
        pltpu.async_copy(hn.at[msrc.at[pl.ds(cidx * 128, 128)]],
                         rbufs[rb], gsems[rb])

    def gather_wait(rb):
        pltpu.make_async_copy(hn.at[msrc.at[pl.ds(0, 128)]],
                              rbufs[rb], gsems[rb]).wait()

    def rmw_edge(cidx, i, rref):
        dl = plsc.load_gather(mdlo, [jnp.full((16,), 0, jnp.int32)
                                     + (cidx * 128 + i)])
        for t in range(8):
            col = iota16 + (t * 16)
            cur = plsc.load_gather(acc, [dl, col])
            r = rref[i, pl.ds(t * 16, 16)]
            plsc.store_scatter(acc, [dl, col], jnp.minimum(cur, r))

    def rmw_full(cidx, rb):
        def e4(i, _):
            for k in range(4):
                rmw_edge(cidx, 4 * i + k, rbufs[rb])
            return 0

        lax.fori_loop(0, 32, e4, 0)

    def process_full(cnt):
        nch = cnt // 128
        gather_start(0, 0)

        def c2(p2, _):
            c0 = 2 * p2
            c1 = c0 + 1
            gather_start(c1, 1)
            gather_wait(0)
            rmw_full(c0, 0)
            gather_start(c0 + 2, 0)

            gather_wait(1)

            @pl.when(c1 < nch)
            def _():
                rmw_full(c1, 1)

            return 0

        lax.fori_loop(0, (nch + 1) // 2, c2, 0)
        gather_wait(0)
        for k in range(8):
            msrc[pl.ds(k * 16, 16)] = msrc[pl.ds(nch * 128 + k * 16, 16)]
            mdlo[pl.ds(k * 16, 16)] = mdlo[pl.ds(nch * 128 + k * 16, 16)]
        return cnt - nch * 128

    def scan(b, cnt0):
        def scan_body(v, cnt):
            ms, pcs = [], []
            for k in range(5):
                s16 = sbufs[b][pl.ds((5 * v + k) * 16, 16)]
                d16 = dbufs[b][pl.ds((5 * v + k) * 16, 16)]
                m = jnp.logical_and(d16 >= lo16, d16 < hi16)
                ms.append((s16, d16, m))
                pcs.append(jnp.sum(m.astype(jnp.int32)))
            off = cnt
            for k in range(5):
                s16, d16, m = ms[k]
                plsc.store_compressed(msrc.at[pl.ds(off, 16)], s16, mask=m)
                plsc.store_compressed(mdlo.at[pl.ds(off, 16)], d16 - lo16, mask=m)
                off = off + pcs[k]
            return off

        return lax.fori_loop(0, _SC_BLK // 80, scan_body, cnt0)

    stage_start(0, 0)
    _FLUSH = _MCAP - _SC_BLK

    def maybe_flush(cnt):
        return lax.cond(cnt >= _FLUSH, process_full, lambda c: c, cnt)

    def blk2(p, cnt):
        b0 = 2 * p
        stage_start(b0 + 1, 1)
        stage_wait(0)
        cnt = maybe_flush(scan(0, cnt))

        @pl.when(b0 + 2 < nblk)
        def _():
            stage_start(b0 + 2, 0)

        stage_wait(1)
        cnt = maybe_flush(scan(1, cnt))
        return cnt

    cnt = lax.fori_loop(0, nblk // 2, blk2, 0)

    def fchunk(cidx, cnt):
        pltpu.async_copy(hn.at[msrc.at[pl.ds(cidx * 128, 128)]],
                         rows0, gsem0).wait()
        nb = jnp.minimum(cnt - cidx * 128, 128)

        def e1(i, _):
            rmw_edge(cidx, i, rows0)
            return 0

        lax.fori_loop(0, nb, e1, 0)
        return cnt

    lax.fori_loop(0, (cnt + 127) // 128, fchunk, cnt)

    def fin(v, _):
        r = v // 8
        off = (v % 8) * 16
        val = acc[r, pl.ds(off, 16)]
        acc[r, pl.ds(off, 16)] = jnp.where(val * 0.0 == 0.0, val, 0.0)
        return 0

    lax.fori_loop(0, _MIN_ACC * 8, fin, 0)
    pltpu.sync_copy(acc.at[pl.ds(0, _MIN_OWN)], out.at[pl.ds(lo, _MIN_OWN)])

    @pl.when(w == _NW - 1)
    def _():
        pltpu.sync_copy(acc.at[pl.ds(_MIN_OWN, _MIN_ACC - _MIN_OWN)],
                        out.at[pl.ds(M - (_MIN_ACC - _MIN_OWN), _MIN_ACC - _MIN_OWN)])


def _min_pass(hn, srcf, dstf):
    f = pl.kernel(
        _min_body,
        compiler_params=pltpu.CompilerParams(needs_layout_passes=False),
        out_type=jax.ShapeDtypeStruct((M, H), jnp.float32),
        mesh=plsc.VectorSubcoreMesh(core_axis_name="c", subcore_axis_name="s"),
        scratch_types=[
            pltpu.VMEM((_SC_BLK,), jnp.int32),
            pltpu.VMEM((_SC_BLK,), jnp.int32),
            pltpu.VMEM((_SC_BLK,), jnp.int32),
            pltpu.VMEM((_SC_BLK,), jnp.int32),
            pltpu.VMEM((_MCAP,), jnp.int32),
            pltpu.VMEM((_MCAP,), jnp.int32),
            pltpu.VMEM((128, H), jnp.float32),
            pltpu.VMEM((128, H), jnp.float32),
            pltpu.VMEM((_MIN_ACC, H), jnp.float32),
            pltpu.SemaphoreType.DMA,
            pltpu.SemaphoreType.DMA,
            pltpu.SemaphoreType.DMA,
            pltpu.SemaphoreType.DMA,
        ],
    )
    return f(hn, srcf, dstf)


@functools.partial(jax.jit, static_argnums=())
def _seg_sum(table, gidx_rows, sidx_rows, zeros):
    f = pl.kernel(
        _seg_sum_body,
        out_type=jax.ShapeDtypeStruct((_NC, M, H), jnp.float32),
        mesh=plsc.VectorSubcoreMesh(core_axis_name="c", subcore_axis_name="s"),
        scratch_types=[
            pltpu.VMEM((_IDX_BLOCK, _CHUNK), jnp.int32),
            pltpu.VMEM((_IDX_BLOCK, _CHUNK), jnp.int32),
            pltpu.VMEM((_CHUNK, H), jnp.float32),
            pltpu.VMEM((_CHUNK, H), jnp.float32),
            pltpu.VMEM_SHARED((M, H), jnp.float32),
            pltpu.SemaphoreType.DMA,
            pltpu.SemaphoreType.DMA,
        ],
    )
    return f(table, gidx_rows, sidx_rows, zeros)


def kernel(x, x_struct, x_e, edge_index, W1e, b1e, W2e, b2e, W1n, b1n, W2n, b2n, Wq, bq, Wk, bk, att, g1, be1, a1, Wf, bf, g2, be2, a2, Wc1, bc1, Wc2, bc2):
    src = edge_index[0]
    dst = edge_index[1]
    src_rows = src.reshape(E // _CHUNK, _CHUNK)
    dst_rows = dst.reshape(E // _CHUNK, _CHUNK)
    zeros_mh = jnp.zeros((M, H), jnp.float32)

    xe, h1 = _tc_pre(x_e, x, W1e, b1e, W2e, b2e, W1n, b1n)
    degep = _deg(dst).reshape(_NW, M).T
    degnp = _deg(src).reshape(_NW, N).T
    p = _seg_sum(h1, src_rows, dst_rows, zeros_mh)
    e_agg = _tc_agg_div(p, degep)
    p = _seg_sum(e_agg, dst_rows, src_rows, zeros_mh)
    k, sq, sk = _tc_mid(h1, p, degnp, xe, W2n, b2n, Wq, bq, Wk, bk, att)
    sq = sq.reshape(N)
    sk = sk.reshape(M)
    bv = _tc_bv(sq.reshape(8, N // 8), sk.reshape(8, M // 8))
    ex, denp = _attn_ex(sq, sk, src, dst, bv)
    rec = _tc_rec(denp.reshape(_NW, N))
    ex_rows = ex.reshape(E // _CHUNK, _CHUNK)
    p = _hn_pass(k, src_rows, dst_rows, ex_rows, rec, zeros_mh)
    hn = _tc_add2(p)
    hm = _min_pass(hn, src, dst)
    st1 = _tc_stats(hm, xe)
    u, st2 = _tc_fuse(hm, xe, st1, g1, be1, a1, Wf, bf)
    return _tc_out(u, st2, g2, be2, a2, Wc1, bc1, Wc2, bc2)

# --- scband reference (transcript-rebuilt; emitter-appended) ---
"""Pipeline reference for scband-node-and-hyperedges-79998060855736 (READ-ONLY COPY).

The authoritative reference and input builder live on the scoring server;
editing this copy changes nothing except your own understanding.
"""

import jax, jax.numpy as jnp
import numpy as np

N = 10000
M = 10000
E = 320000
D_IN = 128
H = 128
D_OUT = 64


def _lrelu(v):
    return jnp.where(v >= 0, v, 0.01 * v)


def _graph_norm(x, gamma, beta, alpha, eps=1e-5):
    mean = jnp.mean(x, axis=0, keepdims=True)
    xc = x - alpha * mean
    var = jnp.mean(xc * xc, axis=0, keepdims=True)
    return gamma * xc / jnp.sqrt(var + eps) + beta


def setup_inputs(seed: int = 0):
    key = jax.random.key(seed)
    ks = jax.random.split(key, 32)
    s = 0.05
    inp = {
        "x": jax.random.normal(ks[0], (N, D_IN), jnp.float32),
        "x_struct": jax.random.normal(ks[1], (N, D_IN), jnp.float32),
        "x_e": jax.random.normal(ks[2], (M, D_IN), jnp.float32),
        "edge_index": jax.random.randint(ks[3], (2, E), 0, N).astype(jnp.int32),
        "W1e": jax.random.normal(ks[4], (D_IN, H), jnp.float32) * s, "b1e": jnp.zeros((H,), jnp.float32),
        "W2e": jax.random.normal(ks[5], (H, H), jnp.float32) * s, "b2e": jnp.zeros((H,), jnp.float32),
        "W1n": jax.random.normal(ks[6], (D_IN, H), jnp.float32) * s, "b1n": jnp.zeros((H,), jnp.float32),
        "W2n": jax.random.normal(ks[7], (H, H), jnp.float32) * s, "b2n": jnp.zeros((H,), jnp.float32),
        "Wq": jax.random.normal(ks[8], (H, H), jnp.float32) * s, "bq": jnp.zeros((H,), jnp.float32),
        "Wk": jax.random.normal(ks[9], (H, H), jnp.float32) * s, "bk": jnp.zeros((H,), jnp.float32),
        "att": jax.random.normal(ks[10], (2 * H,), jnp.float32) * s,
        "g1": jnp.ones((2 * H,), jnp.float32), "be1": jnp.zeros((2 * H,), jnp.float32), "a1": jnp.ones((2 * H,), jnp.float32),
        "Wf": jax.random.normal(ks[11], (2 * H, H), jnp.float32) * s, "bf": jnp.zeros((H,), jnp.float32),
        "g2": jnp.ones((H,), jnp.float32), "be2": jnp.zeros((H,), jnp.float32), "a2": jnp.ones((H,), jnp.float32),
        "Wc1": jax.random.normal(ks[12], (H, H), jnp.float32) * s, "bc1": jnp.zeros((H,), jnp.float32),
        "Wc2": jax.random.normal(ks[13], (H, D_OUT), jnp.float32) * s, "bc2": jnp.zeros((D_OUT,), jnp.float32),
    }
    return inp


def reference(x, x_struct, x_e, edge_index, W1e, b1e, W2e, b2e, W1n, b1n, W2n, b2n, Wq, bq, Wk, bk, att, g1, be1, a1, Wf, bf, g2, be2, a2, Wc1, bc1, Wc2, bc2):
    src = edge_index[0]
    dst = edge_index[1]
    # SemanticHyperedgeRefiner: MLP on hyperedge features (dropout inactive at eval)
    xe = _lrelu(x_e @ W1e + b1e)
    xe = _lrelu(xe @ W2e + b2e)
    # SemanticFeatureRefiner: node MLP + node<->hyperedge mean propagation
    h = _lrelu(x @ W1n + b1n)
    ones = jnp.ones((E,), jnp.float32)
    deg_e = jnp.maximum(jax.ops.segment_sum(ones, dst, num_segments=M), 1.0)
    e_agg = jax.ops.segment_sum(h[src], dst, num_segments=M) / deg_e[:, None]
    deg_n = jnp.maximum(jax.ops.segment_sum(ones, src, num_segments=N), 1.0)
    n_agg = jax.ops.segment_sum(e_agg[dst], src, num_segments=N) / deg_n[:, None]
    h = _lrelu((h + n_agg) @ W2n + b2n)
    # NodeHyperedgeAttention: GAT-style attention of nodes over incident hyperedges
    q = h @ Wq + bq
    k = xe @ Wk + bk
    scores = _lrelu(jnp.concatenate([q[src], k[dst]], axis=1) @ att)
    smax = jax.ops.segment_max(scores, src, num_segments=N)
    ex = jnp.exp(scores - smax[src])
    denom = jax.ops.segment_sum(ex, src, num_segments=N)
    alpha_w = ex / (denom[src] + 1e-16)
    hn = jax.ops.segment_sum(alpha_w[:, None] * k[dst], src, num_segments=N)
    # MinAggregation: x = min-aggregate x[edge_index[0]] over edge_index[1]
    hm = jax.ops.segment_min(hn[src], dst, num_segments=M)
    hm = jnp.where(jnp.isfinite(hm), hm, 0.0)
    # edge_fusion: GraphNorm(2H) -> Linear -> LeakyReLU -> GraphNorm(H)
    z = jnp.concatenate([hm, xe], axis=1)
    z = _graph_norm(z, g1, be1, a1)
    z = _lrelu(z @ Wf + bf)
    z = _graph_norm(z, g2, be2, a2)
    z = _lrelu(z)
    # Classifier MLP
    z = _lrelu(z @ Wc1 + bc1)
    z = z @ Wc2 + bc2
    return z

if __name__ == "__main__":
    import jax
    _d = setup_inputs()
    print(jax.jit(kernel)(*tuple(_d.values())))

</pallas_src>

<mosaic_0001>
#map = affine_map<(d0, d1) -> (0, 0)>
#map1 = affine_map<(d0, d1) -> (0, 0, 0)>
module attributes {stable_mosaic.version = 14 : i64} {
  func.func @_seg_sum_body(%arg0: i32, %arg1: i32, %arg2: memref<10000x128xf32, #tpu.memory_space<hbm>>, %arg3: memref<2560x125xi32, #tpu.memory_space<hbm>>, %arg4: memref<2560x125xi32, #tpu.memory_space<hbm>>, %arg5: memref<10000x128xf32, #tpu.memory_space<hbm>>, %arg6: memref<2x10000x128xf32, #tpu.memory_space<hbm>>, %arg7: memref<40x125xi32, #tpu.memory_space<vmem>>, %arg8: memref<40x125xi32, #tpu.memory_space<vmem>>, %arg9: memref<125x128xf32, #tpu.memory_space<vmem>>, %arg10: memref<125x128xf32, #tpu.memory_space<vmem>>, %arg11: memref<10000x128xf32, #tpu.memory_space<vmem_shared>>, %arg12: memref<!tpu.dma_semaphore, #tpu.memory_space<semaphore_mem>>, %arg13: memref<!tpu.dma_semaphore, #tpu.memory_space<semaphore_mem>>) attributes {dimension_semantics = [#tpu.dimension_semantics<core_parallel>, #tpu.dimension_semantics<subcore_parallel>], iteration_bounds = array<i64: 2, 16>, scalar_prefetch = 0 : i64, scratch_operands = 7 : i64, tpu.core_type = #tpu.core_type<sc_vector_subcore>, window_params = [{transform_indices = #map}, {transform_indices = #map}, {transform_indices = #map}, {transform_indices = #map}, {transform_indices = #map1}]} {
    %mul3A = arith.constant 2 : i32
    %mul3A_0 = arith.muli %arg1, %mul3A : i32
    %add3A = arith.addi %mul3A_0, %arg0 : i32
    %mul3A_1 = arith.constant 624 : i32
    %mul3A_2 = arith.muli %arg1, %mul3A_1 : i32
    %mul3A_3 = arith.constant 624 : i32
    %mul3A_4 = arith.muli %arg1, %mul3A_3 : i32
    "tpu.region"() ({
      %run_scoped3A_1222 = tpu.sem_alloc : memref<!tpu.dma_semaphore, #tpu.memory_space<semaphore_mem>>
      %dma_start3A_1223 = arith.constant 0 : i32
      %dma_start3A_1224 = tpu.memref_slice %arg11[%mul3A_4, %dma_start3A_1223] : memref<10000x128xf32, #tpu.memory_space<vmem_shared>> -> memref<624x128xf32, #tpu.memory_space<vmem_shared>>
      %dma_start3A_1225 = arith.constant 0 : i32
      %dma_start3A_1226 = tpu.memref_slice %arg5[%mul3A_2, %dma_start3A_1225] : memref<10000x128xf32, #tpu.memory_space<hbm>> -> memref<624x128xf32, #tpu.memory_space<hbm>>
      tpu.enqueue_dma source(%dma_start3A_1226 : memref<624x128xf32, #tpu.memory_space<hbm>>) target(%dma_start3A_1224 : memref<624x128xf32, #tpu.memory_space<vmem_shared>>) target_semaphore(%run_scoped3A_1222 : memref<!tpu.dma_semaphore, #tpu.memory_space<semaphore_mem>>)
      %dma_wait3A_1227 = arith.constant 0 : i32
      %dma_wait3A_1228 = tpu.memref_slice %arg11[%mul3A_4, %dma_wait3A_1227] : memref<10000x128xf32, #tpu.memory_space<vmem_shared>> -> memref<624x128xf32, #tpu.memory_space<vmem_shared>>
      %dma_wait3A_1229 = arith.constant 0 : i32
      %dma_wait3A_1230 = tpu.memref_slice %arg5[%mul3A_2, %dma_wait3A_1229] : memref<10000x128xf32, #tpu.memory_space<hbm>> -> memref<624x128xf32, #tpu.memory_space<hbm>>
      tpu.wait_dma2 semaphore(%run_scoped3A_1222 : memref<!tpu.dma_semaphore, #tpu.memory_space<semaphore_mem>>) src(%dma_wait3A_1230 : memref<624x128xf32, #tpu.memory_space<hbm>>) dst(%dma_wait3A_1228 : memref<624x128xf32, #tpu.memory_space<vmem_shared>>)
      tpu.yield
    }) : () -> ()
    %eq3A = arith.constant 0 : i32
    %eq3A_5 = arith.cmpi eq, %arg1, %eq3A : i32
    %convert_element_type3A = arith.extui %eq3A_5 : i1 to i32
    %cond3A = arith.constant 0 : i32
    %cond3A_6 = arith.cmpi ne, %convert_element_type3A, %cond3A : i32
    scf.if %cond3A_6 {
      "tpu.region"() ({
        %run_scoped3A_1222 = tpu.sem_alloc : memref<!tpu.dma_semaphore, #tpu.memory_space<semaphore_mem>>
        %dma_start3A_1223 = arith.constant 9984 : i32
        %dma_start3A_1224 = arith.constant 0 : i32
        %dma_start3A_1225 = tpu.memref_slice %arg11[%dma_start3A_1223, %dma_start3A_1224] : memref<10000x128xf32, #tpu.memory_space<vmem_shared>> -> memref<16x128xf32, #tpu.memory_space<vmem_shared>>
        %dma_start3A_1226 = arith.constant 9984 : i32
        %dma_start3A_1227 = arith.constant 0 : i32
        %dma_start3A_1228 = tpu.memref_slice %arg5[%dma_start3A_1226, %dma_start3A_1227] : memref<10000x128xf32, #tpu.memory_space<hbm>> -> memref<16x128xf32, #tpu.memory_space<hbm>>
        tpu.enqueue_dma source(%dma_start3A_1228 : memref<16x128xf32, #tpu.memory_space<hbm>>) target(%dma_start3A_1225 : memref<16x128xf32, #tpu.memory_space<vmem_shared>>) target_semaphore(%run_scoped3A_1222 : memref<!tpu.dma_semaphore, #tpu.memory_space<semaphore_mem>>)
        %dma_wait3A_1229 = arith.constant 9984 : i32
        %dma_wait3A_1230 = arith.constant 0 : i32
        %dma_wait3A_1231 = tpu.memref_slice %arg11[%dma_wait3A_1229, %dma_wait3A_1230] : memref<10000x128xf32, #tpu.memory_space<vmem_shared>> -> memref<16x128xf32, #tpu.memory_space<vmem_shared>>
        %dma_wait3A_1232 = arith.constant 9984 : i32
        %dma_wait3A_1233 = arith.constant 0 : i32
        %dma_wait3A_1234 = tpu.memref_slice %arg5[%dma_wait3A_1232, %dma_wait3A_1233] : memref<10000x128xf32, #tpu.memory_space<hbm>> -> memref<16x128xf32, #tpu.memory_space<hbm>>
        tpu.wait_dma2 semaphore(%run_scoped3A_1222 : memref<!tpu.dma_semaphore, #tpu.memory_space<semaphore_mem>>) src(%dma_wait3A_1234 : memref<16x128xf32, #tpu.memory_space<hbm>>) dst(%dma_wait3A_1231 : memref<16x128xf32, #tpu.memory_space<vmem_shared>>)
        tpu.yield
      }) : () -> ()
    } else {
    }
    %barrier3A = arith.constant 0 : index
    tpu.barrier barrier_id(%barrier3A)
    %mul3A_7 = arith.constant 80 : i32
    %mul3A_8 = arith.muli %add3A, %mul3A_7 : i32
    %add3A_9 = arith.constant 0 : i32
    %add3A_10 = arith.addi %mul3A_8, %add3A_9 : i32
    "tpu.region"() ({
      %run_scoped3A_1222 = tpu.sem_alloc : memref<!tpu.dma_semaphore, #tpu.memory_space<semaphore_mem>>
      %dma_start3A_1223 = arith.constant 0 : i32
      %dma_start3A_1224 = tpu.memref_slice %arg3[%add3A_10, %dma_start3A_1223] : memref<2560x125xi32, #tpu.memory_space<hbm>> -> memref<40x125xi32, #tpu.memory_space<hbm>>
      %dma_start3A_1225 = arith.constant 0 : i32
      %dma_start3A_1226 = tpu.memref_slice %arg3[%add3A_10, %dma_start3A_1225] : memref<2560x125xi32, #tpu.memory_space<hbm>> -> memref<40x125xi32, #tpu.memory_space<hbm>>
      tpu.enqueue_dma source(%dma_start3A_1226 : memref<40x125xi32, #tpu.memory_space<hbm>>) target(%arg7 : memref<40x125xi32, #tpu.memory_space<vmem>>) target_semaphore(%run_scoped3A_1222 : memref<!tpu.dma_semaphore, #tpu.memory_space<semaphore_mem>>)
      %dma_wait3A_1227 = arith.constant 0 : i32
      %dma_wait3A_1228 = tpu.memref_slice %arg3[%add3A_10, %dma_wait3A_1227] : memref<2560x125xi32, #tpu.memory_space<hbm>> -> memref<40x125xi32, #tpu.memory_space<hbm>>
      %dma_wait3A_1229 = arith.constant 0 : i32
      %dma_wait3A_1230 = tpu.memref_slice %arg3[%add3A_10, %dma_wait3A_1229] : memref<2560x125xi32, #tpu.memory_space<hbm>> -> memref<40x125xi32, #tpu.memory_space<hbm>>
      tpu.wait_dma2 semaphore(%run_scoped3A_1222 : memref<!tpu.dma_semaphore, #tpu.memory_space<semaphore_mem>>) src(%dma_wait3A_1230 : memref<40x125xi32, #tpu.memory_space<hbm>>) dst(%arg7 : memref<40x125xi32, #tpu.memory_space<vmem>>)
      tpu.yield
    }) : () -> ()
    "tpu.region"() ({
      %run_scoped3A_1222 = tpu.sem_alloc : memref<!tpu.dma_semaphore, #tpu.memory_space<semaphore_mem>>
      %dma_start3A_1223 = arith.constant 0 : i32
      %dma_start3A_1224 = tpu.memref_slice %arg4[%add3A_10, %dma_start3A_1223] : memref<2560x125xi32, #tpu.memory_space<hbm>> -> memref<40x125xi32, #tpu.memory_space<hbm>>
      %dma_start3A_1225 = arith.constant 0 : i32
      %dma_start3A_1226 = tpu.memref_slice %arg4[%add3A_10, %dma_start3A_1225] : memref<2560x125xi32, #tpu.memory_space<hbm>> -> memref<40x125xi32, #tpu.memory_space<hbm>>
      tpu.enqueue_dma source(%dma_start3A_1226 : memref<40x125xi32, #tpu.memory_space<hbm>>) target(%arg8 : memref<40x125xi32, #tpu.memory_space<vmem>>) target_semaphore(%run_scoped3A_1222 : memref<!tpu.dma_semaphore, #tpu.memory_space<semaphore_mem>>)
      %dma_wait3A_1227 = arith.constant 0 : i32
      %dma_wait3A_1228 = tpu.memref_slice %arg4[%add3A_10, %dma_wait3A_1227] : memref<2560x125xi32, #tpu.memory_space<hbm>> -> memref<40x125xi32, #tpu.memory_space<hbm>>
      %dma_wait3A_1229 = arith.constant 0 : i32
      %dma_wait3A_1230 = tpu.memref_slice %arg4[%add3A_10, %dma_wait3A_1229] : memref<2560x125xi32, #tpu.memory_space<hbm>> -> memref<40x125xi32, #tpu.memory_space<hbm>>
      tpu.wait_dma2 semaphore(%run_scoped3A_1222 : memref<!tpu.dma_semaphore, #tpu.memory_space<semaphore_mem>>) src(%dma_wait3A_1230 : memref<40x125xi32, #tpu.memory_space<hbm>>) dst(%arg8 : memref<40x125xi32, #tpu.memory_space<vmem>>)
      tpu.yield
    }) : () -> ()
    %dma_start3A = arith.constant 0 : i32
    %dma_start3A_11 = arith.constant 0 : i32
    %dma_start3A_12 = tpu.memref_slice %arg7[%dma_start3A, %dma_start3A_11] : memref<40x125xi32, #tpu.memory_space<vmem>> -> memref<1x125xi32, #tpu.memory_space<vmem>>
    %dma_start3A_13 = tpu.memref_squeeze %dma_start3A_12 : memref<1x125xi32, #tpu.memory_space<vmem>> -> memref<125xi32, #tpu.memory_space<vmem>>
    %dma_start3A_14 = arith.constant 0 : i32
    %dma_start3A_15 = arith.constant 0 : i32
    %dma_start3A_16 = tpu.memref_slice %arg2[%dma_start3A_14, %dma_start3A_15] : memref<10000x128xf32, #tpu.memory_space<hbm>> -> memref<10000x128xf32, #tpu.memory_space<hbm>>
    tpu.enqueue_indirect_dma source(%dma_start3A_16 : memref<10000x128xf32, #tpu.memory_space<hbm>>) target(%arg9 : memref<125x128xf32, #tpu.memory_space<vmem>>) offsets(%dma_start3A_13 : memref<125xi32, #tpu.memory_space<vmem>>) semaphore(%arg12 : memref<!tpu.dma_semaphore, #tpu.memory_space<semaphore_mem>>)
    %dma_start3A_17 = arith.constant 1 : i32
    %dma_start3A_18 = arith.constant 0 : i32
    %dma_start3A_19 = tpu.memref_slice %arg7[%dma_start3A_17, %dma_start3A_18] : memref<40x125xi32, #tpu.memory_space<vmem>> -> memref<1x125xi32, #tpu.memory_space<vmem>>
    %dma_start3A_20 = tpu.memref_squeeze %dma_start3A_19 : memref<1x125xi32, #tpu.memory_space<vmem>> -> memref<125xi32, #tpu.memory_space<vmem>>
    %dma_start3A_21 = arith.constant 0 : i32
    %dma_start3A_22 = arith.constant 0 : i32
    %dma_start3A_23 = tpu.memref_slice %arg2[%dma_start3A_21, %dma_start3A_22] : memref<10000x128xf32, #tpu.memory_space<hbm>> -> memref<10000x128xf32, #tpu.memory_space<hbm>>
    tpu.enqueue_indirect_dma source(%dma_start3A_23 : memref<10000x128xf32, #tpu.memory_space<hbm>>) target(%arg10 : memref<125x128xf32, #tpu.memory_space<vmem>>) offsets(%dma_start3A_20 : memref<125xi32, #tpu.memory_space<vmem>>) semaphore(%arg13 : memref<!tpu.dma_semaphore, #tpu.memory_space<semaphore_mem>>)
    %dma_wait3A = arith.constant 0 : i32
    %dma_wait3A_24 = arith.constant 0 : i32
    %dma_wait3A_25 = tpu.memref_slice %arg7[%dma_wait3A, %dma_wait3A_24] : memref<40x125xi32, #tpu.memory_space<vmem>> -> memref<1x125xi32, #tpu.memory_space<vmem>>
    %dma_wait3A_26 = tpu.memref_squeeze %dma_wait3A_25 : memref<1x125xi32, #tpu.memory_space<vmem>> -> memref<125xi32, #tpu.memory_space<vmem>>
    %dma_wait3A_27 = arith.constant 0 : i32
    %dma_wait3A_28 = arith.constant 0 : i32
    %dma_wait3A_29 = tpu.memref_slice %arg2[%dma_wait3A_27, %dma_wait3A_28] : memref<10000x128xf32, #tpu.memory_space<hbm>> -> memref<10000x128xf32, #tpu.memory_space<hbm>>
    tpu.wait_indirect_dma semaphore(%arg12 : memref<!tpu.dma_semaphore, #tpu.memory_space<semaphore_mem>>) src(%dma_wait3A_29 : memref<10000x128xf32, #tpu.memory_space<hbm>>) dst(%arg9 : memref<125x128xf32, #tpu.memory_space<vmem>>)
    %run_scoped3A = arith.constant 0 : i32
    "tpu.region"() ({
      %run_scoped3A_1222 = tpu.sem_alloc : memref<!tpu.dma_semaphore, #tpu.memory_space<semaphore_mem>>
      %dma_start3A_1223 = arith.constant 0 : i32
      %dma_start3A_1224 = tpu.memref_slice %arg8[%run_scoped3A, %dma_start3A_1223] : memref<40x125xi32, #tpu.memory_space<vmem>> -> memref<1x125xi32, #tpu.memory_space<vmem>>
      %dma_start3A_1225 = tpu.memref_squeeze %dma_start3A_1224 : memref<1x125xi32, #tpu.memory_space<vmem>> -> memref<125xi32, #tpu.memory_space<vmem>>
      %dma_start3A_1226 = arith.constant 0 : i32
      %dma_start3A_1227 = arith.constant 0 : i32
      %dma_start3A_1228 = tpu.memref_slice %arg11[%dma_start3A_1226, %dma_start3A_1227] : memref<10000x128xf32, #tpu.memory_space<vmem_shared>> -> memref<10000x128xf32, #tpu.memory_space<vmem_shared>>
      tpu.enqueue_indirect_dma source(%arg9 : memref<125x128xf32, #tpu.memory_space<vmem>>) target(%dma_start3A_1228 : memref<10000x128xf32, #tpu.memory_space<vmem_shared>>) offsets(%dma_start3A_1225 : memref<125xi32, #tpu.memory_space<vmem>>) semaphore(%run_scoped3A_1222 : memref<!tpu.dma_semaphore, #tpu.memory_space<semaphore_mem>>) {add = true}
      %dma_wait3A_1229 = arith.constant 0 : i32
      %dma_wait3A_1230 = tpu.memref_slice %arg8[%run_scoped3A, %dma_wait3A_1229] : memref<40x125xi32, #tpu.memory_space<vmem>> -> memref<1x125xi32, #tpu.memory_space<vmem>>
      %dma_wait3A_1231 = tpu.memref_squeeze %dma_wait3A_1230 : memref<1x125xi32, #tpu.memory_space<vmem>> -> memref<125xi32, #tpu.memory_space<vmem>>
      %dma_wait3A_1232 = arith.constant 0 : i32
      %dma_wait3A_1233 = arith.constant 0 : i32
      %dma_wait3A_1234 = tpu.memref_slice %arg11[%dma_wait3A_1232, %dma_wait3A_1233] : memref<10000x128xf32, #tpu.memory_space<vmem_shared>> -> memref<10000x128xf32, #tpu.memory_space<vmem_shared>>
      tpu.wait_indirect_dma semaphore(%run_scoped3A_1222 : memref<!tpu.dma_semaphore, #tpu.memory_space<semaphore_mem>>) src(%arg9 : memref<125x128xf32, #tpu.memory_space<vmem>>) dst(%dma_wait3A_1234 : memref<10000x128xf32, #tpu.memory_space<vmem_shared>>)
      tpu.yield
    }) : () -> ()
    %dma_start3A_30 = arith.constant 2 : i32
    %dma_start3A_31 = arith.constant 0 : i32
    %dma_start3A_32 = tpu.memref_slice %arg7[%dma_start3A_30, %dma_start3A_31] : memref<40x125xi32, #tpu.memory_space<vmem>> -> memref<1x125xi32, #tpu.memory_space<vmem>>
    %dma_start3A_33 = tpu.memref_squeeze %dma_start3A_32 : memref<1x125xi32, #tpu.memory_space<vmem>> -> memref<125xi32, #tpu.memory_space<vmem>>
    %dma_start3A_34 = arith.constant 0 : i32
    %dma_start3A_35 = arith.constant 0 : i32
    %dma_start3A_36 = tpu.memref_slice %arg2[%dma_start3A_34, %dma_start3A_35] : memref<10000x128xf32, #tpu.memory_space<hbm>> -> memref<10000x128xf32, #tpu.memory_space<hbm>>
    tpu.enqueue_indirect_dma source(%dma_start3A_36 : memref<10000x128xf32, #tpu.memory_space<hbm>>) target(%arg9 : memref<125x128xf32, #tpu.memory_space<vmem>>) offsets(%dma_start3A_33 : memref<125xi32, #tpu.memory_space<vmem>>) semaphore(%arg12 : memref<!tpu.dma_semaphore, #tpu.memory_space<semaphore_mem>>)
    %dma_wait3A_37 = arith.constant 1 : i32
    %dma_wait3A_38 = arith.constant 0 : i32
    %dma_wait3A_39 = tpu.memref_slice %arg7[%dma_wait3A_37, %dma_wait3A_38] : memref<40x125xi32, #tpu.memory_space<vmem>> -> memref<1x125xi32, #tpu.memory_space<vmem>>
    %dma_wait3A_40 = tpu.memref_squeeze %dma_wait3A_39 : memref<1x125xi32, #tpu.memory_space<vmem>> -> memref<125xi32, #tpu.memory_space<vmem>>
    %dma_wait3A_41 = arith.constant 0 : i32
    %dma_wait3A_42 = arith.constant 0 : i32
    %dma_wait3A_43 = tpu.memref_slice %arg2[%dma_wait3A_41, %dma_wait3A_42] : memref<10000x128xf32, #tpu.memory_space<hbm>> -> memref<10000x128xf32, #tpu.memory_space<hbm>>
    tpu.wait_indirect_dma semaphore(%arg13 : memref<!tpu.dma_semaphore, #tpu.memory_space<semaphore_mem>>) src(%dma_wait3A_43 : memref<10000x128xf32, #tpu.memory_space<hbm>>) dst(%arg10 : memref<125x128xf32, #tpu.memory_space<vmem>>)
    %run_scoped3A_44 = arith.constant 1 : i32
    "tpu.region"() ({
      %run_scoped3A_1222 = tpu.sem_alloc : memref<!tpu.dma_semaphore, #tpu.memory_space<semaphore_mem>>
      %dma_start3A_1223 = arith.constant 0 : i32
      %dma_start3A_1224 = tpu.memref_slice %arg8[%run_scoped3A_44, %dma_start3A_1223] : memref<40x125xi32, #tpu.memory_space<vmem>> -> memref<1x125xi32, #tpu.memory_space<vmem>>
      %dma_start3A_1225 = tpu.memref_squeeze %dma_start3A_1224 : memref<1x125xi32, #tpu.memory_space<vmem>> -> memref<125xi32, #tpu.memory_space<vmem>>
      %dma_start3A_1226 = arith.constant 0 : i32
      %dma_start3A_1227 = arith.constant 0 : i32
      %dma_start3A_1228 = tpu.memref_slice %arg11[%dma_start3A_1226, %dma_start3A_1227] : memref<10000x128xf32, #tpu.memory_space<vmem_shared>> -> memref<10000x128xf32, #tpu.memory_space<vmem_shared>>
      tpu.enqueue_indirect_dma source(%arg10 : memref<125x128xf32, #tpu.memory_space<vmem>>) target(%dma_start3A_1228 : memref<10000x128xf32, #tpu.memory_space<vmem_shared>>) offsets(%dma_start3A_1225 : memref<125xi32, #tpu.memory_space<vmem>>) semaphore(%run_scoped3A_1222 : memref<!tpu.dma_semaphore, #tpu.memory_space<semaphore_mem>>) {add = true}
      %dma_wait3A_1229 = arith.constant 0 : i32
      %dma_wait3A_1230 = tpu.memref_slice %arg8[%run_scoped3A_44, %dma_wait3A_1229] : memref<40x125xi32, #tpu.memory_space<vmem>> -> memref<1x125xi32, #tpu.memory_space<vmem>>
      %dma_wait3A_1231 = tpu.memref_squeeze %dma_wait3A_1230 : memref<1x125xi32, #tpu.memory_space<vmem>> -> memref<125xi32, #tpu.memory_space<vmem>>
      %dma_wait3A_1232 = arith.constant 0 : i32
      %dma_wait3A_1233 = arith.constant 0 : i32
      %dma_wait3A_1234 = tpu.memref_slice %arg11[%dma_wait3A_1232, %dma_wait3A_1233] : memref<10000x128xf32, #tpu.memory_space<vmem_shared>> -> memref<10000x128xf32, #tpu.memory_space<vmem_shared>>
      tpu.wait_indirect_dma semaphore(%run_scoped3A_1222 : memref<!tpu.dma_semaphore, #tpu.memory_space<semaphore_mem>>) src(%arg10 : memref<125x128xf32, #tpu.memory_space<vmem>>) dst(%dma_wait3A_1234 : memref<10000x128xf32, #tpu.memory_space<vmem_shared>>)
      tpu.yield
    }) : () -> ()
    %dma_start3A_45 = arith.constant 3 : i32
    %dma_start3A_46 = arith.constant 0 : i32
    %dma_start3A_47 = tpu.memref_slice %arg7[%dma_start3A_45, %dma_start3A_46] : memref<40x125xi32, #tpu.memory_space<vmem>> -> memref<1x125xi32, #tpu.memory_space<vmem>>
    %dma_start3A_48 = tpu.memref_squeeze %dma_start3A_47 : memref<1x125xi32, #tpu.memory_space<vmem>> -> memref<125xi32, #tpu.memory_space<vmem>>
    %dma_start3A_49 = arith.constant 0 : i32
    %dma_start3A_50 = arith.constant 0 : i32
    %dma_start3A_51 = tpu.memref_slice %arg2[%dma_start3A_49, %dma_start3A_50] : memref<10000x128xf32, #tpu.memory_space<hbm>> -> memref<10000x128xf32, #tpu.memory_space<hbm>>
    tpu.enqueue_indirect_dma source(%dma_start3A_51 : memref<10000x128xf32, #tpu.memory_space<hbm>>) target(%arg10 : memref<125x128xf32, #tpu.memory_space<vmem>>) offsets(%dma_start3A_48 : memref<125xi32, #tpu.memory_space<vmem>>) semaphore(%arg13 : memref<!tpu.dma_semaphore, #tpu.memory_space<semaphore_mem>>)
    %dma_wait3A_52 = arith.constant 2 : i32
    %dma_wait3A_53 = arith.constant 0 : i32
    %dma_wait3A_54 = tpu.memref_slice %arg7[%dma_wait3A_52, %dma_wait3A_53] : memref<40x125xi32, #tpu.memory_space<vmem>> -> memref<1x125xi32, #tpu.memory_space<vmem>>
    %dma_wait3A_55 = tpu.memref_squeeze %dma_wait3A_54 : memref<1x125xi32, #tpu.memory_space<vmem>> -> memref<125xi32, #tpu.memory_space<vmem>>
    %dma_wait3A_56 = arith.constant 0 : i32
    %dma_wait3A_57 = arith.constant 0 : i32
    %dma_wait3A_58 = tpu.memref_slice %arg2[%dma_wait3A_56, %dma_wait3A_57] : memref<10000x128xf32, #tpu.memory_space<hbm>> -> memref<10000x128xf32, #tpu.memory_space<hbm>>
    tpu.wait_indirect_dma semaphore(%arg12 : memref<!tpu.dma_semaphore, #tpu.memory_space<semaphore_mem>>) src(%dma_wait3A_58 : memref<10000x128xf32, #tpu.memory_space<hbm>>) dst(%arg9 : memref<125x128xf32, #tpu.memory_space<vmem>>)
    %run_scoped3A_59 = arith.constant 2 : i32
    "tpu.region"() ({
      %run_scoped3A_1222 = tpu.sem_alloc : memref<!tpu.dma_semaphore, #tpu.memory_space<semaphore_mem>>
      %dma_start3A_1223 = arith.constant 0 : i32
      %dma_start3A_1224 = tpu.memref_slice %arg8[%run_scoped3A_59, %dma_start3A_1223] : memref<40x125xi32, #tpu.memory_space<vmem>> -> memref<1x125xi32, #tpu.memory_space<vmem>>
      %dma_start3A_1225 = tpu.memref_squeeze %dma_start3A_1224 : memref<1x125xi32, #tpu.memory_space<vmem>> -> memref<125xi32, #tpu.memory_space<vmem>>
      %dma_start3A_1226 = arith.constant 0 : i32
      %dma_start3A_1227 = arith.constant 0 : i32
      %dma_start3A_1228 = tpu.memref_slice %arg11[%dma_start3A_1226, %dma_start3A_1227] : memref<10000x128xf32, #tpu.memory_space<vmem_shared>> -> memref<10000x128xf32, #tpu.memory_space<vmem_shared>>
      tpu.enqueue_indirect_dma source(%arg9 : memref<125x128xf32, #tpu.memory_space<vmem>>) target(%dma_start3A_1228 : memref<10000x128xf32, #tpu.memory_space<vmem_shared>>) offsets(%dma_start3A_1225 : memref<125xi32, #tpu.memory_space<vmem>>) semaphore(%run_scoped3A_1222 : memref<!tpu.dma_semaphore, #tpu.memory_space<semaphore_mem>>) {add = true}
      %dma_wait3A_1229 = arith.constant 0 : i32
      %dma_wait3A_1230 = tpu.memref_slice %arg8[%run_scoped3A_59, %dma_wait3A_1229] : memref<40x125xi32, #tpu.memory_space<vmem>> -> memref<1x125xi32, #tpu.memory_space<vmem>>
      %dma_wait3A_1231 = tpu.memref_squeeze %dma_wait3A_1230 : memref<1x125xi32, #tpu.memory_space<vmem>> -> memref<125xi32, #tpu.memory_space<vmem>>
      %dma_wait3A_1232 = arith.constant 0 : i32
      %dma_wait3A_1233 = arith.constant 0 : i32
      %dma_wait3A_1234 = tpu.memref_slice %arg11[%dma_wait3A_1232, %dma_wait3A_1233] : memref<10000x128xf32, #tpu.memory_space<vmem_shared>> -> memref<10000x128xf32, #tpu.memory_space<vmem_shared>>
      tpu.wait_indirect_dma semaphore(%run_scoped3A_1222 : memref<!tpu.dma_semaphore, #tpu.memory_space<semaphore_mem>>) src(%arg9 : memref<125x128xf32, #tpu.memory_space<vmem>>) dst(%dma_wait3A_1234 : memref<10000x128xf32, #tpu.memory_space<vmem_shared>>)
      tpu.yield
    }) : () -> ()
    %dma_start3A_60 = arith.constant 4 : i32
    %dma_start3A_61 = arith.constant 0 : i32
    %dma_start3A_62 = tpu.memref_slice %arg7[%dma_start3A_60, %dma_start3A_61] : memref<40x125xi32, #tpu.memory_space<vmem>> -> memref<1x125xi32, #tpu.memory_space<vmem>>
    %dma_start3A_63 = tpu.memref_squeeze %dma_start3A_62 : memref<1x125xi32, #tpu.memory_space<vmem>> -> memref<125xi32, #tpu.memory_space<vmem>>
    %dma_start3A_64 = arith.constant 0 : i32
    %dma_start3A_65 = arith.constant 0 : i32
    %dma_start3A_66 = tpu.memref_slice %arg2[%dma_start3A_64, %dma_start3A_65] : memref<10000x128xf32, #tpu.memory_space<hbm>> -> memref<10000x128xf32, #tpu.memory_space<hbm>>
    tpu.enqueue_indirect_dma source(%dma_start3A_66 : memref<10000x128xf32, #tpu.memory_space<hbm>>) target(%arg9 : memref<125x128xf32, #tpu.memory_space<vmem>>) offsets(%dma_start3A_63 : memref<125xi32, #tpu.memory_space<vmem>>) semaphore(%arg12 : memref<!tpu.dma_semaphore, #tpu.memory_space<semaphore_mem>>)
    %dma_wait3A_67 = arith.constant 3 : i32
    %dma_wait3A_68 = arith.constant 0 : i32
    %dma_wait3A_69 = tpu.memref_slice %arg7[%dma_wait3A_67, %dma_wait3A_68] : memref<40x125xi32, #tpu.memory_space<vmem>> -> memref<1x125xi32, #tpu.memory_space<vmem>>
    %dma_wait3A_70 = tpu.memref_squeeze %dma_wait3A_69 : memref<1x125xi32, #tpu.memory_space<vmem>> -> memref<125xi32, #tpu.memory_space<vmem>>
    %dma_wait3A_71 = arith.constant 0 : i32
    %dma_wait3A_72 = arith.constant 0 : i32
    %dma_wait3A_73 = tpu.memref_slice %arg2[%dma_wait3A_71, %dma_wait3A_72] : memref<10000x128xf32, #tpu.memory_space<hbm>> -> memref<10000x128xf32, #tpu.memory_space<hbm>>
    tpu.wait_indirect_dma semaphore(%arg13 : memref<!tpu.dma_semaphore, #tpu.memory_space<semaphore_mem>>) src(%dma_wait3A_73 : memref<10000x128xf32, #tpu.memory_space<hbm>>) dst(%arg10 : memref<125x128xf32, #tpu.memory_space<vmem>>)
    %run_scoped3A_74 = arith.constant 3 : i32
    "tpu.region"() ({
      %run_scoped3A_1222 = tpu.sem_alloc : memref<!tpu.dma_semaphore, #tpu.memory_space<semaphore_mem>>
      %dma_start3A_1223 = arith.constant 0 : i32
      %dma_start3A_1224 = tpu.memref_slice %arg8[%run_scoped3A_74, %dma_start3A_1223] : memref<40x125xi32, #tpu.memory_space<vmem>> -> memref<1x125xi32, #tpu.memory_space<vmem>>
      %dma_start3A_1225 = tpu.memref_squeeze %dma_start3A_1224 : memref<1x125xi32, #tpu.memory_space<vmem>> -> memref<125xi32, #tpu.memory_space<vmem>>
      %dma_start3A_1226 = arith.constant 0 : i32
      %dma_start3A_1227 = arith.constant 0 : i32
      %dma_start3A_1228 = tpu.memref_slice %arg11[%dma_start3A_1226, %dma_start3A_1227] : memref<10000x128xf32, #tpu.memory_space<vmem_shared>> -> memref<10000x128xf32, #tpu.memory_space<vmem_shared>>
      tpu.enqueue_indirect_dma source(%arg10 : memref<125x128xf32, #tpu.memory_space<vmem>>) target(%dma_start3A_1228 : memref<10000x128xf32, #tpu.memory_space<vmem_shared>>) offsets(%dma_start3A_1225 : memref<125xi32, #tpu.memory_space<vmem>>) semaphore(%run_scoped3A_1222 : memref<!tpu.dma_semaphore, #tpu.memory_space<semaphore_mem>>) {add = true}
      %dma_wait3A_1229 = arith.constant 0 : i32
      %dma_wait3A_1230 = tpu.memref_slice %arg8[%run_scoped3A_74, %dma_wait3A_1229] : memref<40x125xi32, #tpu.memory_space<vmem>> -> memref<1x125xi32, #tpu.memory_space<vmem>>
      %dma_wait3A_1231 = tpu.memref_squeeze %dma_wait3A_1230 : memref<1x125xi32, #tpu.memory_space<vmem>> -> memref<125xi32, #tpu.memory_space<vmem>>
      %dma_wait3A_1232 = arith.constant 0 : i32
      %dma_wait3A_1233 = arith.constant 0 : i32
      %dma_wait3A_1234 = tpu.memref_slice %arg11[%dma_wait3A_1232, %dma_wait3A_1233] : memref<10000x128xf32, #tpu.memory_space<vmem_shared>> -> memref<10000x128xf32, #tpu.memory_space<vmem_shared>>
      tpu.wait_indirect_dma semaphore(%run_scoped3A_1222 : memref<!tpu.dma_semaphore, #tpu.memory_space<semaphore_mem>>) src(%arg10 : memref<125x128xf32, #tpu.memory_space<vmem>>) dst(%dma_wait3A_1234 : memref<10000x128xf32, #tpu.memory_space<vmem_shared>>)
      tpu.yield
    }) : () -> ()
    %dma_start3A_75 = arith.constant 5 : i32
    %dma_start3A_76 = arith.constant 0 : i32
    %dma_start3A_77 = tpu.memref_slice %arg7[%dma_start3A_75, %dma_start3A_76] : memref<40x125xi32, #tpu.memory_space<vmem>> -> memref<1x125xi32, #tpu.memory_space<vmem>>
    %dma_start3A_78 = tpu.memref_squeeze %dma_start3A_77 : memref<1x125xi32, #tpu.memory_space<vmem>> -> memref<125xi32, #tpu.memory_space<vmem>>
    %dma_start3A_79 = arith.constant 0 : i32
    %dma_start3A_80 = arith.constant 0 : i32
    %dma_start3A_81 = tpu.memref_slice %arg2[%dma_start3A_79, %dma_start3A_80] : memref<10000x128xf32, #tpu.memory_space<hbm>> -> memref<10000x128xf32, #tpu.memory_space<hbm>>
    tpu.enqueue_indirect_dma source(%dma_start3A_81 : memref<10000x128xf32, #tpu.memory_space<hbm>>) target(%arg10 : memref<125x128xf32, #tpu.memory_space<vmem>>) offsets(%dma_start3A_78 : memref<125xi32, #tpu.memory_space<vmem>>) semaphore(%arg13 : memref<!tpu.dma_semaphore, #tpu.memory_space<semaphore_mem>>)
    %dma_wait3A_82 = arith.constant 4 : i32
    %dma_wait3A_83 = arith.constant 0 : i32
    %dma_wait3A_84 = tpu.memref_slice %arg7[%dma_wait3A_82, %dma_wait3A_83] : memref<40x125xi32, #tpu.memory_space<vmem>> -> memref<1x125xi32, #tpu.memory_space<vmem>>
    %dma_wait3A_85 = tpu.memref_squeeze %dma_wait3A_84 : memref<1x125xi32, #tpu.memory_space<vmem>> -> memref<125xi32, #tpu.memory_space<vmem>>
    %dma_wait3A_86 = arith.constant 0 : i32
    %dma_wait3A_87 = arith.constant 0 : i32
    %dma_wait3A_88 = tpu.memref_slice %arg2[%dma_wait3A_86, %dma_wait3A_87] : memref<10000x128xf32, #tpu.memory_space<hbm>> -> memref<10000x128xf32, #tpu.memory_space<hbm>>
    tpu.wait_indirect_dma semaphore(%arg12 : memref<!tpu.dma_semaphore, #tpu.memory_space<semaphore_mem>>) src(%dma_wait3A_88 : memref<10000x128xf32, #tpu.memory_space<hbm>>) dst(%arg9 : memref<125x128xf32, #tpu.memory_space<vmem>>)
    %run_scoped3A_89 = arith.constant 4 : i32
    "tpu.region"() ({
      %run_scoped3A_1222 = tpu.sem_alloc : memref<!tpu.dma_semaphore, #tpu.memory_space<semaphore_mem>>
      %dma_start3A_1223 = arith.constant 0 : i32
      %dma_start3A_1224 = tpu.memref_slice %arg8[%run_scoped3A_89, %dma_start3A_1223] : memref<40x125xi32, #tpu.memory_space<vmem>> -> memref<1x125xi32, #tpu.memory_space<vmem>>
      %dma_start3A_1225 = tpu.memref_squeeze %dma_start3A_1224 : memref<1x125xi32, #tpu.memory_space<vmem>> -> memref<125xi32, #tpu.memory_space<vmem>>
      %dma_start3A_1226 = arith.constant 0 : i32
      %dma_start3A_1227 = arith.constant 0 : i32
      %dma_start3A_1228 = tpu.memref_slice %arg11[%dma_start3A_1226, %dma_start3A_1227] : memref<10000x128xf32, #tpu.memory_space<vmem_shared>> -> memref<10000x128xf32, #tpu.memory_space<vmem_shared>>
      tpu.enqueue_indirect_dma source(%arg9 : memref<125x128xf32, #tpu.memory_space<vmem>>) target(%dma_start3A_1228 : memref<10000x128xf32, #tpu.memory_space<vmem_shared>>) offsets(%dma_start3A_1225 : memref<125xi32, #tpu.memory_space<vmem>>) semaphore(%run_scoped3A_1222 : memref<!tpu.dma_semaphore, #tpu.memory_space<semaphore_mem>>) {add = true}
      %dma_wait3A_1229 = arith.constant 0 : i32
      %dma_wait3A_1230 = tpu.memref_slice %arg8[%run_scoped3A_89, %dma_wait3A_1229] : memref<40x125xi32, #tpu.memory_space<vmem>> -> memref<1x125xi32, #tpu.memory_space<vmem>>
      %dma_wait3A_1231 = tpu.memref_squeeze %dma_wait3A_1230 : memref<1x125xi32, #tpu.memory_space<vmem>> -> memref<125xi32, #tpu.memory_space<vmem>>
      %dma_wait3A_1232 = arith.constant 0 : i32
      %dma_wait3A_1233 = arith.constant 0 : i32
      %dma_wait3A_1234 = tpu.memref_slice %arg11[%dma_wait3A_1232, %dma_wait3A_1233] : memref<10000x128xf32, #tpu.memory_space<vmem_shared>> -> memref<10000x128xf32, #tpu.memory_space<vmem_shared>>
      tpu.wait_indirect_dma semaphore(%run_scoped3A_1222 : memref<!tpu.dma_semaphore, #tpu.memory_space<semaphore_mem>>) src(%arg9 : memref<125x128xf32, #tpu.memory_space<vmem>>) dst(%dma_wait3A_1234 : memref<10000x128xf32, #tpu.memory_space<vmem_shared>>)
      tpu.yield
    }) : () -> ()
    %dma_start3A_90 = arith.constant 6 : i32
    %dma_start3A_91 = arith.constant 0 : i32
    %dma_start3A_92 = tpu.memref_slice %arg7[%dma_start3A_90, %dma_start3A_91] : memref<40x125xi32, #tpu.memory_space<vmem>> -> memref<1x125xi32, #tpu.memory_space<vmem>>
    %dma_start3A_93 = tpu.memref_squeeze %dma_start3A_92 : memref<1x125xi32, #tpu.memory_space<vmem>> -> memref<125xi32, #tpu.memory_space<vmem>>
    %dma_start3A_94 = arith.constant 0 : i32
    %dma_start3A_95 = arith.constant 0 : i32
    %dma_start3A_96 = tpu.memref_slice %arg2[%dma_start3A_94, %dma_start3A_95] : memref<10000x128xf32, #tpu.memory_space<hbm>> -> memref<10000x128xf32, #tpu.memory_space<hbm>>
    tpu.enqueue_indirect_dma source(%dma_start3A_96 : memref<10000x128xf32, #tpu.memory_space<hbm>>) target(%arg9 : memref<125x128xf32, #tpu.memory_space<vmem>>) offsets(%dma_start3A_93 : memref<125xi32, #tpu.memory_space<vmem>>) semaphore(%arg12 : memref<!tpu.dma_semaphore, #tpu.memory_space<semaphore_mem>>)
    %dma_wait3A_97 = arith.constant 5 : i32
    %dma_wait3A_98 = arith.constant 0 : i32
    %dma_wait3A_99 = tpu.memref_slice %arg7[%dma_wait3A_97, %dma_wait3A_98] : memref<40x125xi32, #tpu.memory_space<vmem>> -> memref<1x125xi32, #tpu.memory_space<vmem>>
    %dma_wait3A_100 = tpu.memref_squeeze %dma_wait3A_99 : memref<1x125xi32, #tpu.memory_space<vmem>> -> memref<125xi32, #tpu.memory_space<vmem>>
    %dma_wait3A_101 = arith.constant 0 : i32
    %dma_wait3A_102 = arith.constant 0 : i32
    %dma_wait3A_103 = tpu.memref_slice %arg2[%dma_wait3A_101, %dma_wait3A_102] : memref<10000x128xf32, #tpu.memory_space<hbm>> -> memref<10000x128xf32, #tpu.memory_space<hbm>>
    tpu.wait_indirect_dma semaphore(%arg13 : memref<!tpu.dma_semaphore, #tpu.memory_space<semaphore_mem>>) src(%dma_wait3A_103 : memref<10000x128xf32, #tpu.memory_space<hbm>>) dst(%arg10 : memref<125x128xf32, #tpu.memory_space<vmem>>)
    %run_scoped3A_104 = arith.constant 5 : i32
    "tpu.region"() ({
      %run_scoped3A_1222 = tpu.sem_alloc : memref<!tpu.dma_semaphore, #tpu.memory_space<semaphore_mem>>
      %dma_start3A_1223 = arith.constant 0 : i32
      %dma_start3A_1224 = tpu.memref_slice %arg8[%run_scoped3A_104, %dma_start3A_1223] : memref<40x125xi32, #tpu.memory_space<vmem>> -> memref<1x125xi32, #tpu.memory_space<vmem>>
      %dma_start3A_1225 = tpu.memref_squeeze %dma_start3A_1224 : memref<1x125xi32, #tpu.memory_space<vmem>> -> memref<125xi32, #tpu.memory_space<vmem>>
      %dma_start3A_1226 = arith.constant 0 : i32
      %dma_start3A_1227 = arith.constant 0 : i32
      %dma_start3A_1228 = tpu.memref_slice %arg11[%dma_start3A_1226, %dma_start3A_1227] : memref<10000x128xf32, #tpu.memory_space<vmem_shared>> -> memref<10000x128xf32, #tpu.memory_space<vmem_shared>>
      tpu.enqueue_indirect_dma source(%arg10 : memref<125x128xf32, #tpu.memory_space<vmem>>) target(%dma_start3A_1228 : memref<10000x128xf32, #tpu.memory_space<vmem_shared>>) offsets(%dma_start3A_1225 : memref<125xi32, #tpu.memory_space<vmem>>) semaphore(%run_scoped3A_1222 : memref<!tpu.dma_semaphore, #tpu.memory_space<semaphore_mem>>) {add = true}
      %dma_wait3A_1229 = arith.constant 0 : i32
      %dma_wait3A_1230 = tpu.memref_slice %arg8[%run_scoped3A_104, %dma_wait3A_1229] : memref<40x125xi32, #tpu.memory_space<vmem>> -> memref<1x125xi32, #tpu.memory_space<vmem>>
      %dma_wait3A_1231 = tpu.memref_squeeze %dma_wait3A_1230 : memref<1x125xi32, #tpu.memory_space<vmem>> -> memref<125xi32, #tpu.memory_space<vmem>>
      %dma_wait3A_1232 = arith.constant 0 : i32
      %dma_wait3A_1233 = arith.constant 0 : i32
      %dma_wait3A_1234 = tpu.memref_slice %arg11[%dma_wait3A_1232, %dma_wait3A_1233] : memref<10000x128xf32, #tpu.memory_space<vmem_shared>> -> memref<10000x128xf32, #tpu.memory_space<vmem_shared>>
      tpu.wait_indirect_dma semaphore(%run_scoped3A_1222 : memref<!tpu.dma_semaphore, #tpu.memory_space<semaphore_mem>>) src(%arg10 : memref<125x128xf32, #tpu.memory_space<vmem>>) dst(%dma_wait3A_1234 : memref<10000x128xf32, #tpu.memory_space<vmem_shared>>)
      tpu.yield
    }) : () -> ()
    %dma_start3A_105 = arith.constant 7 : i32
    %dma_start3A_106 = arith.constant 0 : i32
    %dma_start3A_107 = tpu.memref_slice %arg7[%dma_start3A_105, %dma_start3A_106] : memref<40x125xi32, #tpu.memory_space<vmem>> -> memref<1x125xi32, #tpu.memory_space<vmem>>
    %dma_start3A_108 = tpu.memref_squeeze %dma_start3A_107 : memref<1x125xi32, #tpu.memory_space<vmem>> -> memref<125xi32, #tpu.memory_space<vmem>>
    %dma_start3A_109 = arith.constant 0 : i32
    %dma_start3A_110 = arith.constant 0 : i32
    %dma_start3A_111 = tpu.memref_slice %arg2[%dma_start3A_109, %dma_start3A_110] : memref<10000x128xf32, #tpu.memory_space<hbm>> -> memref<10000x128xf32, #tpu.memory_space<hbm>>
    tpu.enqueue_indirect_dma source(%dma_start3A_111 : memref<10000x128xf32, #tpu.memory_space<hbm>>) target(%arg10 : memref<125x128xf32, #tpu.memory_space<vmem>>) offsets(%dma_start3A_108 : memref<125xi32, #tpu.memory_space<vmem>>) semaphore(%arg13 : memref<!tpu.dma_semaphore, #tpu.memory_space<semaphore_mem>>)
    %dma_wait3A_112 = arith.constant 6 : i32
    %dma_wait3A_113 = arith.constant 0 : i32
    %dma_wait3A_114 = tpu.memref_slice %arg7[%dma_wait3A_112, %dma_wait3A_113] : memref<40x125xi32, #tpu.memory_space<vmem>> -> memref<1x125xi32, #tpu.memory_space<vmem>>
    %dma_wait3A_115 = tpu.memref_squeeze %dma_wait3A_114 : memref<1x125xi32, #tpu.memory_space<vmem>> -> memref<125xi32, #tpu.memory_space<vmem>>
    %dma_wait3A_116 = arith.constant 0 : i32
    %dma_wait3A_117 = arith.constant 0 : i32
    %dma_wait3A_118 = tpu.memref_slice %arg2[%dma_wait3A_116, %dma_wait3A_117] : memref<10000x128xf32, #tpu.memory_space<hbm>> -> memref<10000x128xf32, #tpu.memory_space<hbm>>
    tpu.wait_indirect_dma semaphore(%arg12 : memref<!tpu.dma_semaphore, #tpu.memory_space<semaphore_mem>>) src(%dma_wait3A_118 : memref<10000x128xf32, #tpu.memory_space<hbm>>) dst(%arg9 : memref<125x128xf32, #tpu.memory_space<vmem>>)
    %run_scoped3A_119 = arith.constant 6 : i32
    "tpu.region"() ({
      %run_scoped3A_1222 = tpu.sem_alloc : memref<!tpu.dma_semaphore, #tpu.memory_space<semaphore_mem>>
      %dma_start3A_1223 = arith.constant 0 : i32
      %dma_start3A_1224 = tpu.memref_slice %arg8[%run_scoped3A_119, %dma_start3A_1223] : memref<40x125xi32, #tpu.memory_space<vmem>> -> memref<1x125xi32, #tpu.memory_space<vmem>>
      %dma_start3A_1225 = tpu.memref_squeeze %dma_start3A_1224 : memref<1x125xi32, #tpu.memory_space<vmem>> -> memref<125xi32, #tpu.memory_space<vmem>>
      %dma_start3A_1226 = arith.constant 0 : i32
      %dma_start3A_1227 = arith.constant 0 : i32
      %dma_start3A_1228 = tpu.memref_slice %arg11[%dma_start3A_1226, %dma_start3A_1227] : memref<10000x128xf32, #tpu.memory_space<vmem_shared>> -> memref<10000x128xf32, #tpu.memory_space<vmem_shared>>
      tpu.enqueue_indirect_dma source(%arg9 : memref<125x128xf32, #tpu.memory_space<vmem>>) target(%dma_start3A_1228 : memref<10000x128xf32, #tpu.memory_space<vmem_shared>>) offsets(%dma_start3A_1225 : memref<125xi32, #tpu.memory_space<vmem>>) semaphore(%run_scoped3A_1222 : memref<!tpu.dma_semaphore, #tpu.memory_space<semaphore_mem>>) {add = true}
      %dma_wait3A_1229 = arith.constant 0 : i32
      %dma_wait3A_1230 = tpu.memref_slice %arg8[%run_scoped3A_119, %dma_wait3A_1229] : memref<40x125xi32, #tpu.memory_space<vmem>> -> memref<1x125xi32, #tpu.memory_space<vmem>>
      %dma_wait3A_1231 = tpu.memref_squeeze %dma_wait3A_1230 : memref<1x125xi32, #tpu.memory_space<vmem>> -> memref<125xi32, #tpu.memory_space<vmem>>
      %dma_wait3A_1232 = arith.constant 0 : i32
      %dma_wait3A_1233 = arith.constant 0 : i32
      %dma_wait3A_1234 = tpu.memref_slice %arg11[%dma_wait3A_1232, %dma_wait3A_1233] : memref<10000x128xf32, #tpu.memory_space<vmem_shared>> -> memref<10000x128xf32, #tpu.memory_space<vmem_shared>>
      tpu.wait_indirect_dma semaphore(%run_scoped3A_1222 : memref<!tpu.dma_semaphore, #tpu.memory_space<semaphore_mem>>) src(%arg9 : memref<125x128xf32, #tpu.memory_space<vmem>>) dst(%dma_wait3A_1234 : memref<10000x128xf32, #tpu.memory_space<vmem_shared>>)
      tpu.yield
    }) : () -> ()
    %dma_start3A_120 = arith.constant 8 : i32
    %dma_start3A_121 = arith.constant 0 : i32
    %dma_start3A_122 = tpu.memref_slice %arg7[%dma_start3A_120, %dma_start3A_121] : memref<40x125xi32, #tpu.memory_space<vmem>> -> memref<1x125xi32, #tpu.memory_space<vmem>>
    %dma_start3A_123 = tpu.memref_squeeze %dma_start3A_122 : memref<1x125xi32, #tpu.memory_space<vmem>> -> memref<125xi32, #tpu.memory_space<vmem>>
    %dma_start3A_124 = arith.constant 0 : i32
    %dma_start3A_125 = arith.constant 0 : i32
    %dma_start3A_126 = tpu.memref_slice %arg2[%dma_start3A_124, %dma_start3A_125] : memref<10000x128xf32, #tpu.memory_space<hbm>> -> memref<10000x128xf32, #tpu.memory_space<hbm>>
    tpu.enqueue_indirect_dma source(%dma_start3A_126 : memref<10000x128xf32, #tpu.memory_space<hbm>>) target(%arg9 : memref<125x128xf32, #tpu.memory_space<vmem>>) offsets(%dma_start3A_123 : memref<125xi32, #tpu.memory_space<vmem>>) semaphore(%arg12 : memref<!tpu.dma_semaphore, #tpu.memory_space<semaphore_mem>>)
    %dma_wait3A_127 = arith.constant 7 : i32
    %dma_wait3A_128 = arith.constant 0 : i32
    %dma_wait3A_129 = tpu.memref_slice %arg7[%dma_wait3A_127, %dma_wait3A_128] : memref<40x125xi32, #tpu.memory_space<vmem>> -> memref<1x125xi32, #tpu.memory_space<vmem>>
    %dma_wait3A_130 = tpu.memref_squeeze %dma_wait3A_129 : memref<1x125xi32, #tpu.memory_space<vmem>> -> memref<125xi32, #tpu.memory_space<vmem>>
    %dma_wait3A_131 = arith.constant 0 : i32
    %dma_wait3A_132 = arith.constant 0 : i32
    %dma_wait3A_133 = tpu.memref_slice %arg2[%dma_wait3A_131, %dma_wait3A_132] : memref<10000x128xf32, #tpu.memory_space<hbm>> -> memref<10000x128xf32, #tpu.memory_space<hbm>>
    tpu.wait_indirect_dma semaphore(%arg13 : memref<!tpu.dma_semaphore, #tpu.memory_space<semaphore_mem>>) src(%dma_wait3A_133 : memref<10000x128xf32, #tpu.memory_space<hbm>>) dst(%arg10 : memref<125x128xf32, #tpu.memory_space<vmem>>)
    %run_scoped3A_134 = arith.constant 7 : i32
    "tpu.region"() ({
      %run_scoped3A_1222 = tpu.sem_alloc : memref<!tpu.dma_semaphore, #tpu.memory_space<semaphore_mem>>
      %dma_start3A_1223 = arith.constant 0 : i32
      %dma_start3A_1224 = tpu.memref_slice %arg8[%run_scoped3A_134, %dma_start3A_1223] : memref<40x125xi32, #tpu.memory_space<vmem>> -> memref<1x125xi32, #tpu.memory_space<vmem>>
      %dma_start3A_1225 = tpu.memref_squeeze %dma_start3A_1224 : memref<1x125xi32, #tpu.memory_space<vmem>> -> memref<125xi32, #tpu.memory_space<vmem>>
      %dma_start3A_1226 = arith.constant 0 : i32
      %dma_start3A_1227 = arith.constant 0 : i32
      %dma_start3A_1228 = tpu.memref_slice %arg11[%dma_start3A_1226, %dma_start3A_1227] : memref<10000x128xf32, #tpu.memory_space<vmem_shared>> -> memref<10000x128xf32, #tpu.memory_space<vmem_shared>>
      tpu.enqueue_indirect_dma source(%arg10 : memref<125x128xf32, #tpu.memory_space<vmem>>) target(%dma_start3A_1228 : memref<10000x128xf32, #tpu.memory_space<vmem_shared>>) offsets(%dma_start3A_1225 : memref<125xi32, #tpu.memory_space<vmem>>) semaphore(%run_scoped3A_1222 : memref<!tpu.dma_semaphore, #tpu.memory_space<semaphore_mem>>) {add = true}
      %dma_wait3A_1229 = arith.constant 0 : i32
      %dma_wait3A_1230 = tpu.memref_slice %arg8[%run_scoped3A_134, %dma_wait3A_1229] : memref<40x125xi32, #tpu.memory_space<vmem>> -> memref<1x125xi32, #tpu.memory_space<vmem>>
      %dma_wait3A_1231 = tpu.memref_squeeze %dma_wait3A_1230 : memref<1x125xi32, #tpu.memory_space<vmem>> -> memref<125xi32, #tpu.memory_space<vmem>>
      %dma_wait3A_1232 = arith.constant 0 : i32
      %dma_wait3A_1233 = arith.constant 0 : i32
      %dma_wait3A_1234 = tpu.memref_slice %arg11[%dma_wait3A_1232, %dma_wait3A_1233] : memref<10000x128xf32, #tpu.memory_space<vmem_shared>> -> memref<10000x128xf32, #tpu.memory_space<vmem_shared>>
      tpu.wait_indirect_dma semaphore(%run_scoped3A_1222 : memref<!tpu.dma_semaphore, #tpu.memory_space<semaphore_mem>>) src(%arg10 : memref<125x128xf32, #tpu.memory_space<vmem>>) dst(%dma_wait3A_1234 : memref<10000x128xf32, #tpu.memory_space<vmem_shared>>)
      tpu.yield
    }) : () -> ()
    %dma_start3A_135 = arith.constant 9 : i32
    %dma_start3A_136 = arith.constant 0 : i32
    %dma_start3A_137 = tpu.memref_slice %arg7[%dma_start3A_135, %dma_start3A_136] : memref<40x125xi32, #tpu.memory_space<vmem>> -> memref<1x125xi32, #tpu.memory_space<vmem>>
    %dma_start3A_138 = tpu.memref_squeeze %dma_start3A_137 : memref<1x125xi32, #tpu.memory_space<vmem>> -> memref<125xi32, #tpu.memory_space<vmem>>
    %dma_start3A_139 = arith.constant 0 : i32
    %dma_start3A_140 = arith.constant 0 : i32
    %dma_start3A_141 = tpu.memref_slice %arg2[%dma_start3A_139, %dma_start3A_140] : memref<10000x128xf32, #tpu.memory_space<hbm>> -> memref<10000x128xf32, #tpu.memory_space<hbm>>
    tpu.enqueue_indirect_dma source(%dma_start3A_141 : memref<10000x128xf32, #tpu.memory_space<hbm>>) target(%arg10 : memref<125x128xf32, #tpu.memory_space<vmem>>) offsets(%dma_start3A_138 : memref<125xi32, #tpu.memory_space<vmem>>) semaphore(%arg13 : memref<!tpu.dma_semaphore, #tpu.memory_space<semaphore_mem>>)
    %dma_wait3A_142 = arith.constant 8 : i32
    %dma_wait3A_143 = arith.constant 0 : i32
    %dma_wait3A_144 = tpu.memref_slice %arg7[%dma_wait3A_142, %dma_wait3A_143] : memref<40x125xi32, #tpu.memory_space<vmem>> -> memref<1x125xi32, #tpu.memory_space<vmem>>
    %dma_wait3A_145 = tpu.memref_squeeze %dma_wait3A_144 : memref<1x125xi32, #tpu.memory_space<vmem>> -> memref<125xi32, #tpu.memory_space<vmem>>
    %dma_wait3A_146 = arith.constant 0 : i32
    %dma_wait3A_147 = arith.constant 0 : i32
    %dma_wait3A_148 = tpu.memref_slice %arg2[%dma_wait3A_146, %dma_wait3A_147] : memref<10000x128xf32, #tpu.memory_space<hbm>> -> memref<10000x128xf32, #tpu.memory_space<hbm>>
    tpu.wait_indirect_dma semaphore(%arg12 : memref<!tpu.dma_semaphore, #tpu.memory_space<semaphore_mem>>) src(%dma_wait3A_148 : memref<10000x128xf32, #tpu.memory_space<hbm>>) dst(%arg9 : memref<125x128xf32, #tpu.memory_space<vmem>>)
    %run_scoped3A_149 = arith.constant 8 : i32
    "tpu.region"() ({
      %run_scoped3A_1222 = tpu.sem_alloc : memref<!tpu.dma_semaphore, #tpu.memory_space<semaphore_mem>>
      %dma_start3A_1223 = arith.constant 0 : i32
      %dma_start3A_1224 = tpu.memref_slice %arg8[%run_scoped3A_149, %dma_start3A_1223] : memref<40x125xi32, #tpu.memory_space<vmem>> -> memref<1x125xi32, #tpu.memory_space<vmem>>
      %dma_start3A_1225 = tpu.memref_squeeze %dma_start3A_1224 : memref<1x125xi32, #tpu.memory_space<vmem>> -> memref<125xi32, #tpu.memory_space<vmem>>
      %dma_start3A_1226 = arith.constant 0 : i32
      %dma_start3A_1227 = arith.constant 0 : i32
      %dma_start3A_1228 = tpu.memref_slice %arg11[%dma_start3A_1226, %dma_start3A_1227] : memref<10000x128xf32, #tpu.memory_space<vmem_shared>> -> memref<10000x128xf32, #tpu.memory_space<vmem_shared>>
      tpu.enqueue_indirect_dma source(%arg9 : memref<125x128xf32, #tpu.memory_space<vmem>>) target(%dma_start3A_1228 : memref<10000x128xf32, #tpu.memory_space<vmem_shared>>) offsets(%dma_start3A_1225 : memref<125xi32, #tpu.memory_space<vmem>>) semaphore(%run_scoped3A_1222 : memref<!tpu.dma_semaphore, #tpu.memory_space<semaphore_mem>>) {add = true}
      %dma_wait3A_1229 = arith.constant 0 : i32
      %dma_wait3A_1230 = tpu.memref_slice %arg8[%run_scoped3A_149, %dma_wait3A_1229] : memref<40x125xi32, #tpu.memory_space<vmem>> -> memref<1x125xi32, #tpu.memory_space<vmem>>
      %dma_wait3A_1231 = tpu.memref_squeeze %dma_wait3A_1230 : memref<1x125xi32, #tpu.memory_space<vmem>> -> memref<125xi32, #tpu.memory_space<vmem>>
      %dma_wait3A_1232 = arith.constant 0 : i32
      %dma_wait3A_1233 = arith.constant 0 : i32
      %dma_wait3A_1234 = tpu.memref_slice %arg11[%dma_wait3A_1232, %dma_wait3A_1233] : memref<10000x128xf32, #tpu.memory_space<vmem_shared>> -> memref<10000x128xf32, #tpu.memory_space<vmem_shared>>
      tpu.wait_indirect_dma semaphore(%run_scoped3A_1222 : memref<!tpu.dma_semaphore, #tpu.memory_space<semaphore_mem>>) src(%arg9 : memref<125x128xf32, #tpu.memory_space<vmem>>) dst(%dma_wait3A_1234 : memref<10000x128xf32, #tpu.memory_space<vmem_shared>>)
      tpu.yield
    }) : () -> ()
    %dma_start3A_150 = arith.constant 10 : i32
    %dma_start3A_151 = arith.constant 0 : i32
    %dma_start3A_152 = tpu.memref_slice %arg7[%dma_start3A_150, %dma_start3A_151] : memref<40x125xi32, #tpu.memory_space<vmem>> -> memref<1x125xi32, #tpu.memory_space<vmem>>
    %dma_start3A_153 = tpu.memref_squeeze %dma_start3A_152 : memref<1x125xi32, #tpu.memory_space<vmem>> -> memref<125xi32, #tpu.memory_space<vmem>>
    %dma_start3A_154 = arith.constant 0 : i32
    %dma_start3A_155 = arith.constant 0 : i32
    %dma_start3A_156 = tpu.memref_slice %arg2[%dma_start3A_154, %dma_start3A_155] : memref<10000x128xf32, #tpu.memory_space<hbm>> -> memref<10000x128xf32, #tpu.memory_space<hbm>>
    tpu.enqueue_indirect_dma source(%dma_start3A_156 : memref<10000x128xf32, #tpu.memory_space<hbm>>) target(%arg9 : memref<125x128xf32, #tpu.memory_space<vmem>>) offsets(%dma_start3A_153 : memref<125xi32, #tpu.memory_space<vmem>>) semaphore(%arg12 : memref<!tpu.dma_semaphore, #tpu.memory_space<semaphore_mem>>)
    %dma_wait3A_157 = arith.constant 9 : i32
    %dma_wait3A_158 = arith.constant 0 : i32
    %dma_wait3A_159 = tpu.memref_slice %arg7[%dma_wait3A_157, %dma_wait3A_158] : memref<40x125xi32, #tpu.memory_space<vmem>> -> memref<1x125xi32, #tpu.memory_space<vmem>>
    %dma_wait3A_160 = tpu.memref_squeeze %dma_wait3A_159 : memref<1x125xi32, #tpu.memory_space<vmem>> -> memref<125xi32, #tpu.memory_space<vmem>>
    %dma_wait3A_161 = arith.constant 0 : i32
    %dma_wait3A_162 = arith.constant 0 : i32
    %dma_wait3A_163 = tpu.memref_slice %arg2[%dma_wait3A_161, %dma_wait3A_162] : memref<10000x128xf32, #tpu.memory_space<hbm>> -> memref<10000x128xf32, #tpu.memory_space<hbm>>
    tpu.wait_indirect_dma semaphore(%arg13 : memref<!tpu.dma_semaphore, #tpu.memory_space<semaphore_mem>>) src(%dma_wait3A_163 : memref<10000x128xf32, #tpu.memory_space<hbm>>) dst(%arg10 : memref<125x128xf32, #tpu.memory_space<vmem>>)
    %run_scoped3A_164 = arith.constant 9 : i32
    "tpu.region"() ({
      %run_scoped3A_1222 = tpu.sem_alloc : memref<!tpu.dma_semaphore, #tpu.memory_space<semaphore_mem>>
      %dma_start3A_1223 = arith.constant 0 : i32
      %dma_start3A_1224 = tpu.memref_slice %arg8[%run_scoped3A_164, %dma_start3A_1223] : memref<40x125xi32, #tpu.memory_space<vmem>> -> memref<1x125xi32, #tpu.memory_space<vmem>>
      %dma_start3A_1225 = tpu.memref_squeeze %dma_start3A_1224 : memref<1x125xi32, #tpu.memory_space<vmem>> -> memref<125xi32, #tpu.memory_space<vmem>>
      %dma_start3A_1226 = arith.constant 0 : i32
      %dma_start3A_1227 = arith.constant 0 : i32
      %dma_start3A_1228 = tpu.memref_slice %arg11[%dma_start3A_1226, %dma_start3A_1227] : memref<10000x128xf32, #tpu.memory_space<vmem_shared>> -> memref<10000x128xf32, #tpu.memory_space<vmem_shared>>
      tpu.enqueue_indirect_dma source(%arg10 : memref<125x128xf32, #tpu.memory_space<vmem>>) target(%dma_start3A_1228 : memref<10000x128xf32, #tpu.memory_space<vmem_shared>>) offsets(%dma_start3A_1225 : memref<125xi32, #tpu.memory_space<vmem>>) semaphore(%run_scoped3A_1222 : memref<!tpu.dma_semaphore, #tpu.memory_space<semaphore_mem>>) {add = true}
      %dma_wait3A_1229 = arith.constant 0 : i32
      %dma_wait3A_1230 = tpu.memref_slice %arg8[%run_scoped3A_164, %dma_wait3A_1229] : memref<40x125xi32, #tpu.memory_space<vmem>> -> memref<1x125xi32, #tpu.memory_space<vmem>>
      %dma_wait3A_1231 = tpu.memref_squeeze %dma_wait3A_1230 : memref<1x125xi32, #tpu.memory_space<vmem>> -> memref<125xi32, #tpu.memory_space<vmem>>
      %dma_wait3A_1232 = arith.constant 0 : i32
      %dma_wait3A_1233 = arith.constant 0 : i32
      %dma_wait3A_1234 = tpu.memref_slice %arg11[%dma_wait3A_1232, %dma_wait3A_1233] : memref<10000x128xf32, #tpu.memory_space<vmem_shared>> -> memref<10000x128xf32, #tpu.memory_space<vmem_shared>>
      tpu.wait_indirect_dma semaphore(%run_scoped3A_1222 : memref<!tpu.dma_semaphore, #tpu.memory_space<semaphore_mem>>) src(%arg10 : memref<125x128xf32, #tpu.memory_space<vmem>>) dst(%dma_wait3A_1234 : memref<10000x128xf32, #tpu.memory_space<vmem_shared>>)
      tpu.yield
    }) : () -> ()
    %dma_start3A_165 = arith.constant 11 : i32
    %dma_start3A_166 = arith.constant 0 : i32
    %dma_start3A_167 = tpu.memref_slice %arg7[%dma_start3A_165, %dma_start3A_166] : memref<40x125xi32, #tpu.memory_space<vmem>> -> memref<1x125xi32, #tpu.memory_space<vmem>>
    %dma_start3A_168 = tpu.memref_squeeze %dma_start3A_167 : memref<1x125xi32, #tpu.memory_space<vmem>> -> memref<125xi32, #tpu.memory_space<vmem>>
    %dma_start3A_169 = arith.constant 0 : i32
    %dma_start3A_170 = arith.constant 0 : i32
    %dma_start3A_171 = tpu.memref_slice %arg2[%dma_start3A_169, %dma_start3A_170] : memref<10000x128xf32, #tpu.memory_space<hbm>> -> memref<10000x128xf32, #tpu.memory_space<hbm>>
    tpu.enqueue_indirect_dma source(%dma_start3A_171 : memref<10000x128xf32, #tpu.memory_space<hbm>>) target(%arg10 : memref<125x128xf32, #tpu.memory_space<vmem>>) offsets(%dma_start3A_168 : memref<125xi32, #tpu.memory_space<vmem>>) semaphore(%arg13 : memref<!tpu.dma_semaphore, #tpu.memory_space<semaphore_mem>>)
    %dma_wait3A_172 = arith.constant 10 : i32
    %dma_wait3A_173 = arith.constant 0 : i32
    %dma_wait3A_174 = tpu.memref_slice %arg7[%dma_wait3A_172, %dma_wait3A_173] : memref<40x125xi32, #tpu.memory_space<vmem>> -> memref<1x125xi32, #tpu.memory_space<vmem>>
    %dma_wait3A_175 = tpu.memref_squeeze %dma_wait3A_174 : memref<1x125xi32, #tpu.memory_space<vmem>> -> memref<125xi32, #tpu.memory_space<vmem>>
    %dma_wait3A_176 = arith.constant 0 : i32
    %dma_wait3A_177 = arith.constant 0 : i32
    %dma_wait3A_178 = tpu.memref_slice %arg2[%dma_wait3A_176, %dma_wait3A_177] : memref<10000x128xf32, #tpu.memory_space<hbm>> -> memref<10000x128xf32, #tpu.memory_space<hbm>>
    tpu.wait_indirect_dma semaphore(%arg12 : memref<!tpu.dma_semaphore, #tpu.memory_space<semaphore_mem>>) src(%dma_wait3A_178 : memref<10000x128xf32, #tpu.memory_space<hbm>>) dst(%arg9 : memref<125x128xf32, #tpu.memory_space<vmem>>)
    %run_scoped3A_179 = arith.constant 10 : i32
    "tpu.region"() ({
      %run_scoped3A_1222 = tpu.sem_alloc : memref<!tpu.dma_semaphore, #tpu.memory_space<semaphore_mem>>
      %dma_start3A_1223 = arith.constant 0 : i32
      %dma_start3A_1224 = tpu.memref_slice %arg8[%run_scoped3A_179, %dma_start3A_1223] : memref<40x125xi32, #tpu.memory_space<vmem>> -> memref<1x125xi32, #tpu.memory_space<vmem>>
      %dma_start3A_1225 = tpu.memref_squeeze %dma_start3A_1224 : memref<1x125xi32, #tpu.memory_space<vmem>> -> memref<125xi32, #tpu.memory_space<vmem>>
      %dma_start3A_1226 = arith.constant 0 : i32
      %dma_start3A_1227 = arith.constant 0 : i32
      %dma_start3A_1228 = tpu.memref_slice %arg11[%dma_start3A_1226, %dma_start3A_1227] : memref<10000x128xf32, #tpu.memory_space<vmem_shared>> -> memref<10000x128xf32, #tpu.memory_space<vmem_shared>>
      tpu.enqueue_indirect_dma source(%arg9 : memref<125x128xf32, #tpu.memory_space<vmem>>) target(%dma_start3A_1228 : memref<10000x128xf32, #tpu.memory_space<vmem_shared>>) offsets(%dma_start3A_1225 : memref<125xi32, #tpu.memory_space<vmem>>) semaphore(%run_scoped3A_1222 : memref<!tpu.dma_semaphore, #tpu.memory_space<semaphore_mem>>) {add = true}
      %dma_wait3A_1229 = arith.constant 0 : i32
      %dma_wait3A_1230 = tpu.memref_slice %arg8[%run_scoped3A_179, %dma_wait3A_1229] : memref<40x125xi32, #tpu.memory_space<vmem>> -> memref<1x125xi32, #tpu.memory_space<vmem>>
      %dma_wait3A_1231 = tpu.memref_squeeze %dma_wait3A_1230 : memref<1x125xi32, #tpu.memory_space<vmem>> -> memref<125xi32, #tpu.memory_space<vmem>>
      %dma_wait3A_1232 = arith.constant 0 : i32
      %dma_wait3A_1233 = arith.constant 0 : i32
      %dma_wait3A_1234 = tpu.memref_slice %arg11[%dma_wait3A_1232, %dma_wait3A_1233] : memref<10000x128xf32, #tpu.memory_space<vmem_shared>> -> memref<10000x128xf32, #tpu.memory_space<vmem_shared>>
      tpu.wait_indirect_dma semaphore(%run_scoped3A_1222 : memref<!tpu.dma_semaphore, #tpu.memory_space<semaphore_mem>>) src(%arg9 : memref<125x128xf32, #tpu.memory_space<vmem>>) dst(%dma_wait3A_1234 : memref<10000x128xf32, #tpu.memory_space<vmem_shared>>)
      tpu.yield
    }) : () -> ()
    %dma_start3A_180 = arith.constant 12 : i32
    %dma_start3A_181 = arith.constant 0 : i32
    %dma_start3A_182 = tpu.memref_slice %arg7[%dma_start3A_180, %dma_start3A_181] : memref<40x125xi32, #tpu.memory_space<vmem>> -> memref<1x125xi32, #tpu.memory_space<vmem>>
    %dma_start3A_183 = tpu.memref_squeeze %dma_start3A_182 : memref<1x125xi32, #tpu.memory_space<vmem>> -> memref<125xi32, #tpu.memory_space<vmem>>
    %dma_start3A_184 = arith.constant 0 : i32
    %dma_start3A_185 = arith.constant 0 : i32
    %dma_start3A_186 = tpu.memref_slice %arg2[%dma_start3A_184, %dma_start3A_185] : memref<10000x128xf32, #tpu.memory_space<hbm>> -> memref<10000x128xf32, #tpu.memory_space<hbm>>
    tpu.enqueue_indirect_dma source(%dma_start3A_186 : memref<10000x128xf32, #tpu.memory_space<hbm>>) target(%arg9 : memref<125x128xf32, #tpu.memory_space<vmem>>) offsets(%dma_start3A_183 : memref<125xi32, #tpu.memory_space<vmem>>) semaphore(%arg12 : memref<!tpu.dma_semaphore, #tpu.memory_space<semaphore_mem>>)
    %dma_wait3A_187 = arith.constant 11 : i32
    %dma_wait3A_188 = arith.constant 0 : i32
    %dma_wait3A_189 = tpu.memref_slice %arg7[%dma_wait3A_187, %dma_wait3A_188] : memref<40x125xi32, #tpu.memory_space<vmem>> -> memref<1x125xi32, #tpu.memory_space<vmem>>
    %dma_wait3A_190 = tpu.memref_squeeze %dma_wait3A_189 : memref<1x125xi32, #tpu.memory_space<vmem>> -> memref<125xi32, #tpu.memory_space<vmem>>
    %dma_wait3A_191 = arith.constant 0 : i32
    %dma_wait3A_192 = arith.constant 0 : i32
    %dma_wait3A_193 = tpu.memref_slice %arg2[%dma_wait3A_191, %dma_wait3A_192] : memref<10000x128xf32, #tpu.memory_space<hbm>> -> memref<10000x128xf32, #tpu.memory_space<hbm>>
    tpu.wait_indirect_dma semaphore(%arg13 : memref<!tpu.dma_semaphore, #tpu.memory_space<semaphore_mem>>) src(%dma_wait3A_193 : memref<10000x128xf32, #tpu.memory_space<hbm>>) dst(%arg10 : memref<125x128xf32, #tpu.memory_space<vmem>>)
    %run_scoped3A_194 = arith.constant 11 : i32
    "tpu.region"() ({
      %run_scoped3A_1222 = tpu.sem_alloc : memref<!tpu.dma_semaphore, #tpu.memory_space<semaphore_mem>>
      %dma_start3A_1223 = arith.constant 0 : i32
      %dma_start3A_1224 = tpu.memref_slice %arg8[%run_scoped3A_194, %dma_start3A_1223] : memref<40x125xi32, #tpu.memory_space<vmem>> -> memref<1x125xi32, #tpu.memory_space<vmem>>
      %dma_start3A_1225 = tpu.memref_squeeze %dma_start3A_1224 : memref<1x125xi32, #tpu.memory_space<vmem>> -> memref<125xi32, #tpu.memory_space<vmem>>
      %dma_start3A_1226 = arith.constant 0 : i32
      %dma_start3A_1227 = arith.constant 0 : i32
      %dma_start3A_1228 = tpu.memref_slice %arg11[%dma_start3A_1226, %dma_start3A_1227] : memref<10000x128xf32, #tpu.memory_space<vmem_shared>> -> memref<10000x128xf32, #tpu.memory_space<vmem_shared>>
      tpu.enqueue_indirect_dma source(%arg10 : memref<125x128xf32, #tpu.memory_space<vmem>>) target(%dma_start3A_1228 : memref<10000x128xf32, #tpu.memory_space<vmem_shared>>) offsets(%dma_start3A_1225 : memref<125xi32, #tpu.memory_space<vmem>>) semaphore(%run_scoped3A_1222 : memref<!tpu.dma_semaphore, #tpu.memory_space<semaphore_mem>>) {add = true}
      %dma_wait3A_1229 = arith.constant 0 : i32
      %dma_wait3A_1230 = tpu.memref_slice %arg8[%run_scoped3A_194, %dma_wait3A_1229] : memref<40x125xi32, #tpu.memory_space<vmem>> -> memref<1x125xi32, #tpu.memory_space<vmem>>
      %dma_wait3A_1231 = tpu.memref_squeeze %dma_wait3A_1230 : memref<1x125xi32, #tpu.memory_space<vmem>> -> memref<125xi32, #tpu.memory_space<vmem>>
      %dma_wait3A_1232 = arith.constant 0 : i32
      %dma_wait3A_1233 = arith.constant 0 : i32
      %dma_wait3A_1234 = tpu.memref_slice %arg11[%dma_wait3A_1232, %dma_wait3A_1233] : memref<10000x128xf32, #tpu.memory_space<vmem_shared>> -> memref<10000x128xf32, #tpu.memory_space<vmem_shared>>
      tpu.wait_indirect_dma semaphore(%run_scoped3A_1222 : memref<!tpu.dma_semaphore, #tpu.memory_space<semaphore_mem>>) src(%arg10 : memref<125x128xf32, #tpu.memory_space<vmem>>) dst(%dma_wait3A_1234 : memref<10000x128xf32, #tpu.memory_space<vmem_shared>>)
      tpu.yield
    }) : () -> ()
    %dma_start3A_195 = arith.constant 13 : i32
    %dma_start3A_196 = arith.constant 0 : i32
    %dma_start3A_197 = tpu.memref_slice %arg7[%dma_start3A_195, %dma_start3A_196] : memref<40x125xi32, #tpu.memory_space<vmem>> -> memref<1x125xi32, #tpu.memory_space<vmem>>
    %dma_start3A_198 = tpu.memref_squeeze %dma_start3A_197 : memref<1x125xi32, #tpu.memory_space<vmem>> -> memref<125xi32, #tpu.memory_space<vmem>>
    %dma_start3A_199 = arith.constant 0 : i32
    %dma_start3A_200 = arith.constant 0 : i32
    %dma_start3A_201 = tpu.memref_slice %arg2[%dma_start3A_199, %dma_start3A_200] : memref<10000x128xf32, #tpu.memory_space<hbm>> -> memref<10000x128xf32, #tpu.memory_space<hbm>>
    tpu.enqueue_indirect_dma source(%dma_start3A_201 : memref<10000x128xf32, #tpu.memory_space<hbm>>) target(%arg10 : memref<125x128xf32, #tpu.memory_space<vmem>>) offsets(%dma_start3A_198 : memref<125xi32, #tpu.memory_space<vmem>>) semaphore(%arg13 : memref<!tpu.dma_semaphore, #tpu.memory_space<semaphore_mem>>)
    %dma_wait3A_202 = arith.constant 12 : i32
    %dma_wait3A_203 = arith.constant 0 : i32
    %dma_wait3A_204 = tpu.memref_slice %arg7[%dma_wait3A_202, %dma_wait3A_203] : memref<40x125xi32, #tpu.memory_space<vmem>> -> memref<1x125xi32, #tpu.memory_space<vmem>>
    %dma_wait3A_205 = tpu.memref_squeeze %dma_wait3A_204 : memref<1x125xi32, #tpu.memory_space<vmem>> -> memref<125xi32, #tpu.memory_space<vmem>>
    %dma_wait3A_206 = arith.constant 0 : i32
    %dma_wait3A_207 = arith.constant 0 : i32
    %dma_wait3A_208 = tpu.memref_slice %arg2[%dma_wait3A_206, %dma_wait3A_207] : memref<10000x128xf32, #tpu.memory_space<hbm>> -> memref<10000x128xf32, #tpu.memory_space<hbm>>
    tpu.wait_indirect_dma semaphore(%arg12 : memref<!tpu.dma_semaphore, #tpu.memory_space<semaphore_mem>>) src(%dma_wait3A_208 : memref<10000x128xf32, #tpu.memory_space<hbm>>) dst(%arg9 : memref<125x128xf32, #tpu.memory_space<vmem>>)
    %run_scoped3A_209 = arith.constant 12 : i32
    "tpu.region"() ({
      %run_scoped3A_1222 = tpu.sem_alloc : memref<!tpu.dma_semaphore, #tpu.memory_space<semaphore_mem>>
      %dma_start3A_1223 = arith.constant 0 : i32
      %dma_start3A_1224 = tpu.memref_slice %arg8[%run_scoped3A_209, %dma_start3A_1223] : memref<40x125xi32, #tpu.memory_space<vmem>> -> memref<1x125xi32, #tpu.memory_space<vmem>>
      %dma_start3A_1225 = tpu.memref_squeeze %dma_start3A_1224 : memref<1x125xi32, #tpu.memory_space<vmem>> -> memref<125xi32, #tpu.memory_space<vmem>>
      %dma_start3A_1226 = arith.constant 0 : i32
      %dma_start3A_1227 = arith.constant 0 : i32
      %dma_start3A_1228 = tpu.memref_slice %arg11[%dma_start3A_1226, %dma_start3A_1227] : memref<10000x128xf32, #tpu.memory_space<vmem_shared>> -> memref<10000x128xf32, #tpu.memory_space<vmem_shared>>
      tpu.enqueue_indirect_dma source(%arg9 : memref<125x128xf32, #tpu.memory_space<vmem>>) target(%dma_start3A_1228 : memref<10000x128xf32, #tpu.memory_space<vmem_shared>>) offsets(%dma_start3A_1225 : memref<125xi32, #tpu.memory_space<vmem>>) semaphore(%run_scoped3A_1222 : memref<!tpu.dma_semaphore, #tpu.memory_space<semaphore_mem>>) {add = true}
      %dma_wait3A_1229 = arith.constant 0 : i32
      %dma_wait3A_1230 = tpu.memref_slice %arg8[%run_scoped3A_209, %dma_wait3A_1229] : memref<40x125xi32, #tpu.memory_space<vmem>> -> memref<1x125xi32, #tpu.memory_space<vmem>>
      %dma_wait3A_1231 = tpu.memref_squeeze %dma_wait3A_1230 : memref<1x125xi32, #tpu.memory_space<vmem>> -> memref<125xi32, #tpu.memory_space<vmem>>
      %dma_wait3A_1232 = arith.constant 0 : i32
      %dma_wait3A_1233 = arith.constant 0 : i32
      %dma_wait3A_1234 = tpu.memref_slice %arg11[%dma_wait3A_1232, %dma_wait3A_1233] : memref<10000x128xf32, #tpu.memory_space<vmem_shared>> -> memref<10000x128xf32, #tpu.memory_space<vmem_shared>>
      tpu.wait_indirect_dma semaphore(%run_scoped3A_1222 : memref<!tpu.dma_semaphore, #tpu.memory_space<semaphore_mem>>) src(%arg9 : memref<125x128xf32, #tpu.memory_space<vmem>>) dst(%dma_wait3A_1234 : memref<10000x128xf32, #tpu.memory_space<vmem_shared>>)
      tpu.yield
    }) : () -> ()
    %dma_start3A_210 = arith.constant 14 : i32
    %dma_start3A_211 = arith.constant 0 : i32
    %dma_start3A_212 = tpu.memref_slice %arg7[%dma_start3A_210, %dma_start3A_211] : memref<40x125xi32, #tpu.memory_space<vmem>> -> memref<1x125xi32, #tpu.memory_space<vmem>>
    %dma_start3A_213 = tpu.memref_squeeze %dma_start3A_212 : memref<1x125xi32, #tpu.memory_space<vmem>> -> memref<125xi32, #tpu.memory_space<vmem>>
    %dma_start3A_214 = arith.constant 0 : i32
    %dma_start3A_215 = arith.constant 0 : i32
    %dma_start3A_216 = tpu.memref_slice %arg2[%dma_start3A_214, %dma_start3A_215] : memref<10000x128xf32, #tpu.memory_space<hbm>> -> memref<10000x128xf32, #tpu.memory_space<hbm>>
    tpu.enqueue_indirect_dma source(%dma_start3A_216 : memref<10000x128xf32, #tpu.memory_space<hbm>>) target(%arg9 : memref<125x128xf32, #tpu.memory_space<vmem>>) offsets(%dma_start3A_213 : memref<125xi32, #tpu.memory_space<vmem>>) semaphore(%arg12 : memref<!tpu.dma_semaphore, #tpu.memory_space<semaphore_mem>>)
    %dma_wait3A_217 = arith.constant 13 : i32
    %dma_wait3A_218 = arith.constant 0 : i32
    %dma_wait3A_219 = tpu.memref_slice %arg7[%dma_wait3A_217, %dma_wait3A_218] : memref<40x125xi32, #tpu.memory_space<vmem>> -> memref<1x125xi32, #tpu.memory_space<vmem>>
    %dma_wait3A_220 = tpu.memref_squeeze %dma_wait3A_219 : memref<1x125xi32, #tpu.memory_space<vmem>> -> memref<125xi32, #tpu.memory_space<vmem>>
    %dma_wait3A_221 = arith.constant 0 : i32
    %dma_wait3A_222 = arith.constant 0 : i32
    %dma_wait3A_223 = tpu.memref_slice %arg2[%dma_wait3A_221, %dma_wait3A_222] : memref<10000x128xf32, #tpu.memory_space<hbm>> -> memref<10000x128xf32, #tpu.memory_space<hbm>>
    tpu.wait_indirect_dma semaphore(%arg13 : memref<!tpu.dma_semaphore, #tpu.memory_space<semaphore_mem>>) src(%dma_wait3A_223 : memref<10000x128xf32, #tpu.memory_space<hbm>>) dst(%arg10 : memref<125x128xf32, #tpu.memory_space<vmem>>)
    %run_scoped3A_224 = arith.constant 13 : i32
    "tpu.region"() ({
      %run_scoped3A_1222 = tpu.sem_alloc : memref<!tpu.dma_semaphore, #tpu.memory_space<semaphore_mem>>
      %dma_start3A_1223 = arith.constant 0 : i32
      %dma_start3A_1224 = tpu.memref_slice %arg8[%run_scoped3A_224, %dma_start3A_1223] : memref<40x125xi32, #tpu.memory_space<vmem>> -> memref<1x125xi32, #tpu.memory_space<vmem>>
      %dma_start3A_1225 = tpu.memref_squeeze %dma_start3A_1224 : memref<1x125xi32, #tpu.memory_space<vmem>> -> memref<125xi32, #tpu.memory_space<vmem>>
      %dma_start3A_1226 = arith.constant 0 : i32
      %dma_start3A_1227 = arith.constant 0 : i32
      %dma_start3A_1228 = tpu.memref_slice %arg11[%dma_start3A_1226, %dma_start3A_1227] : memref<10000x128xf32, #tpu.memory_space<vmem_shared>> -> memref<10000x128xf32, #tpu.memory_space<vmem_shared>>
      tpu.enqueue_indirect_dma source(%arg10 : memref<125x128xf32, #tpu.memory_space<vmem>>) target(%dma_start3A_1228 : memref<10000x128xf32, #tpu.memory_space<vmem_shared>>) offsets(%dma_start3A_1225 : memref<125xi32, #tpu.memory_space<vmem>>) semaphore(%run_scoped3A_1222 : memref<!tpu.dma_semaphore, #tpu.memory_space<semaphore_mem>>) {add = true}
      %dma_wait3A_1229 = arith.constant 0 : i32
      %dma_wait3A_1230 = tpu.memref_slice %arg8[%run_scoped3A_224, %dma_wait3A_1229] : memref<40x125xi32, #tpu.memory_space<vmem>> -> memref<1x125xi32, #tpu.memory_space<vmem>>
      %dma_wait3A_1231 = tpu.memref_squeeze %dma_wait3A_1230 : memref<1x125xi32, #tpu.memory_space<vmem>> -> memref<125xi32, #tpu.memory_space<vmem>>
      %dma_wait3A_1232 = arith.constant 0 : i32
      %dma_wait3A_1233 = arith.constant 0 : i32
      %dma_wait3A_1234 = tpu.memref_slice %arg11[%dma_wait3A_1232, %dma_wait3A_1233] : memref<10000x128xf32, #tpu.memory_space<vmem_shared>> -> memref<10000x128xf32, #tpu.memory_space<vmem_shared>>
      tpu.wait_indirect_dma semaphore(%run_scoped3A_1222 : memref<!tpu.dma_semaphore, #tpu.memory_space<semaphore_mem>>) src(%arg10 : memref<125x128xf32, #tpu.memory_space<vmem>>) dst(%dma_wait3A_1234 : memref<10000x128xf32, #tpu.memory_space<vmem_shared>>)
      tpu.yield
    }) : () -> ()
    %dma_start3A_225 = arith.constant 15 : i32
    %dma_start3A_226 = arith.constant 0 : i32
    %dma_start3A_227 = tpu.memref_slice %arg7[%dma_start3A_225, %dma_start3A_226] : memref<40x125xi32, #tpu.memory_space<vmem>> -> memref<1x125xi32, #tpu.memory_space<vmem>>
    %dma_start3A_228 = tpu.memref_squeeze %dma_start3A_227 : memref<1x125xi32, #tpu.memory_space<vmem>> -> memref<125xi32, #tpu.memory_space<vmem>>
    %dma_start3A_229 = arith.constant 0 : i32
    %dma_start3A_230 = arith.constant 0 : i32
    %dma_start3A_231 = tpu.memref_slice %arg2[%dma_start3A_229, %dma_start3A_230] : memref<10000x128xf32, #tpu.memory_space<hbm>> -> memref<10000x128xf32, #tpu.memory_space<hbm>>
    tpu.enqueue_indirect_dma source(%dma_start3A_231 : memref<10000x128xf32, #tpu.memory_space<hbm>>) target(%arg10 : memref<125x128xf32, #tpu.memory_space<vmem>>) offsets(%dma_start3A_228 : memref<125xi32, #tpu.memory_space<vmem>>) semaphore(%arg13 : memref<!tpu.dma_semaphore, #tpu.memory_space<semaphore_mem>>)
    %dma_wait3A_232 = arith.constant 14 : i32
    %dma_wait3A_233 = arith.constant 0 : i32
    %dma_wait3A_234 = tpu.memref_slice %arg7[%dma_wait3A_232, %dma_wait3A_233] : memref<40x125xi32, #tpu.memory_space<vmem>> -> memref<1x125xi32, #tpu.memory_space<vmem>>
    %dma_wait3A_235 = tpu.memref_squeeze %dma_wait3A_234 : memref<1x125xi32, #tpu.memory_space<vmem>> -> memref<125xi32, #tpu.memory_space<vmem>>
    %dma_wait3A_236 = arith.constant 0 : i32
    %dma_wait3A_237 = arith.constant 0 : i32
    %dma_wait3A_238 = tpu.memref_slice %arg2[%dma_wait3A_236, %dma_wait3A_237] : memref<10000x128xf32, #tpu.memory_space<hbm>> -> memref<10000x128xf32, #tpu.memory_space<hbm>>
    tpu.wait_indirect_dma semaphore(%arg12 : memref<!tpu.dma_semaphore, #tpu.memory_space<semaphore_mem>>) src(%dma_wait3A_238 : memref<10000x128xf32, #tpu.memory_space<hbm>>) dst(%arg9 : memref<125x128xf32, #tpu.memory_space<vmem>>)
    %run_scoped3A_239 = arith.constant 14 : i32
    "tpu.region"() ({
      %run_scoped3A_1222 = tpu.sem_alloc : memref<!tpu.dma_semaphore, #tpu.memory_space<semaphore_mem>>
      %dma_start3A_1223 = arith.constant 0 : i32
      %dma_start3A_1224 = tpu.memref_slice %arg8[%run_scoped3A_239, %dma_start3A_1223] : memref<40x125xi32, #tpu.memory_space<vmem>> -> memref<1x125xi32, #tpu.memory_space<vmem>>
      %dma_start3A_1225 = tpu.memref_squeeze %dma_start3A_1224 : memref<1x125xi32, #tpu.memory_space<vmem>> -> memref<125xi32, #tpu.memory_space<vmem>>
      %dma_start3A_1226 = arith.constant 0 : i32
      %dma_start3A_1227 = arith.constant 0 : i32
      %dma_start3A_1228 = tpu.memref_slice %arg11[%dma_start3A_1226, %dma_start3A_1227] : memref<10000x128xf32, #tpu.memory_space<vmem_shared>> -> memref<10000x128xf32, #tpu.memory_space<vmem_shared>>
      tpu.enqueue_indirect_dma source(%arg9 : memref<125x128xf32, #tpu.memory_space<vmem>>) target(%dma_start3A_1228 : memref<10000x128xf32, #tpu.memory_space<vmem_shared>>) offsets(%dma_start3A_1225 : memref<125xi32, #tpu.memory_space<vmem>>) semaphore(%run_scoped3A_1222 : memref<!tpu.dma_semaphore, #tpu.memory_space<semaphore_mem>>) {add = true}
      %dma_wait3A_1229 = arith.constant 0 : i32
      %dma_wait3A_1230 = tpu.memref_slice %arg8[%run_scoped3A_239, %dma_wait3A_1229] : memref<40x125xi32, #tpu.memory_space<vmem>> -> memref<1x125xi32, #tpu.memory_space<vmem>>
      %dma_wait3A_1231 = tpu.memref_squeeze %dma_wait3A_1230 : memref<1x125xi32, #tpu.memory_space<vmem>> -> memref<125xi32, #tpu.memory_space<vmem>>
      %dma_wait3A_1232 = arith.constant 0 : i32
      %dma_wait3A_1233 = arith.constant 0 : i32
      %dma_wait3A_1234 = tpu.memref_slice %arg11[%dma_wait3A_1232, %dma_wait3A_1233] : memref<10000x128xf32, #tpu.memory_space<vmem_shared>> -> memref<10000x128xf32, #tpu.memory_space<vmem_shared>>
      tpu.wait_indirect_dma semaphore(%run_scoped3A_1222 : memref<!tpu.dma_semaphore, #tpu.memory_space<semaphore_mem>>) src(%arg9 : memref<125x128xf32, #tpu.memory_space<vmem>>) dst(%dma_wait3A_1234 : memref<10000x128xf32, #tpu.memory_space<vmem_shared>>)
      tpu.yield
    }) : () -> ()
    %dma_start3A_240 = arith.constant 16 : i32
    %dma_start3A_241 = arith.constant 0 : i32
    %dma_start3A_242 = tpu.memref_slice %arg7[%dma_start3A_240, %dma_start3A_241] : memref<40x125xi32, #tpu.memory_space<vmem>> -> memref<1x125xi32, #tpu.memory_space<vmem>>
    %dma_start3A_243 = tpu.memref_squeeze %dma_start3A_242 : memref<1x125xi32, #tpu.memory_space<vmem>> -> memref<125xi32, #tpu.memory_space<vmem>>
    %dma_start3A_244 = arith.constant 0 : i32
    %dma_start3A_245 = arith.constant 0 : i32
    %dma_start3A_246 = tpu.memref_slice %arg2[%dma_start3A_244, %dma_start3A_245] : memref<10000x128xf32, #tpu.memory_space<hbm>> -> memref<10000x128xf32, #tpu.memory_space<hbm>>
    tpu.enqueue_indirect_dma source(%dma_start3A_246 : memref<10000x128xf32, #tpu.memory_space<hbm>>) target(%arg9 : memref<125x128xf32, #tpu.memory_space<vmem>>) offsets(%dma_start3A_243 : memref<125xi32, #tpu.memory_space<vmem>>) semaphore(%arg12 : memref<!tpu.dma_semaphore, #tpu.memory_space<semaphore_mem>>)
    %dma_wait3A_247 = arith.constant 15 : i32
    %dma_wait3A_248 = arith.constant 0 : i32
    %dma_wait3A_249 = tpu.memref_slice %arg7[%dma_wait3A_247, %dma_wait3A_248] : memref<40x125xi32, #tpu.memory_space<vmem>> -> memref<1x125xi32, #tpu.memory_space<vmem>>
    %dma_wait3A_250 = tpu.memref_squeeze %dma_wait3A_249 : memref<1x125xi32, #tpu.memory_space<vmem>> -> memref<125xi32, #tpu.memory_space<vmem>>
    %dma_wait3A_251 = arith.constant 0 : i32
    %dma_wait3A_252 = arith.constant 0 : i32
    %dma_wait3A_253 = tpu.memref_slice %arg2[%dma_wait3A_251, %dma_wait3A_252] : memref<10000x128xf32, #tpu.memory_space<hbm>> -> memref<10000x128xf32, #tpu.memory_space<hbm>>
    tpu.wait_indirect_dma semaphore(%arg13 : memref<!tpu.dma_semaphore, #tpu.memory_space<semaphore_mem>>) src(%dma_wait3A_253 : memref<10000x128xf32, #tpu.memory_space<hbm>>) dst(%arg10 : memref<125x128xf32, #tpu.memory_space<vmem>>)
    %run_scoped3A_254 = arith.constant 15 : i32
    "tpu.region"() ({
      %run_scoped3A_1222 = tpu.sem_alloc : memref<!tpu.dma_semaphore, #tpu.memory_space<semaphore_mem>>
      %dma_start3A_1223 = arith.constant 0 : i32
      %dma_start3A_1224 = tpu.memref_slice %arg8[%run_scoped3A_254, %dma_start3A_1223] : memref<40x125xi32, #tpu.memory_space<vmem>> -> memref<1x125xi32, #tpu.memory_space<vmem>>
      %dma_start3A_1225 = tpu.memref_squeeze %dma_start3A_1224 : memref<1x125xi32, #tpu.memory_space<vmem>> -> memref<125xi32, #tpu.memory_space<vmem>>
      %dma_start3A_1226 = arith.constant 0 : i32
      %dma_start3A_1227 = arith.constant 0 : i32
      %dma_start3A_1228 = tpu.memref_slice %arg11[%dma_start3A_1226, %dma_start3A_1227] : memref<10000x128xf32, #tpu.memory_space<vmem_shared>> -> memref<10000x128xf32, #tpu.memory_space<vmem_shared>>
      tpu.enqueue_indirect_dma source(%arg10 : memref<125x128xf32, #tpu.memory_space<vmem>>) target(%dma_start3A_1228 : memref<10000x128xf32, #tpu.memory_space<vmem_shared>>) offsets(%dma_start3A_1225 : memref<125xi32, #tpu.memory_space<vmem>>) semaphore(%run_scoped3A_1222 : memref<!tpu.dma_semaphore, #tpu.memory_space<semaphore_mem>>) {add = true}
      %dma_wait3A_1229 = arith.constant 0 : i32
      %dma_wait3A_1230 = tpu.memref_slice %arg8[%run_scoped3A_254, %dma_wait3A_1229] : memref<40x125xi32, #tpu.memory_space<vmem>> -> memref<1x125xi32, #tpu.memory_space<vmem>>
      %dma_wait3A_1231 = tpu.memref_squeeze %dma_wait3A_1230 : memref<1x125xi32, #tpu.memory_space<vmem>> -> memref<125xi32, #tpu.memory_space<vmem>>
      %dma_wait3A_1232 = arith.constant 0 : i32
      %dma_wait3A_1233 = arith.constant 0 : i32
      %dma_wait3A_1234 = tpu.memref_slice %arg11[%dma_wait3A_1232, %dma_wait3A_1233] : memref<10000x128xf32, #tpu.memory_space<vmem_shared>> -> memref<10000x128xf32, #tpu.memory_space<vmem_shared>>
      tpu.wait_indirect_dma semaphore(%run_scoped3A_1222 : memref<!tpu.dma_semaphore, #tpu.memory_space<semaphore_mem>>) src(%arg10 : memref<125x128xf32, #tpu.memory_space<vmem>>) dst(%dma_wait3A_1234 : memref<10000x128xf32, #tpu.memory_space<vmem_shared>>)
      tpu.yield
    }) : () -> ()
    %dma_start3A_255 = arith.constant 17 : i32
    %dma_start3A_256 = arith.constant 0 : i32
    %dma_start3A_257 = tpu.memref_slice %arg7[%dma_start3A_255, %dma_start3A_256] : memref<40x125xi32, #tpu.memory_space<vmem>> -> memref<1x125xi32, #tpu.memory_space<vmem>>
    %dma_start3A_258 = tpu.memref_squeeze %dma_start3A_257 : memref<1x125xi32, #tpu.memory_space<vmem>> -> memref<125xi32, #tpu.memory_space<vmem>>
    %dma_start3A_259 = arith.constant 0 : i32
    %dma_start3A_260 = arith.constant 0 : i32
    %dma_start3A_261 = tpu.memref_slice %arg2[%dma_start3A_259, %dma_start3A_260] : memref<10000x128xf32, #tpu.memory_space<hbm>> -> memref<10000x128xf32, #tpu.memory_space<hbm>>
    tpu.enqueue_indirect_dma source(%dma_start3A_261 : memref<10000x128xf32, #tpu.memory_space<hbm>>) target(%arg10 : memref<125x128xf32, #tpu.memory_space<vmem>>) offsets(%dma_start3A_258 : memref<125xi32, #tpu.memory_space<vmem>>) semaphore(%arg13 : memref<!tpu.dma_semaphore, #tpu.memory_space<semaphore_mem>>)
    %dma_wait3A_262 = arith.constant 16 : i32
    %dma_wait3A_263 = arith.constant 0 : i32
    %dma_wait3A_264 = tpu.memref_slice %arg7[%dma_wait3A_262, %dma_wait3A_263] : memref<40x125xi32, #tpu.memory_space<vmem>> -> memref<1x125xi32, #tpu.memory_space<vmem>>
    %dma_wait3A_265 = tpu.memref_squeeze %dma_wait3A_264 : memref<1x125xi32, #tpu.memory_space<vmem>> -> memref<125xi32, #tpu.memory_space<vmem>>
    %dma_wait3A_266 = arith.constant 0 : i32
    %dma_wait3A_267 = arith.constant 0 : i32
    %dma_wait3A_268 = tpu.memref_slice %arg2[%dma_wait3A_266, %dma_wait3A_267] : memref<10000x128xf32, #tpu.memory_space<hbm>> -> memref<10000x128xf32, #tpu.memory_space<hbm>>
    tpu.wait_indirect_dma semaphore(%arg12 : memref<!tpu.dma_semaphore, #tpu.memory_space<semaphore_mem>>) src(%dma_wait3A_268 : memref<10000x128xf32, #tpu.memory_space<hbm>>) dst(%arg9 : memref<125x128xf32, #tpu.memory_space<vmem>>)
    %run_scoped3A_269 = arith.constant 16 : i32
    "tpu.region"() ({
      %run_scoped3A_1222 = tpu.sem_alloc : memref<!tpu.dma_semaphore, #tpu.memory_space<semaphore_mem>>
      %dma_start3A_1223 = arith.constant 0 : i32
      %dma_start3A_1224 = tpu.memref_slice %arg8[%run_scoped3A_269, %dma_start3A_1223] : memref<40x125xi32, #tpu.memory_space<vmem>> -> memref<1x125xi32, #tpu.memory_space<vmem>>
      %dma_start3A_1225 = tpu.memref_squeeze %dma_start3A_1224 : memref<1x125xi32, #tpu.memory_space<vmem>> -> memref<125xi32, #tpu.memory_space<vmem>>
      %dma_start3A_1226 = arith.constant 0 : i32
      %dma_start3A_1227 = arith.constant 0 : i32
      %dma_start3A_1228 = tpu.memref_slice %arg11[%dma_start3A_1226, %dma_start3A_1227] : memref<10000x128xf32, #tpu.memory_space<vmem_shared>> -> memref<10000x128xf32, #tpu.memory_space<vmem_shared>>
      tpu.enqueue_indirect_dma source(%arg9 : memref<125x128xf32, #tpu.memory_space<vmem>>) target(%dma_start3A_1228 : memref<10000x128xf32, #tpu.memory_space<vmem_shared>>) offsets(%dma_start3A_1225 : memref<125xi32, #tpu.memory_space<vmem>>) semaphore(%run_scoped3A_1222 : memref<!tpu.dma_semaphore, #tpu.memory_space<semaphore_mem>>) {add = true}
      %dma_wait3A_1229 = arith.constant 0 : i32
      %dma_wait3A_1230 = tpu.memref_slice %arg8[%run_scoped3A_269, %dma_wait3A_1229] : memref<40x125xi32, #tpu.memory_space<vmem>> -> memref<1x125xi32, #tpu.memory_space<vmem>>
      %dma_wait3A_1231 = tpu.memref_squeeze %dma_wait3A_1230 : memref<1x125xi32, #tpu.memory_space<vmem>> -> memref<125xi32, #tpu.memory_space<vmem>>
      %dma_wait3A_1232 = arith.constant 0 : i32
      %dma_wait3A_1233 = arith.constant 0 : i32
      %dma_wait3A_1234 = tpu.memref_slice %arg11[%dma_wait3A_1232, %dma_wait3A_1233] : memref<10000x128xf32, #tpu.memory_space<vmem_shared>> -> memref<10000x128xf32, #tpu.memory_space<vmem_shared>>
      tpu.wait_indirect_dma semaphore(%run_scoped3A_1222 : memref<!tpu.dma_semaphore, #tpu.memory_space<semaphore_mem>>) src(%arg9 : memref<125x128xf32, #tpu.memory_space<vmem>>) dst(%dma_wait3A_1234 : memref<10000x128xf32, #tpu.memory_space<vmem_shared>>)
      tpu.yield
    }) : () -> ()
    %dma_start3A_270 = arith.constant 18 : i32
    %dma_start3A_271 = arith.constant 0 : i32
    %dma_start3A_272 = tpu.memref_slice %arg7[%dma_start3A_270, %dma_start3A_271] : memref<40x125xi32, #tpu.memory_space<vmem>> -> memref<1x125xi32, #tpu.memory_space<vmem>>
    %dma_start3A_273 = tpu.memref_squeeze %dma_start3A_272 : memref<1x125xi32, #tpu.memory_space<vmem>> -> memref<125xi32, #tpu.memory_space<vmem>>
    %dma_start3A_274 = arith.constant 0 : i32
    %dma_start3A_275 = arith.constant 0 : i32
    %dma_start3A_276 = tpu.memref_slice %arg2[%dma_start3A_274, %dma_start3A_275] : memref<10000x128xf32, #tpu.memory_space<hbm>> -> memref<10000x128xf32, #tpu.memory_space<hbm>>
    tpu.enqueue_indirect_dma source(%dma_start3A_276 : memref<10000x128xf32, #tpu.memory_space<hbm>>) target(%arg9 : memref<125x128xf32, #tpu.memory_space<vmem>>) offsets(%dma_start3A_273 : memref<125xi32, #tpu.memory_space<vmem>>) semaphore(%arg12 : memref<!tpu.dma_semaphore, #tpu.memory_space<semaphore_mem>>)
    %dma_wait3A_277 = arith.constant 17 : i32
    %dma_wait3A_278 = arith.constant 0 : i32
    %dma_wait3A_279 = tpu.memref_slice %arg7[%dma_wait3A_277, %dma_wait3A_278] : memref<40x125xi32, #tpu.memory_space<vmem>> -> memref<1x125xi32, #tpu.memory_space<vmem>>
    %dma_wait3A_280 = tpu.memref_squeeze %dma_wait3A_279 : memref<1x125xi32, #tpu.memory_space<vmem>> -> memref<125xi32, #tpu.memory_space<vmem>>
    %dma_wait3A_281 = arith.constant 0 : i32
    %dma_wait3A_282 = arith.constant 0 : i32
    %dma_wait3A_283 = tpu.memref_slice %arg2[%dma_wait3A_281, %dma_wait3A_282] : memref<10000x128xf32, #tpu.memory_space<hbm>> -> memref<10000x128xf32, #tpu.memory_space<hbm>>
    tpu.wait_indirect_dma semaphore(%arg13 : memref<!tpu.dma_semaphore, #tpu.memory_space<semaphore_mem>>) src(%dma_wait3A_283 : memref<10000x128xf32, #tpu.memory_space<hbm>>) dst(%arg10 : memref<125x128xf32, #tpu.memory_space<vmem>>)
    %run_scoped3A_284 = arith.constant 17 : i32
    "tpu.region"() ({
      %run_scoped3A_1222 = tpu.sem_alloc : memref<!tpu.dma_semaphore, #tpu.memory_space<semaphore_mem>>
      %dma_start3A_1223 = arith.constant 0 : i32
      %dma_start3A_1224 = tpu.memref_slice %arg8[%run_scoped3A_284, %dma_start3A_1223] : memref<40x125xi32, #tpu.memory_space<vmem>> -> memref<1x125xi32, #tpu.memory_space<vmem>>
      %dma_start3A_1225 = tpu.memref_squeeze %dma_start3A_1224 : memref<1x125xi32, #tpu.memory_space<vmem>> -> memref<125xi32, #tpu.memory_space<vmem>>
      %dma_start3A_1226 = arith.constant 0 : i32
      %dma_start3A_1227 = arith.constant 0 : i32
      %dma_start3A_1228 = tpu.memref_slice %arg11[%dma_start3A_1226, %dma_start3A_1227] : memref<10000x128xf32, #tpu.memory_space<vmem_shared>> -> memref<10000x128xf32, #tpu.memory_space<vmem_shared>>
      tpu.enqueue_indirect_dma source(%arg10 : memref<125x128xf32, #tpu.memory_space<vmem>>) target(%dma_start3A_1228 : memref<10000x128xf32, #tpu.memory_space<vmem_shared>>) offsets(%dma_start3A_1225 : memref<125xi32, #tpu.memory_space<vmem>>) semaphore(%run_scoped3A_1222 : memref<!tpu.dma_semaphore, #tpu.memory_space<semaphore_mem>>) {add = true}
      %dma_wait3A_1229 = arith.constant 0 : i32
      %dma_wait3A_1230 = tpu.memref_slice %arg8[%run_scoped3A_284, %dma_wait3A_1229] : memref<40x125xi32, #tpu.memory_space<vmem>> -> memref<1x125xi32, #tpu.memory_space<vmem>>
      %dma_wait3A_1231 = tpu.memref_squeeze %dma_wait3A_1230 : memref<1x125xi32, #tpu.memory_space<vmem>> -> memref<125xi32, #tpu.memory_space<vmem>>
      %dma_wait3A_1232 = arith.constant 0 : i32
      %dma_wait3A_1233 = arith.constant 0 : i32
      %dma_wait3A_1234 = tpu.memref_slice %arg11[%dma_wait3A_1232, %dma_wait3A_1233] : memref<10000x128xf32, #tpu.memory_space<vmem_shared>> -> memref<10000x128xf32, #tpu.memory_space<vmem_shared>>
      tpu.wait_indirect_dma semaphore(%run_scoped3A_1222 : memref<!tpu.dma_semaphore, #tpu.memory_space<semaphore_mem>>) src(%arg10 : memref<125x128xf32, #tpu.memory_space<vmem>>) dst(%dma_wait3A_1234 : memref<10000x128xf32, #tpu.memory_space<vmem_shared>>)
      tpu.yield
    }) : () -> ()
    %dma_start3A_285 = arith.constant 19 : i32
    %dma_start3A_286 = arith.constant 0 : i32
    %dma_start3A_287 = tpu.memref_slice %arg7[%dma_start3A_285, %dma_start3A_286] : memref<40x125xi32, #tpu.memory_space<vmem>> -> memref<1x125xi32, #tpu.memory_space<vmem>>
    %dma_start3A_288 = tpu.memref_squeeze %dma_start3A_287 : memref<1x125xi32, #tpu.memory_space<vmem>> -> memref<125xi32, #tpu.memory_space<vmem>>
    %dma_start3A_289 = arith.constant 0 : i32
    %dma_start3A_290 = arith.constant 0 : i32
    %dma_start3A_291 = tpu.memref_slice %arg2[%dma_start3A_289, %dma_start3A_290] : memref<10000x128xf32, #tpu.memory_space<hbm>> -> memref<10000x128xf32, #tpu.memory_space<hbm>>
    tpu.enqueue_indirect_dma source(%dma_start3A_291 : memref<10000x128xf32, #tpu.memory_space<hbm>>) target(%arg10 : memref<125x128xf32, #tpu.memory_space<vmem>>) offsets(%dma_start3A_288 : memref<125xi32, #tpu.memory_space<vmem>>) semaphore(%arg13 : memref<!tpu.dma_semaphore, #tpu.memory_space<semaphore_mem>>)
    %dma_wait3A_292 = arith.constant 18 : i32
    %dma_wait3A_293 = arith.constant 0 : i32
    %dma_wait3A_294 = tpu.memref_slice %arg7[%dma_wait3A_292, %dma_wait3A_293] : memref<40x125xi32, #tpu.memory_space<vmem>> -> memref<1x125xi32, #tpu.memory_space<vmem>>
    %dma_wait3A_295 = tpu.memref_squeeze %dma_wait3A_294 : memref<1x125xi32, #tpu.memory_space<vmem>> -> memref<125xi32, #tpu.memory_space<vmem>>
    %dma_wait3A_296 = arith.constant 0 : i32
    %dma_wait3A_297 = arith.constant 0 : i32
    %dma_wait3A_298 = tpu.memref_slice %arg2[%dma_wait3A_296, %dma_wait3A_297] : memref<10000x128xf32, #tpu.memory_space<hbm>> -> memref<10000x128xf32, #tpu.memory_space<hbm>>
    tpu.wait_indirect_dma semaphore(%arg12 : memref<!tpu.dma_semaphore, #tpu.memory_space<semaphore_mem>>) src(%dma_wait3A_298 : memref<10000x128xf32, #tpu.memory_space<hbm>>) dst(%arg9 : memref<125x128xf32, #tpu.memory_space<vmem>>)
    %run_scoped3A_299 = arith.constant 18 : i32
    "tpu.region"() ({
      %run_scoped3A_1222 = tpu.sem_alloc : memref<!tpu.dma_semaphore, #tpu.memory_space<semaphore_mem>>
      %dma_start3A_1223 = arith.constant 0 : i32
      %dma_start3A_1224 = tpu.memref_slice %arg8[%run_scoped3A_299, %dma_start3A_1223] : memref<40x125xi32, #tpu.memory_space<vmem>> -> memref<1x125xi32, #tpu.memory_space<vmem>>
      %dma_start3A_1225 = tpu.memref_squeeze %dma_start3A_1224 : memref<1x125xi32, #tpu.memory_space<vmem>> -> memref<125xi32, #tpu.memory_space<vmem>>
      %dma_start3A_1226 = arith.constant 0 : i32
      %dma_start3A_1227 = arith.constant 0 : i32
      %dma_start3A_1228 = tpu.memref_slice %arg11[%dma_start3A_1226, %dma_start3A_1227] : memref<10000x128xf32, #tpu.memory_space<vmem_shared>> -> memref<10000x128xf32, #tpu.memory_space<vmem_shared>>
      tpu.enqueue_indirect_dma source(%arg9 : memref<125x128xf32, #tpu.memory_space<vmem>>) target(%dma_start3A_1228 : memref<10000x128xf32, #tpu.memory_space<vmem_shared>>) offsets(%dma_start3A_1225 : memref<125xi32, #tpu.memory_space<vmem>>) semaphore(%run_scoped3A_1222 : memref<!tpu.dma_semaphore, #tpu.memory_space<semaphore_mem>>) {add = true}
      %dma_wait3A_1229 = arith.constant 0 : i32
      %dma_wait3A_1230 = tpu.memref_slice %arg8[%run_scoped3A_299, %dma_wait3A_1229] : memref<40x125xi32, #tpu.memory_space<vmem>> -> memref<1x125xi32, #tpu.memory_space<vmem>>
      %dma_wait3A_1231 = tpu.memref_squeeze %dma_wait3A_1230 : memref<1x125xi32, #tpu.memory_space<vmem>> -> memref<125xi32, #tpu.memory_space<vmem>>
      %dma_wait3A_1232 = arith.constant 0 : i32
      %dma_wait3A_1233 = arith.constant 0 : i32
      %dma_wait3A_1234 = tpu.memref_slice %arg11[%dma_wait3A_1232, %dma_wait3A_1233] : memref<10000x128xf32, #tpu.memory_space<vmem_shared>> -> memref<10000x128xf32, #tpu.memory_space<vmem_shared>>
      tpu.wait_indirect_dma semaphore(%run_scoped3A_1222 : memref<!tpu.dma_semaphore, #tpu.memory_space<semaphore_mem>>) src(%arg9 : memref<125x128xf32, #tpu.memory_space<vmem>>) dst(%dma_wait3A_1234 : memref<10000x128xf32, #tpu.memory_space<vmem_shared>>)
      tpu.yield
    }) : () -> ()
    %dma_start3A_300 = arith.constant 20 : i32
    %dma_start3A_301 = arith.constant 0 : i32
    %dma_start3A_302 = tpu.memref_slice %arg7[%dma_start3A_300, %dma_start3A_301] : memref<40x125xi32, #tpu.memory_space<vmem>> -> memref<1x125xi32, #tpu.memory_space<vmem>>
    %dma_start3A_303 = tpu.memref_squeeze %dma_start3A_302 : memref<1x125xi32, #tpu.memory_space<vmem>> -> memref<125xi32, #tpu.memory_space<vmem>>
    %dma_start3A_304 = arith.constant 0 : i32
    %dma_start3A_305 = arith.constant 0 : i32
    %dma_start3A_306 = tpu.memref_slice %arg2[%dma_start3A_304, %dma_start3A_305] : memref<10000x128xf32, #tpu.memory_space<hbm>> -> memref<10000x128xf32, #tpu.memory_space<hbm>>
    tpu.enqueue_indirect_dma source(%dma_start3A_306 : memref<10000x128xf32, #tpu.memory_space<hbm>>) target(%arg9 : memref<125x128xf32, #tpu.memory_space<vmem>>) offsets(%dma_start3A_303 : memref<125xi32, #tpu.memory_space<vmem>>) semaphore(%arg12 : memref<!tpu.dma_semaphore, #tpu.memory_space<semaphore_mem>>)
    %dma_wait3A_307 = arith.constant 19 : i32
    %dma_wait3A_308 = arith.constant 0 : i32
    %dma_wait3A_309 = tpu.memref_slice %arg7[%dma_wait3A_307, %dma_wait3A_308] : memref<40x125xi32, #tpu.memory_space<vmem>> -> memref<1x125xi32, #tpu.memory_space<vmem>>
    %dma_wait3A_310 = tpu.memref_squeeze %dma_wait3A_309 : memref<1x125xi32, #tpu.memory_space<vmem>> -> memref<125xi32, #tpu.memory_space<vmem>>
    %dma_wait3A_311 = arith.constant 0 : i32
    %dma_wait3A_312 = arith.constant 0 : i32
    %dma_wait3A_313 = tpu.memref_slice %arg2[%dma_wait3A_311, %dma_wait3A_312] : memref<10000x128xf32, #tpu.memory_space<hbm>> -> memref<10000x128xf32, #tpu.memory_space<hbm>>
    tpu.wait_indirect_dma semaphore(%arg13 : memref<!tpu.dma_semaphore, #tpu.memory_space<semaphore_mem>>) src(%dma_wait3A_313 : memref<10000x128xf32, #tpu.memory_space<hbm>>) dst(%arg10 : memref<125x128xf32, #tpu.memory_space<vmem>>)
    %run_scoped3A_314 = arith.constant 19 : i32
    "tpu.region"() ({
      %run_scoped3A_1222 = tpu.sem_alloc : memref<!tpu.dma_semaphore, #tpu.memory_space<semaphore_mem>>
      %dma_start3A_1223 = arith.constant 0 : i32
      %dma_start3A_1224 = tpu.memref_slice %arg8[%run_scoped3A_314, %dma_start3A_1223] : memref<40x125xi32, #tpu.memory_space<vmem>> -> memref<1x125xi32, #tpu.memory_space<vmem>>
      %dma_start3A_1225 = tpu.memref_squeeze %dma_start3A_1224 : memref<1x125xi32, #tpu.memory_space<vmem>> -> memref<125xi32, #tpu.memory_space<vmem>>
      %dma_start3A_1226 = arith.constant 0 : i32
      %dma_start3A_1227 = arith.constant 0 : i32
      %dma_start3A_1228 = tpu.memref_slice %arg11[%dma_start3A_1226, %dma_start3A_1227] : memref<10000x128xf32, #tpu.memory_space<vmem_shared>> -> memref<10000x128xf32, #tpu.memory_space<vmem_shared>>
      tpu.enqueue_indirect_dma source(%arg10 : memref<125x128xf32, #tpu.memory_space<vmem>>) target(%dma_start3A_1228 : memref<10000x128xf32, #tpu.memory_space<vmem_shared>>) offsets(%dma_start3A_1225 : memref<125xi32, #tpu.memory_space<vmem>>) semaphore(%run_scoped3A_1222 : memref<!tpu.dma_semaphore, #tpu.memory_space<semaphore_mem>>) {add = true}
      %dma_wait3A_1229 = arith.constant 0 : i32
      %dma_wait3A_1230 = tpu.memref_slice %arg8[%run_scoped3A_314, %dma_wait3A_1229] : memref<40x125xi32, #tpu.memory_space<vmem>> -> memref<1x125xi32, #tpu.memory_space<vmem>>
      %dma_wait3A_1231 = tpu.memref_squeeze %dma_wait3A_1230 : memref<1x125xi32, #tpu.memory_space<vmem>> -> memref<125xi32, #tpu.memory_space<vmem>>
      %dma_wait3A_1232 = arith.constant 0 : i32
      %dma_wait3A_1233 = arith.constant 0 : i32
      %dma_wait3A_1234 = tpu.memref_slice %arg11[%dma_wait3A_1232, %dma_wait3A_1233] : memref<10000x128xf32, #tpu.memory_space<vmem_shared>> -> memref<10000x128xf32, #tpu.memory_space<vmem_shared>>
      tpu.wait_indirect_dma semaphore(%run_scoped3A_1222 : memref<!tpu.dma_semaphore, #tpu.memory_space<semaphore_mem>>) src(%arg10 : memref<125x128xf32, #tpu.memory_space<vmem>>) dst(%dma_wait3A_1234 : memref<10000x128xf32, #tpu.memory_space<vmem_shared>>)
      tpu.yield
    }) : () -> ()
    %dma_start3A_315 = arith.constant 21 : i32
    %dma_start3A_316 = arith.constant 0 : i32
    %dma_start3A_317 = tpu.memref_slice %arg7[%dma_start3A_315, %dma_start3A_316] : memref<40x125xi32, #tpu.memory_space<vmem>> -> memref<1x125xi32, #tpu.memory_space<vmem>>
    %dma_start3A_318 = tpu.memref_squeeze %dma_start3A_317 : memref<1x125xi32, #tpu.memory_space<vmem>> -> memref<125xi32, #tpu.memory_space<vmem>>
    %dma_start3A_319 = arith.constant 0 : i32
    %dma_start3A_320 = arith.constant 0 : i32
    %dma_start3A_321 = tpu.memref_slice %arg2[%dma_start3A_319, %dma_start3A_320] : memref<10000x128xf32, #tpu.memory_space<hbm>> -> memref<10000x128xf32, #tpu.memory_space<hbm>>
    tpu.enqueue_indirect_dma source(%dma_start3A_321 : memref<10000x128xf32, #tpu.memory_space<hbm>>) target(%arg10 : memref<125x128xf32, #tpu.memory_space<vmem>>) offsets(%dma_start3A_318 : memref<125xi32, #tpu.memory_space<vmem>>) semaphore(%arg13 : memref<!tpu.dma_semaphore, #tpu.memory_space<semaphore_mem>>)
    %dma_wait3A_322 = arith.constant 20 : i32
    %dma_wait3A_323 = arith.constant 0 : i32
    %dma_wait3A_324 = tpu.memref_slice %arg7[%dma_wait3A_322, %dma_wait3A_323] : memref<40x125xi32, #tpu.memory_space<vmem>> -> memref<1x125xi32, #tpu.memory_space<vmem>>
    %dma_wait3A_325 = tpu.memref_squeeze %dma_wait3A_324 : memref<1x125xi32, #tpu.memory_space<vmem>> -> memref<125xi32, #tpu.memory_space<vmem>>
    %dma_wait3A_326 = arith.constant 0 : i32
    %dma_wait3A_327 = arith.constant 0 : i32
    %dma_wait3A_328 = tpu.memref_slice %arg2[%dma_wait3A_326, %dma_wait3A_327] : memref<10000x128xf32, #tpu.memory_space<hbm>> -> memref<10000x128xf32, #tpu.memory_space<hbm>>
    tpu.wait_indirect_dma semaphore(%arg12 : memref<!tpu.dma_semaphore, #tpu.memory_space<semaphore_mem>>) src(%dma_wait3A_328 : memref<10000x128xf32, #tpu.memory_space<hbm>>) dst(%arg9 : memref<125x128xf32, #tpu.memory_space<vmem>>)
    %run_scoped3A_329 = arith.constant 20 : i32
    "tpu.region"() ({
      %run_scoped3A_1222 = tpu.sem_alloc : memref<!tpu.dma_semaphore, #tpu.memory_space<semaphore_mem>>
      %dma_start3A_1223 = arith.constant 0 : i32
      %dma_start3A_1224 = tpu.memref_slice %arg8[%run_scoped3A_329, %dma_start3A_1223] : memref<40x125xi32, #tpu.memory_space<vmem>> -> memref<1x125xi32, #tpu.memory_space<vmem>>
      %dma_start3A_1225 = tpu.memref_squeeze %dma_start3A_1224 : memref<1x125xi32, #tpu.memory_space<vmem>> -> memref<125xi32, #tpu.memory_space<vmem>>
      %dma_start3A_1226 = arith.constant 0 : i32
      %dma_start3A_1227 = arith.constant 0 : i32
      %dma_start3A_1228 = tpu.memref_slice %arg11[%dma_start3A_1226, %dma_start3A_1227] : memref<10000x128xf32, #tpu.memory_space<vmem_shared>> -> memref<10000x128xf32, #tpu.memory_space<vmem_shared>>
      tpu.enqueue_indirect_dma source(%arg9 : memref<125x128xf32, #tpu.memory_space<vmem>>) target(%dma_start3A_1228 : memref<10000x128xf32, #tpu.memory_space<vmem_shared>>) offsets(%dma_start3A_1225 : memref<125xi32, #tpu.memory_space<vmem>>) semaphore(%run_scoped3A_1222 : memref<!tpu.dma_semaphore, #tpu.memory_space<semaphore_mem>>) {add = true}
      %dma_wait3A_1229 = arith.constant 0 : i32
      %dma_wait3A_1230 = tpu.memref_slice %arg8[%run_scoped3A_329, %dma_wait3A_1229] : memref<40x125xi32, #tpu.memory_space<vmem>> -> memref<1x125xi32, #tpu.memory_space<vmem>>
      %dma_wait3A_1231 = tpu.memref_squeeze %dma_wait3A_1230 : memref<1x125xi32, #tpu.memory_space<vmem>> -> memref<125xi32, #tpu.memory_space<vmem>>
      %dma_wait3A_1232 = arith.constant 0 : i32
      %dma_wait3A_1233 = arith.constant 0 : i32
      %dma_wait3A_1234 = tpu.memref_slice %arg11[%dma_wait3A_1232, %dma_wait3A_1233] : memref<10000x128xf32, #tpu.memory_space<vmem_shared>> -> memref<10000x128xf32, #tpu.memory_space<vmem_shared>>
      tpu.wait_indirect_dma semaphore(%run_scoped3A_1222 : memref<!tpu.dma_semaphore, #tpu.memory_space<semaphore_mem>>) src(%arg9 : memref<125x128xf32, #tpu.memory_space<vmem>>) dst(%dma_wait3A_1234 : memref<10000x128xf32, #tpu.memory_space<vmem_shared>>)
      tpu.yield
    }) : () -> ()
    %dma_start3A_330 = arith.constant 22 : i32
    %dma_start3A_331 = arith.constant 0 : i32
    %dma_start3A_332 = tpu.memref_slice %arg7[%dma_start3A_330, %dma_start3A_331] : memref<40x125xi32, #tpu.memory_space<vmem>> -> memref<1x125xi32, #tpu.memory_space<vmem>>
    %dma_start3A_333 = tpu.memref_squeeze %dma_start3A_332 : memref<1x125xi32, #tpu.memory_space<vmem>> -> memref<125xi32, #tpu.memory_space<vmem>>
    %dma_start3A_334 = arith.constant 0 : i32
    %dma_start3A_335 = arith.constant 0 : i32
    %dma_start3A_336 = tpu.memref_slice %arg2[%dma_start3A_334, %dma_start3A_335] : memref<10000x128xf32, #tpu.memory_space<hbm>> -> memref<10000x128xf32, #tpu.memory_space<hbm>>
    tpu.enqueue_indirect_dma source(%dma_start3A_336 : memref<10000x128xf32, #tpu.memory_space<hbm>>) target(%arg9 : memref<125x128xf32, #tpu.memory_space<vmem>>) offsets(%dma_start3A_333 : memref<125xi32, #tpu.memory_space<vmem>>) semaphore(%arg12 : memref<!tpu.dma_semaphore, #tpu.memory_space<semaphore_mem>>)
    %dma_wait3A_337 = arith.constant 21 : i32
    %dma_wait3A_338 = arith.constant 0 : i32
    %dma_wait3A_339 = tpu.memref_slice %arg7[%dma_wait3A_337, %dma_wait3A_338] : memref<40x125xi32, #tpu.memory_space<vmem>> -> memref<1x125xi32, #tpu.memory_space<vmem>>
    %dma_wait3A_340 = tpu.memref_squeeze %dma_wait3A_339 : memref<1x125xi32, #tpu.memory_space<vmem>> -> memref<125xi32, #tpu.memory_space<vmem>>
    %dma_wait3A_341 = arith.constant 0 : i32
    %dma_wait3A_342 = arith.constant 0 : i32
    %dma_wait3A_343 = tpu.memref_slice %arg2[%dma_wait3A_341, %dma_wait3A_342] : memref<10000x128xf32, #tpu.memory_space<hbm>> -> memref<10000x128xf32, #tpu.memory_space<hbm>>
    tpu.wait_indirect_dma semaphore(%arg13 : memref<!tpu.dma_semaphore, #tpu.memory_space<semaphore_mem>>) src(%dma_wait3A_343 : memref<10000x128xf32, #tpu.memory_space<hbm>>) dst(%arg10 : memref<125x128xf32, #tpu.memory_space<vmem>>)
    %run_scoped3A_344 = arith.constant 21 : i32
    "tpu.region"() ({
      %run_scoped3A_1222 = tpu.sem_alloc : memref<!tpu.dma_semaphore, #tpu.memory_space<semaphore_mem>>
      %dma_start3A_1223 = arith.constant 0 : i32
      %dma_start3A_1224 = tpu.memref_slice %arg8[%run_scoped3A_344, %dma_start3A_1223] : memref<40x125xi32, #tpu.memory_space<vmem>> -> memref<1x125xi32, #tpu.memory_space<vmem>>
      %dma_start3A_1225 = tpu.memref_squeeze %dma_start3A_1224 : memref<1x125xi32, #tpu.memory_space<vmem>> -> memref<125xi32, #tpu.memory_space<vmem>>
      %dma_start3A_1226 = arith.constant 0 : i32
      %dma_start3A_1227 = arith.constant 0 : i32
      %dma_start3A_1228 = tpu.memref_slice %arg11[%dma_start3A_1226, %dma_start3A_1227] : memref<10000x128xf32, #tpu.memory_space<vmem_shared>> -> memref<10000x128xf32, #tpu.memory_space<vmem_shared>>
      tpu.enqueue_indirect_dma source(%arg10 : memref<125x128xf32, #tpu.memory_space<vmem>>) target(%dma_start3A_1228 : memref<10000x128xf32, #tpu.memory_space<vmem_shared>>) offsets(%dma_start3A_1225 : memref<125xi32, #tpu.memory_space<vmem>>) semaphore(%run_scoped3A_1222 : memref<!tpu.dma_semaphore, #tpu.memory_space<semaphore_mem>>) {add = true}
      %dma_wait3A_1229 = arith.constant 0 : i32
      %dma_wait3A_1230 = tpu.memref_slice %arg8[%run_scoped3A_344, %dma_wait3A_1229] : memref<40x125xi32, #tpu.memory_space<vmem>> -> memref<1x125xi32, #tpu.memory_space<vmem>>
      %dma_wait3A_1231 = tpu.memref_squeeze %dma_wait3A_1230 : memref<1x125xi32, #tpu.memory_space<vmem>> -> memref<125xi32, #tpu.memory_space<vmem>>
      %dma_wait3A_1232 = arith.constant 0 : i32
      %dma_wait3A_1233 = arith.constant 0 : i32
      %dma_wait3A_1234 = tpu.memref_slice %arg11[%dma_wait3A_1232, %dma_wait3A_1233] : memref<10000x128xf32, #tpu.memory_space<vmem_shared>> -> memref<10000x128xf32, #tpu.memory_space<vmem_shared>>
      tpu.wait_indirect_dma semaphore(%run_scoped3A_1222 : memref<!tpu.dma_semaphore, #tpu.memory_space<semaphore_mem>>) src(%arg10 : memref<125x128xf32, #tpu.memory_space<vmem>>) dst(%dma_wait3A_1234 : memref<10000x128xf32, #tpu.memory_space<vmem_shared>>)
      tpu.yield
    }) : () -> ()
    %dma_start3A_345 = arith.constant 23 : i32
    %dma_start3A_346 = arith.constant 0 : i32
    %dma_start3A_347 = tpu.memref_slice %arg7[%dma_start3A_345, %dma_start3A_346] : memref<40x125xi32, #tpu.memory_space<vmem>> -> memref<1x125xi32, #tpu.memory_space<vmem>>
    %dma_start3A_348 = tpu.memref_squeeze %dma_start3A_347 : memref<1x125xi32, #tpu.memory_space<vmem>> -> memref<125xi32, #tpu.memory_space<vmem>>
    %dma_start3A_349 = arith.constant 0 : i32
    %dma_start3A_350 = arith.constant 0 : i32
    %dma_start3A_351 = tpu.memref_slice %arg2[%dma_start3A_349, %dma_start3A_350] : memref<10000x128xf32, #tpu.memory_space<hbm>> -> memref<10000x128xf32, #tpu.memory_space<hbm>>
    tpu.enqueue_indirect_dma source(%dma_start3A_351 : memref<10000x128xf32, #tpu.memory_space<hbm>>) target(%arg10 : memref<125x128xf32, #tpu.memory_space<vmem>>) offsets(%dma_start3A_348 : memref<125xi32, #tpu.memory_space<vmem>>) semaphore(%arg13 : memref<!tpu.dma_semaphore, #tpu.memory_space<semaphore_mem>>)
    %dma_wait3A_352 = arith.constant 22 : i32
    %dma_wait3A_353 = arith.constant 0 : i32
    %dma_wait3A_354 = tpu.memref_slice %arg7[%dma_wait3A_352, %dma_wait3A_353] : memref<40x125xi32, #tpu.memory_space<vmem>> -> memref<1x125xi32, #tpu.memory_space<vmem>>
    %dma_wait3A_355 = tpu.memref_squeeze %dma_wait3A_354 : memref<1x125xi32, #tpu.memory_space<vmem>> -> memref<125xi32, #tpu.memory_space<vmem>>
    %dma_wait3A_356 = arith.constant 0 : i32
    %dma_wait3A_357 = arith.constant 0 : i32
    %dma_wait3A_358 = tpu.memref_slice %arg2[%dma_wait3A_356, %dma_wait3A_357] : memref<10000x128xf32, #tpu.memory_space<hbm>> -> memref<10000x128xf32, #tpu.memory_space<hbm>>
    tpu.wait_indirect_dma semaphore(%arg12 : memref<!tpu.dma_semaphore, #tpu.memory_space<semaphore_mem>>) src(%dma_wait3A_358 : memref<10000x128xf32, #tpu.memory_space<hbm>>) dst(%arg9 : memref<125x128xf32, #tpu.memory_space<vmem>>)
    %run_scoped3A_359 = arith.constant 22 : i32
    "tpu.region"() ({
      %run_scoped3A_1222 = tpu.sem_alloc : memref<!tpu.dma_semaphore, #tpu.memory_space<semaphore_mem>>
      %dma_start3A_1223 = arith.constant 0 : i32
      %dma_start3A_1224 = tpu.memref_slice %arg8[%run_scoped3A_359, %dma_start3A_1223] : memref<40x125xi32, #tpu.memory_space<vmem>> -> memref<1x125xi32, #tpu.memory_space<vmem>>
      %dma_start3A_1225 = tpu.memref_squeeze %dma_start3A_1224 : memref<1x125xi32, #tpu.memory_space<vmem>> -> memref<125xi32, #tpu.memory_space<vmem>>
      %dma_start3A_1226 = arith.constant 0 : i32
      %dma_start3A_1227 = arith.constant 0 : i32
      %dma_start3A_1228 = tpu.memref_slice %arg11[%dma_start3A_1226, %dma_start3A_1227] : memref<10000x128xf32, #tpu.memory_space<vmem_shared>> -> memref<10000x128xf32, #tpu.memory_space<vmem_shared>>
      tpu.enqueue_indirect_dma source(%arg9 : memref<125x128xf32, #tpu.memory_space<vmem>>) target(%dma_start3A_1228 : memref<10000x128xf32, #tpu.memory_space<vmem_shared>>) offsets(%dma_start3A_1225 : memref<125xi32, #tpu.memory_space<vmem>>) semaphore(%run_scoped3A_1222 : memref<!tpu.dma_semaphore, #tpu.memory_space<semaphore_mem>>) {add = true}
      %dma_wait3A_1229 = arith.constant 0 : i32
      %dma_wait3A_1230 = tpu.memref_slice %arg8[%run_scoped3A_359, %dma_wait3A_1229] : memref<40x125xi32, #tpu.memory_space<vmem>> -> memref<1x125xi32, #tpu.memory_space<vmem>>
      %dma_wait3A_1231 = tpu.memref_squeeze %dma_wait3A_1230 : memref<1x125xi32, #tpu.memory_space<vmem>> -> memref<125xi32, #tpu.memory_space<vmem>>
      %dma_wait3A_1232 = arith.constant 0 : i32
      %dma_wait3A_1233 = arith.constant 0 : i32
      %dma_wait3A_1234 = tpu.memref_slice %arg11[%dma_wait3A_1232, %dma_wait3A_1233] : memref<10000x128xf32, #tpu.memory_space<vmem_shared>> -> memref<10000x128xf32, #tpu.memory_space<vmem_shared>>
      tpu.wait_indirect_dma semaphore(%run_scoped3A_1222 : memref<!tpu.dma_semaphore, #tpu.memory_space<semaphore_mem>>) src(%arg9 : memref<125x128xf32, #tpu.memory_space<vmem>>) dst(%dma_wait3A_1234 : memref<10000x128xf32, #tpu.memory_space<vmem_shared>>)
      tpu.yield
    }) : () -> ()
    %dma_start3A_360 = arith.constant 24 : i32
    %dma_start3A_361 = arith.constant 0 : i32
    %dma_start3A_362 = tpu.memref_slice %arg7[%dma_start3A_360, %dma_start3A_361] : memref<40x125xi32, #tpu.memory_space<vmem>> -> memref<1x125xi32, #tpu.memory_space<vmem>>
    %dma_start3A_363 = tpu.memref_squeeze %dma_start3A_362 : memref<1x125xi32, #tpu.memory_space<vmem>> -> memref<125xi32, #tpu.memory_space<vmem>>
    %dma_start3A_364 = arith.constant 0 : i32
    %dma_start3A_365 = arith.constant 0 : i32
    %dma_start3A_366 = tpu.memref_slice %arg2[%dma_start3A_364, %dma_start3A_365] : memref<10000x128xf32, #tpu.memory_space<hbm>> -> memref<10000x128xf32, #tpu.memory_space<hbm>>
    tpu.enqueue_indirect_dma source(%dma_start3A_366 : memref<10000x128xf32, #tpu.memory_space<hbm>>) target(%arg9 : memref<125x128xf32, #tpu.memory_space<vmem>>) offsets(%dma_start3A_363 : memref<125xi32, #tpu.memory_space<vmem>>) semaphore(%arg12 : memref<!tpu.dma_semaphore, #tpu.memory_space<semaphore_mem>>)
    %dma_wait3A_367 = arith.constant 23 : i32
    %dma_wait3A_368 = arith.constant 0 : i32
    %dma_wait3A_369 = tpu.memref_slice %arg7[%dma_wait3A_367, %dma_wait3A_368] : memref<40x125xi32, #tpu.memory_space<vmem>> -> memref<1x125xi32, #tpu.memory_space<vmem>>
    %dma_wait3A_370 = tpu.memref_squeeze %dma_wait3A_369 : memref<1x125xi32, #tpu.memory_space<vmem>> -> memref<125xi32, #tpu.memory_space<vmem>>
    %dma_wait3A_371 = arith.constant 0 : i32
    %dma_wait3A_372 = arith.constant 0 : i32
    %dma_wait3A_373 = tpu.memref_slice %arg2[%dma_wait3A_371, %dma_wait3A_372] : memref<10000x128xf32, #tpu.memory_space<hbm>> -> memref<10000x128xf32, #tpu.memory_space<hbm>>
    tpu.wait_indirect_dma semaphore(%arg13 : memref<!tpu.dma_semaphore, #tpu.memory_space<semaphore_mem>>) src(%dma_wait3A_373 : memref<10000x128xf32, #tpu.memory_space<hbm>>) dst(%arg10 : memref<125x128xf32, #tpu.memory_space<vmem>>)
    %run_scoped3A_374 = arith.constant 23 : i32
    "tpu.region"() ({
      %run_scoped3A_1222 = tpu.sem_alloc : memref<!tpu.dma_semaphore, #tpu.memory_space<semaphore_mem>>
      %dma_start3A_1223 = arith.constant 0 : i32
      %dma_start3A_1224 = tpu.memref_slice %arg8[%run_scoped3A_374, %dma_start3A_1223] : memref<40x125xi32, #tpu.memory_space<vmem>> -> memref<1x125xi32, #tpu.memory_space<vmem>>
      %dma_start3A_1225 = tpu.memref_squeeze %dma_start3A_1224 : memref<1x125xi32, #tpu.memory_space<vmem>> -> memref<125xi32, #tpu.memory_space<vmem>>
      %dma_start3A_1226 = arith.constant 0 : i32
      %dma_start3A_1227 = arith.constant 0 : i32
      %dma_start3A_1228 = tpu.memref_slice %arg11[%dma_start3A_1226, %dma_start3A_1227] : memref<10000x128xf32, #tpu.memory_space<vmem_shared>> -> memref<10000x128xf32, #tpu.memory_space<vmem_shared>>
      tpu.enqueue_indirect_dma source(%arg10 : memref<125x128xf32, #tpu.memory_space<vmem>>) target(%dma_start3A_1228 : memref<10000x128xf32, #tpu.memory_space<vmem_shared>>) offsets(%dma_start3A_1225 : memref<125xi32, #tpu.memory_space<vmem>>) semaphore(%run_scoped3A_1222 : memref<!tpu.dma_semaphore, #tpu.memory_space<semaphore_mem>>) {add = true}
      %dma_wait3A_1229 = arith.constant 0 : i32
      %dma_wait3A_1230 = tpu.memref_slice %arg8[%run_scoped3A_374, %dma_wait3A_1229] : memref<40x125xi32, #tpu.memory_space<vmem>> -> memref<1x125xi32, #tpu.memory_space<vmem>>
      %dma_wait3A_1231 = tpu.memref_squeeze %dma_wait3A_1230 : memref<1x125xi32, #tpu.memory_space<vmem>> -> memref<125xi32, #tpu.memory_space<vmem>>
      %dma_wait3A_1232 = arith.constant 0 : i32
      %dma_wait3A_1233 = arith.constant 0 : i32
      %dma_wait3A_1234 = tpu.memref_slice %arg11[%dma_wait3A_1232, %dma_wait3A_1233] : memref<10000x128xf32, #tpu.memory_space<vmem_shared>> -> memref<10000x128xf32, #tpu.memory_space<vmem_shared>>
      tpu.wait_indirect_dma semaphore(%run_scoped3A_1222 : memref<!tpu.dma_semaphore, #tpu.memory_space<semaphore_mem>>) src(%arg10 : memref<125x128xf32, #tpu.memory_space<vmem>>) dst(%dma_wait3A_1234 : memref<10000x128xf32, #tpu.memory_space<vmem_shared>>)
      tpu.yield
    }) : () -> ()
    %dma_start3A_375 = arith.constant 25 : i32
    %dma_start3A_376 = arith.constant 0 : i32
    %dma_start3A_377 = tpu.memref_slice %arg7[%dma_start3A_375, %dma_start3A_376] : memref<40x125xi32, #tpu.memory_space<vmem>> -> memref<1x125xi32, #tpu.memory_space<vmem>>
    %dma_start3A_378 = tpu.memref_squeeze %dma_start3A_377 : memref<1x125xi32, #tpu.memory_space<vmem>> -> memref<125xi32, #tpu.memory_space<vmem>>
    %dma_start3A_379 = arith.constant 0 : i32
    %dma_start3A_380 = arith.constant 0 : i32
    %dma_start3A_381 = tpu.memref_slice %arg2[%dma_start3A_379, %dma_start3A_380] : memref<10000x128xf32, #tpu.memory_space<hbm>> -> memref<10000x128xf32, #tpu.memory_space<hbm>>
    tpu.enqueue_indirect_dma source(%dma_start3A_381 : memref<10000x128xf32, #tpu.memory_space<hbm>>) target(%arg10 : memref<125x128xf32, #tpu.memory_space<vmem>>) offsets(%dma_start3A_378 : memref<125xi32, #tpu.memory_space<vmem>>) semaphore(%arg13 : memref<!tpu.dma_semaphore, #tpu.memory_space<semaphore_mem>>)
    %dma_wait3A_382 = arith.constant 24 : i32
    %dma_wait3A_383 = arith.constant 0 : i32
    %dma_wait3A_384 = tpu.memref_slice %arg7[%dma_wait3A_382, %dma_wait3A_383] : memref<40x125xi32, #tpu.memory_space<vmem>> -> memref<1x125xi32, #tpu.memory_space<vmem>>
    %dma_wait3A_385 = tpu.memref_squeeze %dma_wait3A_384 : memref<1x125xi32, #tpu.memory_space<vmem>> -> memref<125xi32, #tpu.memory_space<vmem>>
    %dma_wait3A_386 = arith.constant 0 : i32
    %dma_wait3A_387 = arith.constant 0 : i32
    %dma_wait3A_388 = tpu.memref_slice %arg2[%dma_wait3A_386, %dma_wait3A_387] : memref<10000x128xf32, #tpu.memory_space<hbm>> -> memref<10000x128xf32, #tpu.memory_space<hbm>>
    tpu.wait_indirect_dma semaphore(%arg12 : memref<!tpu.dma_semaphore, #tpu.memory_space<semaphore_mem>>) src(%dma_wait3A_388 : memref<10000x128xf32, #tpu.memory_space<hbm>>) dst(%arg9 : memref<125x128xf32, #tpu.memory_space<vmem>>)
    %run_scoped3A_389 = arith.constant 24 : i32
    "tpu.region"() ({
      %run_scoped3A_1222 = tpu.sem_alloc : memref<!tpu.dma_semaphore, #tpu.memory_space<semaphore_mem>>
      %dma_start3A_1223 = arith.constant 0 : i32
      %dma_start3A_1224 = tpu.memref_slice %arg8[%run_scoped3A_389, %dma_start3A_1223] : memref<40x125xi32, #tpu.memory_space<vmem>> -> memref<1x125xi32, #tpu.memory_space<vmem>>
      %dma_start3A_1225 = tpu.memref_squeeze %dma_start3A_1224 : memref<1x125xi32, #tpu.memory_space<vmem>> -> memref<125xi32, #tpu.memory_space<vmem>>
      %dma_start3A_1226 = arith.constant 0 : i32
      %dma_start3A_1227 = arith.constant 0 : i32
      %dma_start3A_1228 = tpu.memref_slice %arg11[%dma_start3A_1226, %dma_start3A_1227] : memref<10000x128xf32, #tpu.memory_space<vmem_shared>> -> memref<10000x128xf32, #tpu.memory_space<vmem_shared>>
      tpu.enqueue_indirect_dma source(%arg9 : memref<125x128xf32, #tpu.memory_space<vmem>>) target(%dma_start3A_1228 : memref<10000x128xf32, #tpu.memory_space<vmem_shared>>) offsets(%dma_start3A_1225 : memref<125xi32, #tpu.memory_space<vmem>>) semaphore(%run_scoped3A_1222 : memref<!tpu.dma_semaphore, #tpu.memory_space<semaphore_mem>>) {add = true}
      %dma_wait3A_1229 = arith.constant 0 : i32
      %dma_wait3A_1230 = tpu.memref_slice %arg8[%run_scoped3A_389, %dma_wait3A_1229] : memref<40x125xi32, #tpu.memory_space<vmem>> -> memref<1x125xi32, #tpu.memory_space<vmem>>
      %dma_wait3A_1231 = tpu.memref_squeeze %dma_wait3A_1230 : memref<1x125xi32, #tpu.memory_space<vmem>> -> memref<125xi32, #tpu.memory_space<vmem>>
      %dma_wait3A_1232 = arith.constant 0 : i32
      %dma_wait3A_1233 = arith.constant 0 : i32
      %dma_wait3A_1234 = tpu.memref_slice %arg11[%dma_wait3A_1232, %dma_wait3A_1233] : memref<10000x128xf32, #tpu.memory_space<vmem_shared>> -> memref<10000x128xf32, #tpu.memory_space<vmem_shared>>
      tpu.wait_indirect_dma semaphore(%run_scoped3A_1222 : memref<!tpu.dma_semaphore, #tpu.memory_space<semaphore_mem>>) src(%arg9 : memref<125x128xf32, #tpu.memory_space<vmem>>) dst(%dma_wait3A_1234 : memref<10000x128xf32, #tpu.memory_space<vmem_shared>>)
      tpu.yield
    }) : () -> ()
    %dma_start3A_390 = arith.constant 26 : i32
    %dma_start3A_391 = arith.constant 0 : i32
    %dma_start3A_392 = tpu.memref_slice %arg7[%dma_start3A_390, %dma_start3A_391] : memref<40x125xi32, #tpu.memory_space<vmem>> -> memref<1x125xi32, #tpu.memory_space<vmem>>
    %dma_start3A_393 = tpu.memref_squeeze %dma_start3A_392 : memref<1x125xi32, #tpu.memory_space<vmem>> -> memref<125xi32, #tpu.memory_space<vmem>>
    %dma_start3A_394 = arith.constant 0 : i32
    %dma_start3A_395 = arith.constant 0 : i32
    %dma_start3A_396 = tpu.memref_slice %arg2[%dma_start3A_394, %dma_start3A_395] : memref<10000x128xf32, #tpu.memory_space<hbm>> -> memref<10000x128xf32, #tpu.memory_space<hbm>>
    tpu.enqueue_indirect_dma source(%dma_start3A_396 : memref<10000x128xf32, #tpu.memory_space<hbm>>) target(%arg9 : memref<125x128xf32, #tpu.memory_space<vmem>>) offsets(%dma_start3A_393 : memref<125xi32, #tpu.memory_space<vmem>>) semaphore(%arg12 : memref<!tpu.dma_semaphore, #tpu.memory_space<semaphore_mem>>)
    %dma_wait3A_397 = arith.constant 25 : i32
    %dma_wait3A_398 = arith.constant 0 : i32
    %dma_wait3A_399 = tpu.memref_slice %arg7[%dma_wait3A_397, %dma_wait3A_398] : memref<40x125xi32, #tpu.memory_space<vmem>> -> memref<1x125xi32, #tpu.memory_space<vmem>>
    %dma_wait3A_400 = tpu.memref_squeeze %dma_wait3A_399 : memref<1x125xi32, #tpu.memory_space<vmem>> -> memref<125xi32, #tpu.memory_space<vmem>>
    %dma_wait3A_401 = arith.constant 0 : i32
    %dma_wait3A_402 = arith.constant 0 : i32
    %dma_wait3A_403 = tpu.memref_slice %arg2[%dma_wait3A_401, %dma_wait3A_402] : memref<10000x128xf32, #tpu.memory_space<hbm>> -> memref<10000x128xf32, #tpu.memory_space<hbm>>
    tpu.wait_indirect_dma semaphore(%arg13 : memref<!tpu.dma_semaphore, #tpu.memory_space<semaphore_mem>>) src(%dma_wait3A_403 : memref<10000x128xf32, #tpu.memory_space<hbm>>) dst(%arg10 : memref<125x128xf32, #tpu.memory_space<vmem>>)
    %run_scoped3A_404 = arith.constant 25 : i32
    "tpu.region"() ({
      %run_scoped3A_1222 = tpu.sem_alloc : memref<!tpu.dma_semaphore, #tpu.memory_space<semaphore_mem>>
      %dma_start3A_1223 = arith.constant 0 : i32
      %dma_start3A_1224 = tpu.memref_slice %arg8[%run_scoped3A_404, %dma_start3A_1223] : memref<40x125xi32, #tpu.memory_space<vmem>> -> memref<1x125xi32, #tpu.memory_space<vmem>>
      %dma_start3A_1225 = tpu.memref_squeeze %dma_start3A_1224 : memref<1x125xi32, #tpu.memory_space<vmem>> -> memref<125xi32, #tpu.memory_space<vmem>>
      %dma_start3A_1226 = arith.constant 0 : i32
      %dma_start3A_1227 = arith.constant 0 : i32
      %dma_start3A_1228 = tpu.memref_slice %arg11[%dma_start3A_1226, %dma_start3A_1227] : memref<10000x128xf32, #tpu.memory_space<vmem_shared>> -> memref<10000x128xf32, #tpu.memory_space<vmem_shared>>
      tpu.enqueue_indirect_dma source(%arg10 : memref<125x128xf32, #tpu.memory_space<vmem>>) target(%dma_start3A_1228 : memref<10000x128xf32, #tpu.memory_space<vmem_shared>>) offsets(%dma_start3A_1225 : memref<125xi32, #tpu.memory_space<vmem>>) semaphore(%run_scoped3A_1222 : memref<!tpu.dma_semaphore, #tpu.memory_space<semaphore_mem>>) {add = true}
      %dma_wait3A_1229 = arith.constant 0 : i32
      %dma_wait3A_1230 = tpu.memref_slice %arg8[%run_scoped3A_404, %dma_wait3A_1229] : memref<40x125xi32, #tpu.memory_space<vmem>> -> memref<1x125xi32, #tpu.memory_space<vmem>>
      %dma_wait3A_1231 = tpu.memref_squeeze %dma_wait3A_1230 : memref<1x125xi32, #tpu.memory_space<vmem>> -> memref<125xi32, #tpu.memory_space<vmem>>
      %dma_wait3A_1232 = arith.constant 0 : i32
      %dma_wait3A_1233 = arith.constant 0 : i32
      %dma_wait3A_1234 = tpu.memref_slice %arg11[%dma_wait3A_1232, %dma_wait3A_1233] : memref<10000x128xf32, #tpu.memory_space<vmem_shared>> -> memref<10000x128xf32, #tpu.memory_space<vmem_shared>>
      tpu.wait_indirect_dma semaphore(%run_scoped3A_1222 : memref<!tpu.dma_semaphore, #tpu.memory_space<semaphore_mem>>) src(%arg10 : memref<125x128xf32, #tpu.memory_space<vmem>>) dst(%dma_wait3A_1234 : memref<10000x128xf32, #tpu.memory_space<vmem_shared>>)
      tpu.yield
    }) : () -> ()
    %dma_start3A_405 = arith.constant 27 : i32
    %dma_start3A_406 = arith.constant 0 : i32
    %dma_start3A_407 = tpu.memref_slice %arg7[%dma_start3A_405, %dma_start3A_406] : memref<40x125xi32, #tpu.memory_space<vmem>> -> memref<1x125xi32, #tpu.memory_space<vmem>>
    %dma_start3A_408 = tpu.memref_squeeze %dma_start3A_407 : memref<1x125xi32, #tpu.memory_space<vmem>> -> memref<125xi32, #tpu.memory_space<vmem>>
    %dma_start3A_409 = arith.constant 0 : i32
    %dma_start3A_410 = arith.constant 0 : i32
    %dma_start3A_411 = tpu.memref_slice %arg2[%dma_start3A_409, %dma_start3A_410] : memref<10000x128xf32, #tpu.memory_space<hbm>> -> memref<10000x128xf32, #tpu.memory_space<hbm>>
    tpu.enqueue_indirect_dma source(%dma_start3A_411 : memref<10000x128xf32, #tpu.memory_space<hbm>>) target(%arg10 : memref<125x128xf32, #tpu.memory_space<vmem>>) offsets(%dma_start3A_408 : memref<125xi32, #tpu.memory_space<vmem>>) semaphore(%arg13 : memref<!tpu.dma_semaphore, #tpu.memory_space<semaphore_mem>>)
    %dma_wait3A_412 = arith.constant 26 : i32
    %dma_wait3A_413 = arith.constant 0 : i32
    %dma_wait3A_414 = tpu.memref_slice %arg7[%dma_wait3A_412, %dma_wait3A_413] : memref<40x125xi32, #tpu.memory_space<vmem>> -> memref<1x125xi32, #tpu.memory_space<vmem>>
    %dma_wait3A_415 = tpu.memref_squeeze %dma_wait3A_414 : memref<1x125xi32, #tpu.memory_space<vmem>> -> memref<125xi32, #tpu.memory_space<vmem>>
    %dma_wait3A_416 = arith.constant 0 : i32
    %dma_wait3A_417 = arith.constant 0 : i32
    %dma_wait3A_418 = tpu.memref_slice %arg2[%dma_wait3A_416, %dma_wait3A_417] : memref<10000x128xf32, #tpu.memory_space<hbm>> -> memref<10000x128xf32, #tpu.memory_space<hbm>>
    tpu.wait_indirect_dma semaphore(%arg12 : memref<!tpu.dma_semaphore, #tpu.memory_space<semaphore_mem>>) src(%dma_wait3A_418 : memref<10000x128xf32, #tpu.memory_space<hbm>>) dst(%arg9 : memref<125x128xf32, #tpu.memory_space<vmem>>)
    %run_scoped3A_419 = arith.constant 26 : i32
    "tpu.region"() ({
      %run_scoped3A_1222 = tpu.sem_alloc : memref<!tpu.dma_semaphore, #tpu.memory_space<semaphore_mem>>
      %dma_start3A_1223 = arith.constant 0 : i32
      %dma_start3A_1224 = tpu.memref_slice %arg8[%run_scoped3A_419, %dma_start3A_1223] : memref<40x125xi32, #tpu.memory_space<vmem>> -> memref<1x125xi32, #tpu.memory_space<vmem>>
      %dma_start3A_1225 = tpu.memref_squeeze %dma_start3A_1224 : memref<1x125xi32, #tpu.memory_space<vmem>> -> memref<125xi32, #tpu.memory_space<vmem>>
      %dma_start3A_1226 = arith.constant 0 : i32
      %dma_start3A_1227 = arith.constant 0 : i32
      %dma_start3A_1228 = tpu.memref_slice %arg11[%dma_start3A_1226, %dma_start3A_1227] : memref<10000x128xf32, #tpu.memory_space<vmem_shared>> -> memref<10000x128xf32, #tpu.memory_space<vmem_shared>>
      tpu.enqueue_indirect_dma source(%arg9 : memref<125x128xf32, #tpu.memory_space<vmem>>) target(%dma_start3A_1228 : memref<10000x128xf32, #tpu.memory_space<vmem_shared>>) offsets(%dma_start3A_1225 : memref<125xi32, #tpu.memory_space<vmem>>) semaphore(%run_scoped3A_1222 : memref<!tpu.dma_semaphore, #tpu.memory_space<semaphore_mem>>) {add = true}
      %dma_wait3A_1229 = arith.constant 0 : i32
      %dma_wait3A_1230 = tpu.memref_slice %arg8[%run_scoped3A_419, %dma_wait3A_1229] : memref<40x125xi32, #tpu.memory_space<vmem>> -> memref<1x125xi32, #tpu.memory_space<vmem>>
      %dma_wait3A_1231 = tpu.memref_squeeze %dma_wait3A_1230 : memref<1x125xi32, #tpu.memory_space<vmem>> -> memref<125xi32, #tpu.memory_space<vmem>>
      %dma_wait3A_1232 = arith.constant 0 : i32
      %dma_wait3A_1233 = arith.constant 0 : i32
      %dma_wait3A_1234 = tpu.memref_slice %arg11[%dma_wait3A_1232, %dma_wait3A_1233] : memref<10000x128xf32, #tpu.memory_space<vmem_shared>> -> memref<10000x128xf32, #tpu.memory_space<vmem_shared>>
      tpu.wait_indirect_dma semaphore(%run_scoped3A_1222 : memref<!tpu.dma_semaphore, #tpu.memory_space<semaphore_mem>>) src(%arg9 : memref<125x128xf32, #tpu.memory_space<vmem>>) dst(%dma_wait3A_1234 : memref<10000x128xf32, #tpu.memory_space<vmem_shared>>)
      tpu.yield
    }) : () -> ()
    %dma_start3A_420 = arith.constant 28 : i32
    %dma_start3A_421 = arith.constant 0 : i32
    %dma_start3A_422 = tpu.memref_slice %arg7[%dma_start3A_420, %dma_start3A_421] : memref<40x125xi32, #tpu.memory_space<vmem>> -> memref<1x125xi32, #tpu.memory_space<vmem>>
    %dma_start3A_423 = tpu.memref_squeeze %dma_start3A_422 : memref<1x125xi32, #tpu.memory_space<vmem>> -> memref<125xi32, #tpu.memory_space<vmem>>
    %dma_start3A_424 = arith.constant 0 : i32
    %dma_start3A_425 = arith.constant 0 : i32
    %dma_start3A_426 = tpu.memref_slice %arg2[%dma_start3A_424, %dma_start3A_425] : memref<10000x128xf32, #tpu.memory_space<hbm>> -> memref<10000x128xf32, #tpu.memory_space<hbm>>
    tpu.enqueue_indirect_dma source(%dma_start3A_426 : memref<10000x128xf32, #tpu.memory_space<hbm>>) target(%arg9 : memref<125x128xf32, #tpu.memory_space<vmem>>) offsets(%dma_start3A_423 : memref<125xi32, #tpu.memory_space<vmem>>) semaphore(%arg12 : memref<!tpu.dma_semaphore, #tpu.memory_space<semaphore_mem>>)
    %dma_wait3A_427 = arith.constant 27 : i32
    %dma_wait3A_428 = arith.constant 0 : i32
    %dma_wait3A_429 = tpu.memref_slice %arg7[%dma_wait3A_427, %dma_wait3A_428] : memref<40x125xi32, #tpu.memory_space<vmem>> -> memref<1x125xi32, #tpu.memory_space<vmem>>
    %dma_wait3A_430 = tpu.memref_squeeze %dma_wait3A_429 : memref<1x125xi32, #tpu.memory_space<vmem>> -> memref<125xi32, #tpu.memory_space<vmem>>
    %dma_wait3A_431 = arith.constant 0 : i32
    %dma_wait3A_432 = arith.constant 0 : i32
    %dma_wait3A_433 = tpu.memref_slice %arg2[%dma_wait3A_431, %dma_wait3A_432] : memref<10000x128xf32, #tpu.memory_space<hbm>> -> memref<10000x128xf32, #tpu.memory_space<hbm>>
    tpu.wait_indirect_dma semaphore(%arg13 : memref<!tpu.dma_semaphore, #tpu.memory_space<semaphore_mem>>) src(%dma_wait3A_433 : memref<10000x128xf32, #tpu.memory_space<hbm>>) dst(%arg10 : memref<125x128xf32, #tpu.memory_space<vmem>>)
    %run_scoped3A_434 = arith.constant 27 : i32
    "tpu.region"() ({
      %run_scoped3A_1222 = tpu.sem_alloc : memref<!tpu.dma_semaphore, #tpu.memory_space<semaphore_mem>>
      %dma_start3A_1223 = arith.constant 0 : i32
      %dma_start3A_1224 = tpu.memref_slice %arg8[%run_scoped3A_434, %dma_start3A_1223] : memref<40x125xi32, #tpu.memory_space<vmem>> -> memref<1x125xi32, #tpu.memory_space<vmem>>
      %dma_start3A_1225 = tpu.memref_squeeze %dma_start3A_1224 : memref<1x125xi32, #tpu.memory_space<vmem>> -> memref<125xi32, #tpu.memory_space<vmem>>
      %dma_start3A_1226 = arith.constant 0 : i32
      %dma_start3A_1227 = arith.constant 0 : i32
      %dma_start3A_1228 = tpu.memref_slice %arg11[%dma_start3A_1226, %dma_start3A_1227] : memref<10000x128xf32, #tpu.memory_space<vmem_shared>> -> memref<10000x128xf32, #tpu.memory_space<vmem_shared>>
      tpu.enqueue_indirect_dma source(%arg10 : memref<125x128xf32, #tpu.memory_space<vmem>>) target(%dma_start3A_1228 : memref<10000x128xf32, #tpu.memory_space<vmem_shared>>) offsets(%dma_start3A_1225 : memref<125xi32, #tpu.memory_space<vmem>>) semaphore(%run_scoped3A_1222 : memref<!tpu.dma_semaphore, #tpu.memory_space<semaphore_mem>>) {add = true}
      %dma_wait3A_1229 = arith.constant 0 : i32
      %dma_wait3A_1230 = tpu.memref_slice %arg8[%run_scoped3A_434, %dma_wait3A_1229] : memref<40x125xi32, #tpu.memory_space<vmem>> -> memref<1x125xi32, #tpu.memory_space<vmem>>
      %dma_wait3A_1231 = tpu.memref_squeeze %dma_wait3A_1230 : memref<1x125xi32, #tpu.memory_space<vmem>> -> memref<125xi32, #tpu.memory_space<vmem>>
      %dma_wait3A_1232 = arith.constant 0 : i32
      %dma_wait3A_1233 = arith.constant 0 : i32
      %dma_wait3A_1234 = tpu.memref_slice %arg11[%dma_wait3A_1232, %dma_wait3A_1233] : memref<10000x128xf32, #tpu.memory_space<vmem_shared>> -> memref<10000x128xf32, #tpu.memory_space<vmem_shared>>
      tpu.wait_indirect_dma semaphore(%run_scoped3A_1222 : memref<!tpu.dma_semaphore, #tpu.memory_space<semaphore_mem>>) src(%arg10 : memref<125x128xf32, #tpu.memory_space<vmem>>) dst(%dma_wait3A_1234 : memref<10000x128xf32, #tpu.memory_space<vmem_shared>>)
      tpu.yield
    }) : () -> ()
    %dma_start3A_435 = arith.constant 29 : i32
    %dma_start3A_436 = arith.constant 0 : i32
    %dma_start3A_437 = tpu.memref_slice %arg7[%dma_start3A_435, %dma_start3A_436] : memref<40x125xi32, #tpu.memory_space<vmem>> -> memref<1x125xi32, #tpu.memory_space<vmem>>
    %dma_start3A_438 = tpu.memref_squeeze %dma_start3A_437 : memref<1x125xi32, #tpu.memory_space<vmem>> -> memref<125xi32, #tpu.memory_space<vmem>>
    %dma_start3A_439 = arith.constant 0 : i32
    %dma_start3A_440 = arith.constant 0 : i32
    %dma_start3A_441 = tpu.memref_slice %arg2[%dma_start3A_439, %dma_start3A_440] : memref<10000x128xf32, #tpu.memory_space<hbm>> -> memref<10000x128xf32, #tpu.memory_space<hbm>>
    tpu.enqueue_indirect_dma source(%dma_start3A_441 : memref<10000x128xf32, #tpu.memory_space<hbm>>) target(%arg10 : memref<125x128xf32, #tpu.memory_space<vmem>>) offsets(%dma_start3A_438 : memref<125xi32, #tpu.memory_space<vmem>>) semaphore(%arg13 : memref<!tpu.dma_semaphore, #tpu.memory_space<semaphore_mem>>)
    %dma_wait3A_442 = arith.constant 28 : i32
    %dma_wait3A_443 = arith.constant 0 : i32
    %dma_wait3A_444 = tpu.memref_slice %arg7[%dma_wait3A_442, %dma_wait3A_443] : memref<40x125xi32, #tpu.memory_space<vmem>> -> memref<1x125xi32, #tpu.memory_space<vmem>>
    %dma_wait3A_445 = tpu.memref_squeeze %dma_wait3A_444 : memref<1x125xi32, #tpu.memory_space<vmem>> -> memref<125xi32, #tpu.memory_space<vmem>>
    %dma_wait3A_446 = arith.constant 0 : i32
    %dma_wait3A_447 = arith.constant 0 : i32
    %dma_wait3A_448 = tpu.memref_slice %arg2[%dma_wait3A_446, %dma_wait3A_447] : memref<10000x128xf32, #tpu.memory_space<hbm>> -> memref<10000x128xf32, #tpu.memory_space<hbm>>
    tpu.wait_indirect_dma semaphore(%arg12 : memref<!tpu.dma_semaphore, #tpu.memory_space<semaphore_mem>>) src(%dma_wait3A_448 : memref<10000x128xf32, #tpu.memory_space<hbm>>) dst(%arg9 : memref<125x128xf32, #tpu.memory_space<vmem>>)
    %run_scoped3A_449 = arith.constant 28 : i32
    "tpu.region"() ({
      %run_scoped3A_1222 = tpu.sem_alloc : memref<!tpu.dma_semaphore, #tpu.memory_space<semaphore_mem>>
      %dma_start3A_1223 = arith.constant 0 : i32
      %dma_start3A_1224 = tpu.memref_slice %arg8[%run_scoped3A_449, %dma_start3A_1223] : memref<40x125xi32, #tpu.memory_space<vmem>> -> memref<1x125xi32, #tpu.memory_space<vmem>>
      %dma_start3A_1225 = tpu.memref_squeeze %dma_start3A_1224 : memref<1x125xi32, #tpu.memory_space<vmem>> -> memref<125xi32, #tpu.memory_space<vmem>>
      %dma_start3A_1226 = arith.constant 0 : i32
      %dma_start3A_1227 = arith.constant 0 : i32
      %dma_start3A_1228 = tpu.memref_slice %arg11[%dma_start3A_1226, %dma_start3A_1227] : memref<10000x128xf32, #tpu.memory_space<vmem_shared>> -> memref<10000x128xf32, #tpu.memory_space<vmem_shared>>
      tpu.enqueue_indirect_dma source(%arg9 : memref<125x128xf32, #tpu.memory_space<vmem>>) target(%dma_start3A_1228 : memref<10000x128xf32, #tpu.memory_space<vmem_shared>>) offsets(%dma_start3A_1225 : memref<125xi32, #tpu.memory_space<vmem>>) semaphore(%run_scoped3A_1222 : memref<!tpu.dma_semaphore, #tpu.memory_space<semaphore_mem>>) {add = true}
      %dma_wait3A_1229 = arith.constant 0 : i32
      %dma_wait3A_1230 = tpu.memref_slice %arg8[%run_scoped3A_449, %dma_wait3A_1229] : memref<40x125xi32, #tpu.memory_space<vmem>> -> memref<1x125xi32, #tpu.memory_space<vmem>>
      %dma_wait3A_1231 = tpu.memref_squeeze %dma_wait3A_1230 : memref<1x125xi32, #tpu.memory_space<vmem>> -> memref<125xi32, #tpu.memory_space<vmem>>
      %dma_wait3A_1232 = arith.constant 0 : i32
      %dma_wait3A_1233 = arith.constant 0 : i32
      %dma_wait3A_1234 = tpu.memref_slice %arg11[%dma_wait3A_1232, %dma_wait3A_1233] : memref<10000x128xf32, #tpu.memory_space<vmem_shared>> -> memref<10000x128xf32, #tpu.memory_space<vmem_shared>>
      tpu.wait_indirect_dma semaphore(%run_scoped3A_1222 : memref<!tpu.dma_semaphore, #tpu.memory_space<semaphore_mem>>) src(%arg9 : memref<125x128xf32, #tpu.memory_space<vmem>>) dst(%dma_wait3A_1234 : memref<10000x128xf32, #tpu.memory_space<vmem_shared>>)
      tpu.yield
    }) : () -> ()
    %dma_start3A_450 = arith.constant 30 : i32
    %dma_start3A_451 = arith.constant 0 : i32
    %dma_start3A_452 = tpu.memref_slice %arg7[%dma_start3A_450, %dma_start3A_451] : memref<40x125xi32, #tpu.memory_space<vmem>> -> memref<1x125xi32, #tpu.memory_space<vmem>>
    %dma_start3A_453 = tpu.memref_squeeze %dma_start3A_452 : memref<1x125xi32, #tpu.memory_space<vmem>> -> memref<125xi32, #tpu.memory_space<vmem>>
    %dma_start3A_454 = arith.constant 0 : i32
    %dma_start3A_455 = arith.constant 0 : i32
    %dma_start3A_456 = tpu.memref_slice %arg2[%dma_start3A_454, %dma_start3A_455] : memref<10000x128xf32, #tpu.memory_space<hbm>> -> memref<10000x128xf32, #tpu.memory_space<hbm>>
    tpu.enqueue_indirect_dma source(%dma_start3A_456 : memref<10000x128xf32, #tpu.memory_space<hbm>>) target(%arg9 : memref<125x128xf32, #tpu.memory_space<vmem>>) offsets(%dma_start3A_453 : memref<125xi32, #tpu.memory_space<vmem>>) semaphore(%arg12 : memref<!tpu.dma_semaphore, #tpu.memory_space<semaphore_mem>>)
    %dma_wait3A_457 = arith.constant 29 : i32
    %dma_wait3A_458 = arith.constant 0 : i32
    %dma_wait3A_459 = tpu.memref_slice %arg7[%dma_wait3A_457, %dma_wait3A_458] : memref<40x125xi32, #tpu.memory_space<vmem>> -> memref<1x125xi32, #tpu.memory_space<vmem>>
    %dma_wait3A_460 = tpu.memref_squeeze %dma_wait3A_459 : memref<1x125xi32, #tpu.memory_space<vmem>> -> memref<125xi32, #tpu.memory_space<vmem>>
    %dma_wait3A_461 = arith.constant 0 : i32
    %dma_wait3A_462 = arith.constant 0 : i32
    %dma_wait3A_463 = tpu.memref_slice %arg2[%dma_wait3A_461, %dma_wait3A_462] : memref<10000x128xf32, #tpu.memory_space<hbm>> -> memref<10000x128xf32, #tpu.memory_space<hbm>>
    tpu.wait_indirect_dma semaphore(%arg13 : memref<!tpu.dma_semaphore, #tpu.memory_space<semaphore_mem>>) src(%dma_wait3A_463 : memref<10000x128xf32, #tpu.memory_space<hbm>>) dst(%arg10 : memref<125x128xf32, #tpu.memory_space<vmem>>)
    %run_scoped3A_464 = arith.constant 29 : i32
    "tpu.region"() ({
      %run_scoped3A_1222 = tpu.sem_alloc : memref<!tpu.dma_semaphore, #tpu.memory_space<semaphore_mem>>
      %dma_start3A_1223 = arith.constant 0 : i32
      %dma_start3A_1224 = tpu.memref_slice %arg8[%run_scoped3A_464, %dma_start3A_1223] : memref<40x125xi32, #tpu.memory_space<vmem>> -> memref<1x125xi32, #tpu.memory_space<vmem>>
      %dma_start3A_1225 = tpu.memref_squeeze %dma_start3A_1224 : memref<1x125xi32, #tpu.memory_space<vmem>> -> memref<125xi32, #tpu.memory_space<vmem>>
      %dma_start3A_1226 = arith.constant 0 : i32
      %dma_start3A_1227 = arith.constant 0 : i32
      %dma_start3A_1228 = tpu.memref_slice %arg11[%dma_start3A_1226, %dma_start3A_1227] : memref<10000x128xf32, #tpu.memory_space<vmem_shared>> -> memref<10000x128xf32, #tpu.memory_space<vmem_shared>>
      tpu.enqueue_indirect_dma source(%arg10 : memref<125x128xf32, #tpu.memory_space<vmem>>) target(%dma_start3A_1228 : memref<10000x128xf32, #tpu.memory_space<vmem_shared>>) offsets(%dma_start3A_1225 : memref<125xi32, #tpu.memory_space<vmem>>) semaphore(%run_scoped3A_1222 : memref<!tpu.dma_semaphore, #tpu.memory_space<semaphore_mem>>) {add = true}
      %dma_wait3A_1229 = arith.constant 0 : i32
      %dma_wait3A_1230 = tpu.memref_slice %arg8[%run_scoped3A_464, %dma_wait3A_1229] : memref<40x125xi32, #tpu.memory_space<vmem>> -> memref<1x125xi32, #tpu.memory_space<vmem>>
      %dma_wait3A_1231 = tpu.memref_squeeze %dma_wait3A_1230 : memref<1x125xi32, #tpu.memory_space<vmem>> -> memref<125xi32, #tpu.memory_space<vmem>>
      %dma_wait3A_1232 = arith.constant 0 : i32
      %dma_wait3A_1233 = arith.constant 0 : i32
      %dma_wait3A_1234 = tpu.memref_slice %arg11[%dma_wait3A_1232, %dma_wait3A_1233] : memref<10000x128xf32, #tpu.memory_space<vmem_shared>> -> memref<10000x128xf32, #tpu.memory_space<vmem_shared>>
      tpu.wait_indirect_dma semaphore(%run_scoped3A_1222 : memref<!tpu.dma_semaphore, #tpu.memory_space<semaphore_mem>>) src(%arg10 : memref<125x128xf32, #tpu.memory_space<vmem>>) dst(%dma_wait3A_1234 : memref<10000x128xf32, #tpu.memory_space<vmem_shared>>)
      tpu.yield
    }) : () -> ()
    %dma_start3A_465 = arith.constant 31 : i32
    %dma_start3A_466 = arith.constant 0 : i32
    %dma_start3A_467 = tpu.memref_slice %arg7[%dma_start3A_465, %dma_start3A_466] : memref<40x125xi32, #tpu.memory_space<vmem>> -> memref<1x125xi32, #tpu.memory_space<vmem>>
    %dma_start3A_468 = tpu.memref_squeeze %dma_start3A_467 : memref<1x125xi32, #tpu.memory_space<vmem>> -> memref<125xi32, #tpu.memory_space<vmem>>
    %dma_start3A_469 = arith.constant 0 : i32
    %dma_start3A_470 = arith.constant 0 : i32
    %dma_start3A_471 = tpu.memref_slice %arg2[%dma_start3A_469, %dma_start3A_470] : memref<10000x128xf32, #tpu.memory_space<hbm>> -> memref<10000x128xf32, #tpu.memory_space<hbm>>
    tpu.enqueue_indirect_dma source(%dma_start3A_471 : memref<10000x128xf32, #tpu.memory_space<hbm>>) target(%arg10 : memref<125x128xf32, #tpu.memory_space<vmem>>) offsets(%dma_start3A_468 : memref<125xi32, #tpu.memory_space<vmem>>) semaphore(%arg13 : memref<!tpu.dma_semaphore, #tpu.memory_space<semaphore_mem>>)
    %dma_wait3A_472 = arith.constant 30 : i32
    %dma_wait3A_473 = arith.constant 0 : i32
    %dma_wait3A_474 = tpu.memref_slice %arg7[%dma_wait3A_472, %dma_wait3A_473] : memref<40x125xi32, #tpu.memory_space<vmem>> -> memref<1x125xi32, #tpu.memory_space<vmem>>
    %dma_wait3A_475 = tpu.memref_squeeze %dma_wait3A_474 : memref<1x125xi32, #tpu.memory_space<vmem>> -> memref<125xi32, #tpu.memory_space<vmem>>
    %dma_wait3A_476 = arith.constant 0 : i32
    %dma_wait3A_477 = arith.constant 0 : i32
    %dma_wait3A_478 = tpu.memref_slice %arg2[%dma_wait3A_476, %dma_wait3A_477] : memref<10000x128xf32, #tpu.memory_space<hbm>> -> memref<10000x128xf32, #tpu.memory_space<hbm>>
    tpu.wait_indirect_dma semaphore(%arg12 : memref<!tpu.dma_semaphore, #tpu.memory_space<semaphore_mem>>) src(%dma_wait3A_478 : memref<10000x128xf32, #tpu.memory_space<hbm>>) dst(%arg9 : memref<125x128xf32, #tpu.memory_space<vmem>>)
    %run_scoped3A_479 = arith.constant 30 : i32
    "tpu.region"() ({
      %run_scoped3A_1222 = tpu.sem_alloc : memref<!tpu.dma_semaphore, #tpu.memory_space<semaphore_mem>>
      %dma_start3A_1223 = arith.constant 0 : i32
      %dma_start3A_1224 = tpu.memref_slice %arg8[%run_scoped3A_479, %dma_start3A_1223] : memref<40x125xi32, #tpu.memory_space<vmem>> -> memref<1x125xi32, #tpu.memory_space<vmem>>
      %dma_start3A_1225 = tpu.memref_squeeze %dma_start3A_1224 : memref<1x125xi32, #tpu.memory_space<vmem>> -> memref<125xi32, #tpu.memory_space<vmem>>
      %dma_start3A_1226 = arith.constant 0 : i32
      %dma_start3A_1227 = arith.constant 0 : i32
      %dma_start3A_1228 = tpu.memref_slice %arg11[%dma_start3A_1226, %dma_start3A_1227] : memref<10000x128xf32, #tpu.memory_space<vmem_shared>> -> memref<10000x128xf32, #tpu.memory_space<vmem_shared>>
      tpu.enqueue_indirect_dma source(%arg9 : memref<125x128xf32, #tpu.memory_space<vmem>>) target(%dma_start3A_1228 : memref<10000x128xf32, #tpu.memory_space<vmem_shared>>) offsets(%dma_start3A_1225 : memref<125xi32, #tpu.memory_space<vmem>>) semaphore(%run_scoped3A_1222 : memref<!tpu.dma_semaphore, #tpu.memory_space<semaphore_mem>>) {add = true}
      %dma_wait3A_1229 = arith.constant 0 : i32
      %dma_wait3A_1230 = tpu.memref_slice %arg8[%run_scoped3A_479, %dma_wait3A_1229] : memref<40x125xi32, #tpu.memory_space<vmem>> -> memref<1x125xi32, #tpu.memory_space<vmem>>
      %dma_wait3A_1231 = tpu.memref_squeeze %dma_wait3A_1230 : memref<1x125xi32, #tpu.memory_space<vmem>> -> memref<125xi32, #tpu.memory_space<vmem>>
      %dma_wait3A_1232 = arith.constant 0 : i32
      %dma_wait3A_1233 = arith.constant 0 : i32
      %dma_wait3A_1234 = tpu.memref_slice %arg11[%dma_wait3A_1232, %dma_wait3A_1233] : memref<10000x128xf32, #tpu.memory_space<vmem_shared>> -> memref<10000x128xf32, #tpu.memory_space<vmem_shared>>
      tpu.wait_indirect_dma semaphore(%run_scoped3A_1222 : memref<!tpu.dma_semaphore, #tpu.memory_space<semaphore_mem>>) src(%arg9 : memref<125x128xf32, #tpu.memory_space<vmem>>) dst(%dma_wait3A_1234 : memref<10000x128xf32, #tpu.memory_space<vmem_shared>>)
      tpu.yield
    }) : () -> ()
    %dma_start3A_480 = arith.constant 32 : i32
    %dma_start3A_481 = arith.constant 0 : i32
    %dma_start3A_482 = tpu.memref_slice %arg7[%dma_start3A_480, %dma_start3A_481] : memref<40x125xi32, #tpu.memory_space<vmem>> -> memref<1x125xi32, #tpu.memory_space<vmem>>
    %dma_start3A_483 = tpu.memref_squeeze %dma_start3A_482 : memref<1x125xi32, #tpu.memory_space<vmem>> -> memref<125xi32, #tpu.memory_space<vmem>>
    %dma_start3A_484 = arith.constant 0 : i32
    %dma_start3A_485 = arith.constant 0 : i32
    %dma_start3A_486 = tpu.memref_slice %arg2[%dma_start3A_484, %dma_start3A_485] : memref<10000x128xf32, #tpu.memory_space<hbm>> -> memref<10000x128xf32, #tpu.memory_space<hbm>>
    tpu.enqueue_indirect_dma source(%dma_start3A_486 : memref<10000x128xf32, #tpu.memory_space<hbm>>) target(%arg9 : memref<125x128xf32, #tpu.memory_space<vmem>>) offsets(%dma_start3A_483 : memref<125xi32, #tpu.memory_space<vmem>>) semaphore(%arg12 : memref<!tpu.dma_semaphore, #tpu.memory_space<semaphore_mem>>)
    %dma_wait3A_487 = arith.constant 31 : i32
    %dma_wait3A_488 = arith.constant 0 : i32
    %dma_wait3A_489 = tpu.memref_slice %arg7[%dma_wait3A_487, %dma_wait3A_488] : memref<40x125xi32, #tpu.memory_space<vmem>> -> memref<1x125xi32, #tpu.memory_space<vmem>>
    %dma_wait3A_490 = tpu.memref_squeeze %dma_wait3A_489 : memref<1x125xi32, #tpu.memory_space<vmem>> -> memref<125xi32, #tpu.memory_space<vmem>>
    %dma_wait3A_491 = arith.constant 0 : i32
    %dma_wait3A_492 = arith.constant 0 : i32
    %dma_wait3A_493 = tpu.memref_slice %arg2[%dma_wait3A_491, %dma_wait3A_492] : memref<10000x128xf32, #tpu.memory_space<hbm>> -> memref<10000x128xf32, #tpu.memory_space<hbm>>
    tpu.wait_indirect_dma semaphore(%arg13 : memref<!tpu.dma_semaphore, #tpu.memory_space<semaphore_mem>>) src(%dma_wait3A_493 : memref<10000x128xf32, #tpu.memory_space<hbm>>) dst(%arg10 : memref<125x128xf32, #tpu.memory_space<vmem>>)
    %run_scoped3A_494 = arith.constant 31 : i32
    "tpu.region"() ({
      %run_scoped3A_1222 = tpu.sem_alloc : memref<!tpu.dma_semaphore, #tpu.memory_space<semaphore_mem>>
      %dma_start3A_1223 = arith.constant 0 : i32
      %dma_start3A_1224 = tpu.memref_slice %arg8[%run_scoped3A_494, %dma_start3A_1223] : memref<40x125xi32, #tpu.memory_space<vmem>> -> memref<1x125xi32, #tpu.memory_space<vmem>>
      %dma_start3A_1225 = tpu.memref_squeeze %dma_start3A_1224 : memref<1x125xi32, #tpu.memory_space<vmem>> -> memref<125xi32, #tpu.memory_space<vmem>>
      %dma_start3A_1226 = arith.constant 0 : i32
      %dma_start3A_1227 = arith.constant 0 : i32
      %dma_start3A_1228 = tpu.memref_slice %arg11[%dma_start3A_1226, %dma_start3A_1227] : memref<10000x128xf32, #tpu.memory_space<vmem_shared>> -> memref<10000x128xf32, #tpu.memory_space<vmem_shared>>
      tpu.enqueue_indirect_dma source(%arg10 : memref<125x128xf32, #tpu.memory_space<vmem>>) target(%dma_start3A_1228 : memref<10000x128xf32, #tpu.memory_space<vmem_shared>>) offsets(%dma_start3A_1225 : memref<125xi32, #tpu.memory_space<vmem>>) semaphore(%run_scoped3A_1222 : memref<!tpu.dma_semaphore, #tpu.memory_space<semaphore_mem>>) {add = true}
      %dma_wait3A_1229 = arith.constant 0 : i32
      %dma_wait3A_1230 = tpu.memref_slice %arg8[%run_scoped3A_494, %dma_wait3A_1229] : memref<40x125xi32, #tpu.memory_space<vmem>> -> memref<1x125xi32, #tpu.memory_space<vmem>>
      %dma_wait3A_1231 = tpu.memref_squeeze %dma_wait3A_1230 : memref<1x125xi32, #tpu.memory_space<vmem>> -> memref<125xi32, #tpu.memory_space<vmem>>
      %dma_wait3A_1232 = arith.constant 0 : i32
      %dma_wait3A_1233 = arith.constant 0 : i32
      %dma_wait3A_1234 = tpu.memref_slice %arg11[%dma_wait3A_1232, %dma_wait3A_1233] : memref<10000x128xf32, #tpu.memory_space<vmem_shared>> -> memref<10000x128xf32, #tpu.memory_space<vmem_shared>>
      tpu.wait_indirect_dma semaphore(%run_scoped3A_1222 : memref<!tpu.dma_semaphore, #tpu.memory_space<semaphore_mem>>) src(%arg10 : memref<125x128xf32, #tpu.memory_space<vmem>>) dst(%dma_wait3A_1234 : memref<10000x128xf32, #tpu.memory_space<vmem_shared>>)
      tpu.yield
    }) : () -> ()
    %dma_start3A_495 = arith.constant 33 : i32
    %dma_start3A_496 = arith.constant 0 : i32
    %dma_start3A_497 = tpu.memref_slice %arg7[%dma_start3A_495, %dma_start3A_496] : memref<40x125xi32, #tpu.memory_space<vmem>> -> memref<1x125xi32, #tpu.memory_space<vmem>>
    %dma_start3A_498 = tpu.memref_squeeze %dma_start3A_497 : memref<1x125xi32, #tpu.memory_space<vmem>> -> memref<125xi32, #tpu.memory_space<vmem>>
    %dma_start3A_499 = arith.constant 0 : i32
    %dma_start3A_500 = arith.constant 0 : i32
    %dma_start3A_501 = tpu.memref_slice %arg2[%dma_start3A_499, %dma_start3A_500] : memref<10000x128xf32, #tpu.memory_space<hbm>> -> memref<10000x128xf32, #tpu.memory_space<hbm>>
    tpu.enqueue_indirect_dma source(%dma_start3A_501 : memref<10000x128xf32, #tpu.memory_space<hbm>>) target(%arg10 : memref<125x128xf32, #tpu.memory_space<vmem>>) offsets(%dma_start3A_498 : memref<125xi32, #tpu.memory_space<vmem>>) semaphore(%arg13 : memref<!tpu.dma_semaphore, #tpu.memory_space<semaphore_mem>>)
    %dma_wait3A_502 = arith.constant 32 : i32
    %dma_wait3A_503 = arith.constant 0 : i32
    %dma_wait3A_504 = tpu.memref_slice %arg7[%dma_wait3A_502, %dma_wait3A_503] : memref<40x125xi32, #tpu.memory_space<vmem>> -> memref<1x125xi32, #tpu.memory_space<vmem>>
    %dma_wait3A_505 = tpu.memref_squeeze %dma_wait3A_504 : memref<1x125xi32, #tpu.memory_space<vmem>> -> memref<125xi32, #tpu.memory_space<vmem>>
    %dma_wait3A_506 = arith.constant 0 : i32
    %dma_wait3A_507 = arith.constant 0 : i32
    %dma_wait3A_508 = tpu.memref_slice %arg2[%dma_wait3A_506, %dma_wait3A_507] : memref<10000x128xf32, #tpu.memory_space<hbm>> -> memref<10000x128xf32, #tpu.memory_space<hbm>>
    tpu.wait_indirect_dma semaphore(%arg12 : memref<!tpu.dma_semaphore, #tpu.memory_space<semaphore_mem>>) src(%dma_wait3A_508 : memref<10000x128xf32, #tpu.memory_space<hbm>>) dst(%arg9 : memref<125x128xf32, #tpu.memory_space<vmem>>)
    %run_scoped3A_509 = arith.constant 32 : i32
    "tpu.region"() ({
      %run_scoped3A_1222 = tpu.sem_alloc : memref<!tpu.dma_semaphore, #tpu.memory_space<semaphore_mem>>
      %dma_start3A_1223 = arith.constant 0 : i32
      %dma_start3A_1224 = tpu.memref_slice %arg8[%run_scoped3A_509, %dma_start3A_1223] : memref<40x125xi32, #tpu.memory_space<vmem>> -> memref<1x125xi32, #tpu.memory_space<vmem>>
      %dma_start3A_1225 = tpu.memref_squeeze %dma_start3A_1224 : memref<1x125xi32, #tpu.memory_space<vmem>> -> memref<125xi32, #tpu.memory_space<vmem>>
      %dma_start3A_1226 = arith.constant 0 : i32
      %dma_start3A_1227 = arith.constant 0 : i32
      %dma_start3A_1228 = tpu.memref_slice %arg11[%dma_start3A_1226, %dma_start3A_1227] : memref<10000x128xf32, #tpu.memory_space<vmem_shared>> -> memref<10000x128xf32, #tpu.memory_space<vmem_shared>>
      tpu.enqueue_indirect_dma source(%arg9 : memref<125x128xf32, #tpu.memory_space<vmem>>) target(%dma_start3A_1228 : memref<10000x128xf32, #tpu.memory_space<vmem_shared>>) offsets(%dma_start3A_1225 : memref<125xi32, #tpu.memory_space<vmem>>) semaphore(%run_scoped3A_1222 : memref<!tpu.dma_semaphore, #tpu.memory_space<semaphore_mem>>) {add = true}
      %dma_wait3A_1229 = arith.constant 0 : i32
      %dma_wait3A_1230 = tpu.memref_slice %arg8[%run_scoped3A_509, %dma_wait3A_1229] : memref<40x125xi32, #tpu.memory_space<vmem>> -> memref<1x125xi32, #tpu.memory_space<vmem>>
      %dma_wait3A_1231 = tpu.memref_squeeze %dma_wait3A_1230 : memref<1x125xi32, #tpu.memory_space<vmem>> -> memref<125xi32, #tpu.memory_space<vmem>>
      %dma_wait3A_1232 = arith.constant 0 : i32
      %dma_wait3A_1233 = arith.constant 0 : i32
      %dma_wait3A_1234 = tpu.memref_slice %arg11[%dma_wait3A_1232, %dma_wait3A_1233] : memref<10000x128xf32, #tpu.memory_space<vmem_shared>> -> memref<10000x128xf32, #tpu.memory_space<vmem_shared>>
      tpu.wait_indirect_dma semaphore(%run_scoped3A_1222 : memref<!tpu.dma_semaphore, #tpu.memory_space<semaphore_mem>>) src(%arg9 : memref<125x128xf32, #tpu.memory_space<vmem>>) dst(%dma_wait3A_1234 : memref<10000x128xf32, #tpu.memory_space<vmem_shared>>)
      tpu.yield
    }) : () -> ()
    %dma_start3A_510 = arith.constant 34 : i32
    %dma_start3A_511 = arith.constant 0 : i32
    %dma_start3A_512 = tpu.memref_slice %arg7[%dma_start3A_510, %dma_start3A_511] : memref<40x125xi32, #tpu.memory_space<vmem>> -> memref<1x125xi32, #tpu.memory_space<vmem>>
    %dma_start3A_513 = tpu.memref_squeeze %dma_start3A_512 : memref<1x125xi32, #tpu.memory_space<vmem>> -> memref<125xi32, #tpu.memory_space<vmem>>
    %dma_start3A_514 = arith.constant 0 : i32
    %dma_start3A_515 = arith.constant 0 : i32
    %dma_start3A_516 = tpu.memref_slice %arg2[%dma_start3A_514, %dma_start3A_515] : memref<10000x128xf32, #tpu.memory_space<hbm>> -> memref<10000x128xf32, #tpu.memory_space<hbm>>
    tpu.enqueue_indirect_dma source(%dma_start3A_516 : memref<10000x128xf32, #tpu.memory_space<hbm>>) target(%arg9 : memref<125x128xf32, #tpu.memory_space<vmem>>) offsets(%dma_start3A_513 : memref<125xi32, #tpu.memory_space<vmem>>) semaphore(%arg12 : memref<!tpu.dma_semaphore, #tpu.memory_space<semaphore_mem>>)
    %dma_wait3A_517 = arith.constant 33 : i32
    %dma_wait3A_518 = arith.constant 0 : i32
    %dma_wait3A_519 = tpu.memref_slice %arg7[%dma_wait3A_517, %dma_wait3A_518] : memref<40x125xi32, #tpu.memory_space<vmem>> -> memref<1x125xi32, #tpu.memory_space<vmem>>
    %dma_wait3A_520 = tpu.memref_squeeze %dma_wait3A_519 : memref<1x125xi32, #tpu.memory_space<vmem>> -> memref<125xi32, #tpu.memory_space<vmem>>
    %dma_wait3A_521 = arith.constant 0 : i32
    %dma_wait3A_522 = arith.constant 0 : i32
    %dma_wait3A_523 = tpu.memref_slice %arg2[%dma_wait3A_521, %dma_wait3A_522] : memref<10000x128xf32, #tpu.memory_space<hbm>> -> memref<10000x128xf32, #tpu.memory_space<hbm>>
    tpu.wait_indirect_dma semaphore(%arg13 : memref<!tpu.dma_semaphore, #tpu.memory_space<semaphore_mem>>) src(%dma_wait3A_523 : memref<10000x128xf32, #tpu.memory_space<hbm>>) dst(%arg10 : memref<125x128xf32, #tpu.memory_space<vmem>>)
    %run_scoped3A_524 = arith.constant 33 : i32
    "tpu.region"() ({
      %run_scoped3A_1222 = tpu.sem_alloc : memref<!tpu.dma_semaphore, #tpu.memory_space<semaphore_mem>>
      %dma_start3A_1223 = arith.constant 0 : i32
      %dma_start3A_1224 = tpu.memref_slice %arg8[%run_scoped3A_524, %dma_start3A_1223] : memref<40x125xi32, #tpu.memory_space<vmem>> -> memref<1x125xi32, #tpu.memory_space<vmem>>
      %dma_start3A_1225 = tpu.memref_squeeze %dma_start3A_1224 : memref<1x125xi32, #tpu.memory_space<vmem>> -> memref<125xi32, #tpu.memory_space<vmem>>
      %dma_start3A_1226 = arith.constant 0 : i32
      %dma_start3A_1227 = arith.constant 0 : i32
      %dma_start3A_1228 = tpu.memref_slice %arg11[%dma_start3A_1226, %dma_start3A_1227] : memref<10000x128xf32, #tpu.memory_space<vmem_shared>> -> memref<10000x128xf32, #tpu.memory_space<vmem_shared>>
      tpu.enqueue_indirect_dma source(%arg10 : memref<125x128xf32, #tpu.memory_space<vmem>>) target(%dma_start3A_1228 : memref<10000x128xf32, #tpu.memory_space<vmem_shared>>) offsets(%dma_start3A_1225 : memref<125xi32, #tpu.memory_space<vmem>>) semaphore(%run_scoped3A_1222 : memref<!tpu.dma_semaphore, #tpu.memory_space<semaphore_mem>>) {add = true}
      %dma_wait3A_1229 = arith.constant 0 : i32
      %dma_wait3A_1230 = tpu.memref_slice %arg8[%run_scoped3A_524, %dma_wait3A_1229] : memref<40x125xi32, #tpu.memory_space<vmem>> -> memref<1x125xi32, #tpu.memory_space<vmem>>
      %dma_wait3A_1231 = tpu.memref_squeeze %dma_wait3A_1230 : memref<1x125xi32, #tpu.memory_space<vmem>> -> memref<125xi32, #tpu.memory_space<vmem>>
      %dma_wait3A_1232 = arith.constant 0 : i32
      %dma_wait3A_1233 = arith.constant 0 : i32
      %dma_wait3A_1234 = tpu.memref_slice %arg11[%dma_wait3A_1232, %dma_wait3A_1233] : memref<10000x128xf32, #tpu.memory_space<vmem_shared>> -> memref<10000x128xf32, #tpu.memory_space<vmem_shared>>
      tpu.wait_indirect_dma semaphore(%run_scoped3A_1222 : memref<!tpu.dma_semaphore, #tpu.memory_space<semaphore_mem>>) src(%arg10 : memref<125x128xf32, #tpu.memory_space<vmem>>) dst(%dma_wait3A_1234 : memref<10000x128xf32, #tpu.memory_space<vmem_shared>>)
      tpu.yield
    }) : () -> ()
    %dma_start3A_525 = arith.constant 35 : i32
    %dma_start3A_526 = arith.constant 0 : i32
    %dma_start3A_527 = tpu.memref_slice %arg7[%dma_start3A_525, %dma_start3A_526] : memref<40x125xi32, #tpu.memory_space<vmem>> -> memref<1x125xi32, #tpu.memory_space<vmem>>
    %dma_start3A_528 = tpu.memref_squeeze %dma_start3A_527 : memref<1x125xi32, #tpu.memory_space<vmem>> -> memref<125xi32, #tpu.memory_space<vmem>>
    %dma_start3A_529 = arith.constant 0 : i32
    %dma_start3A_530 = arith.constant 0 : i32
    %dma_start3A_531 = tpu.memref_slice %arg2[%dma_start3A_529, %dma_start3A_530] : memref<10000x128xf32, #tpu.memory_space<hbm>> -> memref<10000x128xf32, #tpu.memory_space<hbm>>
    tpu.enqueue_indirect_dma source(%dma_start3A_531 : memref<10000x128xf32, #tpu.memory_space<hbm>>) target(%arg10 : memref<125x128xf32, #tpu.memory_space<vmem>>) offsets(%dma_start3A_528 : memref<125xi32, #tpu.memory_space<vmem>>) semaphore(%arg13 : memref<!tpu.dma_semaphore, #tpu.memory_space<semaphore_mem>>)
    %dma_wait3A_532 = arith.constant 34 : i32
    %dma_wait3A_533 = arith.constant 0 : i32
    %dma_wait3A_534 = tpu.memref_slice %arg7[%dma_wait3A_532, %dma_wait3A_533] : memref<40x125xi32, #tpu.memory_space<vmem>> -> memref<1x125xi32, #tpu.memory_space<vmem>>
    %dma_wait3A_535 = tpu.memref_squeeze %dma_wait3A_534 : memref<1x125xi32, #tpu.memory_space<vmem>> -> memref<125xi32, #tpu.memory_space<vmem>>
    %dma_wait3A_536 = arith.constant 0 : i32
    %dma_wait3A_537 = arith.constant 0 : i32
    %dma_wait3A_538 = tpu.memref_slice %arg2[%dma_wait3A_536, %dma_wait3A_537] : memref<10000x128xf32, #tpu.memory_space<hbm>> -> memref<10000x128xf32, #tpu.memory_space<hbm>>
    tpu.wait_indirect_dma semaphore(%arg12 : memref<!tpu.dma_semaphore, #tpu.memory_space<semaphore_mem>>) src(%dma_wait3A_538 : memref<10000x128xf32, #tpu.memory_space<hbm>>) dst(%arg9 : memref<125x128xf32, #tpu.memory_space<vmem>>)
    %run_scoped3A_539 = arith.constant 34 : i32
    "tpu.region"() ({
      %run_scoped3A_1222 = tpu.sem_alloc : memref<!tpu.dma_semaphore, #tpu.memory_space<semaphore_mem>>
      %dma_start3A_1223 = arith.constant 0 : i32
      %dma_start3A_1224 = tpu.memref_slice %arg8[%run_scoped3A_539, %dma_start3A_1223] : memref<40x125xi32, #tpu.memory_space<vmem>> -> memref<1x125xi32, #tpu.memory_space<vmem>>
      %dma_start3A_1225 = tpu.memref_squeeze %dma_start3A_1224 : memref<1x125xi32, #tpu.memory_space<vmem>> -> memref<125xi32, #tpu.memory_space<vmem>>
      %dma_start3A_1226 = arith.constant 0 : i32
      %dma_start3A_1227 = arith.constant 0 : i32
      %dma_start3A_1228 = tpu.memref_slice %arg11[%dma_start3A_1226, %dma_start3A_1227] : memref<10000x128xf32, #tpu.memory_space<vmem_shared>> -> memref<10000x128xf32, #tpu.memory_space<vmem_shared>>
      tpu.enqueue_indirect_dma source(%arg9 : memref<125x128xf32, #tpu.memory_space<vmem>>) target(%dma_start3A_1228 : memref<10000x128xf32, #tpu.memory_space<vmem_shared>>) offsets(%dma_start3A_1225 : memref<125xi32, #tpu.memory_space<vmem>>) semaphore(%run_scoped3A_1222 : memref<!tpu.dma_semaphore, #tpu.memory_space<semaphore_mem>>) {add = true}
      %dma_wait3A_1229 = arith.constant 0 : i32
      %dma_wait3A_1230 = tpu.memref_slice %arg8[%run_scoped3A_539, %dma_wait3A_1229] : memref<40x125xi32, #tpu.memory_space<vmem>> -> memref<1x125xi32, #tpu.memory_space<vmem>>
      %dma_wait3A_1231 = tpu.memref_squeeze %dma_wait3A_1230 : memref<1x125xi32, #tpu.memory_space<vmem>> -> memref<125xi32, #tpu.memory_space<vmem>>
      %dma_wait3A_1232 = arith.constant 0 : i32
      %dma_wait3A_1233 = arith.constant 0 : i32
      %dma_wait3A_1234 = tpu.memref_slice %arg11[%dma_wait3A_1232, %dma_wait3A_1233] : memref<10000x128xf32, #tpu.memory_space<vmem_shared>> -> memref<10000x128xf32, #tpu.memory_space<vmem_shared>>
      tpu.wait_indirect_dma semaphore(%run_scoped3A_1222 : memref<!tpu.dma_semaphore, #tpu.memory_space<semaphore_mem>>) src(%arg9 : memref<125x128xf32, #tpu.memory_space<vmem>>) dst(%dma_wait3A_1234 : memref<10000x128xf32, #tpu.memory_space<vmem_shared>>)
      tpu.yield
    }) : () -> ()
    %dma_start3A_540 = arith.constant 36 : i32
    %dma_start3A_541 = arith.constant 0 : i32
    %dma_start3A_542 = tpu.memref_slice %arg7[%dma_start3A_540, %dma_start3A_541] : memref<40x125xi32, #tpu.memory_space<vmem>> -> memref<1x125xi32, #tpu.memory_space<vmem>>
    %dma_start3A_543 = tpu.memref_squeeze %dma_start3A_542 : memref<1x125xi32, #tpu.memory_space<vmem>> -> memref<125xi32, #tpu.memory_space<vmem>>
    %dma_start3A_544 = arith.constant 0 : i32
    %dma_start3A_545 = arith.constant 0 : i32
    %dma_start3A_546 = tpu.memref_slice %arg2[%dma_start3A_544, %dma_start3A_545] : memref<10000x128xf32, #tpu.memory_space<hbm>> -> memref<10000x128xf32, #tpu.memory_space<hbm>>
    tpu.enqueue_indirect_dma source(%dma_start3A_546 : memref<10000x128xf32, #tpu.memory_space<hbm>>) target(%arg9 : memref<125x128xf32, #tpu.memory_space<vmem>>) offsets(%dma_start3A_543 : memref<125xi32, #tpu.memory_space<vmem>>) semaphore(%arg12 : memref<!tpu.dma_semaphore, #tpu.memory_space<semaphore_mem>>)
    %dma_wait3A_547 = arith.constant 35 : i32
    %dma_wait3A_548 = arith.constant 0 : i32
    %dma_wait3A_549 = tpu.memref_slice %arg7[%dma_wait3A_547, %dma_wait3A_548] : memref<40x125xi32, #tpu.memory_space<vmem>> -> memref<1x125xi32, #tpu.memory_space<vmem>>
    %dma_wait3A_550 = tpu.memref_squeeze %dma_wait3A_549 : memref<1x125xi32, #tpu.memory_space<vmem>> -> memref<125xi32, #tpu.memory_space<vmem>>
    %dma_wait3A_551 = arith.constant 0 : i32
    %dma_wait3A_552 = arith.constant 0 : i32
    %dma_wait3A_553 = tpu.memref_slice %arg2[%dma_wait3A_551, %dma_wait3A_552] : memref<10000x128xf32, #tpu.memory_space<hbm>> -> memref<10000x128xf32, #tpu.memory_space<hbm>>
    tpu.wait_indirect_dma semaphore(%arg13 : memref<!tpu.dma_semaphore, #tpu.memory_space<semaphore_mem>>) src(%dma_wait3A_553 : memref<10000x128xf32, #tpu.memory_space<hbm>>) dst(%arg10 : memref<125x128xf32, #tpu.memory_space<vmem>>)
    %run_scoped3A_554 = arith.constant 35 : i32
    "tpu.region"() ({
      %run_scoped3A_1222 = tpu.sem_alloc : memref<!tpu.dma_semaphore, #tpu.memory_space<semaphore_mem>>
      %dma_start3A_1223 = arith.constant 0 : i32
      %dma_start3A_1224 = tpu.memref_slice %arg8[%run_scoped3A_554, %dma_start3A_1223] : memref<40x125xi32, #tpu.memory_space<vmem>> -> memref<1x125xi32, #tpu.memory_space<vmem>>
      %dma_start3A_1225 = tpu.memref_squeeze %dma_start3A_1224 : memref<1x125xi32, #tpu.memory_space<vmem>> -> memref<125xi32, #tpu.memory_space<vmem>>
      %dma_start3A_1226 = arith.constant 0 : i32
      %dma_start3A_1227 = arith.constant 0 : i32
      %dma_start3A_1228 = tpu.memref_slice %arg11[%dma_start3A_1226, %dma_start3A_1227] : memref<10000x128xf32, #tpu.memory_space<vmem_shared>> -> memref<10000x128xf32, #tpu.memory_space<vmem_shared>>
      tpu.enqueue_indirect_dma source(%arg10 : memref<125x128xf32, #tpu.memory_space<vmem>>) target(%dma_start3A_1228 : memref<10000x128xf32, #tpu.memory_space<vmem_shared>>) offsets(%dma_start3A_1225 : memref<125xi32, #tpu.memory_space<vmem>>) semaphore(%run_scoped3A_1222 : memref<!tpu.dma_semaphore, #tpu.memory_space<semaphore_mem>>) {add = true}
      %dma_wait3A_1229 = arith.constant 0 : i32
      %dma_wait3A_1230 = tpu.memref_slice %arg8[%run_scoped3A_554, %dma_wait3A_1229] : memref<40x125xi32, #tpu.memory_space<vmem>> -> memref<1x125xi32, #tpu.memory_space<vmem>>
      %dma_wait3A_1231 = tpu.memref_squeeze %dma_wait3A_1230 : memref<1x125xi32, #tpu.memory_space<vmem>> -> memref<125xi32, #tpu.memory_space<vmem>>
      %dma_wait3A_1232 = arith.constant 0 : i32
      %dma_wait3A_1233 = arith.constant 0 : i32
      %dma_wait3A_1234 = tpu.memref_slice %arg11[%dma_wait3A_1232, %dma_wait3A_1233] : memref<10000x128xf32, #tpu.memory_space<vmem_shared>> -> memref<10000x128xf32, #tpu.memory_space<vmem_shared>>
      tpu.wait_indirect_dma semaphore(%run_scoped3A_1222 : memref<!tpu.dma_semaphore, #tpu.memory_space<semaphore_mem>>) src(%arg10 : memref<125x128xf32, #tpu.memory_space<vmem>>) dst(%dma_wait3A_1234 : memref<10000x128xf32, #tpu.memory_space<vmem_shared>>)
      tpu.yield
    }) : () -> ()
    %dma_start3A_555 = arith.constant 37 : i32
    %dma_start3A_556 = arith.constant 0 : i32
    %dma_start3A_557 = tpu.memref_slice %arg7[%dma_start3A_555, %dma_start3A_556] : memref<40x125xi32, #tpu.memory_space<vmem>> -> memref<1x125xi32, #tpu.memory_space<vmem>>
    %dma_start3A_558 = tpu.memref_squeeze %dma_start3A_557 : memref<1x125xi32, #tpu.memory_space<vmem>> -> memref<125xi32, #tpu.memory_space<vmem>>
    %dma_start3A_559 = arith.constant 0 : i32
    %dma_start3A_560 = arith.constant 0 : i32
    %dma_start3A_561 = tpu.memref_slice %arg2[%dma_start3A_559, %dma_start3A_560] : memref<10000x128xf32, #tpu.memory_space<hbm>> -> memref<10000x128xf32, #tpu.memory_space<hbm>>
    tpu.enqueue_indirect_dma source(%dma_start3A_561 : memref<10000x128xf32, #tpu.memory_space<hbm>>) target(%arg10 : memref<125x128xf32, #tpu.memory_space<vmem>>) offsets(%dma_start3A_558 : memref<125xi32, #tpu.memory_space<vmem>>) semaphore(%arg13 : memref<!tpu.dma_semaphore, #tpu.memory_space<semaphore_mem>>)
    %dma_wait3A_562 = arith.constant 36 : i32
    %dma_wait3A_563 = arith.constant 0 : i32
    %dma_wait3A_564 = tpu.memref_slice %arg7[%dma_wait3A_562, %dma_wait3A_563] : memref<40x125xi32, #tpu.memory_space<vmem>> -> memref<1x125xi32, #tpu.memory_space<vmem>>
    %dma_wait3A_565 = tpu.memref_squeeze %dma_wait3A_564 : memref<1x125xi32, #tpu.memory_space<vmem>> -> memref<125xi32, #tpu.memory_space<vmem>>
    %dma_wait3A_566 = arith.constant 0 : i32
    %dma_wait3A_567 = arith.constant 0 : i32
    %dma_wait3A_568 = tpu.memref_slice %arg2[%dma_wait3A_566, %dma_wait3A_567] : memref<10000x128xf32, #tpu.memory_space<hbm>> -> memref<10000x128xf32, #tpu.memory_space<hbm>>
    tpu.wait_indirect_dma semaphore(%arg12 : memref<!tpu.dma_semaphore, #tpu.memory_space<semaphore_mem>>) src(%dma_wait3A_568 : memref<10000x128xf32, #tpu.memory_space<hbm>>) dst(%arg9 : memref<125x128xf32, #tpu.memory_space<vmem>>)
    %run_scoped3A_569 = arith.constant 36 : i32
    "tpu.region"() ({
      %run_scoped3A_1222 = tpu.sem_alloc : memref<!tpu.dma_semaphore, #tpu.memory_space<semaphore_mem>>
      %dma_start3A_1223 = arith.constant 0 : i32
      %dma_start3A_1224 = tpu.memref_slice %arg8[%run_scoped3A_569, %dma_start3A_1223] : memref<40x125xi32, #tpu.memory_space<vmem>> -> memref<1x125xi32, #tpu.memory_space<vmem>>
      %dma_start3A_1225 = tpu.memref_squeeze %dma_start3A_1224 : memref<1x125xi32, #tpu.memory_space<vmem>> -> memref<125xi32, #tpu.memory_space<vmem>>
      %dma_start3A_1226 = arith.constant 0 : i32
      %dma_start3A_1227 = arith.constant 0 : i32
      %dma_start3A_1228 = tpu.memref_slice %arg11[%dma_start3A_1226, %dma_start3A_1227] : memref<10000x128xf32, #tpu.memory_space<vmem_shared>> -> memref<10000x128xf32, #tpu.memory_space<vmem_shared>>
      tpu.enqueue_indirect_dma source(%arg9 : memref<125x128xf32, #tpu.memory_space<vmem>>) target(%dma_start3A_1228 : memref<10000x128xf32, #tpu.memory_space<vmem_shared>>) offsets(%dma_start3A_1225 : memref<125xi32, #tpu.memory_space<vmem>>) semaphore(%run_scoped3A_1222 : memref<!tpu.dma_semaphore, #tpu.memory_space<semaphore_mem>>) {add = true}
      %dma_wait3A_1229 = arith.constant 0 : i32
      %dma_wait3A_1230 = tpu.memref_slice %arg8[%run_scoped3A_569, %dma_wait3A_1229] : memref<40x125xi32, #tpu.memory_space<vmem>> -> memref<1x125xi32, #tpu.memory_space<vmem>>
      %dma_wait3A_1231 = tpu.memref_squeeze %dma_wait3A_1230 : memref<1x125xi32, #tpu.memory_space<vmem>> -> memref<125xi32, #tpu.memory_space<vmem>>
      %dma_wait3A_1232 = arith.constant 0 : i32
      %dma_wait3A_1233 = arith.constant 0 : i32
      %dma_wait3A_1234 = tpu.memref_slice %arg11[%dma_wait3A_1232, %dma_wait3A_1233] : memref<10000x128xf32, #tpu.memory_space<vmem_shared>> -> memref<10000x128xf32, #tpu.memory_space<vmem_shared>>
      tpu.wait_indirect_dma semaphore(%run_scoped3A_1222 : memref<!tpu.dma_semaphore, #tpu.memory_space<semaphore_mem>>) src(%arg9 : memref<125x128xf32, #tpu.memory_space<vmem>>) dst(%dma_wait3A_1234 : memref<10000x128xf32, #tpu.memory_space<vmem_shared>>)
      tpu.yield
    }) : () -> ()
    %dma_start3A_570 = arith.constant 38 : i32
    %dma_start3A_571 = arith.constant 0 : i32
    %dma_start3A_572 = tpu.memref_slice %arg7[%dma_start3A_570, %dma_start3A_571] : memref<40x125xi32, #tpu.memory_space<vmem>> -> memref<1x125xi32, #tpu.memory_space<vmem>>
    %dma_start3A_573 = tpu.memref_squeeze %dma_start3A_572 : memref<1x125xi32, #tpu.memory_space<vmem>> -> memref<125xi32, #tpu.memory_space<vmem>>
    %dma_start3A_574 = arith.constant 0 : i32
    %dma_start3A_575 = arith.constant 0 : i32
    %dma_start3A_576 = tpu.memref_slice %arg2[%dma_start3A_574, %dma_start3A_575] : memref<10000x128xf32, #tpu.memory_space<hbm>> -> memref<10000x128xf32, #tpu.memory_space<hbm>>
    tpu.enqueue_indirect_dma source(%dma_start3A_576 : memref<10000x128xf32, #tpu.memory_space<hbm>>) target(%arg9 : memref<125x128xf32, #tpu.memory_space<vmem>>) offsets(%dma_start3A_573 : memref<125xi32, #tpu.memory_space<vmem>>) semaphore(%arg12 : memref<!tpu.dma_semaphore, #tpu.memory_space<semaphore_mem>>)
    %dma_wait3A_577 = arith.constant 37 : i32
    %dma_wait3A_578 = arith.constant 0 : i32
    %dma_wait3A_579 = tpu.memref_slice %arg7[%dma_wait3A_577, %dma_wait3A_578] : memref<40x125xi32, #tpu.memory_space<vmem>> -> memref<1x125xi32, #tpu.memory_space<vmem>>
    %dma_wait3A_580 = tpu.memref_squeeze %dma_wait3A_579 : memref<1x125xi32, #tpu.memory_space<vmem>> -> memref<125xi32, #tpu.memory_space<vmem>>
    %dma_wait3A_581 = arith.constant 0 : i32
    %dma_wait3A_582 = arith.constant 0 : i32
    %dma_wait3A_583 = tpu.memref_slice %arg2[%dma_wait3A_581, %dma_wait3A_582] : memref<10000x128xf32, #tpu.memory_space<hbm>> -> memref<10000x128xf32, #tpu.memory_space<hbm>>
    tpu.wait_indirect_dma semaphore(%arg13 : memref<!tpu.dma_semaphore, #tpu.memory_space<semaphore_mem>>) src(%dma_wait3A_583 : memref<10000x128xf32, #tpu.memory_space<hbm>>) dst(%arg10 : memref<125x128xf32, #tpu.memory_space<vmem>>)
    %run_scoped3A_584 = arith.constant 37 : i32
    "tpu.region"() ({
      %run_scoped3A_1222 = tpu.sem_alloc : memref<!tpu.dma_semaphore, #tpu.memory_space<semaphore_mem>>
      %dma_start3A_1223 = arith.constant 0 : i32
      %dma_start3A_1224 = tpu.memref_slice %arg8[%run_scoped3A_584, %dma_start3A_1223] : memref<40x125xi32, #tpu.memory_space<vmem>> -> memref<1x125xi32, #tpu.memory_space<vmem>>
      %dma_start3A_1225 = tpu.memref_squeeze %dma_start3A_1224 : memref<1x125xi32, #tpu.memory_space<vmem>> -> memref<125xi32, #tpu.memory_space<vmem>>
      %dma_start3A_1226 = arith.constant 0 : i32
      %dma_start3A_1227 = arith.constant 0 : i32
      %dma_start3A_1228 = tpu.memref_slice %arg11[%dma_start3A_1226, %dma_start3A_1227] : memref<10000x128xf32, #tpu.memory_space<vmem_shared>> -> memref<10000x128xf32, #tpu.memory_space<vmem_shared>>
      tpu.enqueue_indirect_dma source(%arg10 : memref<125x128xf32, #tpu.memory_space<vmem>>) target(%dma_start3A_1228 : memref<10000x128xf32, #tpu.memory_space<vmem_shared>>) offsets(%dma_start3A_1225 : memref<125xi32, #tpu.memory_space<vmem>>) semaphore(%run_scoped3A_1222 : memref<!tpu.dma_semaphore, #tpu.memory_space<semaphore_mem>>) {add = true}
      %dma_wait3A_1229 = arith.constant 0 : i32
      %dma_wait3A_1230 = tpu.memref_slice %arg8[%run_scoped3A_584, %dma_wait3A_1229] : memref<40x125xi32, #tpu.memory_space<vmem>> -> memref<1x125xi32, #tpu.memory_space<vmem>>
      %dma_wait3A_1231 = tpu.memref_squeeze %dma_wait3A_1230 : memref<1x125xi32, #tpu.memory_space<vmem>> -> memref<125xi32, #tpu.memory_space<vmem>>
      %dma_wait3A_1232 = arith.constant 0 : i32
      %dma_wait3A_1233 = arith.constant 0 : i32
      %dma_wait3A_1234 = tpu.memref_slice %arg11[%dma_wait3A_1232, %dma_wait3A_1233] : memref<10000x128xf32, #tpu.memory_space<vmem_shared>> -> memref<10000x128xf32, #tpu.memory_space<vmem_shared>>
      tpu.wait_indirect_dma semaphore(%run_scoped3A_1222 : memref<!tpu.dma_semaphore, #tpu.memory_space<semaphore_mem>>) src(%arg10 : memref<125x128xf32, #tpu.memory_space<vmem>>) dst(%dma_wait3A_1234 : memref<10000x128xf32, #tpu.memory_space<vmem_shared>>)
      tpu.yield
    }) : () -> ()
    %dma_start3A_585 = arith.constant 39 : i32
    %dma_start3A_586 = arith.constant 0 : i32
    %dma_start3A_587 = tpu.memref_slice %arg7[%dma_start3A_585, %dma_start3A_586] : memref<40x125xi32, #tpu.memory_space<vmem>> -> memref<1x125xi32, #tpu.memory_space<vmem>>
    %dma_start3A_588 = tpu.memref_squeeze %dma_start3A_587 : memref<1x125xi32, #tpu.memory_space<vmem>> -> memref<125xi32, #tpu.memory_space<vmem>>
    %dma_start3A_589 = arith.constant 0 : i32
    %dma_start3A_590 = arith.constant 0 : i32
    %dma_start3A_591 = tpu.memref_slice %arg2[%dma_start3A_589, %dma_start3A_590] : memref<10000x128xf32, #tpu.memory_space<hbm>> -> memref<10000x128xf32, #tpu.memory_space<hbm>>
    tpu.enqueue_indirect_dma source(%dma_start3A_591 : memref<10000x128xf32, #tpu.memory_space<hbm>>) target(%arg10 : memref<125x128xf32, #tpu.memory_space<vmem>>) offsets(%dma_start3A_588 : memref<125xi32, #tpu.memory_space<vmem>>) semaphore(%arg13 : memref<!tpu.dma_semaphore, #tpu.memory_space<semaphore_mem>>)
    %dma_wait3A_592 = arith.constant 38 : i32
    %dma_wait3A_593 = arith.constant 0 : i32
    %dma_wait3A_594 = tpu.memref_slice %arg7[%dma_wait3A_592, %dma_wait3A_593] : memref<40x125xi32, #tpu.memory_space<vmem>> -> memref<1x125xi32, #tpu.memory_space<vmem>>
    %dma_wait3A_595 = tpu.memref_squeeze %dma_wait3A_594 : memref<1x125xi32, #tpu.memory_space<vmem>> -> memref<125xi32, #tpu.memory_space<vmem>>
    %dma_wait3A_596 = arith.constant 0 : i32
    %dma_wait3A_597 = arith.constant 0 : i32
    %dma_wait3A_598 = tpu.memref_slice %arg2[%dma_wait3A_596, %dma_wait3A_597] : memref<10000x128xf32, #tpu.memory_space<hbm>> -> memref<10000x128xf32, #tpu.memory_space<hbm>>
    tpu.wait_indirect_dma semaphore(%arg12 : memref<!tpu.dma_semaphore, #tpu.memory_space<semaphore_mem>>) src(%dma_wait3A_598 : memref<10000x128xf32, #tpu.memory_space<hbm>>) dst(%arg9 : memref<125x128xf32, #tpu.memory_space<vmem>>)
    %run_scoped3A_599 = arith.constant 38 : i32
    "tpu.region"() ({
      %run_scoped3A_1222 = tpu.sem_alloc : memref<!tpu.dma_semaphore, #tpu.memory_space<semaphore_mem>>
      %dma_start3A_1223 = arith.constant 0 : i32
      %dma_start3A_1224 = tpu.memref_slice %arg8[%run_scoped3A_599, %dma_start3A_1223] : memref<40x125xi32, #tpu.memory_space<vmem>> -> memref<1x125xi32, #tpu.memory_space<vmem>>
      %dma_start3A_1225 = tpu.memref_squeeze %dma_start3A_1224 : memref<1x125xi32, #tpu.memory_space<vmem>> -> memref<125xi32, #tpu.memory_space<vmem>>
      %dma_start3A_1226 = arith.constant 0 : i32
      %dma_start3A_1227 = arith.constant 0 : i32
      %dma_start3A_1228 = tpu.memref_slice %arg11[%dma_start3A_1226, %dma_start3A_1227] : memref<10000x128xf32, #tpu.memory_space<vmem_shared>> -> memref<10000x128xf32, #tpu.memory_space<vmem_shared>>
      tpu.enqueue_indirect_dma source(%arg9 : memref<125x128xf32, #tpu.memory_space<vmem>>) target(%dma_start3A_1228 : memref<10000x128xf32, #tpu.memory_space<vmem_shared>>) offsets(%dma_start3A_1225 : memref<125xi32, #tpu.memory_space<vmem>>) semaphore(%run_scoped3A_1222 : memref<!tpu.dma_semaphore, #tpu.memory_space<semaphore_mem>>) {add = true}
      %dma_wait3A_1229 = arith.constant 0 : i32
      %dma_wait3A_1230 = tpu.memref_slice %arg8[%run_scoped3A_599, %dma_wait3A_1229] : memref<40x125xi32, #tpu.memory_space<vmem>> -> memref<1x125xi32, #tpu.memory_space<vmem>>
      %dma_wait3A_1231 = tpu.memref_squeeze %dma_wait3A_1230 : memref<1x125xi32, #tpu.memory_space<vmem>> -> memref<125xi32, #tpu.memory_space<vmem>>
      %dma_wait3A_1232 = arith.constant 0 : i32
      %dma_wait3A_1233 = arith.constant 0 : i32
      %dma_wait3A_1234 = tpu.memref_slice %arg11[%dma_wait3A_1232, %dma_wait3A_1233] : memref<10000x128xf32, #tpu.memory_space<vmem_shared>> -> memref<10000x128xf32, #tpu.memory_space<vmem_shared>>
      tpu.wait_indirect_dma semaphore(%run_scoped3A_1222 : memref<!tpu.dma_semaphore, #tpu.memory_space<semaphore_mem>>) src(%arg9 : memref<125x128xf32, #tpu.memory_space<vmem>>) dst(%dma_wait3A_1234 : memref<10000x128xf32, #tpu.memory_space<vmem_shared>>)
      tpu.yield
    }) : () -> ()
    %dma_wait3A_600 = arith.constant 39 : i32
    %dma_wait3A_601 = arith.constant 0 : i32
    %dma_wait3A_602 = tpu.memref_slice %arg7[%dma_wait3A_600, %dma_wait3A_601] : memref<40x125xi32, #tpu.memory_space<vmem>> -> memref<1x125xi32, #tpu.memory_space<vmem>>
    %dma_wait3A_603 = tpu.memref_squeeze %dma_wait3A_602 : memref<1x125xi32, #tpu.memory_space<vmem>> -> memref<125xi32, #tpu.memory_space<vmem>>
    %dma_wait3A_604 = arith.constant 0 : i32
    %dma_wait3A_605 = arith.constant 0 : i32
    %dma_wait3A_606 = tpu.memref_slice %arg2[%dma_wait3A_604, %dma_wait3A_605] : memref<10000x128xf32, #tpu.memory_space<hbm>> -> memref<10000x128xf32, #tpu.memory_space<hbm>>
    tpu.wait_indirect_dma semaphore(%arg13 : memref<!tpu.dma_semaphore, #tpu.memory_space<semaphore_mem>>) src(%dma_wait3A_606 : memref<10000x128xf32, #tpu.memory_space<hbm>>) dst(%arg10 : memref<125x128xf32, #tpu.memory_space<vmem>>)
    %run_scoped3A_607 = arith.constant 39 : i32
    "tpu.region"() ({
      %run_scoped3A_1222 = tpu.sem_alloc : memref<!tpu.dma_semaphore, #tpu.memory_space<semaphore_mem>>
      %dma_start3A_1223 = arith.constant 0 : i32
      %dma_start3A_1224 = tpu.memref_slice %arg8[%run_scoped3A_607, %dma_start3A_1223] : memref<40x125xi32, #tpu.memory_space<vmem>> -> memref<1x125xi32, #tpu.memory_space<vmem>>
      %dma_start3A_1225 = tpu.memref_squeeze %dma_start3A_1224 : memref<1x125xi32, #tpu.memory_space<vmem>> -> memref<125xi32, #tpu.memory_space<vmem>>
      %dma_start3A_1226 = arith.constant 0 : i32
      %dma_start3A_1227 = arith.constant 0 : i32
      %dma_start3A_1228 = tpu.memref_slice %arg11[%dma_start3A_1226, %dma_start3A_1227] : memref<10000x128xf32, #tpu.memory_space<vmem_shared>> -> memref<10000x128xf32, #tpu.memory_space<vmem_shared>>
      tpu.enqueue_indirect_dma source(%arg10 : memref<125x128xf32, #tpu.memory_space<vmem>>) target(%dma_start3A_1228 : memref<10000x128xf32, #tpu.memory_space<vmem_shared>>) offsets(%dma_start3A_1225 : memref<125xi32, #tpu.memory_space<vmem>>) semaphore(%run_scoped3A_1222 : memref<!tpu.dma_semaphore, #tpu.memory_space<semaphore_mem>>) {add = true}
      %dma_wait3A_1229 = arith.constant 0 : i32
      %dma_wait3A_1230 = tpu.memref_slice %arg8[%run_scoped3A_607, %dma_wait3A_1229] : memref<40x125xi32, #tpu.memory_space<vmem>> -> memref<1x125xi32, #tpu.memory_space<vmem>>
      %dma_wait3A_1231 = tpu.memref_squeeze %dma_wait3A_1230 : memref<1x125xi32, #tpu.memory_space<vmem>> -> memref<125xi32, #tpu.memory_space<vmem>>
      %dma_wait3A_1232 = arith.constant 0 : i32
      %dma_wait3A_1233 = arith.constant 0 : i32
      %dma_wait3A_1234 = tpu.memref_slice %arg11[%dma_wait3A_1232, %dma_wait3A_1233] : memref<10000x128xf32, #tpu.memory_space<vmem_shared>> -> memref<10000x128xf32, #tpu.memory_space<vmem_shared>>
      tpu.wait_indirect_dma semaphore(%run_scoped3A_1222 : memref<!tpu.dma_semaphore, #tpu.memory_space<semaphore_mem>>) src(%arg10 : memref<125x128xf32, #tpu.memory_space<vmem>>) dst(%dma_wait3A_1234 : memref<10000x128xf32, #tpu.memory_space<vmem_shared>>)
      tpu.yield
    }) : () -> ()
    %mul3A_608 = arith.constant 80 : i32
    %mul3A_609 = arith.muli %add3A, %mul3A_608 : i32
    %add3A_610 = arith.constant 40 : i32
    %add3A_611 = arith.addi %mul3A_609, %add3A_610 : i32
    "tpu.region"() ({
      %run_scoped3A_1222 = tpu.sem_alloc : memref<!tpu.dma_semaphore, #tpu.memory_space<semaphore_mem>>
      %dma_start3A_1223 = arith.constant 0 : i32
      %dma_start3A_1224 = tpu.memref_slice %arg3[%add3A_611, %dma_start3A_1223] : memref<2560x125xi32, #tpu.memory_space<hbm>> -> memref<40x125xi32, #tpu.memory_space<hbm>>
      %dma_start3A_1225 = arith.constant 0 : i32
      %dma_start3A_1226 = tpu.memref_slice %arg3[%add3A_611, %dma_start3A_1225] : memref<2560x125xi32, #tpu.memory_space<hbm>> -> memref<40x125xi32, #tpu.memory_space<hbm>>
      tpu.enqueue_dma source(%dma_start3A_1226 : memref<40x125xi32, #tpu.memory_space<hbm>>) target(%arg7 : memref<40x125xi32, #tpu.memory_space<vmem>>) target_semaphore(%run_scoped3A_1222 : memref<!tpu.dma_semaphore, #tpu.memory_space<semaphore_mem>>)
      %dma_wait3A_1227 = arith.constant 0 : i32
      %dma_wait3A_1228 = tpu.memref_slice %arg3[%add3A_611, %dma_wait3A_1227] : memref<2560x125xi32, #tpu.memory_space<hbm>> -> memref<40x125xi32, #tpu.memory_space<hbm>>
      %dma_wait3A_1229 = arith.constant 0 : i32
      %dma_wait3A_1230 = tpu.memref_slice %arg3[%add3A_611, %dma_wait3A_1229] : memref<2560x125xi32, #tpu.memory_space<hbm>> -> memref<40x125xi32, #tpu.memory_space<hbm>>
      tpu.wait_dma2 semaphore(%run_scoped3A_1222 : memref<!tpu.dma_semaphore, #tpu.memory_space<semaphore_mem>>) src(%dma_wait3A_1230 : memref<40x125xi32, #tpu.memory_space<hbm>>) dst(%arg7 : memref<40x125xi32, #tpu.memory_space<vmem>>)
      tpu.yield
    }) : () -> ()
    "tpu.region"() ({
      %run_scoped3A_1222 = tpu.sem_alloc : memref<!tpu.dma_semaphore, #tpu.memory_space<semaphore_mem>>
      %dma_start3A_1223 = arith.constant 0 : i32
      %dma_start3A_1224 = tpu.memref_slice %arg4[%add3A_611, %dma_start3A_1223] : memref<2560x125xi32, #tpu.memory_space<hbm>> -> memref<40x125xi32, #tpu.memory_space<hbm>>
      %dma_start3A_1225 = arith.constant 0 : i32
      %dma_start3A_1226 = tpu.memref_slice %arg4[%add3A_611, %dma_start3A_1225] : memref<2560x125xi32, #tpu.memory_space<hbm>> -> memref<40x125xi32, #tpu.memory_space<hbm>>
      tpu.enqueue_dma source(%dma_start3A_1226 : memref<40x125xi32, #tpu.memory_space<hbm>>) target(%arg8 : memref<40x125xi32, #tpu.memory_space<vmem>>) target_semaphore(%run_scoped3A_1222 : memref<!tpu.dma_semaphore, #tpu.memory_space<semaphore_mem>>)
      %dma_wait3A_1227 = arith.constant 0 : i32
      %dma_wait3A_1228 = tpu.memref_slice %arg4[%add3A_611, %dma_wait3A_1227] : memref<2560x125xi32, #tpu.memory_space<hbm>> -> memref<40x125xi32, #tpu.memory_space<hbm>>
      %dma_wait3A_1229 = arith.constant 0 : i32
      %dma_wait3A_1230 = tpu.memref_slice %arg4[%add3A_611, %dma_wait3A_1229] : memref<2560x125xi32, #tpu.memory_space<hbm>> -> memref<40x125xi32, #tpu.memory_space<hbm>>
      tpu.wait_dma2 semaphore(%run_scoped3A_1222 : memref<!tpu.dma_semaphore, #tpu.memory_space<semaphore_mem>>) src(%dma_wait3A_1230 : memref<40x125xi32, #tpu.memory_space<hbm>>) dst(%arg8 : memref<40x125xi32, #tpu.memory_space<vmem>>)
      tpu.yield
    }) : () -> ()
    %dma_start3A_612 = arith.constant 0 : i32
    %dma_start3A_613 = arith.constant 0 : i32
    %dma_start3A_614 = tpu.memref_slice %arg7[%dma_start3A_612, %dma_start3A_613] : memref<40x125xi32, #tpu.memory_space<vmem>> -> memref<1x125xi32, #tpu.memory_space<vmem>>
    %dma_start3A_615 = tpu.memref_squeeze %dma_start3A_614 : memref<1x125xi32, #tpu.memory_space<vmem>> -> memref<125xi32, #tpu.memory_space<vmem>>
    %dma_start3A_616 = arith.constant 0 : i32
    %dma_start3A_617 = arith.constant 0 : i32
    %dma_start3A_618 = tpu.memref_slice %arg2[%dma_start3A_616, %dma_start3A_617] : memref<10000x128xf32, #tpu.memory_space<hbm>> -> memref<10000x128xf32, #tpu.memory_space<hbm>>
    tpu.enqueue_indirect_dma source(%dma_start3A_618 : memref<10000x128xf32, #tpu.memory_space<hbm>>) target(%arg9 : memref<125x128xf32, #tpu.memory_space<vmem>>) offsets(%dma_start3A_615 : memref<125xi32, #tpu.memory_space<vmem>>) semaphore(%arg12 : memref<!tpu.dma_semaphore, #tpu.memory_space<semaphore_mem>>)
    %dma_start3A_619 = arith.constant 1 : i32
    %dma_start3A_620 = arith.constant 0 : i32
    %dma_start3A_621 = tpu.memref_slice %arg7[%dma_start3A_619, %dma_start3A_620] : memref<40x125xi32, #tpu.memory_space<vmem>> -> memref<1x125xi32, #tpu.memory_space<vmem>>
    %dma_start3A_622 = tpu.memref_squeeze %dma_start3A_621 : memref<1x125xi32, #tpu.memory_space<vmem>> -> memref<125xi32, #tpu.memory_space<vmem>>
    %dma_start3A_623 = arith.constant 0 : i32
    %dma_start3A_624 = arith.constant 0 : i32
    %dma_start3A_625 = tpu.memref_slice %arg2[%dma_start3A_623, %dma_start3A_624] : memref<10000x128xf32, #tpu.memory_space<hbm>> -> memref<10000x128xf32, #tpu.memory_space<hbm>>
    tpu.enqueue_indirect_dma source(%dma_start3A_625 : memref<10000x128xf32, #tpu.memory_space<hbm>>) target(%arg10 : memref<125x128xf32, #tpu.memory_space<vmem>>) offsets(%dma_start3A_622 : memref<125xi32, #tpu.memory_space<vmem>>) semaphore(%arg13 : memref<!tpu.dma_semaphore, #tpu.memory_space<semaphore_mem>>)
    %dma_wait3A_626 = arith.constant 0 : i32
    %dma_wait3A_627 = arith.constant 0 : i32
    %dma_wait3A_628 = tpu.memref_slice %arg7[%dma_wait3A_626, %dma_wait3A_627] : memref<40x125xi32, #tpu.memory_space<vmem>> -> memref<1x125xi32, #tpu.memory_space<vmem>>
    %dma_wait3A_629 = tpu.memref_squeeze %dma_wait3A_628 : memref<1x125xi32, #tpu.memory_space<vmem>> -> memref<125xi32, #tpu.memory_space<vmem>>
    %dma_wait3A_630 = arith.constant 0 : i32
    %dma_wait3A_631 = arith.constant 0 : i32
    %dma_wait3A_632 = tpu.memref_slice %arg2[%dma_wait3A_630, %dma_wait3A_631] : memref<10000x128xf32, #tpu.memory_space<hbm>> -> memref<10000x128xf32, #tpu.memory_space<hbm>>
    tpu.wait_indirect_dma semaphore(%arg12 : memref<!tpu.dma_semaphore, #tpu.memory_space<semaphore_mem>>) src(%dma_wait3A_632 : memref<10000x128xf32, #tpu.memory_space<hbm>>) dst(%arg9 : memref<125x128xf32, #tpu.memory_space<vmem>>)
    %run_scoped3A_633 = arith.constant 0 : i32
    "tpu.region"() ({
      %run_scoped3A_1222 = tpu.sem_alloc : memref<!tpu.dma_semaphore, #tpu.memory_space<semaphore_mem>>
      %dma_start3A_1223 = arith.constant 0 : i32
      %dma_start3A_1224 = tpu.memref_slice %arg8[%run_scoped3A_633, %dma_start3A_1223] : memref<40x125xi32, #tpu.memory_space<vmem>> -> memref<1x125xi32, #tpu.memory_space<vmem>>
      %dma_start3A_1225 = tpu.memref_squeeze %dma_start3A_1224 : memref<1x125xi32, #tpu.memory_space<vmem>> -> memref<125xi32, #tpu.memory_space<vmem>>
      %dma_start3A_1226 = arith.constant 0 : i32
      %dma_start3A_1227 = arith.constant 0 : i32
      %dma_start3A_1228 = tpu.memref_slice %arg11[%dma_start3A_1226, %dma_start3A_1227] : memref<10000x128xf32, #tpu.memory_space<vmem_shared>> -> memref<10000x128xf32, #tpu.memory_space<vmem_shared>>
      tpu.enqueue_indirect_dma source(%arg9 : memref<125x128xf32, #tpu.memory_space<vmem>>) target(%dma_start3A_1228 : memref<10000x128xf32, #tpu.memory_space<vmem_shared>>) offsets(%dma_start3A_1225 : memref<125xi32, #tpu.memory_space<vmem>>) semaphore(%run_scoped3A_1222 : memref<!tpu.dma_semaphore, #tpu.memory_space<semaphore_mem>>) {add = true}
      %dma_wait3A_1229 = arith.constant 0 : i32
      %dma_wait3A_1230 = tpu.memref_slice %arg8[%run_scoped3A_633, %dma_wait3A_1229] : memref<40x125xi32, #tpu.memory_space<vmem>> -> memref<1x125xi32, #tpu.memory_space<vmem>>
      %dma_wait3A_1231 = tpu.memref_squeeze %dma_wait3A_1230 : memref<1x125xi32, #tpu.memory_space<vmem>> -> memref<125xi32, #tpu.memory_space<vmem>>
      %dma_wait3A_1232 = arith.constant 0 : i32
      %dma_wait3A_1233 = arith.constant 0 : i32
      %dma_wait3A_1234 = tpu.memref_slice %arg11[%dma_wait3A_1232, %dma_wait3A_1233] : memref<10000x128xf32, #tpu.memory_space<vmem_shared>> -> memref<10000x128xf32, #tpu.memory_space<vmem_shared>>
      tpu.wait_indirect_dma semaphore(%run_scoped3A_1222 : memref<!tpu.dma_semaphore, #tpu.memory_space<semaphore_mem>>) src(%arg9 : memref<125x128xf32, #tpu.memory_space<vmem>>) dst(%dma_wait3A_1234 : memref<10000x128xf32, #tpu.memory_space<vmem_shared>>)
      tpu.yield
    }) : () -> ()
    %dma_start3A_634 = arith.constant 2 : i32
    %dma_start3A_635 = arith.constant 0 : i32
    %dma_start3A_636 = tpu.memref_slice %arg7[%dma_start3A_634, %dma_start3A_635] : memref<40x125xi32, #tpu.memory_space<vmem>> -> memref<1x125xi32, #tpu.memory_space<vmem>>
    %dma_start3A_637 = tpu.memref_squeeze %dma_start3A_636 : memref<1x125xi32, #tpu.memory_space<vmem>> -> memref<125xi32, #tpu.memory_space<vmem>>
    %dma_start3A_638 = arith.constant 0 : i32
    %dma_start3A_639 = arith.constant 0 : i32
    %dma_start3A_640 = tpu.memref_slice %arg2[%dma_start3A_638, %dma_start3A_639] : memref<10000x128xf32, #tpu.memory_space<hbm>> -> memref<10000x128xf32, #tpu.memory_space<hbm>>
    tpu.enqueue_indirect_dma source(%dma_start3A_640 : memref<10000x128xf32, #tpu.memory_space<hbm>>) target(%arg9 : memref<125x128xf32, #tpu.memory_space<vmem>>) offsets(%dma_start3A_637 : memref<125xi32, #tpu.memory_space<vmem>>) semaphore(%arg12 : memref<!tpu.dma_semaphore, #tpu.memory_space<semaphore_mem>>)
    %dma_wait3A_641 = arith.constant 1 : i32
    %dma_wait3A_642 = arith.constant 0 : i32
    %dma_wait3A_643 = tpu.memref_slice %arg7[%dma_wait3A_641, %dma_wait3A_642] : memref<40x125xi32, #tpu.memory_space<vmem>> -> memref<1x125xi32, #tpu.memory_space<vmem>>
    %dma_wait3A_644 = tpu.memref_squeeze %dma_wait3A_643 : memref<1x125xi32, #tpu.memory_space<vmem>> -> memref<125xi32, #tpu.memory_space<vmem>>
    %dma_wait3A_645 = arith.constant 0 : i32
    %dma_wait3A_646 = arith.constant 0 : i32
    %dma_wait3A_647 = tpu.memref_slice %arg2[%dma_wait3A_645, %dma_wait3A_646] : memref<10000x128xf32, #tpu.memory_space<hbm>> -> memref<10000x128xf32, #tpu.memory_space<hbm>>
    tpu.wait_indirect_dma semaphore(%arg13 : memref<!tpu.dma_semaphore, #tpu.memory_space<semaphore_mem>>) src(%dma_wait3A_647 : memref<10000x128xf32, #tpu.memory_space<hbm>>) dst(%arg10 : memref<125x128xf32, #tpu.memory_space<vmem>>)
    %run_scoped3A_648 = arith.constant 1 : i32
    "tpu.region"() ({
      %run_scoped3A_1222 = tpu.sem_alloc : memref<!tpu.dma_semaphore, #tpu.memory_space<semaphore_mem>>
      %dma_start3A_1223 = arith.constant 0 : i32
      %dma_start3A_1224 = tpu.memref_slice %arg8[%run_scoped3A_648, %dma_start3A_1223] : memref<40x125xi32, #tpu.memory_space<vmem>> -> memref<1x125xi32, #tpu.memory_space<vmem>>
      %dma_start3A_1225 = tpu.memref_squeeze %dma_start3A_1224 : memref<1x125xi32, #tpu.memory_space<vmem>> -> memref<125xi32, #tpu.memory_space<vmem>>
      %dma_start3A_1226 = arith.constant 0 : i32
      %dma_start3A_1227 = arith.constant 0 : i32
      %dma_start3A_1228 = tpu.memref_slice %arg11[%dma_start3A_1226, %dma_start3A_1227] : memref<10000x128xf32, #tpu.memory_space<vmem_shared>> -> memref<10000x128xf32, #tpu.memory_space<vmem_shared>>
      tpu.enqueue_indirect_dma source(%arg10 : memref<125x128xf32, #tpu.memory_space<vmem>>) target(%dma_start3A_1228 : memref<10000x128xf32, #tpu.memory_space<vmem_shared>>) offsets(%dma_start3A_1225 : memref<125xi32, #tpu.memory_space<vmem>>) semaphore(%run_scoped3A_1222 : memref<!tpu.dma_semaphore, #tpu.memory_space<semaphore_mem>>) {add = true}
      %dma_wait3A_1229 = arith.constant 0 : i32
      %dma_wait3A_1230 = tpu.memref_slice %arg8[%run_scoped3A_648, %dma_wait3A_1229] : memref<40x125xi32, #tpu.memory_space<vmem>> -> memref<1x125xi32, #tpu.memory_space<vmem>>
      %dma_wait3A_1231 = tpu.memref_squeeze %dma_wait3A_1230 : memref<1x125xi32, #tpu.memory_space<vmem>> -> memref<125xi32, #tpu.memory_space<vmem>>
      %dma_wait3A_1232 = arith.constant 0 : i32
      %dma_wait3A_1233 = arith.constant 0 : i32
      %dma_wait3A_1234 = tpu.memref_slice %arg11[%dma_wait3A_1232, %dma_wait3A_1233] : memref<10000x128xf32, #tpu.memory_space<vmem_shared>> -> memref<10000x128xf32, #tpu.memory_space<vmem_shared>>
      tpu.wait_indirect_dma semaphore(%run_scoped3A_1222 : memref<!tpu.dma_semaphore, #tpu.memory_space<semaphore_mem>>) src(%arg10 : memref<125x128xf32, #tpu.memory_space<vmem>>) dst(%dma_wait3A_1234 : memref<10000x128xf32, #tpu.memory_space<vmem_shared>>)
      tpu.yield
    }) : () -> ()
    %dma_start3A_649 = arith.constant 3 : i32
    %dma_start3A_650 = arith.constant 0 : i32
    %dma_start3A_651 = tpu.memref_slice %arg7[%dma_start3A_649, %dma_start3A_650] : memref<40x125xi32, #tpu.memory_space<vmem>> -> memref<1x125xi32, #tpu.memory_space<vmem>>
    %dma_start3A_652 = tpu.memref_squeeze %dma_start3A_651 : memref<1x125xi32, #tpu.memory_space<vmem>> -> memref<125xi32, #tpu.memory_space<vmem>>
    %dma_start3A_653 = arith.constant 0 : i32
    %dma_start3A_654 = arith.constant 0 : i32
    %dma_start3A_655 = tpu.memref_slice %arg2[%dma_start3A_653, %dma_start3A_654] : memref<10000x128xf32, #tpu.memory_space<hbm>> -> memref<10000x128xf32, #tpu.memory_space<hbm>>
    tpu.enqueue_indirect_dma source(%dma_start3A_655 : memref<10000x128xf32, #tpu.memory_space<hbm>>) target(%arg10 : memref<125x128xf32, #tpu.memory_space<vmem>>) offsets(%dma_start3A_652 : memref<125xi32, #tpu.memory_space<vmem>>) semaphore(%arg13 : memref<!tpu.dma_semaphore, #tpu.memory_space<semaphore_mem>>)
    %dma_wait3A_656 = arith.constant 2 : i32
    %dma_wait3A_657 = arith.constant 0 : i32
    %dma_wait3A_658 = tpu.memref_slice %arg7[%dma_wait3A_656, %dma_wait3A_657] : memref<40x125xi32, #tpu.memory_space<vmem>> -> memref<1x125xi32, #tpu.memory_space<vmem>>
    %dma_wait3A_659 = tpu.memref_squeeze %dma_wait3A_658 : memref<1x125xi32, #tpu.memory_space<vmem>> -> memref<125xi32, #tpu.memory_space<vmem>>
    %dma_wait3A_660 = arith.constant 0 : i32
    %dma_wait3A_661 = arith.constant 0 : i32
    %dma_wait3A_662 = tpu.memref_slice %arg2[%dma_wait3A_660, %dma_wait3A_661] : memref<10000x128xf32, #tpu.memory_space<hbm>> -> memref<10000x128xf32, #tpu.memory_space<hbm>>
    tpu.wait_indirect_dma semaphore(%arg12 : memref<!tpu.dma_semaphore, #tpu.memory_space<semaphore_mem>>) src(%dma_wait3A_662 : memref<10000x128xf32, #tpu.memory_space<hbm>>) dst(%arg9 : memref<125x128xf32, #tpu.memory_space<vmem>>)
    %run_scoped3A_663 = arith.constant 2 : i32
    "tpu.region"() ({
      %run_scoped3A_1222 = tpu.sem_alloc : memref<!tpu.dma_semaphore, #tpu.memory_space<semaphore_mem>>
      %dma_start3A_1223 = arith.constant 0 : i32
      %dma_start3A_1224 = tpu.memref_slice %arg8[%run_scoped3A_663, %dma_start3A_1223] : memref<40x125xi32, #tpu.memory_space<vmem>> -> memref<1x125xi32, #tpu.memory_space<vmem>>
      %dma_start3A_1225 = tpu.memref_squeeze %dma_start3A_1224 : memref<1x125xi32, #tpu.memory_space<vmem>> -> memref<125xi32, #tpu.memory_space<vmem>>
      %dma_start3A_1226 = arith.constant 0 : i32
      %dma_start3A_1227 = arith.constant 0 : i32
      %dma_start3A_1228 = tpu.memref_slice %arg11[%dma_start3A_1226, %dma_start3A_1227] : memref<10000x128xf32, #tpu.memory_space<vmem_shared>> -> memref<10000x128xf32, #tpu.memory_space<vmem_shared>>
      tpu.enqueue_indirect_dma source(%arg9 : memref<125x128xf32, #tpu.memory_space<vmem>>) target(%dma_start3A_1228 : memref<10000x128xf32, #tpu.memory_space<vmem_shared>>) offsets(%dma_start3A_1225 : memref<125xi32, #tpu.memory_space<vmem>>) semaphore(%run_scoped3A_1222 : memref<!tpu.dma_semaphore, #tpu.memory_space<semaphore_mem>>) {add = true}
      %dma_wait3A_1229 = arith.constant 0 : i32
      %dma_wait3A_1230 = tpu.memref_slice %arg8[%run_scoped3A_663, %dma_wait3A_1229] : memref<40x125xi32, #tpu.memory_space<vmem>> -> memref<1x125xi32, #tpu.memory_space<vmem>>
      %dma_wait3A_1231 = tpu.memref_squeeze %dma_wait3A_1230 : memref<1x125xi32, #tpu.memory_space<vmem>> -> memref<125xi32, #tpu.memory_space<vmem>>
      %dma_wait3A_1232 = arith.constant 0 : i32
      %dma_wait3A_1233 = arith.constant 0 : i32
      %dma_wait3A_1234 = tpu.memref_slice %arg11[%dma_wait3A_1232, %dma_wait3A_1233] : memref<10000x128xf32, #tpu.memory_space<vmem_shared>> -> memref<10000x128xf32, #tpu.memory_space<vmem_shared>>
      tpu.wait_indirect_dma semaphore(%run_scoped3A_1222 : memref<!tpu.dma_semaphore, #tpu.memory_space<semaphore_mem>>) src(%arg9 : memref<125x128xf32, #tpu.memory_space<vmem>>) dst(%dma_wait3A_1234 : memref<10000x128xf32, #tpu.memory_space<vmem_shared>>)
      tpu.yield
    }) : () -> ()
    %dma_start3A_664 = arith.constant 4 : i32
    %dma_start3A_665 = arith.constant 0 : i32
    %dma_start3A_666 = tpu.memref_slice %arg7[%dma_start3A_664, %dma_start3A_665] : memref<40x125xi32, #tpu.memory_space<vmem>> -> memref<1x125xi32, #tpu.memory_space<vmem>>
    %dma_start3A_667 = tpu.memref_squeeze %dma_start3A_666 : memref<1x125xi32, #tpu.memory_space<vmem>> -> memref<125xi32, #tpu.memory_space<vmem>>
    %dma_start3A_668 = arith.constant 0 : i32
    %dma_start3A_669 = arith.constant 0 : i32
    %dma_start3A_670 = tpu.memref_slice %arg2[%dma_start3A_668, %dma_start3A_669] : memref<10000x128xf32, #tpu.memory_space<hbm>> -> memref<10000x128xf32, #tpu.memory_space<hbm>>
    tpu.enqueue_indirect_dma source(%dma_start3A_670 : memref<10000x128xf32, #tpu.memory_space<hbm>>) target(%arg9 : memref<125x128xf32, #tpu.memory_space<vmem>>) offsets(%dma_start3A_667 : memref<125xi32, #tpu.memory_space<vmem>>) semaphore(%arg12 : memref<!tpu.dma_semaphore, #tpu.memory_space<semaphore_mem>>)
    %dma_wait3A_671 = arith.constant 3 : i32
    %dma_wait3A_672 = arith.constant 0 : i32
    %dma_wait3A_673 = tpu.memref_slice %arg7[%dma_wait3A_671, %dma_wait3A_672] : memref<40x125xi32, #tpu.memory_space<vmem>> -> memref<1x125xi32, #tpu.memory_space<vmem>>
    %dma_wait3A_674 = tpu.memref_squeeze %dma_wait3A_673 : memref<1x125xi32, #tpu.memory_space<vmem>> -> memref<125xi32, #tpu.memory_space<vmem>>
    %dma_wait3A_675 = arith.constant 0 : i32
    %dma_wait3A_676 = arith.constant 0 : i32
    %dma_wait3A_677 = tpu.memref_slice %arg2[%dma_wait3A_675, %dma_wait3A_676] : memref<10000x128xf32, #tpu.memory_space<hbm>> -> memref<10000x128xf32, #tpu.memory_space<hbm>>
    tpu.wait_indirect_dma semaphore(%arg13 : memref<!tpu.dma_semaphore, #tpu.memory_space<semaphore_mem>>) src(%dma_wait3A_677 : memref<10000x128xf32, #tpu.memory_space<hbm>>) dst(%arg10 : memref<125x128xf32, #tpu.memory_space<vmem>>)
    %run_scoped3A_678 = arith.constant 3 : i32
    "tpu.region"() ({
      %run_scoped3A_1222 = tpu.sem_alloc : memref<!tpu.dma_semaphore, #tpu.memory_space<semaphore_mem>>
      %dma_start3A_1223 = arith.constant 0 : i32
      %dma_start3A_1224 = tpu.memref_slice %arg8[%run_scoped3A_678, %dma_start3A_1223] : memref<40x125xi32, #tpu.memory_space<vmem>> -> memref<1x125xi32, #tpu.memory_space<vmem>>
      %dma_start3A_1225 = tpu.memref_squeeze %dma_start3A_1224 : memref<1x125xi32, #tpu.memory_space<vmem>> -> memref<125xi32, #tpu.memory_space<vmem>>
      %dma_start3A_1226 = arith.constant 0 : i32
      %dma_start3A_1227 = arith.constant 0 : i32
      %dma_start3A_1228 = tpu.memref_slice %arg11[%dma_start3A_1226, %dma_start3A_1227] : memref<10000x128xf32, #tpu.memory_space<vmem_shared>> -> memref<10000x128xf32, #tpu.memory_space<vmem_shared>>
      tpu.enqueue_indirect_dma source(%arg10 : memref<125x128xf32, #tpu.memory_space<vmem>>) target(%dma_start3A_1228 : memref<10000x128xf32, #tpu.memory_space<vmem_shared>>) offsets(%dma_start3A_1225 : memref<125xi32, #tpu.memory_space<vmem>>) semaphore(%run_scoped3A_1222 : memref<!tpu.dma_semaphore, #tpu.memory_space<semaphore_mem>>) {add = true}
      %dma_wait3A_1229 = arith.constant 0 : i32
      %dma_wait3A_1230 = tpu.memref_slice %arg8[%run_scoped3A_678, %dma_wait3A_1229] : memref<40x125xi32, #tpu.memory_space<vmem>> -> memref<1x125xi32, #tpu.memory_space<vmem>>
      %dma_wait3A_1231 = tpu.memref_squeeze %dma_wait3A_1230 : memref<1x125xi32, #tpu.memory_space<vmem>> -> memref<125xi32, #tpu.memory_space<vmem>>
      %dma_wait3A_1232 = arith.constant 0 : i32
      %dma_wait3A_1233 = arith.constant 0 : i32
      %dma_wait3A_1234 = tpu.memref_slice %arg11[%dma_wait3A_1232, %dma_wait3A_1233] : memref<10000x128xf32, #tpu.memory_space<vmem_shared>> -> memref<10000x128xf32, #tpu.memory_space<vmem_shared>>
      tpu.wait_indirect_dma semaphore(%run_scoped3A_1222 : memref<!tpu.dma_semaphore, #tpu.memory_space<semaphore_mem>>) src(%arg10 : memref<125x128xf32, #tpu.memory_space<vmem>>) dst(%dma_wait3A_1234 : memref<10000x128xf32, #tpu.memory_space<vmem_shared>>)
      tpu.yield
    }) : () -> ()
    %dma_start3A_679 = arith.constant 5 : i32
    %dma_start3A_680 = arith.constant 0 : i32
    %dma_start3A_681 = tpu.memref_slice %arg7[%dma_start3A_679, %dma_start3A_680] : memref<40x125xi32, #tpu.memory_space<vmem>> -> memref<1x125xi32, #tpu.memory_space<vmem>>
    %dma_start3A_682 = tpu.memref_squeeze %dma_start3A_681 : memref<1x125xi32, #tpu.memory_space<vmem>> -> memref<125xi32, #tpu.memory_space<vmem>>
    %dma_start3A_683 = arith.constant 0 : i32
    %dma_start3A_684 = arith.constant 0 : i32
    %dma_start3A_685 = tpu.memref_slice %arg2[%dma_start3A_683, %dma_start3A_684] : memref<10000x128xf32, #tpu.memory_space<hbm>> -> memref<10000x128xf32, #tpu.memory_space<hbm>>
    tpu.enqueue_indirect_dma source(%dma_start3A_685 : memref<10000x128xf32, #tpu.memory_space<hbm>>) target(%arg10 : memref<125x128xf32, #tpu.memory_space<vmem>>) offsets(%dma_start3A_682 : memref<125xi32, #tpu.memory_space<vmem>>) semaphore(%arg13 : memref<!tpu.dma_semaphore, #tpu.memory_space<semaphore_mem>>)
    %dma_wait3A_686 = arith.constant 4 : i32
    %dma_wait3A_687 = arith.constant 0 : i32
    %dma_wait3A_688 = tpu.memref_slice %arg7[%dma_wait3A_686, %dma_wait3A_687] : memref<40x125xi32, #tpu.memory_space<vmem>> -> memref<1x125xi32, #tpu.memory_space<vmem>>
    %dma_wait3A_689 = tpu.memref_squeeze %dma_wait3A_688 : memref<1x125xi32, #tpu.memory_space<vmem>> -> memref<125xi32, #tpu.memory_space<vmem>>
    %dma_wait3A_690 = arith.constant 0 : i32
    %dma_wait3A_691 = arith.constant 0 : i32
    %dma_wait3A_692 = tpu.memref_slice %arg2[%dma_wait3A_690, %dma_wait3A_691] : memref<10000x128xf32, #tpu.memory_space<hbm>> -> memref<10000x128xf32, #tpu.memory_space<hbm>>
    tpu.wait_indirect_dma semaphore(%arg12 : memref<!tpu.dma_semaphore, #tpu.memory_space<semaphore_mem>>) src(%dma_wait3A_692 : memref<10000x128xf32, #tpu.memory_space<hbm>>) dst(%arg9 : memref<125x128xf32, #tpu.memory_space<vmem>>)
    %run_scoped3A_693 = arith.constant 4 : i32
    "tpu.region"() ({
      %run_scoped3A_1222 = tpu.sem_alloc : memref<!tpu.dma_semaphore, #tpu.memory_space<semaphore_mem>>
      %dma_start3A_1223 = arith.constant 0 : i32
      %dma_start3A_1224 = tpu.memref_slice %arg8[%run_scoped3A_693, %dma_start3A_1223] : memref<40x125xi32, #tpu.memory_space<vmem>> -> memref<1x125xi32, #tpu.memory_space<vmem>>
      %dma_start3A_1225 = tpu.memref_squeeze %dma_start3A_1224 : memref<1x125xi32, #tpu.memory_space<vmem>> -> memref<125xi32, #tpu.memory_space<vmem>>
      %dma_start3A_1226 = arith.constant 0 : i32
      %dma_start3A_1227 = arith.constant 0 : i32
      %dma_start3A_1228 = tpu.memref_slice %arg11[%dma_start3A_1226, %dma_start3A_1227] : memref<10000x128xf32, #tpu.memory_space<vmem_shared>> -> memref<10000x128xf32, #tpu.memory_space<vmem_shared>>
      tpu.enqueue_indirect_dma source(%arg9 : memref<125x128xf32, #tpu.memory_space<vmem>>) target(%dma_start3A_1228 : memref<10000x128xf32, #tpu.memory_space<vmem_shared>>) offsets(%dma_start3A_1225 : memref<125xi32, #tpu.memory_space<vmem>>) semaphore(%run_scoped3A_1222 : memref<!tpu.dma_semaphore, #tpu.memory_space<semaphore_mem>>) {add = true}
      %dma_wait3A_1229 = arith.constant 0 : i32
      %dma_wait3A_1230 = tpu.memref_slice %arg8[%run_scoped3A_693, %dma_wait3A_1229] : memref<40x125xi32, #tpu.memory_space<vmem>> -> memref<1x125xi32, #tpu.memory_space<vmem>>
      %dma_wait3A_1231 = tpu.memref_squeeze %dma_wait3A_1230 : memref<1x125xi32, #tpu.memory_space<vmem>> -> memref<125xi32, #tpu.memory_space<vmem>>
      %dma_wait3A_1232 = arith.constant 0 : i32
      %dma_wait3A_1233 = arith.constant 0 : i32
      %dma_wait3A_1234 = tpu.memref_slice %arg11[%dma_wait3A_1232, %dma_wait3A_1233] : memref<10000x128xf32, #tpu.memory_space<vmem_shared>> -> memref<10000x128xf32, #tpu.memory_space<vmem_shared>>
      tpu.wait_indirect_dma semaphore(%run_scoped3A_1222 : memref<!tpu.dma_semaphore, #tpu.memory_space<semaphore_mem>>) src(%arg9 : memref<125x128xf32, #tpu.memory_space<vmem>>) dst(%dma_wait3A_1234 : memref<10000x128xf32, #tpu.memory_space<vmem_shared>>)
      tpu.yield
    }) : () -> ()
    %dma_start3A_694 = arith.constant 6 : i32
    %dma_start3A_695 = arith.constant 0 : i32
    %dma_start3A_696 = tpu.memref_slice %arg7[%dma_start3A_694, %dma_start3A_695] : memref<40x125xi32, #tpu.memory_space<vmem>> -> memref<1x125xi32, #tpu.memory_space<vmem>>
    %dma_start3A_697 = tpu.memref_squeeze %dma_start3A_696 : memref<1x125xi32, #tpu.memory_space<vmem>> -> memref<125xi32, #tpu.memory_space<vmem>>
    %dma_start3A_698 = arith.constant 0 : i32
    %dma_start3A_699 = arith.constant 0 : i32
    %dma_start3A_700 = tpu.memref_slice %arg2[%dma_start3A_698, %dma_start3A_699] : memref<10000x128xf32, #tpu.memory_space<hbm>> -> memref<10000x128xf32, #tpu.memory_space<hbm>>
    tpu.enqueue_indirect_dma source(%dma_start3A_700 : memref<10000x128xf32, #tpu.memory_space<hbm>>) target(%arg9 : memref<125x128xf32, #tpu.memory_space<vmem>>) offsets(%dma_start3A_697 : memref<125xi32, #tpu.memory_space<vmem>>) semaphore(%arg12 : memref<!tpu.dma_semaphore, #tpu.memory_space<semaphore_mem>>)
    %dma_wait3A_701 = arith.constant 5 : i32
    %dma_wait3A_702 = arith.constant 0 : i32
    %dma_wait3A_703 = tpu.memref_slice %arg7[%dma_wait3A_701, %dma_wait3A_702] : memref<40x125xi32, #tpu.memory_space<vmem>> -> memref<1x125xi32, #tpu.memory_space<vmem>>
    %dma_wait3A_704 = tpu.memref_squeeze %dma_wait3A_703 : memref<1x125xi32, #tpu.memory_space<vmem>> -> memref<125xi32, #tpu.memory_space<vmem>>
    %dma_wait3A_705 = arith.constant 0 : i32
    %dma_wait3A_706 = arith.constant 0 : i32
    %dma_wait3A_707 = tpu.memref_slice %arg2[%dma_wait3A_705, %dma_wait3A_706] : memref<10000x128xf32, #tpu.memory_space<hbm>> -> memref<10000x128xf32, #tpu.memory_space<hbm>>
    tpu.wait_indirect_dma semaphore(%arg13 : memref<!tpu.dma_semaphore, #tpu.memory_space<semaphore_mem>>) src(%dma_wait3A_707 : memref<10000x128xf32, #tpu.memory_space<hbm>>) dst(%arg10 : memref<125x128xf32, #tpu.memory_space<vmem>>)
    %run_scoped3A_708 = arith.constant 5 : i32
    "tpu.region"() ({
      %run_scoped3A_1222 = tpu.sem_alloc : memref<!tpu.dma_semaphore, #tpu.memory_space<semaphore_mem>>
      %dma_start3A_1223 = arith.constant 0 : i32
      %dma_start3A_1224 = tpu.memref_slice %arg8[%run_scoped3A_708, %dma_start3A_1223] : memref<40x125xi32, #tpu.memory_space<vmem>> -> memref<1x125xi32, #tpu.memory_space<vmem>>
      %dma_start3A_1225 = tpu.memref_squeeze %dma_start3A_1224 : memref<1x125xi32, #tpu.memory_space<vmem>> -> memref<125xi32, #tpu.memory_space<vmem>>
      %dma_start3A_1226 = arith.constant 0 : i32
      %dma_start3A_1227 = arith.constant 0 : i32
      %dma_start3A_1228 = tpu.memref_slice %arg11[%dma_start3A_1226, %dma_start3A_1227] : memref<10000x128xf32, #tpu.memory_space<vmem_shared>> -> memref<10000x128xf32, #tpu.memory_space<vmem_shared>>
      tpu.enqueue_indirect_dma source(%arg10 : memref<125x128xf32, #tpu.memory_space<vmem>>) target(%dma_start3A_1228 : memref<10000x128xf32, #tpu.memory_space<vmem_shared>>) offsets(%dma_start3A_1225 : memref<125xi32, #tpu.memory_space<vmem>>) semaphore(%run_scoped3A_1222 : memref<!tpu.dma_semaphore, #tpu.memory_space<semaphore_mem>>) {add = true}
      %dma_wait3A_1229 = arith.constant 0 : i32
      %dma_wait3A_1230 = tpu.memref_slice %arg8[%run_scoped3A_708, %dma_wait3A_1229] : memref<40x125xi32, #tpu.memory_space<vmem>> -> memref<1x125xi32, #tpu.memory_space<vmem>>
      %dma_wait3A_1231 = tpu.memref_squeeze %dma_wait3A_1230 : memref<1x125xi32, #tpu.memory_space<vmem>> -> memref<125xi32, #tpu.memory_space<vmem>>
      %dma_wait3A_1232 = arith.constant 0 : i32
      %dma_wait3A_1233 = arith.constant 0 : i32
      %dma_wait3A_1234 = tpu.memref_slice %arg11[%dma_wait3A_1232, %dma_wait3A_1233] : memref<10000x128xf32, #tpu.memory_space<vmem_shared>> -> memref<10000x128xf32, #tpu.memory_space<vmem_shared>>
      tpu.wait_indirect_dma semaphore(%run_scoped3A_1222 : memref<!tpu.dma_semaphore, #tpu.memory_space<semaphore_mem>>) src(%arg10 : memref<125x128xf32, #tpu.memory_space<vmem>>) dst(%dma_wait3A_1234 : memref<10000x128xf32, #tpu.memory_space<vmem_shared>>)
      tpu.yield
    }) : () -> ()
    %dma_start3A_709 = arith.constant 7 : i32
    %dma_start3A_710 = arith.constant 0 : i32
    %dma_start3A_711 = tpu.memref_slice %arg7[%dma_start3A_709, %dma_start3A_710] : memref<40x125xi32, #tpu.memory_space<vmem>> -> memref<1x125xi32, #tpu.memory_space<vmem>>
    %dma_start3A_712 = tpu.memref_squeeze %dma_start3A_711 : memref<1x125xi32, #tpu.memory_space<vmem>> -> memref<125xi32, #tpu.memory_space<vmem>>
    %dma_start3A_713 = arith.constant 0 : i32
    %dma_start3A_714 = arith.constant 0 : i32
    %dma_start3A_715 = tpu.memref_slice %arg2[%dma_start3A_713, %dma_start3A_714] : memref<10000x128xf32, #tpu.memory_space<hbm>> -> memref<10000x128xf32, #tpu.memory_space<hbm>>
    tpu.enqueue_indirect_dma source(%dma_start3A_715 : memref<10000x128xf32, #tpu.memory_space<hbm>>) target(%arg10 : memref<125x128xf32, #tpu.memory_space<vmem>>) offsets(%dma_start3A_712 : memref<125xi32, #tpu.memory_space<vmem>>) semaphore(%arg13 : memref<!tpu.dma_semaphore, #tpu.memory_space<semaphore_mem>>)
    %dma_wait3A_716 = arith.constant 6 : i32
    %dma_wait3A_717 = arith.constant 0 : i32
    %dma_wait3A_718 = tpu.memref_slice %arg7[%dma_wait3A_716, %dma_wait3A_717] : memref<40x125xi32, #tpu.memory_space<vmem>> -> memref<1x125xi32, #tpu.memory_space<vmem>>
    %dma_wait3A_719 = tpu.memref_squeeze %dma_wait3A_718 : memref<1x125xi32, #tpu.memory_space<vmem>> -> memref<125xi32, #tpu.memory_space<vmem>>
    %dma_wait3A_720 = arith.constant 0 : i32
    %dma_wait3A_721 = arith.constant 0 : i32
    %dma_wait3A_722 = tpu.memref_slice %arg2[%dma_wait3A_720, %dma_wait3A_721] : memref<10000x128xf32, #tpu.memory_space<hbm>> -> memref<10000x128xf32, #tpu.memory_space<hbm>>
    tpu.wait_indirect_dma semaphore(%arg12 : memref<!tpu.dma_semaphore, #tpu.memory_space<semaphore_mem>>) src(%dma_wait3A_722 : memref<10000x128xf32, #tpu.memory_space<hbm>>) dst(%arg9 : memref<125x128xf32, #tpu.memory_space<vmem>>)
    %run_scoped3A_723 = arith.constant 6 : i32
    "tpu.region"() ({
      %run_scoped3A_1222 = tpu.sem_alloc : memref<!tpu.dma_semaphore, #tpu.memory_space<semaphore_mem>>
      %dma_start3A_1223 = arith.constant 0 : i32
      %dma_start3A_1224 = tpu.memref_slice %arg8[%run_scoped3A_723, %dma_start3A_1223] : memref<40x125xi32, #tpu.memory_space<vmem>> -> memref<1x125xi32, #tpu.memory_space<vmem>>
      %dma_start3A_1225 = tpu.memref_squeeze %dma_start3A_1224 : memref<1x125xi32, #tpu.memory_space<vmem>> -> memref<125xi32, #tpu.memory_space<vmem>>
      %dma_start3A_1226 = arith.constant 0 : i32
      %dma_start3A_1227 = arith.constant 0 : i32
      %dma_start3A_1228 = tpu.memref_slice %arg11[%dma_start3A_1226, %dma_start3A_1227] : memref<10000x128xf32, #tpu.memory_space<vmem_shared>> -> memref<10000x128xf32, #tpu.memory_space<vmem_shared>>
      tpu.enqueue_indirect_dma source(%arg9 : memref<125x128xf32, #tpu.memory_space<vmem>>) target(%dma_start3A_1228 : memref<10000x128xf32, #tpu.memory_space<vmem_shared>>) offsets(%dma_start3A_1225 : memref<125xi32, #tpu.memory_space<vmem>>) semaphore(%run_scoped3A_1222 : memref<!tpu.dma_semaphore, #tpu.memory_space<semaphore_mem>>) {add = true}
      %dma_wait3A_1229 = arith.constant 0 : i32
      %dma_wait3A_1230 = tpu.memref_slice %arg8[%run_scoped3A_723, %dma_wait3A_1229] : memref<40x125xi32, #tpu.memory_space<vmem>> -> memref<1x125xi32, #tpu.memory_space<vmem>>
      %dma_wait3A_1231 = tpu.memref_squeeze %dma_wait3A_1230 : memref<1x125xi32, #tpu.memory_space<vmem>> -> memref<125xi32, #tpu.memory_space<vmem>>
      %dma_wait3A_1232 = arith.constant 0 : i32
      %dma_wait3A_1233 = arith.constant 0 : i32
      %dma_wait3A_1234 = tpu.memref_slice %arg11[%dma_wait3A_1232, %dma_wait3A_1233] : memref<10000x128xf32, #tpu.memory_space<vmem_shared>> -> memref<10000x128xf32, #tpu.memory_space<vmem_shared>>
      tpu.wait_indirect_dma semaphore(%run_scoped3A_1222 : memref<!tpu.dma_semaphore, #tpu.memory_space<semaphore_mem>>) src(%arg9 : memref<125x128xf32, #tpu.memory_space<vmem>>) dst(%dma_wait3A_1234 : memref<10000x128xf32, #tpu.memory_space<vmem_shared>>)
      tpu.yield
    }) : () -> ()
    %dma_start3A_724 = arith.constant 8 : i32
    %dma_start3A_725 = arith.constant 0 : i32
    %dma_start3A_726 = tpu.memref_slice %arg7[%dma_start3A_724, %dma_start3A_725] : memref<40x125xi32, #tpu.memory_space<vmem>> -> memref<1x125xi32, #tpu.memory_space<vmem>>
    %dma_start3A_727 = tpu.memref_squeeze %dma_start3A_726 : memref<1x125xi32, #tpu.memory_space<vmem>> -> memref<125xi32, #tpu.memory_space<vmem>>
    %dma_start3A_728 = arith.constant 0 : i32
    %dma_start3A_729 = arith.constant 0 : i32
    %dma_start3A_730 = tpu.memref_slice %arg2[%dma_start3A_728, %dma_start3A_729] : memref<10000x128xf32, #tpu.memory_space<hbm>> -> memref<10000x128xf32, #tpu.memory_space<hbm>>
    tpu.enqueue_indirect_dma source(%dma_start3A_730 : memref<10000x128xf32, #tpu.memory_space<hbm>>) target(%arg9 : memref<125x128xf32, #tpu.memory_space<vmem>>) offsets(%dma_start3A_727 : memref<125xi32, #tpu.memory_space<vmem>>) semaphore(%arg12 : memref<!tpu.dma_semaphore, #tpu.memory_space<semaphore_mem>>)
    %dma_wait3A_731 = arith.constant 7 : i32
    %dma_wait3A_732 = arith.constant 0 : i32
    %dma_wait3A_733 = tpu.memref_slice %arg7[%dma_wait3A_731, %dma_wait3A_732] : memref<40x125xi32, #tpu.memory_space<vmem>> -> memref<1x125xi32, #tpu.memory_space<vmem>>
    %dma_wait3A_734 = tpu.memref_squeeze %dma_wait3A_733 : memref<1x125xi32, #tpu.memory_space<vmem>> -> memref<125xi32, #tpu.memory_space<vmem>>
    %dma_wait3A_735 = arith.constant 0 : i32
    %dma_wait3A_736 = arith.constant 0 : i32
    %dma_wait3A_737 = tpu.memref_slice %arg2[%dma_wait3A_735, %dma_wait3A_736] : memref<10000x128xf32, #tpu.memory_space<hbm>> -> memref<10000x128xf32, #tpu.memory_space<hbm>>
    tpu.wait_indirect_dma semaphore(%arg13 : memref<!tpu.dma_semaphore, #tpu.memory_space<semaphore_mem>>) src(%dma_wait3A_737 : memref<10000x128xf32, #tpu.memory_space<hbm>>) dst(%arg10 : memref<125x128xf32, #tpu.memory_space<vmem>>)
    %run_scoped3A_738 = arith.constant 7 : i32
    "tpu.region"() ({
      %run_scoped3A_1222 = tpu.sem_alloc : memref<!tpu.dma_semaphore, #tpu.memory_space<semaphore_mem>>
      %dma_start3A_1223 = arith.constant 0 : i32
      %dma_start3A_1224 = tpu.memref_slice %arg8[%run_scoped3A_738, %dma_start3A_1223] : memref<40x125xi32, #tpu.memory_space<vmem>> -> memref<1x125xi32, #tpu.memory_space<vmem>>
      %dma_start3A_1225 = tpu.memref_squeeze %dma_start3A_1224 : memref<1x125xi32, #tpu.memory_space<vmem>> -> memref<125xi32, #tpu.memory_space<vmem>>
      %dma_start3A_1226 = arith.constant 0 : i32
      %dma_start3A_1227 = arith.constant 0 : i32
      %dma_start3A_1228 = tpu.memref_slice %arg11[%dma_start3A_1226, %dma_start3A_1227] : memref<10000x128xf32, #tpu.memory_space<vmem_shared>> -> memref<10000x128xf32, #tpu.memory_space<vmem_shared>>
      tpu.enqueue_indirect_dma source(%arg10 : memref<125x128xf32, #tpu.memory_space<vmem>>) target(%dma_start3A_1228 : memref<10000x128xf32, #tpu.memory_space<vmem_shared>>) offsets(%dma_start3A_1225 : memref<125xi32, #tpu.memory_space<vmem>>) semaphore(%run_scoped3A_1222 : memref<!tpu.dma_semaphore, #tpu.memory_space<semaphore_mem>>) {add = true}
      %dma_wait3A_1229 = arith.constant 0 : i32
      %dma_wait3A_1230 = tpu.memref_slice %arg8[%run_scoped3A_738, %dma_wait3A_1229] : memref<40x125xi32, #tpu.memory_space<vmem>> -> memref<1x125xi32, #tpu.memory_space<vmem>>
      %dma_wait3A_1231 = tpu.memref_squeeze %dma_wait3A_1230 : memref<1x125xi32, #tpu.memory_space<vmem>> -> memref<125xi32, #tpu.memory_space<vmem>>
      %dma_wait3A_1232 = arith.constant 0 : i32
      %dma_wait3A_1233 = arith.constant 0 : i32
      %dma_wait3A_1234 = tpu.memref_slice %arg11[%dma_wait3A_1232, %dma_wait3A_1233] : memref<10000x128xf32, #tpu.memory_space<vmem_shared>> -> memref<10000x128xf32, #tpu.memory_space<vmem_shared>>
      tpu.wait_indirect_dma semaphore(%run_scoped3A_1222 : memref<!tpu.dma_semaphore, #tpu.memory_space<semaphore_mem>>) src(%arg10 : memref<125x128xf32, #tpu.memory_space<vmem>>) dst(%dma_wait3A_1234 : memref<10000x128xf32, #tpu.memory_space<vmem_shared>>)
      tpu.yield
    }) : () -> ()
    %dma_start3A_739 = arith.constant 9 : i32
    %dma_start3A_740 = arith.constant 0 : i32
    %dma_start3A_741 = tpu.memref_slice %arg7[%dma_start3A_739, %dma_start3A_740] : memref<40x125xi32, #tpu.memory_space<vmem>> -> memref<1x125xi32, #tpu.memory_space<vmem>>
    %dma_start3A_742 = tpu.memref_squeeze %dma_start3A_741 : memref<1x125xi32, #tpu.memory_space<vmem>> -> memref<125xi32, #tpu.memory_space<vmem>>
    %dma_start3A_743 = arith.constant 0 : i32
    %dma_start3A_744 = arith.constant 0 : i32
    %dma_start3A_745 = tpu.memref_slice %arg2[%dma_start3A_743, %dma_start3A_744] : memref<10000x128xf32, #tpu.memory_space<hbm>> -> memref<10000x128xf32, #tpu.memory_space<hbm>>
    tpu.enqueue_indirect_dma source(%dma_start3A_745 : memref<10000x128xf32, #tpu.memory_space<hbm>>) target(%arg10 : memref<125x128xf32, #tpu.memory_space<vmem>>) offsets(%dma_start3A_742 : memref<125xi32, #tpu.memory_space<vmem>>) semaphore(%arg13 : memref<!tpu.dma_semaphore, #tpu.memory_space<semaphore_mem>>)
    %dma_wait3A_746 = arith.constant 8 : i32
    %dma_wait3A_747 = arith.constant 0 : i32
    %dma_wait3A_748 = tpu.memref_slice %arg7[%dma_wait3A_746, %dma_wait3A_747] : memref<40x125xi32, #tpu.memory_space<vmem>> -> memref<1x125xi32, #tpu.memory_space<vmem>>
    %dma_wait3A_749 = tpu.memref_squeeze %dma_wait3A_748 : memref<1x125xi32, #tpu.memory_space<vmem>> -> memref<125xi32, #tpu.memory_space<vmem>>
    %dma_wait3A_750 = arith.constant 0 : i32
    %dma_wait3A_751 = arith.constant 0 : i32
    %dma_wait3A_752 = tpu.memref_slice %arg2[%dma_wait3A_750, %dma_wait3A_751] : memref<10000x128xf32, #tpu.memory_space<hbm>> -> memref<10000x128xf32, #tpu.memory_space<hbm>>
    tpu.wait_indirect_dma semaphore(%arg12 : memref<!tpu.dma_semaphore, #tpu.memory_space<semaphore_mem>>) src(%dma_wait3A_752 : memref<10000x128xf32, #tpu.memory_space<hbm>>) dst(%arg9 : memref<125x128xf32, #tpu.memory_space<vmem>>)
    %run_scoped3A_753 = arith.constant 8 : i32
    "tpu.region"() ({
      %run_scoped3A_1222 = tpu.sem_alloc : memref<!tpu.dma_semaphore, #tpu.memory_space<semaphore_mem>>
      %dma_start3A_1223 = arith.constant 0 : i32
      %dma_start3A_1224 = tpu.memref_slice %arg8[%run_scoped3A_753, %dma_start3A_1223] : memref<40x125xi32, #tpu.memory_space<vmem>> -> memref<1x125xi32, #tpu.memory_space<vmem>>
      %dma_start3A_1225 = tpu.memref_squeeze %dma_start3A_1224 : memref<1x125xi32, #tpu.memory_space<vmem>> -> memref<125xi32, #tpu.memory_space<vmem>>
      %dma_start3A_1226 = arith.constant 0 : i32
      %dma_start3A_1227 = arith.constant 0 : i32
      %dma_start3A_1228 = tpu.memref_slice %arg11[%dma_start3A_1226, %dma_start3A_1227] : memref<10000x128xf32, #tpu.memory_space<vmem_shared>> -> memref<10000x128xf32, #tpu.memory_space<vmem_shared>>
      tpu.enqueue_indirect_dma source(%arg9 : memref<125x128xf32, #tpu.memory_space<vmem>>) target(%dma_start3A_1228 : memref<10000x128xf32, #tpu.memory_space<vmem_shared>>) offsets(%dma_start3A_1225 : memref<125xi32, #tpu.memory_space<vmem>>) semaphore(%run_scoped3A_1222 : memref<!tpu.dma_semaphore, #tpu.memory_space<semaphore_mem>>) {add = true}
      %dma_wait3A_1229 = arith.constant 0 : i32
      %dma_wait3A_1230 = tpu.memref_slice %arg8[%run_scoped3A_753, %dma_wait3A_1229] : memref<40x125xi32, #tpu.memory_space<vmem>> -> memref<1x125xi32, #tpu.memory_space<vmem>>
      %dma_wait3A_1231 = tpu.memref_squeeze %dma_wait3A_1230 : memref<1x125xi32, #tpu.memory_space<vmem>> -> memref<125xi32, #tpu.memory_space<vmem>>
      %dma_wait3A_1232 = arith.constant 0 : i32
      %dma_wait3A_1233 = arith.constant 0 : i32
      %dma_wait3A_1234 = tpu.memref_slice %arg11[%dma_wait3A_1232, %dma_wait3A_1233] : memref<10000x128xf32, #tpu.memory_space<vmem_shared>> -> memref<10000x128xf32, #tpu.memory_space<vmem_shared>>
      tpu.wait_indirect_dma semaphore(%run_scoped3A_1222 : memref<!tpu.dma_semaphore, #tpu.memory_space<semaphore_mem>>) src(%arg9 : memref<125x128xf32, #tpu.memory_space<vmem>>) dst(%dma_wait3A_1234 : memref<10000x128xf32, #tpu.memory_space<vmem_shared>>)
      tpu.yield
    }) : () -> ()
    %dma_start3A_754 = arith.constant 10 : i32
    %dma_start3A_755 = arith.constant 0 : i32
    %dma_start3A_756 = tpu.memref_slice %arg7[%dma_start3A_754, %dma_start3A_755] : memref<40x125xi32, #tpu.memory_space<vmem>> -> memref<1x125xi32, #tpu.memory_space<vmem>>
    %dma_start3A_757 = tpu.memref_squeeze %dma_start3A_756 : memref<1x125xi32, #tpu.memory_space<vmem>> -> memref<125xi32, #tpu.memory_space<vmem>>
    %dma_start3A_758 = arith.constant 0 : i32
    %dma_start3A_759 = arith.constant 0 : i32
    %dma_start3A_760 = tpu.memref_slice %arg2[%dma_start3A_758, %dma_start3A_759] : memref<10000x128xf32, #tpu.memory_space<hbm>> -> memref<10000x128xf32, #tpu.memory_space<hbm>>
    tpu.enqueue_indirect_dma source(%dma_start3A_760 : memref<10000x128xf32, #tpu.memory_space<hbm>>) target(%arg9 : memref<125x128xf32, #tpu.memory_space<vmem>>) offsets(%dma_start3A_757 : memref<125xi32, #tpu.memory_space<vmem>>) semaphore(%arg12 : memref<!tpu.dma_semaphore, #tpu.memory_space<semaphore_mem>>)
    %dma_wait3A_761 = arith.constant 9 : i32
    %dma_wait3A_762 = arith.constant 0 : i32
    %dma_wait3A_763 = tpu.memref_slice %arg7[%dma_wait3A_761, %dma_wait3A_762] : memref<40x125xi32, #tpu.memory_space<vmem>> -> memref<1x125xi32, #tpu.memory_space<vmem>>
    %dma_wait3A_764 = tpu.memref_squeeze %dma_wait3A_763 : memref<1x125xi32, #tpu.memory_space<vmem>> -> memref<125xi32, #tpu.memory_space<vmem>>
    %dma_wait3A_765 = arith.constant 0 : i32
    %dma_wait3A_766 = arith.constant 0 : i32
    %dma_wait3A_767 = tpu.memref_slice %arg2[%dma_wait3A_765, %dma_wait3A_766] : memref<10000x128xf32, #tpu.memory_space<hbm>> -> memref<10000x128xf32, #tpu.memory_space<hbm>>
    tpu.wait_indirect_dma semaphore(%arg13 : memref<!tpu.dma_semaphore, #tpu.memory_space<semaphore_mem>>) src(%dma_wait3A_767 : memref<10000x128xf32, #tpu.memory_space<hbm>>) dst(%arg10 : memref<125x128xf32, #tpu.memory_space<vmem>>)
    %run_scoped3A_768 = arith.constant 9 : i32
    "tpu.region"() ({
      %run_scoped3A_1222 = tpu.sem_alloc : memref<!tpu.dma_semaphore, #tpu.memory_space<semaphore_mem>>
      %dma_start3A_1223 = arith.constant 0 : i32
      %dma_start3A_1224 = tpu.memref_slice %arg8[%run_scoped3A_768, %dma_start3A_1223] : memref<40x125xi32, #tpu.memory_space<vmem>> -> memref<1x125xi32, #tpu.memory_space<vmem>>
      %dma_start3A_1225 = tpu.memref_squeeze %dma_start3A_1224 : memref<1x125xi32, #tpu.memory_space<vmem>> -> memref<125xi32, #tpu.memory_space<vmem>>
      %dma_start3A_1226 = arith.constant 0 : i32
      %dma_start3A_1227 = arith.constant 0 : i32
      %dma_start3A_1228 = tpu.memref_slice %arg11[%dma_start3A_1226, %dma_start3A_1227] : memref<10000x128xf32, #tpu.memory_space<vmem_shared>> -> memref<10000x128xf32, #tpu.memory_space<vmem_shared>>
      tpu.enqueue_indirect_dma source(%arg10 : memref<125x128xf32, #tpu.memory_space<vmem>>) target(%dma_start3A_1228 : memref<10000x128xf32, #tpu.memory_space<vmem_shared>>) offsets(%dma_start3A_1225 : memref<125xi32, #tpu.memory_space<vmem>>) semaphore(%run_scoped3A_1222 : memref<!tpu.dma_semaphore, #tpu.memory_space<semaphore_mem>>) {add = true}
      %dma_wait3A_1229 = arith.constant 0 : i32
      %dma_wait3A_1230 = tpu.memref_slice %arg8[%run_scoped3A_768, %dma_wait3A_1229] : memref<40x125xi32, #tpu.memory_space<vmem>> -> memref<1x125xi32, #tpu.memory_space<vmem>>
      %dma_wait3A_1231 = tpu.memref_squeeze %dma_wait3A_1230 : memref<1x125xi32, #tpu.memory_space<vmem>> -> memref<125xi32, #tpu.memory_space<vmem>>
      %dma_wait3A_1232 = arith.constant 0 : i32
      %dma_wait3A_1233 = arith.constant 0 : i32
      %dma_wait3A_1234 = tpu.memref_slice %arg11[%dma_wait3A_1232, %dma_wait3A_1233] : memref<10000x128xf32, #tpu.memory_space<vmem_shared>> -> memref<10000x128xf32, #tpu.memory_space<vmem_shared>>
      tpu.wait_indirect_dma semaphore(%run_scoped3A_1222 : memref<!tpu.dma_semaphore, #tpu.memory_space<semaphore_mem>>) src(%arg10 : memref<125x128xf32, #tpu.memory_space<vmem>>) dst(%dma_wait3A_1234 : memref<10000x128xf32, #tpu.memory_space<vmem_shared>>)
      tpu.yield
    }) : () -> ()
    %dma_start3A_769 = arith.constant 11 : i32
    %dma_start3A_770 = arith.constant 0 : i32
    %dma_start3A_771 = tpu.memref_slice %arg7[%dma_start3A_769, %dma_start3A_770] : memref<40x125xi32, #tpu.memory_space<vmem>> -> memref<1x125xi32, #tpu.memory_space<vmem>>
    %dma_start3A_772 = tpu.memref_squeeze %dma_start3A_771 : memref<1x125xi32, #tpu.memory_space<vmem>> -> memref<125xi32, #tpu.memory_space<vmem>>
    %dma_start3A_773 = arith.constant 0 : i32
    %dma_start3A_774 = arith.constant 0 : i32
    %dma_start3A_775 = tpu.memref_slice %arg2[%dma_start3A_773, %dma_start3A_774] : memref<10000x128xf32, #tpu.memory_space<hbm>> -> memref<10000x128xf32, #tpu.memory_space<hbm>>
    tpu.enqueue_indirect_dma source(%dma_start3A_775 : memref<10000x128xf32, #tpu.memory_space<hbm>>) target(%arg10 : memref<125x128xf32, #tpu.memory_space<vmem>>) offsets(%dma_start3A_772 : memref<125xi32, #tpu.memory_space<vmem>>) semaphore(%arg13 : memref<!tpu.dma_semaphore, #tpu.memory_space<semaphore_mem>>)
    %dma_wait3A_776 = arith.constant 10 : i32
    %dma_wait3A_777 = arith.constant 0 : i32
    %dma_wait3A_778 = tpu.memref_slice %arg7[%dma_wait3A_776, %dma_wait3A_777] : memref<40x125xi32, #tpu.memory_space<vmem>> -> memref<1x125xi32, #tpu.memory_space<vmem>>
    %dma_wait3A_779 = tpu.memref_squeeze %dma_wait3A_778 : memref<1x125xi32, #tpu.memory_space<vmem>> -> memref<125xi32, #tpu.memory_space<vmem>>
    %dma_wait3A_780 = arith.constant 0 : i32
    %dma_wait3A_781 = arith.constant 0 : i32
    %dma_wait3A_782 = tpu.memref_slice %arg2[%dma_wait3A_780, %dma_wait3A_781] : memref<10000x128xf32, #tpu.memory_space<hbm>> -> memref<10000x128xf32, #tpu.memory_space<hbm>>
    tpu.wait_indirect_dma semaphore(%arg12 : memref<!tpu.dma_semaphore, #tpu.memory_space<semaphore_mem>>) src(%dma_wait3A_782 : memref<10000x128xf32, #tpu.memory_space<hbm>>) dst(%arg9 : memref<125x128xf32, #tpu.memory_space<vmem>>)
    %run_scoped3A_783 = arith.constant 10 : i32
    "tpu.region"() ({
      %run_scoped3A_1222 = tpu.sem_alloc : memref<!tpu.dma_semaphore, #tpu.memory_space<semaphore_mem>>
      %dma_start3A_1223 = arith.constant 0 : i32
      %dma_start3A_1224 = tpu.memref_slice %arg8[%run_scoped3A_783, %dma_start3A_1223] : memref<40x125xi32, #tpu.memory_space<vmem>> -> memref<1x125xi32, #tpu.memory_space<vmem>>
      %dma_start3A_1225 = tpu.memref_squeeze %dma_start3A_1224 : memref<1x125xi32, #tpu.memory_space<vmem>> -> memref<125xi32, #tpu.memory_space<vmem>>
      %dma_start3A_1226 = arith.constant 0 : i32
      %dma_start3A_1227 = arith.constant 0 : i32
      %dma_start3A_1228 = tpu.memref_slice %arg11[%dma_start3A_1226, %dma_start3A_1227] : memref<10000x128xf32, #tpu.memory_space<vmem_shared>> -> memref<10000x128xf32, #tpu.memory_space<vmem_shared>>
      tpu.enqueue_indirect_dma source(%arg9 : memref<125x128xf32, #tpu.memory_space<vmem>>) target(%dma_start3A_1228 : memref<10000x128xf32, #tpu.memory_space<vmem_shared>>) offsets(%dma_start3A_1225 : memref<125xi32, #tpu.memory_space<vmem>>) semaphore(%run_scoped3A_1222 : memref<!tpu.dma_semaphore, #tpu.memory_space<semaphore_mem>>) {add = true}
      %dma_wait3A_1229 = arith.constant 0 : i32
      %dma_wait3A_1230 = tpu.memref_slice %arg8[%run_scoped3A_783, %dma_wait3A_1229] : memref<40x125xi32, #tpu.memory_space<vmem>> -> memref<1x125xi32, #tpu.memory_space<vmem>>
      %dma_wait3A_1231 = tpu.memref_squeeze %dma_wait3A_1230 : memref<1x125xi32, #tpu.memory_space<vmem>> -> memref<125xi32, #tpu.memory_space<vmem>>
      %dma_wait3A_1232 = arith.constant 0 : i32
      %dma_wait3A_1233 = arith.constant 0 : i32
      %dma_wait3A_1234 = tpu.memref_slice %arg11[%dma_wait3A_1232, %dma_wait3A_1233] : memref<10000x128xf32, #tpu.memory_space<vmem_shared>> -> memref<10000x128xf32, #tpu.memory_space<vmem_shared>>
      tpu.wait_indirect_dma semaphore(%run_scoped3A_1222 : memref<!tpu.dma_semaphore, #tpu.memory_space<semaphore_mem>>) src(%arg9 : memref<125x128xf32, #tpu.memory_space<vmem>>) dst(%dma_wait3A_1234 : memref<10000x128xf32, #tpu.memory_space<vmem_shared>>)
      tpu.yield
    }) : () -> ()
    %dma_start3A_784 = arith.constant 12 : i32
    %dma_start3A_785 = arith.constant 0 : i32
    %dma_start3A_786 = tpu.memref_slice %arg7[%dma_start3A_784, %dma_start3A_785] : memref<40x125xi32, #tpu.memory_space<vmem>> -> memref<1x125xi32, #tpu.memory_space<vmem>>
    %dma_start3A_787 = tpu.memref_squeeze %dma_start3A_786 : memref<1x125xi32, #tpu.memory_space<vmem>> -> memref<125xi32, #tpu.memory_space<vmem>>
    %dma_start3A_788 = arith.constant 0 : i32
    %dma_start3A_789 = arith.constant 0 : i32
    %dma_start3A_790 = tpu.memref_slice %arg2[%dma_start3A_788, %dma_start3A_789] : memref<10000x128xf32, #tpu.memory_space<hbm>> -> memref<10000x128xf32, #tpu.memory_space<hbm>>
    tpu.enqueue_indirect_dma source(%dma_start3A_790 : memref<10000x128xf32, #tpu.memory_space<hbm>>) target(%arg9 : memref<125x128xf32, #tpu.memory_space<vmem>>) offsets(%dma_start3A_787 : memref<125xi32, #tpu.memory_space<vmem>>) semaphore(%arg12 : memref<!tpu.dma_semaphore, #tpu.memory_space<semaphore_mem>>)
    %dma_wait3A_791 = arith.constant 11 : i32
    %dma_wait3A_792 = arith.constant 0 : i32
    %dma_wait3A_793 = tpu.memref_slice %arg7[%dma_wait3A_791, %dma_wait3A_792] : memref<40x125xi32, #tpu.memory_space<vmem>> -> memref<1x125xi32, #tpu.memory_space<vmem>>
    %dma_wait3A_794 = tpu.memref_squeeze %dma_wait3A_793 : memref<1x125xi32, #tpu.memory_space<vmem>> -> memref<125xi32, #tpu.memory_space<vmem>>
    %dma_wait3A_795 = arith.constant 0 : i32
    %dma_wait3A_796 = arith.constant 0 : i32
    %dma_wait3A_797 = tpu.memref_slice %arg2[%dma_wait3A_795, %dma_wait3A_796] : memref<10000x128xf32, #tpu.memory_space<hbm>> -> memref<10000x128xf32, #tpu.memory_space<hbm>>
    tpu.wait_indirect_dma semaphore(%arg13 : memref<!tpu.dma_semaphore, #tpu.memory_space<semaphore_mem>>) src(%dma_wait3A_797 : memref<10000x128xf32, #tpu.memory_space<hbm>>) dst(%arg10 : memref<125x128xf32, #tpu.memory_space<vmem>>)
    %run_scoped3A_798 = arith.constant 11 : i32
    "tpu.region"() ({
      %run_scoped3A_1222 = tpu.sem_alloc : memref<!tpu.dma_semaphore, #tpu.memory_space<semaphore_mem>>
      %dma_start3A_1223 = arith.constant 0 : i32
      %dma_start3A_1224 = tpu.memref_slice %arg8[%run_scoped3A_798, %dma_start3A_1223] : memref<40x125xi32, #tpu.memory_space<vmem>> -> memref<1x125xi32, #tpu.memory_space<vmem>>
      %dma_start3A_1225 = tpu.memref_squeeze %dma_start3A_1224 : memref<1x125xi32, #tpu.memory_space<vmem>> -> memref<125xi32, #tpu.memory_space<vmem>>
      %dma_start3A_1226 = arith.constant 0 : i32
      %dma_start3A_1227 = arith.constant 0 : i32
      %dma_start3A_1228 = tpu.memref_slice %arg11[%dma_start3A_1226, %dma_start3A_1227] : memref<10000x128xf32, #tpu.memory_space<vmem_shared>> -> memref<10000x128xf32, #tpu.memory_space<vmem_shared>>
      tpu.enqueue_indirect_dma source(%arg10 : memref<125x128xf32, #tpu.memory_space<vmem>>) target(%dma_start3A_1228 : memref<10000x128xf32, #tpu.memory_space<vmem_shared>>) offsets(%dma_start3A_1225 : memref<125xi32, #tpu.memory_space<vmem>>) semaphore(%run_scoped3A_1222 : memref<!tpu.dma_semaphore, #tpu.memory_space<semaphore_mem>>) {add = true}
      %dma_wait3A_1229 = arith.constant 0 : i32
      %dma_wait3A_1230 = tpu.memref_slice %arg8[%run_scoped3A_798, %dma_wait3A_1229] : memref<40x125xi32, #tpu.memory_space<vmem>> -> memref<1x125xi32, #tpu.memory_space<vmem>>
      %dma_wait3A_1231 = tpu.memref_squeeze %dma_wait3A_1230 : memref<1x125xi32, #tpu.memory_space<vmem>> -> memref<125xi32, #tpu.memory_space<vmem>>
      %dma_wait3A_1232 = arith.constant 0 : i32
      %dma_wait3A_1233 = arith.constant 0 : i32
      %dma_wait3A_1234 = tpu.memref_slice %arg11[%dma_wait3A_1232, %dma_wait3A_1233] : memref<10000x128xf32, #tpu.memory_space<vmem_shared>> -> memref<10000x128xf32, #tpu.memory_space<vmem_shared>>
      tpu.wait_indirect_dma semaphore(%run_scoped3A_1222 : memref<!tpu.dma_semaphore, #tpu.memory_space<semaphore_mem>>) src(%arg10 : memref<125x128xf32, #tpu.memory_space<vmem>>) dst(%dma_wait3A_1234 : memref<10000x128xf32, #tpu.memory_space<vmem_shared>>)
      tpu.yield
    }) : () -> ()
    %dma_start3A_799 = arith.constant 13 : i32
    %dma_start3A_800 = arith.constant 0 : i32
    %dma_start3A_801 = tpu.memref_slice %arg7[%dma_start3A_799, %dma_start3A_800] : memref<40x125xi32, #tpu.memory_space<vmem>> -> memref<1x125xi32, #tpu.memory_space<vmem>>
    %dma_start3A_802 = tpu.memref_squeeze %dma_start3A_801 : memref<1x125xi32, #tpu.memory_space<vmem>> -> memref<125xi32, #tpu.memory_space<vmem>>
    %dma_start3A_803 = arith.constant 0 : i32
    %dma_start3A_804 = arith.constant 0 : i32
    %dma_start3A_805 = tpu.memref_slice %arg2[%dma_start3A_803, %dma_start3A_804] : memref<10000x128xf32, #tpu.memory_space<hbm>> -> memref<10000x128xf32, #tpu.memory_space<hbm>>
    tpu.enqueue_indirect_dma source(%dma_start3A_805 : memref<10000x128xf32, #tpu.memory_space<hbm>>) target(%arg10 : memref<125x128xf32, #tpu.memory_space<vmem>>) offsets(%dma_start3A_802 : memref<125xi32, #tpu.memory_space<vmem>>) semaphore(%arg13 : memref<!tpu.dma_semaphore, #tpu.memory_space<semaphore_mem>>)
    %dma_wait3A_806 = arith.constant 12 : i32
    %dma_wait3A_807 = arith.constant 0 : i32
    %dma_wait3A_808 = tpu.memref_slice %arg7[%dma_wait3A_806, %dma_wait3A_807] : memref<40x125xi32, #tpu.memory_space<vmem>> -> memref<1x125xi32, #tpu.memory_space<vmem>>
    %dma_wait3A_809 = tpu.memref_squeeze %dma_wait3A_808 : memref<1x125xi32, #tpu.memory_space<vmem>> -> memref<125xi32, #tpu.memory_space<vmem>>
    %dma_wait3A_810 = arith.constant 0 : i32
    %dma_wait3A_811 = arith.constant 0 : i32
    %dma_wait3A_812 = tpu.memref_slice %arg2[%dma_wait3A_810, %dma_wait3A_811] : memref<10000x128xf32, #tpu.memory_space<hbm>> -> memref<10000x128xf32, #tpu.memory_space<hbm>>
    tpu.wait_indirect_dma semaphore(%arg12 : memref<!tpu.dma_semaphore, #tpu.memory_space<semaphore_mem>>) src(%dma_wait3A_812 : memref<10000x128xf32, #tpu.memory_space<hbm>>) dst(%arg9 : memref<125x128xf32, #tpu.memory_space<vmem>>)
    %run_scoped3A_813 = arith.constant 12 : i32
    "tpu.region"() ({
      %run_scoped3A_1222 = tpu.sem_alloc : memref<!tpu.dma_semaphore, #tpu.memory_space<semaphore_mem>>
      %dma_start3A_1223 = arith.constant 0 : i32
      %dma_start3A_1224 = tpu.memref_slice %arg8[%run_scoped3A_813, %dma_start3A_1223] : memref<40x125xi32, #tpu.memory_space<vmem>> -> memref<1x125xi32, #tpu.memory_space<vmem>>
      %dma_start3A_1225 = tpu.memref_squeeze %dma_start3A_1224 : memref<1x125xi32, #tpu.memory_space<vmem>> -> memref<125xi32, #tpu.memory_space<vmem>>
      %dma_start3A_1226 = arith.constant 0 : i32
      %dma_start3A_1227 = arith.constant 0 : i32
      %dma_start3A_1228 = tpu.memref_slice %arg11[%dma_start3A_1226, %dma_start3A_1227] : memref<10000x128xf32, #tpu.memory_space<vmem_shared>> -> memref<10000x128xf32, #tpu.memory_space<vmem_shared>>
      tpu.enqueue_indirect_dma source(%arg9 : memref<125x128xf32, #tpu.memory_space<vmem>>) target(%dma_start3A_1228 : memref<10000x128xf32, #tpu.memory_space<vmem_shared>>) offsets(%dma_start3A_1225 : memref<125xi32, #tpu.memory_space<vmem>>) semaphore(%run_scoped3A_1222 : memref<!tpu.dma_semaphore, #tpu.memory_space<semaphore_mem>>) {add = true}
      %dma_wait3A_1229 = arith.constant 0 : i32
      %dma_wait3A_1230 = tpu.memref_slice %arg8[%run_scoped3A_813, %dma_wait3A_1229] : memref<40x125xi32, #tpu.memory_space<vmem>> -> memref<1x125xi32, #tpu.memory_space<vmem>>
      %dma_wait3A_1231 = tpu.memref_squeeze %dma_wait3A_1230 : memref<1x125xi32, #tpu.memory_space<vmem>> -> memref<125xi32, #tpu.memory_space<vmem>>
      %dma_wait3A_1232 = arith.constant 0 : i32
      %dma_wait3A_1233 = arith.constant 0 : i32
      %dma_wait3A_1234 = tpu.memref_slice %arg11[%dma_wait3A_1232, %dma_wait3A_1233] : memref<10000x128xf32, #tpu.memory_space<vmem_shared>> -> memref<10000x128xf32, #tpu.memory_space<vmem_shared>>
      tpu.wait_indirect_dma semaphore(%run_scoped3A_1222 : memref<!tpu.dma_semaphore, #tpu.memory_space<semaphore_mem>>) src(%arg9 : memref<125x128xf32, #tpu.memory_space<vmem>>) dst(%dma_wait3A_1234 : memref<10000x128xf32, #tpu.memory_space<vmem_shared>>)
      tpu.yield
    }) : () -> ()
    %dma_start3A_814 = arith.constant 14 : i32
    %dma_start3A_815 = arith.constant 0 : i32
    %dma_start3A_816 = tpu.memref_slice %arg7[%dma_start3A_814, %dma_start3A_815] : memref<40x125xi32, #tpu.memory_space<vmem>> -> memref<1x125xi32, #tpu.memory_space<vmem>>
    %dma_start3A_817 = tpu.memref_squeeze %dma_start3A_816 : memref<1x125xi32, #tpu.memory_space<vmem>> -> memref<125xi32, #tpu.memory_space<vmem>>
    %dma_start3A_818 = arith.constant 0 : i32
    %dma_start3A_819 = arith.constant 0 : i32
    %dma_start3A_820 = tpu.memref_slice %arg2[%dma_start3A_818, %dma_start3A_819] : memref<10000x128xf32, #tpu.memory_space<hbm>> -> memref<10000x128xf32, #tpu.memory_space<hbm>>
    tpu.enqueue_indirect_dma source(%dma_start3A_820 : memref<10000x128xf32, #tpu.memory_space<hbm>>) target(%arg9 : memref<125x128xf32, #tpu.memory_space<vmem>>) offsets(%dma_start3A_817 : memref<125xi32, #tpu.memory_space<vmem>>) semaphore(%arg12 : memref<!tpu.dma_semaphore, #tpu.memory_space<semaphore_mem>>)
    %dma_wait3A_821 = arith.constant 13 : i32
    %dma_wait3A_822 = arith.constant 0 : i32
    %dma_wait3A_823 = tpu.memref_slice %arg7[%dma_wait3A_821, %dma_wait3A_822] : memref<40x125xi32, #tpu.memory_space<vmem>> -> memref<1x125xi32, #tpu.memory_space<vmem>>
    %dma_wait3A_824 = tpu.memref_squeeze %dma_wait3A_823 : memref<1x125xi32, #tpu.memory_space<vmem>> -> memref<125xi32, #tpu.memory_space<vmem>>
    %dma_wait3A_825 = arith.constant 0 : i32
    %dma_wait3A_826 = arith.constant 0 : i32
    %dma_wait3A_827 = tpu.memref_slice %arg2[%dma_wait3A_825, %dma_wait3A_826] : memref<10000x128xf32, #tpu.memory_space<hbm>> -> memref<10000x128xf32, #tpu.memory_space<hbm>>
    tpu.wait_indirect_dma semaphore(%arg13 : memref<!tpu.dma_semaphore, #tpu.memory_space<semaphore_mem>>) src(%dma_wait3A_827 : memref<10000x128xf32, #tpu.memory_space<hbm>>) dst(%arg10 : memref<125x128xf32, #tpu.memory_space<vmem>>)
    %run_scoped3A_828 = arith.constant 13 : i32
    "tpu.region"() ({
      %run_scoped3A_1222 = tpu.sem_alloc : memref<!tpu.dma_semaphore, #tpu.memory_space<semaphore_mem>>
      %dma_start3A_1223 = arith.constant 0 : i32
      %dma_start3A_1224 = tpu.memref_slice %arg8[%run_scoped3A_828, %dma_start3A_1223] : memref<40x125xi32, #tpu.memory_space<vmem>> -> memref<1x125xi32, #tpu.memory_space<vmem>>
      %dma_start3A_1225 = tpu.memref_squeeze %dma_start3A_1224 : memref<1x125xi32, #tpu.memory_space<vmem>> -> memref<125xi32, #tpu.memory_space<vmem>>
      %dma_start3A_1226 = arith.constant 0 : i32
      %dma_start3A_1227 = arith.constant 0 : i32
      %dma_start3A_1228 = tpu.memref_slice %arg11[%dma_start3A_1226, %dma_start3A_1227] : memref<10000x128xf32, #tpu.memory_space<vmem_shared>> -> memref<10000x128xf32, #tpu.memory_space<vmem_shared>>
      tpu.enqueue_indirect_dma source(%arg10 : memref<125x128xf32, #tpu.memory_space<vmem>>) target(%dma_start3A_1228 : memref<10000x128xf32, #tpu.memory_space<vmem_shared>>) offsets(%dma_start3A_1225 : memref<125xi32, #tpu.memory_space<vmem>>) semaphore(%run_scoped3A_1222 : memref<!tpu.dma_semaphore, #tpu.memory_space<semaphore_mem>>) {add = true}
      %dma_wait3A_1229 = arith.constant 0 : i32
      %dma_wait3A_1230 = tpu.memref_slice %arg8[%run_scoped3A_828, %dma_wait3A_1229] : memref<40x125xi32, #tpu.memory_space<vmem>> -> memref<1x125xi32, #tpu.memory_space<vmem>>
      %dma_wait3A_1231 = tpu.memref_squeeze %dma_wait3A_1230 : memref<1x125xi32, #tpu.memory_space<vmem>> -> memref<125xi32, #tpu.memory_space<vmem>>
      %dma_wait3A_1232 = arith.constant 0 : i32
      %dma_wait3A_1233 = arith.constant 0 : i32
      %dma_wait3A_1234 = tpu.memref_slice %arg11[%dma_wait3A_1232, %dma_wait3A_1233] : memref<10000x128xf32, #tpu.memory_space<vmem_shared>> -> memref<10000x128xf32, #tpu.memory_space<vmem_shared>>
      tpu.wait_indirect_dma semaphore(%run_scoped3A_1222 : memref<!tpu.dma_semaphore, #tpu.memory_space<semaphore_mem>>) src(%arg10 : memref<125x128xf32, #tpu.memory_space<vmem>>) dst(%dma_wait3A_1234 : memref<10000x128xf32, #tpu.memory_space<vmem_shared>>)
      tpu.yield
    }) : () -> ()
    %dma_start3A_829 = arith.constant 15 : i32
    %dma_start3A_830 = arith.constant 0 : i32
    %dma_start3A_831 = tpu.memref_slice %arg7[%dma_start3A_829, %dma_start3A_830] : memref<40x125xi32, #tpu.memory_space<vmem>> -> memref<1x125xi32, #tpu.memory_space<vmem>>
    %dma_start3A_832 = tpu.memref_squeeze %dma_start3A_831 : memref<1x125xi32, #tpu.memory_space<vmem>> -> memref<125xi32, #tpu.memory_space<vmem>>
    %dma_start3A_833 = arith.constant 0 : i32
    %dma_start3A_834 = arith.constant 0 : i32
    %dma_start3A_835 = tpu.memref_slice %arg2[%dma_start3A_833, %dma_start3A_834] : memref<10000x128xf32, #tpu.memory_space<hbm>> -> memref<10000x128xf32, #tpu.memory_space<hbm>>
    tpu.enqueue_indirect_dma source(%dma_start3A_835 : memref<10000x128xf32, #tpu.memory_space<hbm>>) target(%arg10 : memref<125x128xf32, #tpu.memory_space<vmem>>) offsets(%dma_start3A_832 : memref<125xi32, #tpu.memory_space<vmem>>) semaphore(%arg13 : memref<!tpu.dma_semaphore, #tpu.memory_space<semaphore_mem>>)
    %dma_wait3A_836 = arith.constant 14 : i32
    %dma_wait3A_837 = arith.constant 0 : i32
    %dma_wait3A_838 = tpu.memref_slice %arg7[%dma_wait3A_836, %dma_wait3A_837] : memref<40x125xi32, #tpu.memory_space<vmem>> -> memref<1x125xi32, #tpu.memory_space<vmem>>
    %dma_wait3A_839 = tpu.memref_squeeze %dma_wait3A_838 : memref<1x125xi32, #tpu.memory_space<vmem>> -> memref<125xi32, #tpu.memory_space<vmem>>
    %dma_wait3A_840 = arith.constant 0 : i32
    %dma_wait3A_841 = arith.constant 0 : i32
    %dma_wait3A_842 = tpu.memref_slice %arg2[%dma_wait3A_840, %dma_wait3A_841] : memref<10000x128xf32, #tpu.memory_space<hbm>> -> memref<10000x128xf32, #tpu.memory_space<hbm>>
    tpu.wait_indirect_dma semaphore(%arg12 : memref<!tpu.dma_semaphore, #tpu.memory_space<semaphore_mem>>) src(%dma_wait3A_842 : memref<10000x128xf32, #tpu.memory_space<hbm>>) dst(%arg9 : memref<125x128xf32, #tpu.memory_space<vmem>>)
    %run_scoped3A_843 = arith.constant 14 : i32
    "tpu.region"() ({
      %run_scoped3A_1222 = tpu.sem_alloc : memref<!tpu.dma_semaphore, #tpu.memory_space<semaphore_mem>>
      %dma_start3A_1223 = arith.constant 0 : i32
      %dma_start3A_1224 = tpu.memref_slice %arg8[%run_scoped3A_843, %dma_start3A_1223] : memref<40x125xi32, #tpu.memory_space<vmem>> -> memref<1x125xi32, #tpu.memory_space<vmem>>
      %dma_start3A_1225 = tpu.memref_squeeze %dma_start3A_1224 : memref<1x125xi32, #tpu.memory_space<vmem>> -> memref<125xi32, #tpu.memory_space<vmem>>
      %dma_start3A_1226 = arith.constant 0 : i32
      %dma_start3A_1227 = arith.constant 0 : i32
      %dma_start3A_1228 = tpu.memref_slice %arg11[%dma_start3A_1226, %dma_start3A_1227] : memref<10000x128xf32, #tpu.memory_space<vmem_shared>> -> memref<10000x128xf32, #tpu.memory_space<vmem_shared>>
      tpu.enqueue_indirect_dma source(%arg9 : memref<125x128xf32, #tpu.memory_space<vmem>>) target(%dma_start3A_1228 : memref<10000x128xf32, #tpu.memory_space<vmem_shared>>) offsets(%dma_start3A_1225 : memref<125xi32, #tpu.memory_space<vmem>>) semaphore(%run_scoped3A_1222 : memref<!tpu.dma_semaphore, #tpu.memory_space<semaphore_mem>>) {add = true}
      %dma_wait3A_1229 = arith.constant 0 : i32
      %dma_wait3A_1230 = tpu.memref_slice %arg8[%run_scoped3A_843, %dma_wait3A_1229] : memref<40x125xi32, #tpu.memory_space<vmem>> -> memref<1x125xi32, #tpu.memory_space<vmem>>
      %dma_wait3A_1231 = tpu.memref_squeeze %dma_wait3A_1230 : memref<1x125xi32, #tpu.memory_space<vmem>> -> memref<125xi32, #tpu.memory_space<vmem>>
      %dma_wait3A_1232 = arith.constant 0 : i32
      %dma_wait3A_1233 = arith.constant 0 : i32
      %dma_wait3A_1234 = tpu.memref_slice %arg11[%dma_wait3A_1232, %dma_wait3A_1233] : memref<10000x128xf32, #tpu.memory_space<vmem_shared>> -> memref<10000x128xf32, #tpu.memory_space<vmem_shared>>
      tpu.wait_indirect_dma semaphore(%run_scoped3A_1222 : memref<!tpu.dma_semaphore, #tpu.memory_space<semaphore_mem>>) src(%arg9 : memref<125x128xf32, #tpu.memory_space<vmem>>) dst(%dma_wait3A_1234 : memref<10000x128xf32, #tpu.memory_space<vmem_shared>>)
      tpu.yield
    }) : () -> ()
    %dma_start3A_844 = arith.constant 16 : i32
    %dma_start3A_845 = arith.constant 0 : i32
    %dma_start3A_846 = tpu.memref_slice %arg7[%dma_start3A_844, %dma_start3A_845] : memref<40x125xi32, #tpu.memory_space<vmem>> -> memref<1x125xi32, #tpu.memory_space<vmem>>
    %dma_start3A_847 = tpu.memref_squeeze %dma_start3A_846 : memref<1x125xi32, #tpu.memory_space<vmem>> -> memref<125xi32, #tpu.memory_space<vmem>>
    %dma_start3A_848 = arith.constant 0 : i32
    %dma_start3A_849 = arith.constant 0 : i32
    %dma_start3A_850 = tpu.memref_slice %arg2[%dma_start3A_848, %dma_start3A_849] : memref<10000x128xf32, #tpu.memory_space<hbm>> -> memref<10000x128xf32, #tpu.memory_space<hbm>>
    tpu.enqueue_indirect_dma source(%dma_start3A_850 : memref<10000x128xf32, #tpu.memory_space<hbm>>) target(%arg9 : memref<125x128xf32, #tpu.memory_space<vmem>>) offsets(%dma_start3A_847 : memref<125xi32, #tpu.memory_space<vmem>>) semaphore(%arg12 : memref<!tpu.dma_semaphore, #tpu.memory_space<semaphore_mem>>)
    %dma_wait3A_851 = arith.constant 15 : i32
    %dma_wait3A_852 = arith.constant 0 : i32
    %dma_wait3A_853 = tpu.memref_slice %arg7[%dma_wait3A_851, %dma_wait3A_852] : memref<40x125xi32, #tpu.memory_space<vmem>> -> memref<1x125xi32, #tpu.memory_space<vmem>>
    %dma_wait3A_854 = tpu.memref_squeeze %dma_wait3A_853 : memref<1x125xi32, #tpu.memory_space<vmem>> -> memref<125xi32, #tpu.memory_space<vmem>>
    %dma_wait3A_855 = arith.constant 0 : i32
    %dma_wait3A_856 = arith.constant 0 : i32
    %dma_wait3A_857 = tpu.memref_slice %arg2[%dma_wait3A_855, %dma_wait3A_856] : memref<10000x128xf32, #tpu.memory_space<hbm>> -> memref<10000x128xf32, #tpu.memory_space<hbm>>
    tpu.wait_indirect_dma semaphore(%arg13 : memref<!tpu.dma_semaphore, #tpu.memory_space<semaphore_mem>>) src(%dma_wait3A_857 : memref<10000x128xf32, #tpu.memory_space<hbm>>) dst(%arg10 : memref<125x128xf32, #tpu.memory_space<vmem>>)
    %run_scoped3A_858 = arith.constant 15 : i32
    "tpu.region"() ({
      %run_scoped3A_1222 = tpu.sem_alloc : memref<!tpu.dma_semaphore, #tpu.memory_space<semaphore_mem>>
      %dma_start3A_1223 = arith.constant 0 : i32
      %dma_start3A_1224 = tpu.memref_slice %arg8[%run_scoped3A_858, %dma_start3A_1223] : memref<40x125xi32, #tpu.memory_space<vmem>> -> memref<1x125xi32, #tpu.memory_space<vmem>>
      %dma_start3A_1225 = tpu.memref_squeeze %dma_start3A_1224 : memref<1x125xi32, #tpu.memory_space<vmem>> -> memref<125xi32, #tpu.memory_space<vmem>>
      %dma_start3A_1226 = arith.constant 0 : i32
      %dma_start3A_1227 = arith.constant 0 : i32
      %dma_start3A_1228 = tpu.memref_slice %arg11[%dma_start3A_1226, %dma_start3A_1227] : memref<10000x128xf32, #tpu.memory_space<vmem_shared>> -> memref<10000x128xf32, #tpu.memory_space<vmem_shared>>
      tpu.enqueue_indirect_dma source(%arg10 : memref<125x128xf32, #tpu.memory_space<vmem>>) target(%dma_start3A_1228 : memref<10000x128xf32, #tpu.memory_space<vmem_shared>>) offsets(%dma_start3A_1225 : memref<125xi32, #tpu.memory_space<vmem>>) semaphore(%run_scoped3A_1222 : memref<!tpu.dma_semaphore, #tpu.memory_space<semaphore_mem>>) {add = true}
      %dma_wait3A_1229 = arith.constant 0 : i32
      %dma_wait3A_1230 = tpu.memref_slice %arg8[%run_scoped3A_858, %dma_wait3A_1229] : memref<40x125xi32, #tpu.memory_space<vmem>> -> memref<1x125xi32, #tpu.memory_space<vmem>>
      %dma_wait3A_1231 = tpu.memref_squeeze %dma_wait3A_1230 : memref<1x125xi32, #tpu.memory_space<vmem>> -> memref<125xi32, #tpu.memory_space<vmem>>
      %dma_wait3A_1232 = arith.constant 0 : i32
      %dma_wait3A_1233 = arith.constant 0 : i32
      %dma_wait3A_1234 = tpu.memref_slice %arg11[%dma_wait3A_1232, %dma_wait3A_1233] : memref<10000x128xf32, #tpu.memory_space<vmem_shared>> -> memref<10000x128xf32, #tpu.memory_space<vmem_shared>>
      tpu.wait_indirect_dma semaphore(%run_scoped3A_1222 : memref<!tpu.dma_semaphore, #tpu.memory_space<semaphore_mem>>) src(%arg10 : memref<125x128xf32, #tpu.memory_space<vmem>>) dst(%dma_wait3A_1234 : memref<10000x128xf32, #tpu.memory_space<vmem_shared>>)
      tpu.yield
    }) : () -> ()
    %dma_start3A_859 = arith.constant 17 : i32
    %dma_start3A_860 = arith.constant 0 : i32
    %dma_start3A_861 = tpu.memref_slice %arg7[%dma_start3A_859, %dma_start3A_860] : memref<40x125xi32, #tpu.memory_space<vmem>> -> memref<1x125xi32, #tpu.memory_space<vmem>>
    %dma_start3A_862 = tpu.memref_squeeze %dma_start3A_861 : memref<1x125xi32, #tpu.memory_space<vmem>> -> memref<125xi32, #tpu.memory_space<vmem>>
    %dma_start3A_863 = arith.constant 0 : i32
    %dma_start3A_864 = arith.constant 0 : i32
    %dma_start3A_865 = tpu.memref_slice %arg2[%dma_start3A_863, %dma_start3A_864] : memref<10000x128xf32, #tpu.memory_space<hbm>> -> memref<10000x128xf32, #tpu.memory_space<hbm>>
    tpu.enqueue_indirect_dma source(%dma_start3A_865 : memref<10000x128xf32, #tpu.memory_space<hbm>>) target(%arg10 : memref<125x128xf32, #tpu.memory_space<vmem>>) offsets(%dma_start3A_862 : memref<125xi32, #tpu.memory_space<vmem>>) semaphore(%arg13 : memref<!tpu.dma_semaphore, #tpu.memory_space<semaphore_mem>>)
    %dma_wait3A_866 = arith.constant 16 : i32
    %dma_wait3A_867 = arith.constant 0 : i32
    %dma_wait3A_868 = tpu.memref_slice %arg7[%dma_wait3A_866, %dma_wait3A_867] : memref<40x125xi32, #tpu.memory_space<vmem>> -> memref<1x125xi32, #tpu.memory_space<vmem>>
    %dma_wait3A_869 = tpu.memref_squeeze %dma_wait3A_868 : memref<1x125xi32, #tpu.memory_space<vmem>> -> memref<125xi32, #tpu.memory_space<vmem>>
    %dma_wait3A_870 = arith.constant 0 : i32
    %dma_wait3A_871 = arith.constant 0 : i32
    %dma_wait3A_872 = tpu.memref_slice %arg2[%dma_wait3A_870, %dma_wait3A_871] : memref<10000x128xf32, #tpu.memory_space<hbm>> -> memref<10000x128xf32, #tpu.memory_space<hbm>>
    tpu.wait_indirect_dma semaphore(%arg12 : memref<!tpu.dma_semaphore, #tpu.memory_space<semaphore_mem>>) src(%dma_wait3A_872 : memref<10000x128xf32, #tpu.memory_space<hbm>>) dst(%arg9 : memref<125x128xf32, #tpu.memory_space<vmem>>)
    %run_scoped3A_873 = arith.constant 16 : i32
    "tpu.region"() ({
      %run_scoped3A_1222 = tpu.sem_alloc : memref<!tpu.dma_semaphore, #tpu.memory_space<semaphore_mem>>
      %dma_start3A_1223 = arith.constant 0 : i32
      %dma_start3A_1224 = tpu.memref_slice %arg8[%run_scoped3A_873, %dma_start3A_1223] : memref<40x125xi32, #tpu.memory_space<vmem>> -> memref<1x125xi32, #tpu.memory_space<vmem>>
      %dma_start3A_1225 = tpu.memref_squeeze %dma_start3A_1224 : memref<1x125xi32, #tpu.memory_space<vmem>> -> memref<125xi32, #tpu.memory_space<vmem>>
      %dma_start3A_1226 = arith.constant 0 : i32
      %dma_start3A_1227 = arith.constant 0 : i32
      %dma_start3A_1228 = tpu.memref_slice %arg11[%dma_start3A_1226, %dma_start3A_1227] : memref<10000x128xf32, #tpu.memory_space<vmem_shared>> -> memref<10000x128xf32, #tpu.memory_space<vmem_shared>>
      tpu.enqueue_indirect_dma source(%arg9 : memref<125x128xf32, #tpu.memory_space<vmem>>) target(%dma_start3A_1228 : memref<10000x128xf32, #tpu.memory_space<vmem_shared>>) offsets(%dma_start3A_1225 : memref<125xi32, #tpu.memory_space<vmem>>) semaphore(%run_scoped3A_1222 : memref<!tpu.dma_semaphore, #tpu.memory_space<semaphore_mem>>) {add = true}
      %dma_wait3A_1229 = arith.constant 0 : i32
      %dma_wait3A_1230 = tpu.memref_slice %arg8[%run_scoped3A_873, %dma_wait3A_1229] : memref<40x125xi32, #tpu.memory_space<vmem>> -> memref<1x125xi32, #tpu.memory_space<vmem>>
      %dma_wait3A_1231 = tpu.memref_squeeze %dma_wait3A_1230 : memref<1x125xi32, #tpu.memory_space<vmem>> -> memref<125xi32, #tpu.memory_space<vmem>>
      %dma_wait3A_1232 = arith.constant 0 : i32
      %dma_wait3A_1233 = arith.constant 0 : i32
      %dma_wait3A_1234 = tpu.memref_slice %arg11[%dma_wait3A_1232, %dma_wait3A_1233] : memref<10000x128xf32, #tpu.memory_space<vmem_shared>> -> memref<10000x128xf32, #tpu.memory_space<vmem_shared>>
      tpu.wait_indirect_dma semaphore(%run_scoped3A_1222 : memref<!tpu.dma_semaphore, #tpu.memory_space<semaphore_mem>>) src(%arg9 : memref<125x128xf32, #tpu.memory_space<vmem>>) dst(%dma_wait3A_1234 : memref<10000x128xf32, #tpu.memory_space<vmem_shared>>)
      tpu.yield
    }) : () -> ()
    %dma_start3A_874 = arith.constant 18 : i32
    %dma_start3A_875 = arith.constant 0 : i32
    %dma_start3A_876 = tpu.memref_slice %arg7[%dma_start3A_874, %dma_start3A_875] : memref<40x125xi32, #tpu.memory_space<vmem>> -> memref<1x125xi32, #tpu.memory_space<vmem>>
    %dma_start3A_877 = tpu.memref_squeeze %dma_start3A_876 : memref<1x125xi32, #tpu.memory_space<vmem>> -> memref<125xi32, #tpu.memory_space<vmem>>
    %dma_start3A_878 = arith.constant 0 : i32
    %dma_start3A_879 = arith.constant 0 : i32
    %dma_start3A_880 = tpu.memref_slice %arg2[%dma_start3A_878, %dma_start3A_879] : memref<10000x128xf32, #tpu.memory_space<hbm>> -> memref<10000x128xf32, #tpu.memory_space<hbm>>
    tpu.enqueue_indirect_dma source(%dma_start3A_880 : memref<10000x128xf32, #tpu.memory_space<hbm>>) target(%arg9 : memref<125x128xf32, #tpu.memory_space<vmem>>) offsets(%dma_start3A_877 : memref<125xi32, #tpu.memory_space<vmem>>) semaphore(%arg12 : memref<!tpu.dma_semaphore, #tpu.memory_space<semaphore_mem>>)
    %dma_wait3A_881 = arith.constant 17 : i32
    %dma_wait3A_882 = arith.constant 0 : i32
    %dma_wait3A_883 = tpu.memref_slice %arg7[%dma_wait3A_881, %dma_wait3A_882] : memref<40x125xi32, #tpu.memory_space<vmem>> -> memref<1x125xi32, #tpu.memory_space<vmem>>
    %dma_wait3A_884 = tpu.memref_squeeze %dma_wait3A_883 : memref<1x125xi32, #tpu.memory_space<vmem>> -> memref<125xi32, #tpu.memory_space<vmem>>
    %dma_wait3A_885 = arith.constant 0 : i32
    %dma_wait3A_886 = arith.constant 0 : i32
    %dma_wait3A_887 = tpu.memref_slice %arg2[%dma_wait3A_885, %dma_wait3A_886] : memref<10000x128xf32, #tpu.memory_space<hbm>> -> memref<10000x128xf32, #tpu.memory_space<hbm>>
    tpu.wait_indirect_dma semaphore(%arg13 : memref<!tpu.dma_semaphore, #tpu.memory_space<semaphore_mem>>) src(%dma_wait3A_887 : memref<10000x128xf32, #tpu.memory_space<hbm>>) dst(%arg10 : memref<125x128xf32, #tpu.memory_space<vmem>>)
    %run_scoped3A_888 = arith.constant 17 : i32
    "tpu.region"() ({
      %run_scoped3A_1222 = tpu.sem_alloc : memref<!tpu.dma_semaphore, #tpu.memory_space<semaphore_mem>>
      %dma_start3A_1223 = arith.constant 0 : i32
      %dma_start3A_1224 = tpu.memref_slice %arg8[%run_scoped3A_888, %dma_start3A_1223] : memref<40x125xi32, #tpu.memory_space<vmem>> -> memref<1x125xi32, #tpu.memory_space<vmem>>
      %dma_start3A_1225 = tpu.memref_squeeze %dma_start3A_1224 : memref<1x125xi32, #tpu.memory_space<vmem>> -> memref<125xi32, #tpu.memory_space<vmem>>
      %dma_start3A_1226 = arith.constant 0 : i32
      %dma_start3A_1227 = arith.constant 0 : i32
      %dma_start3A_1228 = tpu.memref_slice %arg11[%dma_start3A_1226, %dma_start3A_1227] : memref<10000x128xf32, #tpu.memory_space<vmem_shared>> -> memref<10000x128xf32, #tpu.memory_space<vmem_shared>>
      tpu.enqueue_indirect_dma source(%arg10 : memref<125x128xf32, #tpu.memory_space<vmem>>) target(%dma_start3A_1228 : memref<10000x128xf32, #tpu.memory_space<vmem_shared>>) offsets(%dma_start3A_1225 : memref<125xi32, #tpu.memory_space<vmem>>) semaphore(%run_scoped3A_1222 : memref<!tpu.dma_semaphore, #tpu.memory_space<semaphore_mem>>) {add = true}
      %dma_wait3A_1229 = arith.constant 0 : i32
      %dma_wait3A_1230 = tpu.memref_slice %arg8[%run_scoped3A_888, %dma_wait3A_1229] : memref<40x125xi32, #tpu.memory_space<vmem>> -> memref<1x125xi32, #tpu.memory_space<vmem>>
      %dma_wait3A_1231 = tpu.memref_squeeze %dma_wait3A_1230 : memref<1x125xi32, #tpu.memory_space<vmem>> -> memref<125xi32, #tpu.memory_space<vmem>>
      %dma_wait3A_1232 = arith.constant 0 : i32
      %dma_wait3A_1233 = arith.constant 0 : i32
      %dma_wait3A_1234 = tpu.memref_slice %arg11[%dma_wait3A_1232, %dma_wait3A_1233] : memref<10000x128xf32, #tpu.memory_space<vmem_shared>> -> memref<10000x128xf32, #tpu.memory_space<vmem_shared>>
      tpu.wait_indirect_dma semaphore(%run_scoped3A_1222 : memref<!tpu.dma_semaphore, #tpu.memory_space<semaphore_mem>>) src(%arg10 : memref<125x128xf32, #tpu.memory_space<vmem>>) dst(%dma_wait3A_1234 : memref<10000x128xf32, #tpu.memory_space<vmem_shared>>)
      tpu.yield
    }) : () -> ()
    %dma_start3A_889 = arith.constant 19 : i32
    %dma_start3A_890 = arith.constant 0 : i32
    %dma_start3A_891 = tpu.memref_slice %arg7[%dma_start3A_889, %dma_start3A_890] : memref<40x125xi32, #tpu.memory_space<vmem>> -> memref<1x125xi32, #tpu.memory_space<vmem>>
    %dma_start3A_892 = tpu.memref_squeeze %dma_start3A_891 : memref<1x125xi32, #tpu.memory_space<vmem>> -> memref<125xi32, #tpu.memory_space<vmem>>
    %dma_start3A_893 = arith.constant 0 : i32
    %dma_start3A_894 = arith.constant 0 : i32
    %dma_start3A_895 = tpu.memref_slice %arg2[%dma_start3A_893, %dma_start3A_894] : memref<10000x128xf32, #tpu.memory_space<hbm>> -> memref<10000x128xf32, #tpu.memory_space<hbm>>
    tpu.enqueue_indirect_dma source(%dma_start3A_895 : memref<10000x128xf32, #tpu.memory_space<hbm>>) target(%arg10 : memref<125x128xf32, #tpu.memory_space<vmem>>) offsets(%dma_start3A_892 : memref<125xi32, #tpu.memory_space<vmem>>) semaphore(%arg13 : memref<!tpu.dma_semaphore, #tpu.memory_space<semaphore_mem>>)
    %dma_wait3A_896 = arith.constant 18 : i32
    %dma_wait3A_897 = arith.constant 0 : i32
    %dma_wait3A_898 = tpu.memref_slice %arg7[%dma_wait3A_896, %dma_wait3A_897] : memref<40x125xi32, #tpu.memory_space<vmem>> -> memref<1x125xi32, #tpu.memory_space<vmem>>
    %dma_wait3A_899 = tpu.memref_squeeze %dma_wait3A_898 : memref<1x125xi32, #tpu.memory_space<vmem>> -> memref<125xi32, #tpu.memory_space<vmem>>
    %dma_wait3A_900 = arith.constant 0 : i32
    %dma_wait3A_901 = arith.constant 0 : i32
    %dma_wait3A_902 = tpu.memref_slice %arg2[%dma_wait3A_900, %dma_wait3A_901] : memref<10000x128xf32, #tpu.memory_space<hbm>> -> memref<10000x128xf32, #tpu.memory_space<hbm>>
    tpu.wait_indirect_dma semaphore(%arg12 : memref<!tpu.dma_semaphore, #tpu.memory_space<semaphore_mem>>) src(%dma_wait3A_902 : memref<10000x128xf32, #tpu.memory_space<hbm>>) dst(%arg9 : memref<125x128xf32, #tpu.memory_space<vmem>>)
    %run_scoped3A_903 = arith.constant 18 : i32
    "tpu.region"() ({
      %run_scoped3A_1222 = tpu.sem_alloc : memref<!tpu.dma_semaphore, #tpu.memory_space<semaphore_mem>>
      %dma_start3A_1223 = arith.constant 0 : i32
      %dma_start3A_1224 = tpu.memref_slice %arg8[%run_scoped3A_903, %dma_start3A_1223] : memref<40x125xi32, #tpu.memory_space<vmem>> -> memref<1x125xi32, #tpu.memory_space<vmem>>
      %dma_start3A_1225 = tpu.memref_squeeze %dma_start3A_1224 : memref<1x125xi32, #tpu.memory_space<vmem>> -> memref<125xi32, #tpu.memory_space<vmem>>
      %dma_start3A_1226 = arith.constant 0 : i32
      %dma_start3A_1227 = arith.constant 0 : i32
      %dma_start3A_1228 = tpu.memref_slice %arg11[%dma_start3A_1226, %dma_start3A_1227] : memref<10000x128xf32, #tpu.memory_space<vmem_shared>> -> memref<10000x128xf32, #tpu.memory_space<vmem_shared>>
      tpu.enqueue_indirect_dma source(%arg9 : memref<125x128xf32, #tpu.memory_space<vmem>>) target(%dma_start3A_1228 : memref<10000x128xf32, #tpu.memory_space<vmem_shared>>) offsets(%dma_start3A_1225 : memref<125xi32, #tpu.memory_space<vmem>>) semaphore(%run_scoped3A_1222 : memref<!tpu.dma_semaphore, #tpu.memory_space<semaphore_mem>>) {add = true}
      %dma_wait3A_1229 = arith.constant 0 : i32
      %dma_wait3A_1230 = tpu.memref_slice %arg8[%run_scoped3A_903, %dma_wait3A_1229] : memref<40x125xi32, #tpu.memory_space<vmem>> -> memref<1x125xi32, #tpu.memory_space<vmem>>
      %dma_wait3A_1231 = tpu.memref_squeeze %dma_wait3A_1230 : memref<1x125xi32, #tpu.memory_space<vmem>> -> memref<125xi32, #tpu.memory_space<vmem>>
      %dma_wait3A_1232 = arith.constant 0 : i32
      %dma_wait3A_1233 = arith.constant 0 : i32
      %dma_wait3A_1234 = tpu.memref_slice %arg11[%dma_wait3A_1232, %dma_wait3A_1233] : memref<10000x128xf32, #tpu.memory_space<vmem_shared>> -> memref<10000x128xf32, #tpu.memory_space<vmem_shared>>
      tpu.wait_indirect_dma semaphore(%run_scoped3A_1222 : memref<!tpu.dma_semaphore, #tpu.memory_space<semaphore_mem>>) src(%arg9 : memref<125x128xf32, #tpu.memory_space<vmem>>) dst(%dma_wait3A_1234 : memref<10000x128xf32, #tpu.memory_space<vmem_shared>>)
      tpu.yield
    }) : () -> ()
    %dma_start3A_904 = arith.constant 20 : i32
    %dma_start3A_905 = arith.constant 0 : i32
    %dma_start3A_906 = tpu.memref_slice %arg7[%dma_start3A_904, %dma_start3A_905] : memref<40x125xi32, #tpu.memory_space<vmem>> -> memref<1x125xi32, #tpu.memory_space<vmem>>
    %dma_start3A_907 = tpu.memref_squeeze %dma_start3A_906 : memref<1x125xi32, #tpu.memory_space<vmem>> -> memref<125xi32, #tpu.memory_space<vmem>>
    %dma_start3A_908 = arith.constant 0 : i32
    %dma_start3A_909 = arith.constant 0 : i32
    %dma_start3A_910 = tpu.memref_slice %arg2[%dma_start3A_908, %dma_start3A_909] : memref<10000x128xf32, #tpu.memory_space<hbm>> -> memref<10000x128xf32, #tpu.memory_space<hbm>>
    tpu.enqueue_indirect_dma source(%dma_start3A_910 : memref<10000x128xf32, #tpu.memory_space<hbm>>) target(%arg9 : memref<125x128xf32, #tpu.memory_space<vmem>>) offsets(%dma_start3A_907 : memref<125xi32, #tpu.memory_space<vmem>>) semaphore(%arg12 : memref<!tpu.dma_semaphore, #tpu.memory_space<semaphore_mem>>)
    %dma_wait3A_911 = arith.constant 19 : i32
    %dma_wait3A_912 = arith.constant 0 : i32
    %dma_wait3A_913 = tpu.memref_slice %arg7[%dma_wait3A_911, %dma_wait3A_912] : memref<40x125xi32, #tpu.memory_space<vmem>> -> memref<1x125xi32, #tpu.memory_space<vmem>>
    %dma_wait3A_914 = tpu.memref_squeeze %dma_wait3A_913 : memref<1x125xi32, #tpu.memory_space<vmem>> -> memref<125xi32, #tpu.memory_space<vmem>>
    %dma_wait3A_915 = arith.constant 0 : i32
    %dma_wait3A_916 = arith.constant 0 : i32
    %dma_wait3A_917 = tpu.memref_slice %arg2[%dma_wait3A_915, %dma_wait3A_916] : memref<10000x128xf32, #tpu.memory_space<hbm>> -> memref<10000x128xf32, #tpu.memory_space<hbm>>
    tpu.wait_indirect_dma semaphore(%arg13 : memref<!tpu.dma_semaphore, #tpu.memory_space<semaphore_mem>>) src(%dma_wait3A_917 : memref<10000x128xf32, #tpu.memory_space<hbm>>) dst(%arg10 : memref<125x128xf32, #tpu.memory_space<vmem>>)
    %run_scoped3A_918 = arith.constant 19 : i32
    "tpu.region"() ({
      %run_scoped3A_1222 = tpu.sem_alloc : memref<!tpu.dma_semaphore, #tpu.memory_space<semaphore_mem>>
      %dma_start3A_1223 = arith.constant 0 : i32
      %dma_start3A_1224 = tpu.memref_slice %arg8[%run_scoped3A_918, %dma_start3A_1223] : memref<40x125xi32, #tpu.memory_space<vmem>> -> memref<1x125xi32, #tpu.memory_space<vmem>>
      %dma_start3A_1225 = tpu.memref_squeeze %dma_start3A_1224 : memref<1x125xi32, #tpu.memory_space<vmem>> -> memref<125xi32, #tpu.memory_space<vmem>>
      %dma_start3A_1226 = arith.constant 0 : i32
      %dma_start3A_1227 = arith.constant 0 : i32
      %dma_start3A_1228 = tpu.memref_slice %arg11[%dma_start3A_1226, %dma_start3A_1227] : memref<10000x128xf32, #tpu.memory_space<vmem_shared>> -> memref<10000x128xf32, #tpu.memory_space<vmem_shared>>
      tpu.enqueue_indirect_dma source(%arg10 : memref<125x128xf32, #tpu.memory_space<vmem>>) target(%dma_start3A_1228 : memref<10000x128xf32, #tpu.memory_space<vmem_shared>>) offsets(%dma_start3A_1225 : memref<125xi32, #tpu.memory_space<vmem>>) semaphore(%run_scoped3A_1222 : memref<!tpu.dma_semaphore, #tpu.memory_space<semaphore_mem>>) {add = true}
      %dma_wait3A_1229 = arith.constant 0 : i32
      %dma_wait3A_1230 = tpu.memref_slice %arg8[%run_scoped3A_918, %dma_wait3A_1229] : memref<40x125xi32, #tpu.memory_space<vmem>> -> memref<1x125xi32, #tpu.memory_space<vmem>>
      %dma_wait3A_1231 = tpu.memref_squeeze %dma_wait3A_1230 : memref<1x125xi32, #tpu.memory_space<vmem>> -> memref<125xi32, #tpu.memory_space<vmem>>
      %dma_wait3A_1232 = arith.constant 0 : i32
      %dma_wait3A_1233 = arith.constant 0 : i32
      %dma_wait3A_1234 = tpu.memref_slice %arg11[%dma_wait3A_1232, %dma_wait3A_1233] : memref<10000x128xf32, #tpu.memory_space<vmem_shared>> -> memref<10000x128xf32, #tpu.memory_space<vmem_shared>>
      tpu.wait_indirect_dma semaphore(%run_scoped3A_1222 : memref<!tpu.dma_semaphore, #tpu.memory_space<semaphore_mem>>) src(%arg10 : memref<125x128xf32, #tpu.memory_space<vmem>>) dst(%dma_wait3A_1234 : memref<10000x128xf32, #tpu.memory_space<vmem_shared>>)
      tpu.yield
    }) : () -> ()
    %dma_start3A_919 = arith.constant 21 : i32
    %dma_start3A_920 = arith.constant 0 : i32
    %dma_start3A_921 = tpu.memref_slice %arg7[%dma_start3A_919, %dma_start3A_920] : memref<40x125xi32, #tpu.memory_space<vmem>> -> memref<1x125xi32, #tpu.memory_space<vmem>>
    %dma_start3A_922 = tpu.memref_squeeze %dma_start3A_921 : memref<1x125xi32, #tpu.memory_space<vmem>> -> memref<125xi32, #tpu.memory_space<vmem>>
    %dma_start3A_923 = arith.constant 0 : i32
    %dma_start3A_924 = arith.constant 0 : i32
    %dma_start3A_925 = tpu.memref_slice %arg2[%dma_start3A_923, %dma_start3A_924] : memref<10000x128xf32, #tpu.memory_space<hbm>> -> memref<10000x128xf32, #tpu.memory_space<hbm>>
    tpu.enqueue_indirect_dma source(%dma_start3A_925 : memref<10000x128xf32, #tpu.memory_space<hbm>>) target(%arg10 : memref<125x128xf32, #tpu.memory_space<vmem>>) offsets(%dma_start3A_922 : memref<125xi32, #tpu.memory_space<vmem>>) semaphore(%arg13 : memref<!tpu.dma_semaphore, #tpu.memory_space<semaphore_mem>>)
    %dma_wait3A_926 = arith.constant 20 : i32
    %dma_wait3A_927 = arith.constant 0 : i32
    %dma_wait3A_928 = tpu.memref_slice %arg7[%dma_wait3A_926, %dma_wait3A_927] : memref<40x125xi32, #tpu.memory_space<vmem>> -> memref<1x125xi32, #tpu.memory_space<vmem>>
    %dma_wait3A_929 = tpu.memref_squeeze %dma_wait3A_928 : memref<1x125xi32, #tpu.memory_space<vmem>> -> memref<125xi32, #tpu.memory_space<vmem>>
    %dma_wait3A_930 = arith.constant 0 : i32
    %dma_wait3A_931 = arith.constant 0 : i32
    %dma_wait3A_932 = tpu.memref_slice %arg2[%dma_wait3A_930, %dma_wait3A_931] : memref<10000x128xf32, #tpu.memory_space<hbm>> -> memref<10000x128xf32, #tpu.memory_space<hbm>>
    tpu.wait_indirect_dma semaphore(%arg12 : memref<!tpu.dma_semaphore, #tpu.memory_space<semaphore_mem>>) src(%dma_wait3A_932 : memref<10000x128xf32, #tpu.memory_space<hbm>>) dst(%arg9 : memref<125x128xf32, #tpu.memory_space<vmem>>)
    %run_scoped3A_933 = arith.constant 20 : i32
    "tpu.region"() ({
      %run_scoped3A_1222 = tpu.sem_alloc : memref<!tpu.dma_semaphore, #tpu.memory_space<semaphore_mem>>
      %dma_start3A_1223 = arith.constant 0 : i32
      %dma_start3A_1224 = tpu.memref_slice %arg8[%run_scoped3A_933, %dma_start3A_1223] : memref<40x125xi32, #tpu.memory_space<vmem>> -> memref<1x125xi32, #tpu.memory_space<vmem>>
      %dma_start3A_1225 = tpu.memref_squeeze %dma_start3A_1224 : memref<1x125xi32, #tpu.memory_space<vmem>> -> memref<125xi32, #tpu.memory_space<vmem>>
      %dma_start3A_1226 = arith.constant 0 : i32
      %dma_start3A_1227 = arith.constant 0 : i32
      %dma_start3A_1228 = tpu.memref_slice %arg11[%dma_start3A_1226, %dma_start3A_1227] : memref<10000x128xf32, #tpu.memory_space<vmem_shared>> -> memref<10000x128xf32, #tpu.memory_space<vmem_shared>>
      tpu.enqueue_indirect_dma source(%arg9 : memref<125x128xf32, #tpu.memory_space<vmem>>) target(%dma_start3A_1228 : memref<10000x128xf32, #tpu.memory_space<vmem_shared>>) offsets(%dma_start3A_1225 : memref<125xi32, #tpu.memory_space<vmem>>) semaphore(%run_scoped3A_1222 : memref<!tpu.dma_semaphore, #tpu.memory_space<semaphore_mem>>) {add = true}
      %dma_wait3A_1229 = arith.constant 0 : i32
      %dma_wait3A_1230 = tpu.memref_slice %arg8[%run_scoped3A_933, %dma_wait3A_1229] : memref<40x125xi32, #tpu.memory_space<vmem>> -> memref<1x125xi32, #tpu.memory_space<vmem>>
      %dma_wait3A_1231 = tpu.memref_squeeze %dma_wait3A_1230 : memref<1x125xi32, #tpu.memory_space<vmem>> -> memref<125xi32, #tpu.memory_space<vmem>>
      %dma_wait3A_1232 = arith.constant 0 : i32
      %dma_wait3A_1233 = arith.constant 0 : i32
      %dma_wait3A_1234 = tpu.memref_slice %arg11[%dma_wait3A_1232, %dma_wait3A_1233] : memref<10000x128xf32, #tpu.memory_space<vmem_shared>> -> memref<10000x128xf32, #tpu.memory_space<vmem_shared>>
      tpu.wait_indirect_dma semaphore(%run_scoped3A_1222 : memref<!tpu.dma_semaphore, #tpu.memory_space<semaphore_mem>>) src(%arg9 : memref<125x128xf32, #tpu.memory_space<vmem>>) dst(%dma_wait3A_1234 : memref<10000x128xf32, #tpu.memory_space<vmem_shared>>)
      tpu.yield
    }) : () -> ()
    %dma_start3A_934 = arith.constant 22 : i32
    %dma_start3A_935 = arith.constant 0 : i32
    %dma_start3A_936 = tpu.memref_slice %arg7[%dma_start3A_934, %dma_start3A_935] : memref<40x125xi32, #tpu.memory_space<vmem>> -> memref<1x125xi32, #tpu.memory_space<vmem>>
    %dma_start3A_937 = tpu.memref_squeeze %dma_start3A_936 : memref<1x125xi32, #tpu.memory_space<vmem>> -> memref<125xi32, #tpu.memory_space<vmem>>
    %dma_start3A_938 = arith.constant 0 : i32
    %dma_start3A_939 = arith.constant 0 : i32
    %dma_start3A_940 = tpu.memref_slice %arg2[%dma_start3A_938, %dma_start3A_939] : memref<10000x128xf32, #tpu.memory_space<hbm>> -> memref<10000x128xf32, #tpu.memory_space<hbm>>
    tpu.enqueue_indirect_dma source(%dma_start3A_940 : memref<10000x128xf32, #tpu.memory_space<hbm>>) target(%arg9 : memref<125x128xf32, #tpu.memory_space<vmem>>) offsets(%dma_start3A_937 : memref<125xi32, #tpu.memory_space<vmem>>) semaphore(%arg12 : memref<!tpu.dma_semaphore, #tpu.memory_space<semaphore_mem>>)
    %dma_wait3A_941 = arith.constant 21 : i32
    %dma_wait3A_942 = arith.constant 0 : i32
    %dma_wait3A_943 = tpu.memref_slice %arg7[%dma_wait3A_941, %dma_wait3A_942] : memref<40x125xi32, #tpu.memory_space<vmem>> -> memref<1x125xi32, #tpu.memory_space<vmem>>
    %dma_wait3A_944 = tpu.memref_squeeze %dma_wait3A_943 : memref<1x125xi32, #tpu.memory_space<vmem>> -> memref<125xi32, #tpu.memory_space<vmem>>
    %dma_wait3A_945 = arith.constant 0 : i32
    %dma_wait3A_946 = arith.constant 0 : i32
    %dma_wait3A_947 = tpu.memref_slice %arg2[%dma_wait3A_945, %dma_wait3A_946] : memref<10000x128xf32, #tpu.memory_space<hbm>> -> memref<10000x128xf32, #tpu.memory_space<hbm>>
    tpu.wait_indirect_dma semaphore(%arg13 : memref<!tpu.dma_semaphore, #tpu.memory_space<semaphore_mem>>) src(%dma_wait3A_947 : memref<10000x128xf32, #tpu.memory_space<hbm>>) dst(%arg10 : memref<125x128xf32, #tpu.memory_space<vmem>>)
    %run_scoped3A_948 = arith.constant 21 : i32
    "tpu.region"() ({
      %run_scoped3A_1222 = tpu.sem_alloc : memref<!tpu.dma_semaphore, #tpu.memory_space<semaphore_mem>>
      %dma_start3A_1223 = arith.constant 0 : i32
      %dma_start3A_1224 = tpu.memref_slice %arg8[%run_scoped3A_948, %dma_start3A_1223] : memref<40x125xi32, #tpu.memory_space<vmem>> -> memref<1x125xi32, #tpu.memory_space<vmem>>
      %dma_start3A_1225 = tpu.memref_squeeze %dma_start3A_1224 : memref<1x125xi32, #tpu.memory_space<vmem>> -> memref<125xi32, #tpu.memory_space<vmem>>
      %dma_start3A_1226 = arith.constant 0 : i32
      %dma_start3A_1227 = arith.constant 0 : i32
      %dma_start3A_1228 = tpu.memref_slice %arg11[%dma_start3A_1226, %dma_start3A_1227] : memref<10000x128xf32, #tpu.memory_space<vmem_shared>> -> memref<10000x128xf32, #tpu.memory_space<vmem_shared>>
      tpu.enqueue_indirect_dma source(%arg10 : memref<125x128xf32, #tpu.memory_space<vmem>>) target(%dma_start3A_1228 : memref<10000x128xf32, #tpu.memory_space<vmem_shared>>) offsets(%dma_start3A_1225 : memref<125xi32, #tpu.memory_space<vmem>>) semaphore(%run_scoped3A_1222 : memref<!tpu.dma_semaphore, #tpu.memory_space<semaphore_mem>>) {add = true}
      %dma_wait3A_1229 = arith.constant 0 : i32
      %dma_wait3A_1230 = tpu.memref_slice %arg8[%run_scoped3A_948, %dma_wait3A_1229] : memref<40x125xi32, #tpu.memory_space<vmem>> -> memref<1x125xi32, #tpu.memory_space<vmem>>
      %dma_wait3A_1231 = tpu.memref_squeeze %dma_wait3A_1230 : memref<1x125xi32, #tpu.memory_space<vmem>> -> memref<125xi32, #tpu.memory_space<vmem>>
      %dma_wait3A_1232 = arith.constant 0 : i32
      %dma_wait3A_1233 = arith.constant 0 : i32
      %dma_wait3A_1234 = tpu.memref_slice %arg11[%dma_wait3A_1232, %dma_wait3A_1233] : memref<10000x128xf32, #tpu.memory_space<vmem_shared>> -> memref<10000x128xf32, #tpu.memory_space<vmem_shared>>
      tpu.wait_indirect_dma semaphore(%run_scoped3A_1222 : memref<!tpu.dma_semaphore, #tpu.memory_space<semaphore_mem>>) src(%arg10 : memref<125x128xf32, #tpu.memory_space<vmem>>) dst(%dma_wait3A_1234 : memref<10000x128xf32, #tpu.memory_space<vmem_shared>>)
      tpu.yield
    }) : () -> ()
    %dma_start3A_949 = arith.constant 23 : i32
    %dma_start3A_950 = arith.constant 0 : i32
    %dma_start3A_951 = tpu.memref_slice %arg7[%dma_start3A_949, %dma_start3A_950] : memref<40x125xi32, #tpu.memory_space<vmem>> -> memref<1x125xi32, #tpu.memory_space<vmem>>
    %dma_start3A_952 = tpu.memref_squeeze %dma_start3A_951 : memref<1x125xi32, #tpu.memory_space<vmem>> -> memref<125xi32, #tpu.memory_space<vmem>>
    %dma_start3A_953 = arith.constant 0 : i32
    %dma_start3A_954 = arith.constant 0 : i32
    %dma_start3A_955 = tpu.memref_slice %arg2[%dma_start3A_953, %dma_start3A_954] : memref<10000x128xf32, #tpu.memory_space<hbm>> -> memref<10000x128xf32, #tpu.memory_space<hbm>>
    tpu.enqueue_indirect_dma source(%dma_start3A_955 : memref<10000x128xf32, #tpu.memory_space<hbm>>) target(%arg10 : memref<125x128xf32, #tpu.memory_space<vmem>>) offsets(%dma_start3A_952 : memref<125xi32, #tpu.memory_space<vmem>>) semaphore(%arg13 : memref<!tpu.dma_semaphore, #tpu.memory_space<semaphore_mem>>)
    %dma_wait3A_956 = arith.constant 22 : i32
    %dma_wait3A_957 = arith.constant 0 : i32
    %dma_wait3A_958 = tpu.memref_slice %arg7[%dma_wait3A_956, %dma_wait3A_957] : memref<40x125xi32, #tpu.memory_space<vmem>> -> memref<1x125xi32, #tpu.memory_space<vmem>>
    %dma_wait3A_959 = tpu.memref_squeeze %dma_wait3A_958 : memref<1x125xi32, #tpu.memory_space<vmem>> -> memref<125xi32, #tpu.memory_space<vmem>>
    %dma_wait3A_960 = arith.constant 0 : i32
    %dma_wait3A_961 = arith.constant 0 : i32
    %dma_wait3A_962 = tpu.memref_slice %arg2[%dma_wait3A_960, %dma_wait3A_961] : memref<10000x128xf32, #tpu.memory_space<hbm>> -> memref<10000x128xf32, #tpu.memory_space<hbm>>
    tpu.wait_indirect_dma semaphore(%arg12 : memref<!tpu.dma_semaphore, #tpu.memory_space<semaphore_mem>>) src(%dma_wait3A_962 : memref<10000x128xf32, #tpu.memory_space<hbm>>) dst(%arg9 : memref<125x128xf32, #tpu.memory_space<vmem>>)
    %run_scoped3A_963 = arith.constant 22 : i32
    "tpu.region"() ({
      %run_scoped3A_1222 = tpu.sem_alloc : memref<!tpu.dma_semaphore, #tpu.memory_space<semaphore_mem>>
      %dma_start3A_1223 = arith.constant 0 : i32
      %dma_start3A_1224 = tpu.memref_slice %arg8[%run_scoped3A_963, %dma_start3A_1223] : memref<40x125xi32, #tpu.memory_space<vmem>> -> memref<1x125xi32, #tpu.memory_space<vmem>>
      %dma_start3A_1225 = tpu.memref_squeeze %dma_start3A_1224 : memref<1x125xi32, #tpu.memory_space<vmem>> -> memref<125xi32, #tpu.memory_space<vmem>>
      %dma_start3A_1226 = arith.constant 0 : i32
      %dma_start3A_1227 = arith.constant 0 : i32
      %dma_start3A_1228 = tpu.memref_slice %arg11[%dma_start3A_1226, %dma_start3A_1227] : memref<10000x128xf32, #tpu.memory_space<vmem_shared>> -> memref<10000x128xf32, #tpu.memory_space<vmem_shared>>
      tpu.enqueue_indirect_dma source(%arg9 : memref<125x128xf32, #tpu.memory_space<vmem>>) target(%dma_start3A_1228 : memref<10000x128xf32, #tpu.memory_space<vmem_shared>>) offsets(%dma_start3A_1225 : memref<125xi32, #tpu.memory_space<vmem>>) semaphore(%run_scoped3A_1222 : memref<!tpu.dma_semaphore, #tpu.memory_space<semaphore_mem>>) {add = true}
      %dma_wait3A_1229 = arith.constant 0 : i32
      %dma_wait3A_1230 = tpu.memref_slice %arg8[%run_scoped3A_963, %dma_wait3A_1229] : memref<40x125xi32, #tpu.memory_space<vmem>> -> memref<1x125xi32, #tpu.memory_space<vmem>>
      %dma_wait3A_1231 = tpu.memref_squeeze %dma_wait3A_1230 : memref<1x125xi32, #tpu.memory_space<vmem>> -> memref<125xi32, #tpu.memory_space<vmem>>
      %dma_wait3A_1232 = arith.constant 0 : i32
      %dma_wait3A_1233 = arith.constant 0 : i32
      %dma_wait3A_1234 = tpu.memref_slice %arg11[%dma_wait3A_1232, %dma_wait3A_1233] : memref<10000x128xf32, #tpu.memory_space<vmem_shared>> -> memref<10000x128xf32, #tpu.memory_space<vmem_shared>>
      tpu.wait_indirect_dma semaphore(%run_scoped3A_1222 : memref<!tpu.dma_semaphore, #tpu.memory_space<semaphore_mem>>) src(%arg9 : memref<125x128xf32, #tpu.memory_space<vmem>>) dst(%dma_wait3A_1234 : memref<10000x128xf32, #tpu.memory_space<vmem_shared>>)
      tpu.yield
    }) : () -> ()
    %dma_start3A_964 = arith.constant 24 : i32
    %dma_start3A_965 = arith.constant 0 : i32
    %dma_start3A_966 = tpu.memref_slice %arg7[%dma_start3A_964, %dma_start3A_965] : memref<40x125xi32, #tpu.memory_space<vmem>> -> memref<1x125xi32, #tpu.memory_space<vmem>>
    %dma_start3A_967 = tpu.memref_squeeze %dma_start3A_966 : memref<1x125xi32, #tpu.memory_space<vmem>> -> memref<125xi32, #tpu.memory_space<vmem>>
    %dma_start3A_968 = arith.constant 0 : i32
    %dma_start3A_969 = arith.constant 0 : i32
    %dma_start3A_970 = tpu.memref_slice %arg2[%dma_start3A_968, %dma_start3A_969] : memref<10000x128xf32, #tpu.memory_space<hbm>> -> memref<10000x128xf32, #tpu.memory_space<hbm>>
    tpu.enqueue_indirect_dma source(%dma_start3A_970 : memref<10000x128xf32, #tpu.memory_space<hbm>>) target(%arg9 : memref<125x128xf32, #tpu.memory_space<vmem>>) offsets(%dma_start3A_967 : memref<125xi32, #tpu.memory_space<vmem>>) semaphore(%arg12 : memref<!tpu.dma_semaphore, #tpu.memory_space<semaphore_mem>>)
    %dma_wait3A_971 = arith.constant 23 : i32
    %dma_wait3A_972 = arith.constant 0 : i32
    %dma_wait3A_973 = tpu.memref_slice %arg7[%dma_wait3A_971, %dma_wait3A_972] : memref<40x125xi32, #tpu.memory_space<vmem>> -> memref<1x125xi32, #tpu.memory_space<vmem>>
    %dma_wait3A_974 = tpu.memref_squeeze %dma_wait3A_973 : memref<1x125xi32, #tpu.memory_space<vmem>> -> memref<125xi32, #tpu.memory_space<vmem>>
    %dma_wait3A_975 = arith.constant 0 : i32
    %dma_wait3A_976 = arith.constant 0 : i32
    %dma_wait3A_977 = tpu.memref_slice %arg2[%dma_wait3A_975, %dma_wait3A_976] : memref<10000x128xf32, #tpu.memory_space<hbm>> -> memref<10000x128xf32, #tpu.memory_space<hbm>>
    tpu.wait_indirect_dma semaphore(%arg13 : memref<!tpu.dma_semaphore, #tpu.memory_space<semaphore_mem>>) src(%dma_wait3A_977 : memref<10000x128xf32, #tpu.memory_space<hbm>>) dst(%arg10 : memref<125x128xf32, #tpu.memory_space<vmem>>)
    %run_scoped3A_978 = arith.constant 23 : i32
    "tpu.region"() ({
      %run_scoped3A_1222 = tpu.sem_alloc : memref<!tpu.dma_semaphore, #tpu.memory_space<semaphore_mem>>
      %dma_start3A_1223 = arith.constant 0 : i32
      %dma_start3A_1224 = tpu.memref_slice %arg8[%run_scoped3A_978, %dma_start3A_1223] : memref<40x125xi32, #tpu.memory_space<vmem>> -> memref<1x125xi32, #tpu.memory_space<vmem>>
      %dma_start3A_1225 = tpu.memref_squeeze %dma_start3A_1224 : memref<1x125xi32, #tpu.memory_space<vmem>> -> memref<125xi32, #tpu.memory_space<vmem>>
      %dma_start3A_1226 = arith.constant 0 : i32
      %dma_start3A_1227 = arith.constant 0 : i32
      %dma_start3A_1228 = tpu.memref_slice %arg11[%dma_start3A_1226, %dma_start3A_1227] : memref<10000x128xf32, #tpu.memory_space<vmem_shared>> -> memref<10000x128xf32, #tpu.memory_space<vmem_shared>>
      tpu.enqueue_indirect_dma source(%arg10 : memref<125x128xf32, #tpu.memory_space<vmem>>) target(%dma_start3A_1228 : memref<10000x128xf32, #tpu.memory_space<vmem_shared>>) offsets(%dma_start3A_1225 : memref<125xi32, #tpu.memory_space<vmem>>) semaphore(%run_scoped3A_1222 : memref<!tpu.dma_semaphore, #tpu.memory_space<semaphore_mem>>) {add = true}
      %dma_wait3A_1229 = arith.constant 0 : i32
      %dma_wait3A_1230 = tpu.memref_slice %arg8[%run_scoped3A_978, %dma_wait3A_1229] : memref<40x125xi32, #tpu.memory_space<vmem>> -> memref<1x125xi32, #tpu.memory_space<vmem>>
      %dma_wait3A_1231 = tpu.memref_squeeze %dma_wait3A_1230 : memref<1x125xi32, #tpu.memory_space<vmem>> -> memref<125xi32, #tpu.memory_space<vmem>>
      %dma_wait3A_1232 = arith.constant 0 : i32
      %dma_wait3A_1233 = arith.constant 0 : i32
      %dma_wait3A_1234 = tpu.memref_slice %arg11[%dma_wait3A_1232, %dma_wait3A_1233] : memref<10000x128xf32, #tpu.memory_space<vmem_shared>> -> memref<10000x128xf32, #tpu.memory_space<vmem_shared>>
      tpu.wait_indirect_dma semaphore(%run_scoped3A_1222 : memref<!tpu.dma_semaphore, #tpu.memory_space<semaphore_mem>>) src(%arg10 : memref<125x128xf32, #tpu.memory_space<vmem>>) dst(%dma_wait3A_1234 : memref<10000x128xf32, #tpu.memory_space<vmem_shared>>)
      tpu.yield
    }) : () -> ()
    %dma_start3A_979 = arith.constant 25 : i32
    %dma_start3A_980 = arith.constant 0 : i32
    %dma_start3A_981 = tpu.memref_slice %arg7[%dma_start3A_979, %dma_start3A_980] : memref<40x125xi32, #tpu.memory_space<vmem>> -> memref<1x125xi32, #tpu.memory_space<vmem>>
    %dma_start3A_982 = tpu.memref_squeeze %dma_start3A_981 : memref<1x125xi32, #tpu.memory_space<vmem>> -> memref<125xi32, #tpu.memory_space<vmem>>
    %dma_start3A_983 = arith.constant 0 : i32
    %dma_start3A_984 = arith.constant 0 : i32
    %dma_start3A_985 = tpu.memref_slice %arg2[%dma_start3A_983, %dma_start3A_984] : memref<10000x128xf32, #tpu.memory_space<hbm>> -> memref<10000x128xf32, #tpu.memory_space<hbm>>
    tpu.enqueue_indirect_dma source(%dma_start3A_985 : memref<10000x128xf32, #tpu.memory_space<hbm>>) target(%arg10 : memref<125x128xf32, #tpu.memory_space<vmem>>) offsets(%dma_start3A_982 : memref<125xi32, #tpu.memory_space<vmem>>) semaphore(%arg13 : memref<!tpu.dma_semaphore, #tpu.memory_space<semaphore_mem>>)
    %dma_wait3A_986 = arith.constant 24 : i32
    %dma_wait3A_987 = arith.constant 0 : i32
    %dma_wait3A_988 = tpu.memref_slice %arg7[%dma_wait3A_986, %dma_wait3A_987] : memref<40x125xi32, #tpu.memory_space<vmem>> -> memref<1x125xi32, #tpu.memory_space<vmem>>
    %dma_wait3A_989 = tpu.memref_squeeze %dma_wait3A_988 : memref<1x125xi32, #tpu.memory_space<vmem>> -> memref<125xi32, #tpu.memory_space<vmem>>
    %dma_wait3A_990 = arith.constant 0 : i32
    %dma_wait3A_991 = arith.constant 0 : i32
    %dma_wait3A_992 = tpu.memref_slice %arg2[%dma_wait3A_990, %dma_wait3A_991] : memref<10000x128xf32, #tpu.memory_space<hbm>> -> memref<10000x128xf32, #tpu.memory_space<hbm>>
    tpu.wait_indirect_dma semaphore(%arg12 : memref<!tpu.dma_semaphore, #tpu.memory_space<semaphore_mem>>) src(%dma_wait3A_992 : memref<10000x128xf32, #tpu.memory_space<hbm>>) dst(%arg9 : memref<125x128xf32, #tpu.memory_space<vmem>>)
    %run_scoped3A_993 = arith.constant 24 : i32
    "tpu.region"() ({
      %run_scoped3A_1222 = tpu.sem_alloc : memref<!tpu.dma_semaphore, #tpu.memory_space<semaphore_mem>>
      %dma_start3A_1223 = arith.constant 0 : i32
      %dma_start3A_1224 = tpu.memref_slice %arg8[%run_scoped3A_993, %dma_start3A_1223] : memref<40x125xi32, #tpu.memory_space<vmem>> -> memref<1x125xi32, #tpu.memory_space<vmem>>
      %dma_start3A_1225 = tpu.memref_squeeze %dma_start3A_1224 : memref<1x125xi32, #tpu.memory_space<vmem>> -> memref<125xi32, #tpu.memory_space<vmem>>
      %dma_start3A_1226 = arith.constant 0 : i32
      %dma_start3A_1227 = arith.constant 0 : i32
      %dma_start3A_1228 = tpu.memref_slice %arg11[%dma_start3A_1226, %dma_start3A_1227] : memref<10000x128xf32, #tpu.memory_space<vmem_shared>> -> memref<10000x128xf32, #tpu.memory_space<vmem_shared>>
      tpu.enqueue_indirect_dma source(%arg9 : memref<125x128xf32, #tpu.memory_space<vmem>>) target(%dma_start3A_1228 : memref<10000x128xf32, #tpu.memory_space<vmem_shared>>) offsets(%dma_start3A_1225 : memref<125xi32, #tpu.memory_space<vmem>>) semaphore(%run_scoped3A_1222 : memref<!tpu.dma_semaphore, #tpu.memory_space<semaphore_mem>>) {add = true}
      %dma_wait3A_1229 = arith.constant 0 : i32
      %dma_wait3A_1230 = tpu.memref_slice %arg8[%run_scoped3A_993, %dma_wait3A_1229] : memref<40x125xi32, #tpu.memory_space<vmem>> -> memref<1x125xi32, #tpu.memory_space<vmem>>
      %dma_wait3A_1231 = tpu.memref_squeeze %dma_wait3A_1230 : memref<1x125xi32, #tpu.memory_space<vmem>> -> memref<125xi32, #tpu.memory_space<vmem>>
      %dma_wait3A_1232 = arith.constant 0 : i32
      %dma_wait3A_1233 = arith.constant 0 : i32
      %dma_wait3A_1234 = tpu.memref_slice %arg11[%dma_wait3A_1232, %dma_wait3A_1233] : memref<10000x128xf32, #tpu.memory_space<vmem_shared>> -> memref<10000x128xf32, #tpu.memory_space<vmem_shared>>
      tpu.wait_indirect_dma semaphore(%run_scoped3A_1222 : memref<!tpu.dma_semaphore, #tpu.memory_space<semaphore_mem>>) src(%arg9 : memref<125x128xf32, #tpu.memory_space<vmem>>) dst(%dma_wait3A_1234 : memref<10000x128xf32, #tpu.memory_space<vmem_shared>>)
      tpu.yield
    }) : () -> ()
    %dma_start3A_994 = arith.constant 26 : i32
    %dma_start3A_995 = arith.constant 0 : i32
    %dma_start3A_996 = tpu.memref_slice %arg7[%dma_start3A_994, %dma_start3A_995] : memref<40x125xi32, #tpu.memory_space<vmem>> -> memref<1x125xi32, #tpu.memory_space<vmem>>
    %dma_start3A_997 = tpu.memref_squeeze %dma_start3A_996 : memref<1x125xi32, #tpu.memory_space<vmem>> -> memref<125xi32, #tpu.memory_space<vmem>>
    %dma_start3A_998 = arith.constant 0 : i32
    %dma_start3A_999 = arith.constant 0 : i32
    %dma_start3A_1000 = tpu.memref_slice %arg2[%dma_start3A_998, %dma_start3A_999] : memref<10000x128xf32, #tpu.memory_space<hbm>> -> memref<10000x128xf32, #tpu.memory_space<hbm>>
    tpu.enqueue_indirect_dma source(%dma_start3A_1000 : memref<10000x128xf32, #tpu.memory_space<hbm>>) target(%arg9 : memref<125x128xf32, #tpu.memory_space<vmem>>) offsets(%dma_start3A_997 : memref<125xi32, #tpu.memory_space<vmem>>) semaphore(%arg12 : memref<!tpu.dma_semaphore, #tpu.memory_space<semaphore_mem>>)
    %dma_wait3A_1001 = arith.constant 25 : i32
    %dma_wait3A_1002 = arith.constant 0 : i32
    %dma_wait3A_1003 = tpu.memref_slice %arg7[%dma_wait3A_1001, %dma_wait3A_1002] : memref<40x125xi32, #tpu.memory_space<vmem>> -> memref<1x125xi32, #tpu.memory_space<vmem>>
    %dma_wait3A_1004 = tpu.memref_squeeze %dma_wait3A_1003 : memref<1x125xi32, #tpu.memory_space<vmem>> -> memref<125xi32, #tpu.memory_space<vmem>>
    %dma_wait3A_1005 = arith.constant 0 : i32
    %dma_wait3A_1006 = arith.constant 0 : i32
    %dma_wait3A_1007 = tpu.memref_slice %arg2[%dma_wait3A_1005, %dma_wait3A_1006] : memref<10000x128xf32, #tpu.memory_space<hbm>> -> memref<10000x128xf32, #tpu.memory_space<hbm>>
    tpu.wait_indirect_dma semaphore(%arg13 : memref<!tpu.dma_semaphore, #tpu.memory_space<semaphore_mem>>) src(%dma_wait3A_1007 : memref<10000x128xf32, #tpu.memory_space<hbm>>) dst(%arg10 : memref<125x128xf32, #tpu.memory_space<vmem>>)
    %run_scoped3A_1008 = arith.constant 25 : i32
    "tpu.region"() ({
      %run_scoped3A_1222 = tpu.sem_alloc : memref<!tpu.dma_semaphore, #tpu.memory_space<semaphore_mem>>
      %dma_start3A_1223 = arith.constant 0 : i32
      %dma_start3A_1224 = tpu.memref_slice %arg8[%run_scoped3A_1008, %dma_start3A_1223] : memref<40x125xi32, #tpu.memory_space<vmem>> -> memref<1x125xi32, #tpu.memory_space<vmem>>
      %dma_start3A_1225 = tpu.memref_squeeze %dma_start3A_1224 : memref<1x125xi32, #tpu.memory_space<vmem>> -> memref<125xi32, #tpu.memory_space<vmem>>
      %dma_start3A_1226 = arith.constant 0 : i32
      %dma_start3A_1227 = arith.constant 0 : i32
      %dma_start3A_1228 = tpu.memref_slice %arg11[%dma_start3A_1226, %dma_start3A_1227] : memref<10000x128xf32, #tpu.memory_space<vmem_shared>> -> memref<10000x128xf32, #tpu.memory_space<vmem_shared>>
      tpu.enqueue_indirect_dma source(%arg10 : memref<125x128xf32, #tpu.memory_space<vmem>>) target(%dma_start3A_1228 : memref<10000x128xf32, #tpu.memory_space<vmem_shared>>) offsets(%dma_start3A_1225 : memref<125xi32, #tpu.memory_space<vmem>>) semaphore(%run_scoped3A_1222 : memref<!tpu.dma_semaphore, #tpu.memory_space<semaphore_mem>>) {add = true}
      %dma_wait3A_1229 = arith.constant 0 : i32
      %dma_wait3A_1230 = tpu.memref_slice %arg8[%run_scoped3A_1008, %dma_wait3A_1229] : memref<40x125xi32, #tpu.memory_space<vmem>> -> memref<1x125xi32, #tpu.memory_space<vmem>>
      %dma_wait3A_1231 = tpu.memref_squeeze %dma_wait3A_1230 : memref<1x125xi32, #tpu.memory_space<vmem>> -> memref<125xi32, #tpu.memory_space<vmem>>
      %dma_wait3A_1232 = arith.constant 0 : i32
      %dma_wait3A_1233 = arith.constant 0 : i32
      %dma_wait3A_1234 = tpu.memref_slice %arg11[%dma_wait3A_1232, %dma_wait3A_1233] : memref<10000x128xf32, #tpu.memory_space<vmem_shared>> -> memref<10000x128xf32, #tpu.memory_space<vmem_shared>>
      tpu.wait_indirect_dma semaphore(%run_scoped3A_1222 : memref<!tpu.dma_semaphore, #tpu.memory_space<semaphore_mem>>) src(%arg10 : memref<125x128xf32, #tpu.memory_space<vmem>>) dst(%dma_wait3A_1234 : memref<10000x128xf32, #tpu.memory_space<vmem_shared>>)
      tpu.yield
    }) : () -> ()
    %dma_start3A_1009 = arith.constant 27 : i32
    %dma_start3A_1010 = arith.constant 0 : i32
    %dma_start3A_1011 = tpu.memref_slice %arg7[%dma_start3A_1009, %dma_start3A_1010] : memref<40x125xi32, #tpu.memory_space<vmem>> -> memref<1x125xi32, #tpu.memory_space<vmem>>
    %dma_start3A_1012 = tpu.memref_squeeze %dma_start3A_1011 : memref<1x125xi32, #tpu.memory_space<vmem>> -> memref<125xi32, #tpu.memory_space<vmem>>
    %dma_start3A_1013 = arith.constant 0 : i32
    %dma_start3A_1014 = arith.constant 0 : i32
    %dma_start3A_1015 = tpu.memref_slice %arg2[%dma_start3A_1013, %dma_start3A_1014] : memref<10000x128xf32, #tpu.memory_space<hbm>> -> memref<10000x128xf32, #tpu.memory_space<hbm>>
    tpu.enqueue_indirect_dma source(%dma_start3A_1015 : memref<10000x128xf32, #tpu.memory_space<hbm>>) target(%arg10 : memref<125x128xf32, #tpu.memory_space<vmem>>) offsets(%dma_start3A_1012 : memref<125xi32, #tpu.memory_space<vmem>>) semaphore(%arg13 : memref<!tpu.dma_semaphore, #tpu.memory_space<semaphore_mem>>)
    %dma_wait3A_1016 = arith.constant 26 : i32
    %dma_wait3A_1017 = arith.constant 0 : i32
    %dma_wait3A_1018 = tpu.memref_slice %arg7[%dma_wait3A_1016, %dma_wait3A_1017] : memref<40x125xi32, #tpu.memory_space<vmem>> -> memref<1x125xi32, #tpu.memory_space<vmem>>
    %dma_wait3A_1019 = tpu.memref_squeeze %dma_wait3A_1018 : memref<1x125xi32, #tpu.memory_space<vmem>> -> memref<125xi32, #tpu.memory_space<vmem>>
    %dma_wait3A_1020 = arith.constant 0 : i32
    %dma_wait3A_1021 = arith.constant 0 : i32
    %dma_wait3A_1022 = tpu.memref_slice %arg2[%dma_wait3A_1020, %dma_wait3A_1021] : memref<10000x128xf32, #tpu.memory_space<hbm>> -> memref<10000x128xf32, #tpu.memory_space<hbm>>
    tpu.wait_indirect_dma semaphore(%arg12 : memref<!tpu.dma_semaphore, #tpu.memory_space<semaphore_mem>>) src(%dma_wait3A_1022 : memref<10000x128xf32, #tpu.memory_space<hbm>>) dst(%arg9 : memref<125x128xf32, #tpu.memory_space<vmem>>)
    %run_scoped3A_1023 = arith.constant 26 : i32
    "tpu.region"() ({
      %run_scoped3A_1222 = tpu.sem_alloc : memref<!tpu.dma_semaphore, #tpu.memory_space<semaphore_mem>>
      %dma_start3A_1223 = arith.constant 0 : i32
      %dma_start3A_1224 = tpu.memref_slice %arg8[%run_scoped3A_1023, %dma_start3A_1223] : memref<40x125xi32, #tpu.memory_space<vmem>> -> memref<1x125xi32, #tpu.memory_space<vmem>>
      %dma_start3A_1225 = tpu.memref_squeeze %dma_start3A_1224 : memref<1x125xi32, #tpu.memory_space<vmem>> -> memref<125xi32, #tpu.memory_space<vmem>>
      %dma_start3A_1226 = arith.constant 0 : i32
      %dma_start3A_1227 = arith.constant 0 : i32
      %dma_start3A_1228 = tpu.memref_slice %arg11[%dma_start3A_1226, %dma_start3A_1227] : memref<10000x128xf32, #tpu.memory_space<vmem_shared>> -> memref<10000x128xf32, #tpu.memory_space<vmem_shared>>
      tpu.enqueue_indirect_dma source(%arg9 : memref<125x128xf32, #tpu.memory_space<vmem>>) target(%dma_start3A_1228 : memref<10000x128xf32, #tpu.memory_space<vmem_shared>>) offsets(%dma_start3A_1225 : memref<125xi32, #tpu.memory_space<vmem>>) semaphore(%run_scoped3A_1222 : memref<!tpu.dma_semaphore, #tpu.memory_space<semaphore_mem>>) {add = true}
      %dma_wait3A_1229 = arith.constant 0 : i32
      %dma_wait3A_1230 = tpu.memref_slice %arg8[%run_scoped3A_1023, %dma_wait3A_1229] : memref<40x125xi32, #tpu.memory_space<vmem>> -> memref<1x125xi32, #tpu.memory_space<vmem>>
      %dma_wait3A_1231 = tpu.memref_squeeze %dma_wait3A_1230 : memref<1x125xi32, #tpu.memory_space<vmem>> -> memref<125xi32, #tpu.memory_space<vmem>>
      %dma_wait3A_1232 = arith.constant 0 : i32
      %dma_wait3A_1233 = arith.constant 0 : i32
      %dma_wait3A_1234 = tpu.memref_slice %arg11[%dma_wait3A_1232, %dma_wait3A_1233] : memref<10000x128xf32, #tpu.memory_space<vmem_shared>> -> memref<10000x128xf32, #tpu.memory_space<vmem_shared>>
      tpu.wait_indirect_dma semaphore(%run_scoped3A_1222 : memref<!tpu.dma_semaphore, #tpu.memory_space<semaphore_mem>>) src(%arg9 : memref<125x128xf32, #tpu.memory_space<vmem>>) dst(%dma_wait3A_1234 : memref<10000x128xf32, #tpu.memory_space<vmem_shared>>)
      tpu.yield
    }) : () -> ()
    %dma_start3A_1024 = arith.constant 28 : i32
    %dma_start3A_1025 = arith.constant 0 : i32
    %dma_start3A_1026 = tpu.memref_slice %arg7[%dma_start3A_1024, %dma_start3A_1025] : memref<40x125xi32, #tpu.memory_space<vmem>> -> memref<1x125xi32, #tpu.memory_space<vmem>>
    %dma_start3A_1027 = tpu.memref_squeeze %dma_start3A_1026 : memref<1x125xi32, #tpu.memory_space<vmem>> -> memref<125xi32, #tpu.memory_space<vmem>>
    %dma_start3A_1028 = arith.constant 0 : i32
    %dma_start3A_1029 = arith.constant 0 : i32
    %dma_start3A_1030 = tpu.memref_slice %arg2[%dma_start3A_1028, %dma_start3A_1029] : memref<10000x128xf32, #tpu.memory_space<hbm>> -> memref<10000x128xf32, #tpu.memory_space<hbm>>
    tpu.enqueue_indirect_dma source(%dma_start3A_1030 : memref<10000x128xf32, #tpu.memory_space<hbm>>) target(%arg9 : memref<125x128xf32, #tpu.memory_space<vmem>>) offsets(%dma_start3A_1027 : memref<125xi32, #tpu.memory_space<vmem>>) semaphore(%arg12 : memref<!tpu.dma_semaphore, #tpu.memory_space<semaphore_mem>>)
    %dma_wait3A_1031 = arith.constant 27 : i32
    %dma_wait3A_1032 = arith.constant 0 : i32
    %dma_wait3A_1033 = tpu.memref_slice %arg7[%dma_wait3A_1031, %dma_wait3A_1032] : memref<40x125xi32, #tpu.memory_space<vmem>> -> memref<1x125xi32, #tpu.memory_space<vmem>>
    %dma_wait3A_1034 = tpu.memref_squeeze %dma_wait3A_1033 : memref<1x125xi32, #tpu.memory_space<vmem>> -> memref<125xi32, #tpu.memory_space<vmem>>
    %dma_wait3A_1035 = arith.constant 0 : i32
    %dma_wait3A_1036 = arith.constant 0 : i32
    %dma_wait3A_1037 = tpu.memref_slice %arg2[%dma_wait3A_1035, %dma_wait3A_1036] : memref<10000x128xf32, #tpu.memory_space<hbm>> -> memref<10000x128xf32, #tpu.memory_space<hbm>>
    tpu.wait_indirect_dma semaphore(%arg13 : memref<!tpu.dma_semaphore, #tpu.memory_space<semaphore_mem>>) src(%dma_wait3A_1037 : memref<10000x128xf32, #tpu.memory_space<hbm>>) dst(%arg10 : memref<125x128xf32, #tpu.memory_space<vmem>>)
    %run_scoped3A_1038 = arith.constant 27 : i32
    "tpu.region"() ({
      %run_scoped3A_1222 = tpu.sem_alloc : memref<!tpu.dma_semaphore, #tpu.memory_space<semaphore_mem>>
      %dma_start3A_1223 = arith.constant 0 : i32
      %dma_start3A_1224 = tpu.memref_slice %arg8[%run_scoped3A_1038, %dma_start3A_1223] : memref<40x125xi32, #tpu.memory_space<vmem>> -> memref<1x125xi32, #tpu.memory_space<vmem>>
      %dma_start3A_1225 = tpu.memref_squeeze %dma_start3A_1224 : memref<1x125xi32, #tpu.memory_space<vmem>> -> memref<125xi32, #tpu.memory_space<vmem>>
      %dma_start3A_1226 = arith.constant 0 : i32
      %dma_start3A_1227 = arith.constant 0 : i32
      %dma_start3A_1228 = tpu.memref_slice %arg11[%dma_start3A_1226, %dma_start3A_1227] : memref<10000x128xf32, #tpu.memory_space<vmem_shared>> -> memref<10000x128xf32, #tpu.memory_space<vmem_shared>>
      tpu.enqueue_indirect_dma source(%arg10 : memref<125x128xf32, #tpu.memory_space<vmem>>) target(%dma_start3A_1228 : memref<10000x128xf32, #tpu.memory_space<vmem_shared>>) offsets(%dma_start3A_1225 : memref<125xi32, #tpu.memory_space<vmem>>) semaphore(%run_scoped3A_1222 : memref<!tpu.dma_semaphore, #tpu.memory_space<semaphore_mem>>) {add = true}
      %dma_wait3A_1229 = arith.constant 0 : i32
      %dma_wait3A_1230 = tpu.memref_slice %arg8[%run_scoped3A_1038, %dma_wait3A_1229] : memref<40x125xi32, #tpu.memory_space<vmem>> -> memref<1x125xi32, #tpu.memory_space<vmem>>
      %dma_wait3A_1231 = tpu.memref_squeeze %dma_wait3A_1230 : memref<1x125xi32, #tpu.memory_space<vmem>> -> memref<125xi32, #tpu.memory_space<vmem>>
      %dma_wait3A_1232 = arith.constant 0 : i32
      %dma_wait3A_1233 = arith.constant 0 : i32
      %dma_wait3A_1234 = tpu.memref_slice %arg11[%dma_wait3A_1232, %dma_wait3A_1233] : memref<10000x128xf32, #tpu.memory_space<vmem_shared>> -> memref<10000x128xf32, #tpu.memory_space<vmem_shared>>
      tpu.wait_indirect_dma semaphore(%run_scoped3A_1222 : memref<!tpu.dma_semaphore, #tpu.memory_space<semaphore_mem>>) src(%arg10 : memref<125x128xf32, #tpu.memory_space<vmem>>) dst(%dma_wait3A_1234 : memref<10000x128xf32, #tpu.memory_space<vmem_shared>>)
      tpu.yield
    }) : () -> ()
    %dma_start3A_1039 = arith.constant 29 : i32
    %dma_start3A_1040 = arith.constant 0 : i32
    %dma_start3A_1041 = tpu.memref_slice %arg7[%dma_start3A_1039, %dma_start3A_1040] : memref<40x125xi32, #tpu.memory_space<vmem>> -> memref<1x125xi32, #tpu.memory_space<vmem>>
    %dma_start3A_1042 = tpu.memref_squeeze %dma_start3A_1041 : memref<1x125xi32, #tpu.memory_space<vmem>> -> memref<125xi32, #tpu.memory_space<vmem>>
    %dma_start3A_1043 = arith.constant 0 : i32
    %dma_start3A_1044 = arith.constant 0 : i32
    %dma_start3A_1045 = tpu.memref_slice %arg2[%dma_start3A_1043, %dma_start3A_1044] : memref<10000x128xf32, #tpu.memory_space<hbm>> -> memref<10000x128xf32, #tpu.memory_space<hbm>>
    tpu.enqueue_indirect_dma source(%dma_start3A_1045 : memref<10000x128xf32, #tpu.memory_space<hbm>>) target(%arg10 : memref<125x128xf32, #tpu.memory_space<vmem>>) offsets(%dma_start3A_1042 : memref<125xi32, #tpu.memory_space<vmem>>) semaphore(%arg13 : memref<!tpu.dma_semaphore, #tpu.memory_space<semaphore_mem>>)
    %dma_wait3A_1046 = arith.constant 28 : i32
    %dma_wait3A_1047 = arith.constant 0 : i32
    %dma_wait3A_1048 = tpu.memref_slice %arg7[%dma_wait3A_1046, %dma_wait3A_1047] : memref<40x125xi32, #tpu.memory_space<vmem>> -> memref<1x125xi32, #tpu.memory_space<vmem>>
    %dma_wait3A_1049 = tpu.memref_squeeze %dma_wait3A_1048 : memref<1x125xi32, #tpu.memory_space<vmem>> -> memref<125xi32, #tpu.memory_space<vmem>>
    %dma_wait3A_1050 = arith.constant 0 : i32
    %dma_wait3A_1051 = arith.constant 0 : i32
    %dma_wait3A_1052 = tpu.memref_slice %arg2[%dma_wait3A_1050, %dma_wait3A_1051] : memref<10000x128xf32, #tpu.memory_space<hbm>> -> memref<10000x128xf32, #tpu.memory_space<hbm>>
    tpu.wait_indirect_dma semaphore(%arg12 : memref<!tpu.dma_semaphore, #tpu.memory_space<semaphore_mem>>) src(%dma_wait3A_1052 : memref<10000x128xf32, #tpu.memory_space<hbm>>) dst(%arg9 : memref<125x128xf32, #tpu.memory_space<vmem>>)
    %run_scoped3A_1053 = arith.constant 28 : i32
    "tpu.region"() ({
      %run_scoped3A_1222 = tpu.sem_alloc : memref<!tpu.dma_semaphore, #tpu.memory_space<semaphore_mem>>
      %dma_start3A_1223 = arith.constant 0 : i32
      %dma_start3A_1224 = tpu.memref_slice %arg8[%run_scoped3A_1053, %dma_start3A_1223] : memref<40x125xi32, #tpu.memory_space<vmem>> -> memref<1x125xi32, #tpu.memory_space<vmem>>
      %dma_start3A_1225 = tpu.memref_squeeze %dma_start3A_1224 : memref<1x125xi32, #tpu.memory_space<vmem>> -> memref<125xi32, #tpu.memory_space<vmem>>
      %dma_start3A_1226 = arith.constant 0 : i32
      %dma_start3A_1227 = arith.constant 0 : i32
      %dma_start3A_1228 = tpu.memref_slice %arg11[%dma_start3A_1226, %dma_start3A_1227] : memref<10000x128xf32, #tpu.memory_space<vmem_shared>> -> memref<10000x128xf32, #tpu.memory_space<vmem_shared>>
      tpu.enqueue_indirect_dma source(%arg9 : memref<125x128xf32, #tpu.memory_space<vmem>>) target(%dma_start3A_1228 : memref<10000x128xf32, #tpu.memory_space<vmem_shared>>) offsets(%dma_start3A_1225 : memref<125xi32, #tpu.memory_space<vmem>>) semaphore(%run_scoped3A_1222 : memref<!tpu.dma_semaphore, #tpu.memory_space<semaphore_mem>>) {add = true}
      %dma_wait3A_1229 = arith.constant 0 : i32
      %dma_wait3A_1230 = tpu.memref_slice %arg8[%run_scoped3A_1053, %dma_wait3A_1229] : memref<40x125xi32, #tpu.memory_space<vmem>> -> memref<1x125xi32, #tpu.memory_space<vmem>>
      %dma_wait3A_1231 = tpu.memref_squeeze %dma_wait3A_1230 : memref<1x125xi32, #tpu.memory_space<vmem>> -> memref<125xi32, #tpu.memory_space<vmem>>
      %dma_wait3A_1232 = arith.constant 0 : i32
      %dma_wait3A_1233 = arith.constant 0 : i32
      %dma_wait3A_1234 = tpu.memref_slice %arg11[%dma_wait3A_1232, %dma_wait3A_1233] : memref<10000x128xf32, #tpu.memory_space<vmem_shared>> -> memref<10000x128xf32, #tpu.memory_space<vmem_shared>>
      tpu.wait_indirect_dma semaphore(%run_scoped3A_1222 : memref<!tpu.dma_semaphore, #tpu.memory_space<semaphore_mem>>) src(%arg9 : memref<125x128xf32, #tpu.memory_space<vmem>>) dst(%dma_wait3A_1234 : memref<10000x128xf32, #tpu.memory_space<vmem_shared>>)
      tpu.yield
    }) : () -> ()
    %dma_start3A_1054 = arith.constant 30 : i32
    %dma_start3A_1055 = arith.constant 0 : i32
    %dma_start3A_1056 = tpu.memref_slice %arg7[%dma_start3A_1054, %dma_start3A_1055] : memref<40x125xi32, #tpu.memory_space<vmem>> -> memref<1x125xi32, #tpu.memory_space<vmem>>
    %dma_start3A_1057 = tpu.memref_squeeze %dma_start3A_1056 : memref<1x125xi32, #tpu.memory_space<vmem>> -> memref<125xi32, #tpu.memory_space<vmem>>
    %dma_start3A_1058 = arith.constant 0 : i32
    %dma_start3A_1059 = arith.constant 0 : i32
    %dma_start3A_1060 = tpu.memref_slice %arg2[%dma_start3A_1058, %dma_start3A_1059] : memref<10000x128xf32, #tpu.memory_space<hbm>> -> memref<10000x128xf32, #tpu.memory_space<hbm>>
    tpu.enqueue_indirect_dma source(%dma_start3A_1060 : memref<10000x128xf32, #tpu.memory_space<hbm>>) target(%arg9 : memref<125x128xf32, #tpu.memory_space<vmem>>) offsets(%dma_start3A_1057 : memref<125xi32, #tpu.memory_space<vmem>>) semaphore(%arg12 : memref<!tpu.dma_semaphore, #tpu.memory_space<semaphore_mem>>)
    %dma_wait3A_1061 = arith.constant 29 : i32
    %dma_wait3A_1062 = arith.constant 0 : i32
    %dma_wait3A_1063 = tpu.memref_slice %arg7[%dma_wait3A_1061, %dma_wait3A_1062] : memref<40x125xi32, #tpu.memory_space<vmem>> -> memref<1x125xi32, #tpu.memory_space<vmem>>
    %dma_wait3A_1064 = tpu.memref_squeeze %dma_wait3A_1063 : memref<1x125xi32, #tpu.memory_space<vmem>> -> memref<125xi32, #tpu.memory_space<vmem>>
    %dma_wait3A_1065 = arith.constant 0 : i32
    %dma_wait3A_1066 = arith.constant 0 : i32
    %dma_wait3A_1067 = tpu.memref_slice %arg2[%dma_wait3A_1065, %dma_wait3A_1066] : memref<10000x128xf32, #tpu.memory_space<hbm>> -> memref<10000x128xf32, #tpu.memory_space<hbm>>
    tpu.wait_indirect_dma semaphore(%arg13 : memref<!tpu.dma_semaphore, #tpu.memory_space<semaphore_mem>>) src(%dma_wait3A_1067 : memref<10000x128xf32, #tpu.memory_space<hbm>>) dst(%arg10 : memref<125x128xf32, #tpu.memory_space<vmem>>)
    %run_scoped3A_1068 = arith.constant 29 : i32
    "tpu.region"() ({
      %run_scoped3A_1222 = tpu.sem_alloc : memref<!tpu.dma_semaphore, #tpu.memory_space<semaphore_mem>>
      %dma_start3A_1223 = arith.constant 0 : i32
      %dma_start3A_1224 = tpu.memref_slice %arg8[%run_scoped3A_1068, %dma_start3A_1223] : memref<40x125xi32, #tpu.memory_space<vmem>> -> memref<1x125xi32, #tpu.memory_space<vmem>>
      %dma_start3A_1225 = tpu.memref_squeeze %dma_start3A_1224 : memref<1x125xi32, #tpu.memory_space<vmem>> -> memref<125xi32, #tpu.memory_space<vmem>>
      %dma_start3A_1226 = arith.constant 0 : i32
      %dma_start3A_1227 = arith.constant 0 : i32
      %dma_start3A_1228 = tpu.memref_slice %arg11[%dma_start3A_1226, %dma_start3A_1227] : memref<10000x128xf32, #tpu.memory_space<vmem_shared>> -> memref<10000x128xf32, #tpu.memory_space<vmem_shared>>
      tpu.enqueue_indirect_dma source(%arg10 : memref<125x128xf32, #tpu.memory_space<vmem>>) target(%dma_start3A_1228 : memref<10000x128xf32, #tpu.memory_space<vmem_shared>>) offsets(%dma_start3A_1225 : memref<125xi32, #tpu.memory_space<vmem>>) semaphore(%run_scoped3A_1222 : memref<!tpu.dma_semaphore, #tpu.memory_space<semaphore_mem>>) {add = true}
      %dma_wait3A_1229 = arith.constant 0 : i32
      %dma_wait3A_1230 = tpu.memref_slice %arg8[%run_scoped3A_1068, %dma_wait3A_1229] : memref<40x125xi32, #tpu.memory_space<vmem>> -> memref<1x125xi32, #tpu.memory_space<vmem>>
      %dma_wait3A_1231 = tpu.memref_squeeze %dma_wait3A_1230 : memref<1x125xi32, #tpu.memory_space<vmem>> -> memref<125xi32, #tpu.memory_space<vmem>>
      %dma_wait3A_1232 = arith.constant 0 : i32
      %dma_wait3A_1233 = arith.constant 0 : i32
      %dma_wait3A_1234 = tpu.memref_slice %arg11[%dma_wait3A_1232, %dma_wait3A_1233] : memref<10000x128xf32, #tpu.memory_space<vmem_shared>> -> memref<10000x128xf32, #tpu.memory_space<vmem_shared>>
      tpu.wait_indirect_dma semaphore(%run_scoped3A_1222 : memref<!tpu.dma_semaphore, #tpu.memory_space<semaphore_mem>>) src(%arg10 : memref<125x128xf32, #tpu.memory_space<vmem>>) dst(%dma_wait3A_1234 : memref<10000x128xf32, #tpu.memory_space<vmem_shared>>)
      tpu.yield
    }) : () -> ()
    %dma_start3A_1069 = arith.constant 31 : i32
    %dma_start3A_1070 = arith.constant 0 : i32
    %dma_start3A_1071 = tpu.memref_slice %arg7[%dma_start3A_1069, %dma_start3A_1070] : memref<40x125xi32, #tpu.memory_space<vmem>> -> memref<1x125xi32, #tpu.memory_space<vmem>>
    %dma_start3A_1072 = tpu.memref_squeeze %dma_start3A_1071 : memref<1x125xi32, #tpu.memory_space<vmem>> -> memref<125xi32, #tpu.memory_space<vmem>>
    %dma_start3A_1073 = arith.constant 0 : i32
    %dma_start3A_1074 = arith.constant 0 : i32
    %dma_start3A_1075 = tpu.memref_slice %arg2[%dma_start3A_1073, %dma_start3A_1074] : memref<10000x128xf32, #tpu.memory_space<hbm>> -> memref<10000x128xf32, #tpu.memory_space<hbm>>
    tpu.enqueue_indirect_dma source(%dma_start3A_1075 : memref<10000x128xf32, #tpu.memory_space<hbm>>) target(%arg10 : memref<125x128xf32, #tpu.memory_space<vmem>>) offsets(%dma_start3A_1072 : memref<125xi32, #tpu.memory_space<vmem>>) semaphore(%arg13 : memref<!tpu.dma_semaphore, #tpu.memory_space<semaphore_mem>>)
    %dma_wait3A_1076 = arith.constant 30 : i32
    %dma_wait3A_1077 = arith.constant 0 : i32
    %dma_wait3A_1078 = tpu.memref_slice %arg7[%dma_wait3A_1076, %dma_wait3A_1077] : memref<40x125xi32, #tpu.memory_space<vmem>> -> memref<1x125xi32, #tpu.memory_space<vmem>>
    %dma_wait3A_1079 = tpu.memref_squeeze %dma_wait3A_1078 : memref<1x125xi32, #tpu.memory_space<vmem>> -> memref<125xi32, #tpu.memory_space<vmem>>
    %dma_wait3A_1080 = arith.constant 0 : i32
    %dma_wait3A_1081 = arith.constant 0 : i32
    %dma_wait3A_1082 = tpu.memref_slice %arg2[%dma_wait3A_1080, %dma_wait3A_1081] : memref<10000x128xf32, #tpu.memory_space<hbm>> -> memref<10000x128xf32, #tpu.memory_space<hbm>>
    tpu.wait_indirect_dma semaphore(%arg12 : memref<!tpu.dma_semaphore, #tpu.memory_space<semaphore_mem>>) src(%dma_wait3A_1082 : memref<10000x128xf32, #tpu.memory_space<hbm>>) dst(%arg9 : memref<125x128xf32, #tpu.memory_space<vmem>>)
    %run_scoped3A_1083 = arith.constant 30 : i32
    "tpu.region"() ({
      %run_scoped3A_1222 = tpu.sem_alloc : memref<!tpu.dma_semaphore, #tpu.memory_space<semaphore_mem>>
      %dma_start3A_1223 = arith.constant 0 : i32
      %dma_start3A_1224 = tpu.memref_slice %arg8[%run_scoped3A_1083, %dma_start3A_1223] : memref<40x125xi32, #tpu.memory_space<vmem>> -> memref<1x125xi32, #tpu.memory_space<vmem>>
      %dma_start3A_1225 = tpu.memref_squeeze %dma_start3A_1224 : memref<1x125xi32, #tpu.memory_space<vmem>> -> memref<125xi32, #tpu.memory_space<vmem>>
      %dma_start3A_1226 = arith.constant 0 : i32
      %dma_start3A_1227 = arith.constant 0 : i32
      %dma_start3A_1228 = tpu.memref_slice %arg11[%dma_start3A_1226, %dma_start3A_1227] : memref<10000x128xf32, #tpu.memory_space<vmem_shared>> -> memref<10000x128xf32, #tpu.memory_space<vmem_shared>>
      tpu.enqueue_indirect_dma source(%arg9 : memref<125x128xf32, #tpu.memory_space<vmem>>) target(%dma_start3A_1228 : memref<10000x128xf32, #tpu.memory_space<vmem_shared>>) offsets(%dma_start3A_1225 : memref<125xi32, #tpu.memory_space<vmem>>) semaphore(%run_scoped3A_1222 : memref<!tpu.dma_semaphore, #tpu.memory_space<semaphore_mem>>) {add = true}
      %dma_wait3A_1229 = arith.constant 0 : i32
      %dma_wait3A_1230 = tpu.memref_slice %arg8[%run_scoped3A_1083, %dma_wait3A_1229] : memref<40x125xi32, #tpu.memory_space<vmem>> -> memref<1x125xi32, #tpu.memory_space<vmem>>
      %dma_wait3A_1231 = tpu.memref_squeeze %dma_wait3A_1230 : memref<1x125xi32, #tpu.memory_space<vmem>> -> memref<125xi32, #tpu.memory_space<vmem>>
      %dma_wait3A_1232 = arith.constant 0 : i32
      %dma_wait3A_1233 = arith.constant 0 : i32
      %dma_wait3A_1234 = tpu.memref_slice %arg11[%dma_wait3A_1232, %dma_wait3A_1233] : memref<10000x128xf32, #tpu.memory_space<vmem_shared>> -> memref<10000x128xf32, #tpu.memory_space<vmem_shared>>
      tpu.wait_indirect_dma semaphore(%run_scoped3A_1222 : memref<!tpu.dma_semaphore, #tpu.memory_space<semaphore_mem>>) src(%arg9 : memref<125x128xf32, #tpu.memory_space<vmem>>) dst(%dma_wait3A_1234 : memref<10000x128xf32, #tpu.memory_space<vmem_shared>>)
      tpu.yield
    }) : () -> ()
    %dma_start3A_1084 = arith.constant 32 : i32
    %dma_start3A_1085 = arith.constant 0 : i32
    %dma_start3A_1086 = tpu.memref_slice %arg7[%dma_start3A_1084, %dma_start3A_1085] : memref<40x125xi32, #tpu.memory_space<vmem>> -> memref<1x125xi32, #tpu.memory_space<vmem>>
    %dma_start3A_1087 = tpu.memref_squeeze %dma_start3A_1086 : memref<1x125xi32, #tpu.memory_space<vmem>> -> memref<125xi32, #tpu.memory_space<vmem>>
    %dma_start3A_1088 = arith.constant 0 : i32
    %dma_start3A_1089 = arith.constant 0 : i32
    %dma_start3A_1090 = tpu.memref_slice %arg2[%dma_start3A_1088, %dma_start3A_1089] : memref<10000x128xf32, #tpu.memory_space<hbm>> -> memref<10000x128xf32, #tpu.memory_space<hbm>>
    tpu.enqueue_indirect_dma source(%dma_start3A_1090 : memref<10000x128xf32, #tpu.memory_space<hbm>>) target(%arg9 : memref<125x128xf32, #tpu.memory_space<vmem>>) offsets(%dma_start3A_1087 : memref<125xi32, #tpu.memory_space<vmem>>) semaphore(%arg12 : memref<!tpu.dma_semaphore, #tpu.memory_space<semaphore_mem>>)
    %dma_wait3A_1091 = arith.constant 31 : i32
    %dma_wait3A_1092 = arith.constant 0 : i32
    %dma_wait3A_1093 = tpu.memref_slice %arg7[%dma_wait3A_1091, %dma_wait3A_1092] : memref<40x125xi32, #tpu.memory_space<vmem>> -> memref<1x125xi32, #tpu.memory_space<vmem>>
    %dma_wait3A_1094 = tpu.memref_squeeze %dma_wait3A_1093 : memref<1x125xi32, #tpu.memory_space<vmem>> -> memref<125xi32, #tpu.memory_space<vmem>>
    %dma_wait3A_1095 = arith.constant 0 : i32
    %dma_wait3A_1096 = arith.constant 0 : i32
    %dma_wait3A_1097 = tpu.memref_slice %arg2[%dma_wait3A_1095, %dma_wait3A_1096] : memref<10000x128xf32, #tpu.memory_space<hbm>> -> memref<10000x128xf32, #tpu.memory_space<hbm>>
    tpu.wait_indirect_dma semaphore(%arg13 : memref<!tpu.dma_semaphore, #tpu.memory_space<semaphore_mem>>) src(%dma_wait3A_1097 : memref<10000x128xf32, #tpu.memory_space<hbm>>) dst(%arg10 : memref<125x128xf32, #tpu.memory_space<vmem>>)
    %run_scoped3A_1098 = arith.constant 31 : i32
    "tpu.region"() ({
      %run_scoped3A_1222 = tpu.sem_alloc : memref<!tpu.dma_semaphore, #tpu.memory_space<semaphore_mem>>
      %dma_start3A_1223 = arith.constant 0 : i32
      %dma_start3A_1224 = tpu.memref_slice %arg8[%run_scoped3A_1098, %dma_start3A_1223] : memref<40x125xi32, #tpu.memory_space<vmem>> -> memref<1x125xi32, #tpu.memory_space<vmem>>
      %dma_start3A_1225 = tpu.memref_squeeze %dma_start3A_1224 : memref<1x125xi32, #tpu.memory_space<vmem>> -> memref<125xi32, #tpu.memory_space<vmem>>
      %dma_start3A_1226 = arith.constant 0 : i32
      %dma_start3A_1227 = arith.constant 0 : i32
      %dma_start3A_1228 = tpu.memref_slice %arg11[%dma_start3A_1226, %dma_start3A_1227] : memref<10000x128xf32, #tpu.memory_space<vmem_shared>> -> memref<10000x128xf32, #tpu.memory_space<vmem_shared>>
      tpu.enqueue_indirect_dma source(%arg10 : memref<125x128xf32, #tpu.memory_space<vmem>>) target(%dma_start3A_1228 : memref<10000x128xf32, #tpu.memory_space<vmem_shared>>) offsets(%dma_start3A_1225 : memref<125xi32, #tpu.memory_space<vmem>>) semaphore(%run_scoped3A_1222 : memref<!tpu.dma_semaphore, #tpu.memory_space<semaphore_mem>>) {add = true}
      %dma_wait3A_1229 = arith.constant 0 : i32
      %dma_wait3A_1230 = tpu.memref_slice %arg8[%run_scoped3A_1098, %dma_wait3A_1229] : memref<40x125xi32, #tpu.memory_space<vmem>> -> memref<1x125xi32, #tpu.memory_space<vmem>>
      %dma_wait3A_1231 = tpu.memref_squeeze %dma_wait3A_1230 : memref<1x125xi32, #tpu.memory_space<vmem>> -> memref<125xi32, #tpu.memory_space<vmem>>
      %dma_wait3A_1232 = arith.constant 0 : i32
      %dma_wait3A_1233 = arith.constant 0 : i32
      %dma_wait3A_1234 = tpu.memref_slice %arg11[%dma_wait3A_1232, %dma_wait3A_1233] : memref<10000x128xf32, #tpu.memory_space<vmem_shared>> -> memref<10000x128xf32, #tpu.memory_space<vmem_shared>>
      tpu.wait_indirect_dma semaphore(%run_scoped3A_1222 : memref<!tpu.dma_semaphore, #tpu.memory_space<semaphore_mem>>) src(%arg10 : memref<125x128xf32, #tpu.memory_space<vmem>>) dst(%dma_wait3A_1234 : memref<10000x128xf32, #tpu.memory_space<vmem_shared>>)
      tpu.yield
    }) : () -> ()
    %dma_start3A_1099 = arith.constant 33 : i32
    %dma_start3A_1100 = arith.constant 0 : i32
    %dma_start3A_1101 = tpu.memref_slice %arg7[%dma_start3A_1099, %dma_start3A_1100] : memref<40x125xi32, #tpu.memory_space<vmem>> -> memref<1x125xi32, #tpu.memory_space<vmem>>
    %dma_start3A_1102 = tpu.memref_squeeze %dma_start3A_1101 : memref<1x125xi32, #tpu.memory_space<vmem>> -> memref<125xi32, #tpu.memory_space<vmem>>
    %dma_start3A_1103 = arith.constant 0 : i32
    %dma_start3A_1104 = arith.constant 0 : i32
    %dma_start3A_1105 = tpu.memref_slice %arg2[%dma_start3A_1103, %dma_start3A_1104] : memref<10000x128xf32, #tpu.memory_space<hbm>> -> memref<10000x128xf32, #tpu.memory_space<hbm>>
    tpu.enqueue_indirect_dma source(%dma_start3A_1105 : memref<10000x128xf32, #tpu.memory_space<hbm>>) target(%arg10 : memref<125x128xf32, #tpu.memory_space<vmem>>) offsets(%dma_start3A_1102 : memref<125xi32, #tpu.memory_space<vmem>>) semaphore(%arg13 : memref<!tpu.dma_semaphore, #tpu.memory_space<semaphore_mem>>)
    %dma_wait3A_1106 = arith.constant 32 : i32
    %dma_wait3A_1107 = arith.constant 0 : i32
    %dma_wait3A_1108 = tpu.memref_slice %arg7[%dma_wait3A_1106, %dma_wait3A_1107] : memref<40x125xi32, #tpu.memory_space<vmem>> -> memref<1x125xi32, #tpu.memory_space<vmem>>
    %dma_wait3A_1109 = tpu.memref_squeeze %dma_wait3A_1108 : memref<1x125xi32, #tpu.memory_space<vmem>> -> memref<125xi32, #tpu.memory_space<vmem>>
    %dma_wait3A_1110 = arith.constant 0 : i32
    %dma_wait3A_1111 = arith.constant 0 : i32
    %dma_wait3A_1112 = tpu.memref_slice %arg2[%dma_wait3A_1110, %dma_wait3A_1111] : memref<10000x128xf32, #tpu.memory_space<hbm>> -> memref<10000x128xf32, #tpu.memory_space<hbm>>
    tpu.wait_indirect_dma semaphore(%arg12 : memref<!tpu.dma_semaphore, #tpu.memory_space<semaphore_mem>>) src(%dma_wait3A_1112 : memref<10000x128xf32, #tpu.memory_space<hbm>>) dst(%arg9 : memref<125x128xf32, #tpu.memory_space<vmem>>)
    %run_scoped3A_1113 = arith.constant 32 : i32
    "tpu.region"() ({
      %run_scoped3A_1222 = tpu.sem_alloc : memref<!tpu.dma_semaphore, #tpu.memory_space<semaphore_mem>>
      %dma_start3A_1223 = arith.constant 0 : i32
      %dma_start3A_1224 = tpu.memref_slice %arg8[%run_scoped3A_1113, %dma_start3A_1223] : memref<40x125xi32, #tpu.memory_space<vmem>> -> memref<1x125xi32, #tpu.memory_space<vmem>>
      %dma_start3A_1225 = tpu.memref_squeeze %dma_start3A_1224 : memref<1x125xi32, #tpu.memory_space<vmem>> -> memref<125xi32, #tpu.memory_space<vmem>>
      %dma_start3A_1226 = arith.constant 0 : i32
      %dma_start3A_1227 = arith.constant 0 : i32
      %dma_start3A_1228 = tpu.memref_slice %arg11[%dma_start3A_1226, %dma_start3A_1227] : memref<10000x128xf32, #tpu.memory_space<vmem_shared>> -> memref<10000x128xf32, #tpu.memory_space<vmem_shared>>
      tpu.enqueue_indirect_dma source(%arg9 : memref<125x128xf32, #tpu.memory_space<vmem>>) target(%dma_start3A_1228 : memref<10000x128xf32, #tpu.memory_space<vmem_shared>>) offsets(%dma_start3A_1225 : memref<125xi32, #tpu.memory_space<vmem>>) semaphore(%run_scoped3A_1222 : memref<!tpu.dma_semaphore, #tpu.memory_space<semaphore_mem>>) {add = true}
      %dma_wait3A_1229 = arith.constant 0 : i32
      %dma_wait3A_1230 = tpu.memref_slice %arg8[%run_scoped3A_1113, %dma_wait3A_1229] : memref<40x125xi32, #tpu.memory_space<vmem>> -> memref<1x125xi32, #tpu.memory_space<vmem>>
      %dma_wait3A_1231 = tpu.memref_squeeze %dma_wait3A_1230 : memref<1x125xi32, #tpu.memory_space<vmem>> -> memref<125xi32, #tpu.memory_space<vmem>>
      %dma_wait3A_1232 = arith.constant 0 : i32
      %dma_wait3A_1233 = arith.constant 0 : i32
      %dma_wait3A_1234 = tpu.memref_slice %arg11[%dma_wait3A_1232, %dma_wait3A_1233] : memref<10000x128xf32, #tpu.memory_space<vmem_shared>> -> memref<10000x128xf32, #tpu.memory_space<vmem_shared>>
      tpu.wait_indirect_dma semaphore(%run_scoped3A_1222 : memref<!tpu.dma_semaphore, #tpu.memory_space<semaphore_mem>>) src(%arg9 : memref<125x128xf32, #tpu.memory_space<vmem>>) dst(%dma_wait3A_1234 : memref<10000x128xf32, #tpu.memory_space<vmem_shared>>)
      tpu.yield
    }) : () -> ()
    %dma_start3A_1114 = arith.constant 34 : i32
    %dma_start3A_1115 = arith.constant 0 : i32
    %dma_start3A_1116 = tpu.memref_slice %arg7[%dma_start3A_1114, %dma_start3A_1115] : memref<40x125xi32, #tpu.memory_space<vmem>> -> memref<1x125xi32, #tpu.memory_space<vmem>>
    %dma_start3A_1117 = tpu.memref_squeeze %dma_start3A_1116 : memref<1x125xi32, #tpu.memory_space<vmem>> -> memref<125xi32, #tpu.memory_space<vmem>>
    %dma_start3A_1118 = arith.constant 0 : i32
    %dma_start3A_1119 = arith.constant 0 : i32
    %dma_start3A_1120 = tpu.memref_slice %arg2[%dma_start3A_1118, %dma_start3A_1119] : memref<10000x128xf32, #tpu.memory_space<hbm>> -> memref<10000x128xf32, #tpu.memory_space<hbm>>
    tpu.enqueue_indirect_dma source(%dma_start3A_1120 : memref<10000x128xf32, #tpu.memory_space<hbm>>) target(%arg9 : memref<125x128xf32, #tpu.memory_space<vmem>>) offsets(%dma_start3A_1117 : memref<125xi32, #tpu.memory_space<vmem>>) semaphore(%arg12 : memref<!tpu.dma_semaphore, #tpu.memory_space<semaphore_mem>>)
    %dma_wait3A_1121 = arith.constant 33 : i32
    %dma_wait3A_1122 = arith.constant 0 : i32
    %dma_wait3A_1123 = tpu.memref_slice %arg7[%dma_wait3A_1121, %dma_wait3A_1122] : memref<40x125xi32, #tpu.memory_space<vmem>> -> memref<1x125xi32, #tpu.memory_space<vmem>>
    %dma_wait3A_1124 = tpu.memref_squeeze %dma_wait3A_1123 : memref<1x125xi32, #tpu.memory_space<vmem>> -> memref<125xi32, #tpu.memory_space<vmem>>
    %dma_wait3A_1125 = arith.constant 0 : i32
    %dma_wait3A_1126 = arith.constant 0 : i32
    %dma_wait3A_1127 = tpu.memref_slice %arg2[%dma_wait3A_1125, %dma_wait3A_1126] : memref<10000x128xf32, #tpu.memory_space<hbm>> -> memref<10000x128xf32, #tpu.memory_space<hbm>>
    tpu.wait_indirect_dma semaphore(%arg13 : memref<!tpu.dma_semaphore, #tpu.memory_space<semaphore_mem>>) src(%dma_wait3A_1127 : memref<10000x128xf32, #tpu.memory_space<hbm>>) dst(%arg10 : memref<125x128xf32, #tpu.memory_space<vmem>>)
    %run_scoped3A_1128 = arith.constant 33 : i32
    "tpu.region"() ({
      %run_scoped3A_1222 = tpu.sem_alloc : memref<!tpu.dma_semaphore, #tpu.memory_space<semaphore_mem>>
      %dma_start3A_1223 = arith.constant 0 : i32
      %dma_start3A_1224 = tpu.memref_slice %arg8[%run_scoped3A_1128, %dma_start3A_1223] : memref<40x125xi32, #tpu.memory_space<vmem>> -> memref<1x125xi32, #tpu.memory_space<vmem>>
      %dma_start3A_1225 = tpu.memref_squeeze %dma_start3A_1224 : memref<1x125xi32, #tpu.memory_space<vmem>> -> memref<125xi32, #tpu.memory_space<vmem>>
      %dma_start3A_1226 = arith.constant 0 : i32
      %dma_start3A_1227 = arith.constant 0 : i32
      %dma_start3A_1228 = tpu.memref_slice %arg11[%dma_start3A_1226, %dma_start3A_1227] : memref<10000x128xf32, #tpu.memory_space<vmem_shared>> -> memref<10000x128xf32, #tpu.memory_space<vmem_shared>>
      tpu.enqueue_indirect_dma source(%arg10 : memref<125x128xf32, #tpu.memory_space<vmem>>) target(%dma_start3A_1228 : memref<10000x128xf32, #tpu.memory_space<vmem_shared>>) offsets(%dma_start3A_1225 : memref<125xi32, #tpu.memory_space<vmem>>) semaphore(%run_scoped3A_1222 : memref<!tpu.dma_semaphore, #tpu.memory_space<semaphore_mem>>) {add = true}
      %dma_wait3A_1229 = arith.constant 0 : i32
      %dma_wait3A_1230 = tpu.memref_slice %arg8[%run_scoped3A_1128, %dma_wait3A_1229] : memref<40x125xi32, #tpu.memory_space<vmem>> -> memref<1x125xi32, #tpu.memory_space<vmem>>
      %dma_wait3A_1231 = tpu.memref_squeeze %dma_wait3A_1230 : memref<1x125xi32, #tpu.memory_space<vmem>> -> memref<125xi32, #tpu.memory_space<vmem>>
      %dma_wait3A_1232 = arith.constant 0 : i32
      %dma_wait3A_1233 = arith.constant 0 : i32
      %dma_wait3A_1234 = tpu.memref_slice %arg11[%dma_wait3A_1232, %dma_wait3A_1233] : memref<10000x128xf32, #tpu.memory_space<vmem_shared>> -> memref<10000x128xf32, #tpu.memory_space<vmem_shared>>
      tpu.wait_indirect_dma semaphore(%run_scoped3A_1222 : memref<!tpu.dma_semaphore, #tpu.memory_space<semaphore_mem>>) src(%arg10 : memref<125x128xf32, #tpu.memory_space<vmem>>) dst(%dma_wait3A_1234 : memref<10000x128xf32, #tpu.memory_space<vmem_shared>>)
      tpu.yield
    }) : () -> ()
    %dma_start3A_1129 = arith.constant 35 : i32
    %dma_start3A_1130 = arith.constant 0 : i32
    %dma_start3A_1131 = tpu.memref_slice %arg7[%dma_start3A_1129, %dma_start3A_1130] : memref<40x125xi32, #tpu.memory_space<vmem>> -> memref<1x125xi32, #tpu.memory_space<vmem>>
    %dma_start3A_1132 = tpu.memref_squeeze %dma_start3A_1131 : memref<1x125xi32, #tpu.memory_space<vmem>> -> memref<125xi32, #tpu.memory_space<vmem>>
    %dma_start3A_1133 = arith.constant 0 : i32
    %dma_start3A_1134 = arith.constant 0 : i32
    %dma_start3A_1135 = tpu.memref_slice %arg2[%dma_start3A_1133, %dma_start3A_1134] : memref<10000x128xf32, #tpu.memory_space<hbm>> -> memref<10000x128xf32, #tpu.memory_space<hbm>>
    tpu.enqueue_indirect_dma source(%dma_start3A_1135 : memref<10000x128xf32, #tpu.memory_space<hbm>>) target(%arg10 : memref<125x128xf32, #tpu.memory_space<vmem>>) offsets(%dma_start3A_1132 : memref<125xi32, #tpu.memory_space<vmem>>) semaphore(%arg13 : memref<!tpu.dma_semaphore, #tpu.memory_space<semaphore_mem>>)
    %dma_wait3A_1136 = arith.constant 34 : i32
    %dma_wait3A_1137 = arith.constant 0 : i32
    %dma_wait3A_1138 = tpu.memref_slice %arg7[%dma_wait3A_1136, %dma_wait3A_1137] : memref<40x125xi32, #tpu.memory_space<vmem>> -> memref<1x125xi32, #tpu.memory_space<vmem>>
    %dma_wait3A_1139 = tpu.memref_squeeze %dma_wait3A_1138 : memref<1x125xi32, #tpu.memory_space<vmem>> -> memref<125xi32, #tpu.memory_space<vmem>>
    %dma_wait3A_1140 = arith.constant 0 : i32
    %dma_wait3A_1141 = arith.constant 0 : i32
    %dma_wait3A_1142 = tpu.memref_slice %arg2[%dma_wait3A_1140, %dma_wait3A_1141] : memref<10000x128xf32, #tpu.memory_space<hbm>> -> memref<10000x128xf32, #tpu.memory_space<hbm>>
    tpu.wait_indirect_dma semaphore(%arg12 : memref<!tpu.dma_semaphore, #tpu.memory_space<semaphore_mem>>) src(%dma_wait3A_1142 : memref<10000x128xf32, #tpu.memory_space<hbm>>) dst(%arg9 : memref<125x128xf32, #tpu.memory_space<vmem>>)
    %run_scoped3A_1143 = arith.constant 34 : i32
    "tpu.region"() ({
      %run_scoped3A_1222 = tpu.sem_alloc : memref<!tpu.dma_semaphore, #tpu.memory_space<semaphore_mem>>
      %dma_start3A_1223 = arith.constant 0 : i32
      %dma_start3A_1224 = tpu.memref_slice %arg8[%run_scoped3A_1143, %dma_start3A_1223] : memref<40x125xi32, #tpu.memory_space<vmem>> -> memref<1x125xi32, #tpu.memory_space<vmem>>
      %dma_start3A_1225 = tpu.memref_squeeze %dma_start3A_1224 : memref<1x125xi32, #tpu.memory_space<vmem>> -> memref<125xi32, #tpu.memory_space<vmem>>
      %dma_start3A_1226 = arith.constant 0 : i32
      %dma_start3A_1227 = arith.constant 0 : i32
      %dma_start3A_1228 = tpu.memref_slice %arg11[%dma_start3A_1226, %dma_start3A_1227] : memref<10000x128xf32, #tpu.memory_space<vmem_shared>> -> memref<10000x128xf32, #tpu.memory_space<vmem_shared>>
      tpu.enqueue_indirect_dma source(%arg9 : memref<125x128xf32, #tpu.memory_space<vmem>>) target(%dma_start3A_1228 : memref<10000x128xf32, #tpu.memory_space<vmem_shared>>) offsets(%dma_start3A_1225 : memref<125xi32, #tpu.memory_space<vmem>>) semaphore(%run_scoped3A_1222 : memref<!tpu.dma_semaphore, #tpu.memory_space<semaphore_mem>>) {add = true}
      %dma_wait3A_1229 = arith.constant 0 : i32
      %dma_wait3A_1230 = tpu.memref_slice %arg8[%run_scoped3A_1143, %dma_wait3A_1229] : memref<40x125xi32, #tpu.memory_space<vmem>> -> memref<1x125xi32, #tpu.memory_space<vmem>>
      %dma_wait3A_1231 = tpu.memref_squeeze %dma_wait3A_1230 : memref<1x125xi32, #tpu.memory_space<vmem>> -> memref<125xi32, #tpu.memory_space<vmem>>
      %dma_wait3A_1232 = arith.constant 0 : i32
      %dma_wait3A_1233 = arith.constant 0 : i32
      %dma_wait3A_1234 = tpu.memref_slice %arg11[%dma_wait3A_1232, %dma_wait3A_1233] : memref<10000x128xf32, #tpu.memory_space<vmem_shared>> -> memref<10000x128xf32, #tpu.memory_space<vmem_shared>>
      tpu.wait_indirect_dma semaphore(%run_scoped3A_1222 : memref<!tpu.dma_semaphore, #tpu.memory_space<semaphore_mem>>) src(%arg9 : memref<125x128xf32, #tpu.memory_space<vmem>>) dst(%dma_wait3A_1234 : memref<10000x128xf32, #tpu.memory_space<vmem_shared>>)
      tpu.yield
    }) : () -> ()
    %dma_start3A_1144 = arith.constant 36 : i32
    %dma_start3A_1145 = arith.constant 0 : i32
    %dma_start3A_1146 = tpu.memref_slice %arg7[%dma_start3A_1144, %dma_start3A_1145] : memref<40x125xi32, #tpu.memory_space<vmem>> -> memref<1x125xi32, #tpu.memory_space<vmem>>
    %dma_start3A_1147 = tpu.memref_squeeze %dma_start3A_1146 : memref<1x125xi32, #tpu.memory_space<vmem>> -> memref<125xi32, #tpu.memory_space<vmem>>
    %dma_start3A_1148 = arith.constant 0 : i32
    %dma_start3A_1149 = arith.constant 0 : i32
    %dma_start3A_1150 = tpu.memref_slice %arg2[%dma_start3A_1148, %dma_start3A_1149] : memref<10000x128xf32, #tpu.memory_space<hbm>> -> memref<10000x128xf32, #tpu.memory_space<hbm>>
    tpu.enqueue_indirect_dma source(%dma_start3A_1150 : memref<10000x128xf32, #tpu.memory_space<hbm>>) target(%arg9 : memref<125x128xf32, #tpu.memory_space<vmem>>) offsets(%dma_start3A_1147 : memref<125xi32, #tpu.memory_space<vmem>>) semaphore(%arg12 : memref<!tpu.dma_semaphore, #tpu.memory_space<semaphore_mem>>)
    %dma_wait3A_1151 = arith.constant 35 : i32
    %dma_wait3A_1152 = arith.constant 0 : i32
    %dma_wait3A_1153 = tpu.memref_slice %arg7[%dma_wait3A_1151, %dma_wait3A_1152] : memref<40x125xi32, #tpu.memory_space<vmem>> -> memref<1x125xi32, #tpu.memory_space<vmem>>
    %dma_wait3A_1154 = tpu.memref_squeeze %dma_wait3A_1153 : memref<1x125xi32, #tpu.memory_space<vmem>> -> memref<125xi32, #tpu.memory_space<vmem>>
    %dma_wait3A_1155 = arith.constant 0 : i32
    %dma_wait3A_1156 = arith.constant 0 : i32
    %dma_wait3A_1157 = tpu.memref_slice %arg2[%dma_wait3A_1155, %dma_wait3A_1156] : memref<10000x128xf32, #tpu.memory_space<hbm>> -> memref<10000x128xf32, #tpu.memory_space<hbm>>
    tpu.wait_indirect_dma semaphore(%arg13 : memref<!tpu.dma_semaphore, #tpu.memory_space<semaphore_mem>>) src(%dma_wait3A_1157 : memref<10000x128xf32, #tpu.memory_space<hbm>>) dst(%arg10 : memref<125x128xf32, #tpu.memory_space<vmem>>)
    %run_scoped3A_1158 = arith.constant 35 : i32
    "tpu.region"() ({
      %run_scoped3A_1222 = tpu.sem_alloc : memref<!tpu.dma_semaphore, #tpu.memory_space<semaphore_mem>>
      %dma_start3A_1223 = arith.constant 0 : i32
      %dma_start3A_1224 = tpu.memref_slice %arg8[%run_scoped3A_1158, %dma_start3A_1223] : memref<40x125xi32, #tpu.memory_space<vmem>> -> memref<1x125xi32, #tpu.memory_space<vmem>>
      %dma_start3A_1225 = tpu.memref_squeeze %dma_start3A_1224 : memref<1x125xi32, #tpu.memory_space<vmem>> -> memref<125xi32, #tpu.memory_space<vmem>>
      %dma_start3A_1226 = arith.constant 0 : i32
      %dma_start3A_1227 = arith.constant 0 : i32
      %dma_start3A_1228 = tpu.memref_slice %arg11[%dma_start3A_1226, %dma_start3A_1227] : memref<10000x128xf32, #tpu.memory_space<vmem_shared>> -> memref<10000x128xf32, #tpu.memory_space<vmem_shared>>
      tpu.enqueue_indirect_dma source(%arg10 : memref<125x128xf32, #tpu.memory_space<vmem>>) target(%dma_start3A_1228 : memref<10000x128xf32, #tpu.memory_space<vmem_shared>>) offsets(%dma_start3A_1225 : memref<125xi32, #tpu.memory_space<vmem>>) semaphore(%run_scoped3A_1222 : memref<!tpu.dma_semaphore, #tpu.memory_space<semaphore_mem>>) {add = true}
      %dma_wait3A_1229 = arith.constant 0 : i32
      %dma_wait3A_1230 = tpu.memref_slice %arg8[%run_scoped3A_1158, %dma_wait3A_1229] : memref<40x125xi32, #tpu.memory_space<vmem>> -> memref<1x125xi32, #tpu.memory_space<vmem>>
      %dma_wait3A_1231 = tpu.memref_squeeze %dma_wait3A_1230 : memref<1x125xi32, #tpu.memory_space<vmem>> -> memref<125xi32, #tpu.memory_space<vmem>>
      %dma_wait3A_1232 = arith.constant 0 : i32
      %dma_wait3A_1233 = arith.constant 0 : i32
      %dma_wait3A_1234 = tpu.memref_slice %arg11[%dma_wait3A_1232, %dma_wait3A_1233] : memref<10000x128xf32, #tpu.memory_space<vmem_shared>> -> memref<10000x128xf32, #tpu.memory_space<vmem_shared>>
      tpu.wait_indirect_dma semaphore(%run_scoped3A_1222 : memref<!tpu.dma_semaphore, #tpu.memory_space<semaphore_mem>>) src(%arg10 : memref<125x128xf32, #tpu.memory_space<vmem>>) dst(%dma_wait3A_1234 : memref<10000x128xf32, #tpu.memory_space<vmem_shared>>)
      tpu.yield
    }) : () -> ()
    %dma_start3A_1159 = arith.constant 37 : i32
    %dma_start3A_1160 = arith.constant 0 : i32
    %dma_start3A_1161 = tpu.memref_slice %arg7[%dma_start3A_1159, %dma_start3A_1160] : memref<40x125xi32, #tpu.memory_space<vmem>> -> memref<1x125xi32, #tpu.memory_space<vmem>>
    %dma_start3A_1162 = tpu.memref_squeeze %dma_start3A_1161 : memref<1x125xi32, #tpu.memory_space<vmem>> -> memref<125xi32, #tpu.memory_space<vmem>>
    %dma_start3A_1163 = arith.constant 0 : i32
    %dma_start3A_1164 = arith.constant 0 : i32
    %dma_start3A_1165 = tpu.memref_slice %arg2[%dma_start3A_1163, %dma_start3A_1164] : memref<10000x128xf32, #tpu.memory_space<hbm>> -> memref<10000x128xf32, #tpu.memory_space<hbm>>
    tpu.enqueue_indirect_dma source(%dma_start3A_1165 : memref<10000x128xf32, #tpu.memory_space<hbm>>) target(%arg10 : memref<125x128xf32, #tpu.memory_space<vmem>>) offsets(%dma_start3A_1162 : memref<125xi32, #tpu.memory_space<vmem>>) semaphore(%arg13 : memref<!tpu.dma_semaphore, #tpu.memory_space<semaphore_mem>>)
    %dma_wait3A_1166 = arith.constant 36 : i32
    %dma_wait3A_1167 = arith.constant 0 : i32
    %dma_wait3A_1168 = tpu.memref_slice %arg7[%dma_wait3A_1166, %dma_wait3A_1167] : memref<40x125xi32, #tpu.memory_space<vmem>> -> memref<1x125xi32, #tpu.memory_space<vmem>>
    %dma_wait3A_1169 = tpu.memref_squeeze %dma_wait3A_1168 : memref<1x125xi32, #tpu.memory_space<vmem>> -> memref<125xi32, #tpu.memory_space<vmem>>
    %dma_wait3A_1170 = arith.constant 0 : i32
    %dma_wait3A_1171 = arith.constant 0 : i32
    %dma_wait3A_1172 = tpu.memref_slice %arg2[%dma_wait3A_1170, %dma_wait3A_1171] : memref<10000x128xf32, #tpu.memory_space<hbm>> -> memref<10000x128xf32, #tpu.memory_space<hbm>>
    tpu.wait_indirect_dma semaphore(%arg12 : memref<!tpu.dma_semaphore, #tpu.memory_space<semaphore_mem>>) src(%dma_wait3A_1172 : memref<10000x128xf32, #tpu.memory_space<hbm>>) dst(%arg9 : memref<125x128xf32, #tpu.memory_space<vmem>>)
    %run_scoped3A_1173 = arith.constant 36 : i32
    "tpu.region"() ({
      %run_scoped3A_1222 = tpu.sem_alloc : memref<!tpu.dma_semaphore, #tpu.memory_space<semaphore_mem>>
      %dma_start3A_1223 = arith.constant 0 : i32
      %dma_start3A_1224 = tpu.memref_slice %arg8[%run_scoped3A_1173, %dma_start3A_1223] : memref<40x125xi32, #tpu.memory_space<vmem>> -> memref<1x125xi32, #tpu.memory_space<vmem>>
      %dma_start3A_1225 = tpu.memref_squeeze %dma_start3A_1224 : memref<1x125xi32, #tpu.memory_space<vmem>> -> memref<125xi32, #tpu.memory_space<vmem>>
      %dma_start3A_1226 = arith.constant 0 : i32
      %dma_start3A_1227 = arith.constant 0 : i32
      %dma_start3A_1228 = tpu.memref_slice %arg11[%dma_start3A_1226, %dma_start3A_1227] : memref<10000x128xf32, #tpu.memory_space<vmem_shared>> -> memref<10000x128xf32, #tpu.memory_space<vmem_shared>>
      tpu.enqueue_indirect_dma source(%arg9 : memref<125x128xf32, #tpu.memory_space<vmem>>) target(%dma_start3A_1228 : memref<10000x128xf32, #tpu.memory_space<vmem_shared>>) offsets(%dma_start3A_1225 : memref<125xi32, #tpu.memory_space<vmem>>) semaphore(%run_scoped3A_1222 : memref<!tpu.dma_semaphore, #tpu.memory_space<semaphore_mem>>) {add = true}
      %dma_wait3A_1229 = arith.constant 0 : i32
      %dma_wait3A_1230 = tpu.memref_slice %arg8[%run_scoped3A_1173, %dma_wait3A_1229] : memref<40x125xi32, #tpu.memory_space<vmem>> -> memref<1x125xi32, #tpu.memory_space<vmem>>
      %dma_wait3A_1231 = tpu.memref_squeeze %dma_wait3A_1230 : memref<1x125xi32, #tpu.memory_space<vmem>> -> memref<125xi32, #tpu.memory_space<vmem>>
      %dma_wait3A_1232 = arith.constant 0 : i32
      %dma_wait3A_1233 = arith.constant 0 : i32
      %dma_wait3A_1234 = tpu.memref_slice %arg11[%dma_wait3A_1232, %dma_wait3A_1233] : memref<10000x128xf32, #tpu.memory_space<vmem_shared>> -> memref<10000x128xf32, #tpu.memory_space<vmem_shared>>
      tpu.wait_indirect_dma semaphore(%run_scoped3A_1222 : memref<!tpu.dma_semaphore, #tpu.memory_space<semaphore_mem>>) src(%arg9 : memref<125x128xf32, #tpu.memory_space<vmem>>) dst(%dma_wait3A_1234 : memref<10000x128xf32, #tpu.memory_space<vmem_shared>>)
      tpu.yield
    }) : () -> ()
    %dma_start3A_1174 = arith.constant 38 : i32
    %dma_start3A_1175 = arith.constant 0 : i32
    %dma_start3A_1176 = tpu.memref_slice %arg7[%dma_start3A_1174, %dma_start3A_1175] : memref<40x125xi32, #tpu.memory_space<vmem>> -> memref<1x125xi32, #tpu.memory_space<vmem>>
    %dma_start3A_1177 = tpu.memref_squeeze %dma_start3A_1176 : memref<1x125xi32, #tpu.memory_space<vmem>> -> memref<125xi32, #tpu.memory_space<vmem>>
    %dma_start3A_1178 = arith.constant 0 : i32
    %dma_start3A_1179 = arith.constant 0 : i32
    %dma_start3A_1180 = tpu.memref_slice %arg2[%dma_start3A_1178, %dma_start3A_1179] : memref<10000x128xf32, #tpu.memory_space<hbm>> -> memref<10000x128xf32, #tpu.memory_space<hbm>>
    tpu.enqueue_indirect_dma source(%dma_start3A_1180 : memref<10000x128xf32, #tpu.memory_space<hbm>>) target(%arg9 : memref<125x128xf32, #tpu.memory_space<vmem>>) offsets(%dma_start3A_1177 : memref<125xi32, #tpu.memory_space<vmem>>) semaphore(%arg12 : memref<!tpu.dma_semaphore, #tpu.memory_space<semaphore_mem>>)
    %dma_wait3A_1181 = arith.constant 37 : i32
    %dma_wait3A_1182 = arith.constant 0 : i32
    %dma_wait3A_1183 = tpu.memref_slice %arg7[%dma_wait3A_1181, %dma_wait3A_1182] : memref<40x125xi32, #tpu.memory_space<vmem>> -> memref<1x125xi32, #tpu.memory_space<vmem>>
    %dma_wait3A_1184 = tpu.memref_squeeze %dma_wait3A_1183 : memref<1x125xi32, #tpu.memory_space<vmem>> -> memref<125xi32, #tpu.memory_space<vmem>>
    %dma_wait3A_1185 = arith.constant 0 : i32
    %dma_wait3A_1186 = arith.constant 0 : i32
    %dma_wait3A_1187 = tpu.memref_slice %arg2[%dma_wait3A_1185, %dma_wait3A_1186] : memref<10000x128xf32, #tpu.memory_space<hbm>> -> memref<10000x128xf32, #tpu.memory_space<hbm>>
    tpu.wait_indirect_dma semaphore(%arg13 : memref<!tpu.dma_semaphore, #tpu.memory_space<semaphore_mem>>) src(%dma_wait3A_1187 : memref<10000x128xf32, #tpu.memory_space<hbm>>) dst(%arg10 : memref<125x128xf32, #tpu.memory_space<vmem>>)
    %run_scoped3A_1188 = arith.constant 37 : i32
    "tpu.region"() ({
      %run_scoped3A_1222 = tpu.sem_alloc : memref<!tpu.dma_semaphore, #tpu.memory_space<semaphore_mem>>
      %dma_start3A_1223 = arith.constant 0 : i32
      %dma_start3A_1224 = tpu.memref_slice %arg8[%run_scoped3A_1188, %dma_start3A_1223] : memref<40x125xi32, #tpu.memory_space<vmem>> -> memref<1x125xi32, #tpu.memory_space<vmem>>
      %dma_start3A_1225 = tpu.memref_squeeze %dma_start3A_1224 : memref<1x125xi32, #tpu.memory_space<vmem>> -> memref<125xi32, #tpu.memory_space<vmem>>
      %dma_start3A_1226 = arith.constant 0 : i32
      %dma_start3A_1227 = arith.constant 0 : i32
      %dma_start3A_1228 = tpu.memref_slice %arg11[%dma_start3A_1226, %dma_start3A_1227] : memref<10000x128xf32, #tpu.memory_space<vmem_shared>> -> memref<10000x128xf32, #tpu.memory_space<vmem_shared>>
      tpu.enqueue_indirect_dma source(%arg10 : memref<125x128xf32, #tpu.memory_space<vmem>>) target(%dma_start3A_1228 : memref<10000x128xf32, #tpu.memory_space<vmem_shared>>) offsets(%dma_start3A_1225 : memref<125xi32, #tpu.memory_space<vmem>>) semaphore(%run_scoped3A_1222 : memref<!tpu.dma_semaphore, #tpu.memory_space<semaphore_mem>>) {add = true}
      %dma_wait3A_1229 = arith.constant 0 : i32
      %dma_wait3A_1230 = tpu.memref_slice %arg8[%run_scoped3A_1188, %dma_wait3A_1229] : memref<40x125xi32, #tpu.memory_space<vmem>> -> memref<1x125xi32, #tpu.memory_space<vmem>>
      %dma_wait3A_1231 = tpu.memref_squeeze %dma_wait3A_1230 : memref<1x125xi32, #tpu.memory_space<vmem>> -> memref<125xi32, #tpu.memory_space<vmem>>
      %dma_wait3A_1232 = arith.constant 0 : i32
      %dma_wait3A_1233 = arith.constant 0 : i32
      %dma_wait3A_1234 = tpu.memref_slice %arg11[%dma_wait3A_1232, %dma_wait3A_1233] : memref<10000x128xf32, #tpu.memory_space<vmem_shared>> -> memref<10000x128xf32, #tpu.memory_space<vmem_shared>>
      tpu.wait_indirect_dma semaphore(%run_scoped3A_1222 : memref<!tpu.dma_semaphore, #tpu.memory_space<semaphore_mem>>) src(%arg10 : memref<125x128xf32, #tpu.memory_space<vmem>>) dst(%dma_wait3A_1234 : memref<10000x128xf32, #tpu.memory_space<vmem_shared>>)
      tpu.yield
    }) : () -> ()
    %dma_start3A_1189 = arith.constant 39 : i32
    %dma_start3A_1190 = arith.constant 0 : i32
    %dma_start3A_1191 = tpu.memref_slice %arg7[%dma_start3A_1189, %dma_start3A_1190] : memref<40x125xi32, #tpu.memory_space<vmem>> -> memref<1x125xi32, #tpu.memory_space<vmem>>
    %dma_start3A_1192 = tpu.memref_squeeze %dma_start3A_1191 : memref<1x125xi32, #tpu.memory_space<vmem>> -> memref<125xi32, #tpu.memory_space<vmem>>
    %dma_start3A_1193 = arith.constant 0 : i32
    %dma_start3A_1194 = arith.constant 0 : i32
    %dma_start3A_1195 = tpu.memref_slice %arg2[%dma_start3A_1193, %dma_start3A_1194] : memref<10000x128xf32, #tpu.memory_space<hbm>> -> memref<10000x128xf32, #tpu.memory_space<hbm>>
    tpu.enqueue_indirect_dma source(%dma_start3A_1195 : memref<10000x128xf32, #tpu.memory_space<hbm>>) target(%arg10 : memref<125x128xf32, #tpu.memory_space<vmem>>) offsets(%dma_start3A_1192 : memref<125xi32, #tpu.memory_space<vmem>>) semaphore(%arg13 : memref<!tpu.dma_semaphore, #tpu.memory_space<semaphore_mem>>)
    %dma_wait3A_1196 = arith.constant 38 : i32
    %dma_wait3A_1197 = arith.constant 0 : i32
    %dma_wait3A_1198 = tpu.memref_slice %arg7[%dma_wait3A_1196, %dma_wait3A_1197] : memref<40x125xi32, #tpu.memory_space<vmem>> -> memref<1x125xi32, #tpu.memory_space<vmem>>
    %dma_wait3A_1199 = tpu.memref_squeeze %dma_wait3A_1198 : memref<1x125xi32, #tpu.memory_space<vmem>> -> memref<125xi32, #tpu.memory_space<vmem>>
    %dma_wait3A_1200 = arith.constant 0 : i32
    %dma_wait3A_1201 = arith.constant 0 : i32
    %dma_wait3A_1202 = tpu.memref_slice %arg2[%dma_wait3A_1200, %dma_wait3A_1201] : memref<10000x128xf32, #tpu.memory_space<hbm>> -> memref<10000x128xf32, #tpu.memory_space<hbm>>
    tpu.wait_indirect_dma semaphore(%arg12 : memref<!tpu.dma_semaphore, #tpu.memory_space<semaphore_mem>>) src(%dma_wait3A_1202 : memref<10000x128xf32, #tpu.memory_space<hbm>>) dst(%arg9 : memref<125x128xf32, #tpu.memory_space<vmem>>)
    %run_scoped3A_1203 = arith.constant 38 : i32
    "tpu.region"() ({
      %run_scoped3A_1222 = tpu.sem_alloc : memref<!tpu.dma_semaphore, #tpu.memory_space<semaphore_mem>>
      %dma_start3A_1223 = arith.constant 0 : i32
      %dma_start3A_1224 = tpu.memref_slice %arg8[%run_scoped3A_1203, %dma_start3A_1223] : memref<40x125xi32, #tpu.memory_space<vmem>> -> memref<1x125xi32, #tpu.memory_space<vmem>>
      %dma_start3A_1225 = tpu.memref_squeeze %dma_start3A_1224 : memref<1x125xi32, #tpu.memory_space<vmem>> -> memref<125xi32, #tpu.memory_space<vmem>>
      %dma_start3A_1226 = arith.constant 0 : i32
      %dma_start3A_1227 = arith.constant 0 : i32
      %dma_start3A_1228 = tpu.memref_slice %arg11[%dma_start3A_1226, %dma_start3A_1227] : memref<10000x128xf32, #tpu.memory_space<vmem_shared>> -> memref<10000x128xf32, #tpu.memory_space<vmem_shared>>
      tpu.enqueue_indirect_dma source(%arg9 : memref<125x128xf32, #tpu.memory_space<vmem>>) target(%dma_start3A_1228 : memref<10000x128xf32, #tpu.memory_space<vmem_shared>>) offsets(%dma_start3A_1225 : memref<125xi32, #tpu.memory_space<vmem>>) semaphore(%run_scoped3A_1222 : memref<!tpu.dma_semaphore, #tpu.memory_space<semaphore_mem>>) {add = true}
      %dma_wait3A_1229 = arith.constant 0 : i32
      %dma_wait3A_1230 = tpu.memref_slice %arg8[%run_scoped3A_1203, %dma_wait3A_1229] : memref<40x125xi32, #tpu.memory_space<vmem>> -> memref<1x125xi32, #tpu.memory_space<vmem>>
      %dma_wait3A_1231 = tpu.memref_squeeze %dma_wait3A_1230 : memref<1x125xi32, #tpu.memory_space<vmem>> -> memref<125xi32, #tpu.memory_space<vmem>>
      %dma_wait3A_1232 = arith.constant 0 : i32
      %dma_wait3A_1233 = arith.constant 0 : i32
      %dma_wait3A_1234 = tpu.memref_slice %arg11[%dma_wait3A_1232, %dma_wait3A_1233] : memref<10000x128xf32, #tpu.memory_space<vmem_shared>> -> memref<10000x128xf32, #tpu.memory_space<vmem_shared>>
      tpu.wait_indirect_dma semaphore(%run_scoped3A_1222 : memref<!tpu.dma_semaphore, #tpu.memory_space<semaphore_mem>>) src(%arg9 : memref<125x128xf32, #tpu.memory_space<vmem>>) dst(%dma_wait3A_1234 : memref<10000x128xf32, #tpu.memory_space<vmem_shared>>)
      tpu.yield
    }) : () -> ()
    %dma_wait3A_1204 = arith.constant 39 : i32
    %dma_wait3A_1205 = arith.constant 0 : i32
    %dma_wait3A_1206 = tpu.memref_slice %arg7[%dma_wait3A_1204, %dma_wait3A_1205] : memref<40x125xi32, #tpu.memory_space<vmem>> -> memref<1x125xi32, #tpu.memory_space<vmem>>
    %dma_wait3A_1207 = tpu.memref_squeeze %dma_wait3A_1206 : memref<1x125xi32, #tpu.memory_space<vmem>> -> memref<125xi32, #tpu.memory_space<vmem>>
    %dma_wait3A_1208 = arith.constant 0 : i32
    %dma_wait3A_1209 = arith.constant 0 : i32
    %dma_wait3A_1210 = tpu.memref_slice %arg2[%dma_wait3A_1208, %dma_wait3A_1209] : memref<10000x128xf32, #tpu.memory_space<hbm>> -> memref<10000x128xf32, #tpu.memory_space<hbm>>
    tpu.wait_indirect_dma semaphore(%arg13 : memref<!tpu.dma_semaphore, #tpu.memory_space<semaphore_mem>>) src(%dma_wait3A_1210 : memref<10000x128xf32, #tpu.memory_space<hbm>>) dst(%arg10 : memref<125x128xf32, #tpu.memory_space<vmem>>)
    %run_scoped3A_1211 = arith.constant 39 : i32
    "tpu.region"() ({
      %run_scoped3A_1222 = tpu.sem_alloc : memref<!tpu.dma_semaphore, #tpu.memory_space<semaphore_mem>>
      %dma_start3A_1223 = arith.constant 0 : i32
      %dma_start3A_1224 = tpu.memref_slice %arg8[%run_scoped3A_1211, %dma_start3A_1223] : memref<40x125xi32, #tpu.memory_space<vmem>> -> memref<1x125xi32, #tpu.memory_space<vmem>>
      %dma_start3A_1225 = tpu.memref_squeeze %dma_start3A_1224 : memref<1x125xi32, #tpu.memory_space<vmem>> -> memref<125xi32, #tpu.memory_space<vmem>>
      %dma_start3A_1226 = arith.constant 0 : i32
      %dma_start3A_1227 = arith.constant 0 : i32
      %dma_start3A_1228 = tpu.memref_slice %arg11[%dma_start3A_1226, %dma_start3A_1227] : memref<10000x128xf32, #tpu.memory_space<vmem_shared>> -> memref<10000x128xf32, #tpu.memory_space<vmem_shared>>
      tpu.enqueue_indirect_dma source(%arg10 : memref<125x128xf32, #tpu.memory_space<vmem>>) target(%dma_start3A_1228 : memref<10000x128xf32, #tpu.memory_space<vmem_shared>>) offsets(%dma_start3A_1225 : memref<125xi32, #tpu.memory_space<vmem>>) semaphore(%run_scoped3A_1222 : memref<!tpu.dma_semaphore, #tpu.memory_space<semaphore_mem>>) {add = true}
      %dma_wait3A_1229 = arith.constant 0 : i32
      %dma_wait3A_1230 = tpu.memref_slice %arg8[%run_scoped3A_1211, %dma_wait3A_1229] : memref<40x125xi32, #tpu.memory_space<vmem>> -> memref<1x125xi32, #tpu.memory_space<vmem>>
      %dma_wait3A_1231 = tpu.memref_squeeze %dma_wait3A_1230 : memref<1x125xi32, #tpu.memory_space<vmem>> -> memref<125xi32, #tpu.memory_space<vmem>>
      %dma_wait3A_1232 = arith.constant 0 : i32
      %dma_wait3A_1233 = arith.constant 0 : i32
      %dma_wait3A_1234 = tpu.memref_slice %arg11[%dma_wait3A_1232, %dma_wait3A_1233] : memref<10000x128xf32, #tpu.memory_space<vmem_shared>> -> memref<10000x128xf32, #tpu.memory_space<vmem_shared>>
      tpu.wait_indirect_dma semaphore(%run_scoped3A_1222 : memref<!tpu.dma_semaphore, #tpu.memory_space<semaphore_mem>>) src(%arg10 : memref<125x128xf32, #tpu.memory_space<vmem>>) dst(%dma_wait3A_1234 : memref<10000x128xf32, #tpu.memory_space<vmem_shared>>)
      tpu.yield
    }) : () -> ()
    %barrier3A_1212 = arith.constant 0 : index
    tpu.barrier barrier_id(%barrier3A_1212)
    %mul3A_1213 = arith.constant 624 : i32
    %mul3A_1214 = arith.muli %arg1, %mul3A_1213 : i32
    %mul3A_1215 = arith.constant 624 : i32
    %mul3A_1216 = arith.muli %arg1, %mul3A_1215 : i32
    "tpu.region"() ({
      %run_scoped3A_1222 = tpu.sem_alloc : memref<!tpu.dma_semaphore, #tpu.memory_space<semaphore_mem>>
      %dma_start3A_1223 = arith.constant 0 : i32
      %dma_start3A_1224 = arith.constant 0 : i32
      %dma_start3A_1225 = tpu.memref_slice %arg6[%arg0, %dma_start3A_1223, %dma_start3A_1224] : memref<2x10000x128xf32, #tpu.memory_space<hbm>> -> memref<1x10000x128xf32, #tpu.memory_space<hbm>>
      %dma_start3A_1226 = tpu.memref_squeeze %dma_start3A_1225 : memref<1x10000x128xf32, #tpu.memory_space<hbm>> -> memref<10000x128xf32, #tpu.memory_space<hbm>>
      %dma_start3A_1227 = arith.constant 0 : i32
      %dma_start3A_1228 = tpu.memref_slice %dma_start3A_1226[%mul3A_1216, %dma_start3A_1227] : memref<10000x128xf32, #tpu.memory_space<hbm>> -> memref<624x128xf32, #tpu.memory_space<hbm>>
      %dma_start3A_1229 = arith.constant 0 : i32
      %dma_start3A_1230 = tpu.memref_slice %arg11[%mul3A_1214, %dma_start3A_1229] : memref<10000x128xf32, #tpu.memory_space<vmem_shared>> -> memref<624x128xf32, #tpu.memory_space<vmem_shared>>
      tpu.enqueue_dma source(%dma_start3A_1230 : memref<624x128xf32, #tpu.memory_space<vmem_shared>>) target(%dma_start3A_1228 : memref<624x128xf32, #tpu.memory_space<hbm>>) target_semaphore(%run_scoped3A_1222 : memref<!tpu.dma_semaphore, #tpu.memory_space<semaphore_mem>>)
      %dma_wait3A_1231 = arith.constant 0 : i32
      %dma_wait3A_1232 = arith.constant 0 : i32
      %dma_wait3A_1233 = tpu.memref_slice %arg6[%arg0, %dma_wait3A_1231, %dma_wait3A_1232] : memref<2x10000x128xf32, #tpu.memory_space<hbm>> -> memref<1x10000x128xf32, #tpu.memory_space<hbm>>
      %dma_wait3A_1234 = tpu.memref_squeeze %dma_wait3A_1233 : memref<1x10000x128xf32, #tpu.memory_space<hbm>> -> memref<10000x128xf32, #tpu.memory_space<hbm>>
      %dma_wait3A_1235 = arith.constant 0 : i32
      %dma_wait3A_1236 = tpu.memref_slice %dma_wait3A_1234[%mul3A_1216, %dma_wait3A_1235] : memref<10000x128xf32, #tpu.memory_space<hbm>> -> memref<624x128xf32, #tpu.memory_space<hbm>>
      %dma_wait3A_1237 = arith.constant 0 : i32
      %dma_wait3A_1238 = tpu.memref_slice %arg11[%mul3A_1214, %dma_wait3A_1237] : memref<10000x128xf32, #tpu.memory_space<vmem_shared>> -> memref<624x128xf32, #tpu.memory_space<vmem_shared>>
      tpu.wait_dma2 semaphore(%run_scoped3A_1222 : memref<!tpu.dma_semaphore, #tpu.memory_space<semaphore_mem>>) src(%dma_wait3A_1238 : memref<624x128xf32, #tpu.memory_space<vmem_shared>>) dst(%dma_wait3A_1236 : memref<624x128xf32, #tpu.memory_space<hbm>>)
      tpu.yield
    }) : () -> ()
    %eq3A_1217 = arith.constant 0 : i32
    %eq3A_1218 = arith.cmpi eq, %arg1, %eq3A_1217 : i32
    %convert_element_type3A_1219 = arith.extui %eq3A_1218 : i1 to i32
    %cond3A_1220 = arith.constant 0 : i32
    %cond3A_1221 = arith.cmpi ne, %convert_element_type3A_1219, %cond3A_1220 : i32
    scf.if %cond3A_1221 {
      "tpu.region"() ({
        %run_scoped3A_1222 = tpu.sem_alloc : memref<!tpu.dma_semaphore, #tpu.memory_space<semaphore_mem>>
        %dma_start3A_1223 = arith.constant 0 : i32
        %dma_start3A_1224 = arith.constant 0 : i32
        %dma_start3A_1225 = tpu.memref_slice %arg6[%arg0, %dma_start3A_1223, %dma_start3A_1224] : memref<2x10000x128xf32, #tpu.memory_space<hbm>> -> memref<1x10000x128xf32, #tpu.memory_space<hbm>>
        %dma_start3A_1226 = tpu.memref_squeeze %dma_start3A_1225 : memref<1x10000x128xf32, #tpu.memory_space<hbm>> -> memref<10000x128xf32, #tpu.memory_space<hbm>>
        %dma_start3A_1227 = arith.constant 9984 : i32
        %dma_start3A_1228 = arith.constant 0 : i32
        %dma_start3A_1229 = tpu.memref_slice %dma_start3A_1226[%dma_start3A_1227, %dma_start3A_1228] : memref<10000x128xf32, #tpu.memory_space<hbm>> -> memref<16x128xf32, #tpu.memory_space<hbm>>
        %dma_start3A_1230 = arith.constant 9984 : i32
        %dma_start3A_1231 = arith.constant 0 : i32
        %dma_start3A_1232 = tpu.memref_slice %arg11[%dma_start3A_1230, %dma_start3A_1231] : memref<10000x128xf32, #tpu.memory_space<vmem_shared>> -> memref<16x128xf32, #tpu.memory_space<vmem_shared>>
        tpu.enqueue_dma source(%dma_start3A_1232 : memref<16x128xf32, #tpu.memory_space<vmem_shared>>) target(%dma_start3A_1229 : memref<16x128xf32, #tpu.memory_space<hbm>>) target_semaphore(%run_scoped3A_1222 : memref<!tpu.dma_semaphore, #tpu.memory_space<semaphore_mem>>)
        %dma_wait3A_1233 = arith.constant 0 : i32
        %dma_wait3A_1234 = arith.constant 0 : i32
        %dma_wait3A_1235 = tpu.memref_slice %arg6[%arg0, %dma_wait3A_1233, %dma_wait3A_1234] : memref<2x10000x128xf32, #tpu.memory_space<hbm>> -> memref<1x10000x128xf32, #tpu.memory_space<hbm>>
        %dma_wait3A_1236 = tpu.memref_squeeze %dma_wait3A_1235 : memref<1x10000x128xf32, #tpu.memory_space<hbm>> -> memref<10000x128xf32, #tpu.memory_space<hbm>>
        %dma_wait3A_1237 = arith.constant 9984 : i32
        %dma_wait3A_1238 = arith.constant 0 : i32
        %dma_wait3A_1239 = tpu.memref_slice %dma_wait3A_1236[%dma_wait3A_1237, %dma_wait3A_1238] : memref<10000x128xf32, #tpu.memory_space<hbm>> -> memref<16x128xf32, #tpu.memory_space<hbm>>
        %dma_wait3A_1240 = arith.constant 9984 : i32
        %dma_wait3A_1241 = arith.constant 0 : i32
        %dma_wait3A_1242 = tpu.memref_slice %arg11[%dma_wait3A_1240, %dma_wait3A_1241] : memref<10000x128xf32, #tpu.memory_space<vmem_shared>> -> memref<16x128xf32, #tpu.memory_space<vmem_shared>>
        tpu.wait_dma2 semaphore(%run_scoped3A_1222 : memref<!tpu.dma_semaphore, #tpu.memory_space<semaphore_mem>>) src(%dma_wait3A_1242 : memref<16x128xf32, #tpu.memory_space<vmem_shared>>) dst(%dma_wait3A_1239 : memref<16x128xf32, #tpu.memory_space<hbm>>)
        tpu.yield
      }) : () -> ()
    } else {
    }
    return
  }
}

</mosaic_0001>

<sc_bundles>
// kernel: _seg_sum.3.cloned.1.call-start
scs
__scs_entry_jumppad:
0x0: {  	(pc) =	sbr.rel $0x88, $3  }
0x1: {  	(tag) =	ssettag $0x0;
	lr =	simm.s32 $0x1  }
0x2: {  	[smem:$0x3F9D] =	sst lr;
	_ =	strace $0xD0000000  }
0x3: {  	_ = 	snop  }
0x4: {  	_ = 	snop  }
0x5: {  	_ = 	snop  }
0x6: {  	_ = 	snop  }
0x7: {  	_ = 	snop  }
__scs_overlays_trampoline_lowered:
0x8: {  	[smem:$0x3FAC] =	sst s0  }
0x9: {  	[smem:$0x3FAD] =	sst s1  }
0xa: {  	[smem:$0x3FAE] =	sst s2  }
0xb: {  	[smem:$0x3FAF] =	sst s3  }
0xc: {  	[smem:$0x3FB0] =	sst s4  }
0xd: {  	[smem:$0x3FB1] =	sst s5  }
0xe: {  	[smem:$0x3FB2] =	sst s6  }
0xf: {  	[smem:$0x3FB3] =	sst s7  }
0x10: {  	[smem:$0x3FB4] =	sst s8  }
0x11: {  	[smem:$0x3FB5] =	sst s9;
	s0 =	simm.s32 @!p0 $0x0  }
0x12: {  	s1 =	sld [smem:$0x3F9B];
	s0 =	simm.s32 @p0 $0x1  }
0x13: {  	[smem:$0x3FB6] =	sst s0;
	s0 =	simm.s32 @!p1 $0x0  }
0x14: {  	s2 =	sld [smem:$0x3F9A];
	s0 =	simm.s32 @p1 $0x1  }
0x15: {  	[smem:$0x3FB7] =	sst s0;
	s0 =	simm.s32 @!p2 $0x0  }
0x16: {  	s3 =	sld [smem:$0x3FDB];
	s0 =	simm.s32 @p2 $0x1  }
0x17: {  	s4 =	simm.s32 $0x1BF5;
	[smem:$0x3FB9] =	sst s0  }
0x18: {  	s0 =	sld [smem:$0x3F9C];
	_ =	swait.ge [sflag:s4], $0x0  }
0x19: {  	s7 =	sld [smem:$0x3F9D]  }
0x1a: {  	s8 =	sadd.s32 $0xFFFFE003, lr  }
0x1b: {  	s9 =	sadd.s32 $0xFFFFFEF7, lr;
	s5 =	simm.s32 $0xFFFFFFFF;
	p2 =	slt.u32 s8, $0xFFFFF086  }
0x1c: {  	p1 =	slt.u32 s9, $0xF7A;
	s5 =	simm.s32 @!p2 $0x0  }
0x1d: {  	s5 =	simm.s32 @p1 $0x1;
	p0 =	seq.s32 s7, s2  }
0x1e: {  	s7 =	smul.u32 @!p0 $0xF7A, s2;
	p2 =	seq.s32 @!p0 s5, $0x0  }
0x1f: {  	s9 =	smul.u32 $0xF7A, s1;
	s8 =	simm.s32 @!p0 $0x1BF5;
	p2 =	por !p2, p0  }
0x20: {  	[sflag:s8] =	ssyncset.s32 @!p0 $0xFFFFF086;
	s6 =	sadd.s32 @!p0 s3, s7;
	s7 =	simm.s32 @!p0 $0x108  }
0x21: {  	s3 =	sadd.s32 s3, s9;
	s6 =	sadd.s32 @!p0 $0x88, s6;
	s7 =	simm.s32 @p2 $0x1082  }
0x22: {  	[simem:s7], [sflag:s8] =	dma.local @!p0 [hbm:s6], $0xF7A  }
0x23: {  	s9 =	sor.u32 $0xD0000000, s2;
	s6 =	simm.s32 $0x108;
	_ =	swait.ge @!p0 [sflag:s8], $0x0  }
0x24: {  	s3 =	sadd.s32 $0x88, s3;
	s6 =	simm.s32 @!p1 $0x1082;
	[sflag:s4] =	ssyncset.s32 $0xFFFFF086  }
0x25: {  	[simem:s6], [sflag:s4] =	dma.local [hbm:s3], $0xF7A  }
0x26: {  	[smem:$0x3F9D] =	sst s1;
	(tag) =	ssettag s2;
	_ =	strace s9  }
0x27: {  	s1 =	sld [smem:$0x3FAD]  }
0x28: {  	s2 =	sld [smem:$0x3FAE]  }
0x29: {  	s4 =	sld [smem:$0x3FB0]  }
0x2a: {  	p0 =	seq.s32 s5, $0x0;
	s5 =	sld [smem:$0x3FB1]  }
0x2b: {  	s6 =	sld [smem:$0x3FB2]  }
0x2c: {  	s7 =	sld [smem:$0x3FB3]  }
0x2d: {  	s3 =	simm.s32 $0x108;
	s8 =	sld [smem:$0x3FB4]  }
0x2e: {  	s3 =	simm.s32 @!p0 $0x1082;
	s9 =	sld [smem:$0x3FB5]  }
0x2f: {  	lr =	sadd.s32 s0, s3;
	s0 =	sld [smem:$0x3FAC]  }
0x30: {  	s3 =	sld [smem:$0x3FAF]  }
0x31: {  	[smem:$0x3FB8] =	sst s10  }
0x32: {  	s10 =	sld [smem:$0x3FB6];
	_ =	sdelay $0x3  }
0x33: {  	p0 =	seq.s32 s10, $0x1;
	s10 =	sld [smem:$0x3FB8];
	_ =	sdelay $0x3  }
0x34: {  	[smem:$0x3FB8] =	sst s10  }
0x35: {  	s10 =	sld [smem:$0x3FB7];
	_ =	sdelay $0x3  }
0x36: {  	p1 =	seq.s32 s10, $0x1;
	s10 =	sld [smem:$0x3FB8];
	_ =	sdelay $0x3  }
0x37: {  	[smem:$0x3FB8] =	sst s10  }
0x38: {  	s10 =	sld [smem:$0x3FB9]  }
0x39: {  	_ = 	snop;
	(pc) =	sbr.ind lr, $3  }
0x3a: {  	_ = 	snop  }
0x3b: {  	_ = 	snop  }
0x3c: {  	p2 =	seq.s32 s10, $0x1;
	s10 =	sld [smem:$0x3FB8]  }
0x3d: {  	_ =	shalt  }
0x3e: {  	_ =	shalt  }
0x3f: {  	_ =	shalt  }
0x40: {  	_ =	shalt  }
0x41: {  	_ =	shalt  }
0x42: {  	_ =	shalt  }
0x43: {  	_ =	shalt  }
0x44: {  	_ =	shalt  }
0x45: {  	_ =	shalt  }
0x46: {  	_ =	shalt  }
0x47: {  	_ =	shalt  }
0x48: {  	_ =	shalt  }
0x49: {  	_ =	shalt  }
0x4a: {  	_ =	shalt  }
0x4b: {  	_ =	shalt  }
0x4c: {  	_ =	shalt  }
0x4d: {  	_ =	shalt  }
0x4e: {  	_ =	shalt  }
0x4f: {  	_ =	shalt  }
0x50: {  	_ =	shalt  }
0x51: {  	_ =	shalt  }
0x52: {  	_ =	shalt  }
0x53: {  	_ =	shalt  }
0x54: {  	_ =	shalt  }
0x55: {  	_ =	shalt  }
0x56: {  	_ =	shalt  }
0x57: {  	_ =	shalt  }
0x58: {  	_ =	shalt  }
0x59: {  	_ =	shalt  }
0x5a: {  	_ =	shalt  }
0x5b: {  	_ =	shalt  }
0x5c: {  	_ =	shalt  }
0x5d: {  	_ =	shalt  }
0x5e: {  	_ =	shalt  }
0x5f: {  	_ =	shalt  }
0x60: {  	_ =	shalt  }
0x61: {  	_ =	shalt  }
0x62: {  	_ =	shalt  }
0x63: {  	_ =	shalt  }
0x64: {  	_ =	shalt  }
0x65: {  	_ =	shalt  }
0x66: {  	_ =	shalt  }
0x67: {  	_ =	shalt  }
0x68: {  	_ =	shalt  }
0x69: {  	_ =	shalt  }
0x6a: {  	_ =	shalt  }
0x6b: {  	_ =	shalt  }
0x6c: {  	_ =	shalt  }
0x6d: {  	_ =	shalt  }
0x6e: {  	_ =	shalt  }
0x6f: {  	_ =	shalt  }
0x70: {  	_ =	shalt  }
0x71: {  	_ =	shalt  }
0x72: {  	_ =	shalt  }
0x73: {  	_ =	shalt  }
0x74: {  	_ =	shalt  }
0x75: {  	_ =	shalt  }
0x76: {  	_ =	shalt  }
0x77: {  	_ =	shalt  }
0x78: {  	_ =	shalt  }
0x79: {  	_ =	shalt  }
0x7a: {  	_ =	shalt  }
0x7b: {  	_ =	shalt  }
0x7c: {  	_ =	shalt  }
0x7d: {  	_ =	shalt  }
0x7e: {  	_ =	shalt  }
0x7f: {  	_ =	shalt  }
0x80: {  	_ =	shalt  }
0x81: {  	_ =	shalt  }
0x82: {  	_ =	shalt  }
0x83: {  	_ =	shalt  }
0x84: {  	_ =	shalt  }
0x85: {  	_ =	shalt  }
0x86: {  	_ =	shalt  }
0x87: {  	_ =	shalt  }
.Lfunc_end0:
.L_simem_size_0:
called_computation_lowered:
.L_overlay_start_0:
0x88: {  	s2 =	sld [smem:$0x3FD9]  }
0x89: {  	s3 =	sld [smem:$0x3FFE];
	_ =	sdelay $0x1  }
0x8a: {  	s1 =	srdreg.scid  }
0x8b: {  	s0 =	sand.u32 $0x1, s1  }
0x8c: {  	s18 =	sshll.u32 s0, $0xA;
	s2 =	sadd.s32 s3, s2  }
0x8d: {  	s2 =	sadd.s32 s2, s18  }
0x8e: {  	[smem:$0x3FC4] =	sst s2  }
0x8f: {  	_ = 	snop  }
0x90: {  	s2 =	sld [smem:$0x3FC9]  }
0x91: {  	s19 =	sld [smem:$0x3FC8]  }
0x92: {  	s4 =	sld [smem:$0x3FC7]  }
0x93: {  	s5 =	sld [smem:$0x3FC6]  }
0x94: {  	s6 =	sld [smem:$0x3FD0];
	(tm) =	ssettm $0x1  }
0x95: {  	s7 =	sld [smem:$0x3FFB];
	_ =	sdelay $0x3  }
0x96: {  	_ =	strace s7  }
0x97: {  	s7 =	sld [smem:$0x3FFC];
	_ =	sdelay $0x3  }
0x98: {  	_ =	strace s7  }
0x99: {  	s7 =	sld [smem:$0x3FFD];
	_ =	sdelay $0x3  }
0x9a: {  	_ =	strace s7  }
0x9b: {  	_ =	strace $0x8FFFFFFF  }
0x9c: {  	s20 =	sld [smem:$0x3FDB];
	_ =	sdelay $0x1  }
0x9d: {  	s8 =	simm.s32 $_scs_section_size  }
0x9e: {  	s9 =	simm.s32 $_size__tile_overlayer_lowered;
	s10 =	simm.s32 $_tile_overlayer_lowered  }
0x9f: {  	s23 =	simm.s32 $0x1BFF;
	s22 =	sshll.u32 s10, $0x1;
	s7 =	sadd.s32 s8, s20  }
0xa0: {  	s11 =	simm.s32 $0x0;
	s21 =	sshll.u32 s9, $0x1;
	s9 =	sadd.s32 s22, s7  }
0xa1: {  	[timem:s11], [sflag:s23] =	dma.local [hbm:s9], s21  }
0xa2: {  	_ =	swait.ge [sflag:s23], s21  }
0xa3: {  	s8 =	ssub.s32 $0x0, s21;
	[sflag:s23] =	ssyncset.done $0x0  }
0xa4: {  	[sflag:s23] =	ssyncadd.s32 s8;
	_ =	sdelay $0x1  }
0xa5: {  	s24 =	simm.s32 $0x1B8B  }
0xa6: {  	_ =	swait.ge [sflag:s24], $0x1  }
0xa7: {  	[sflag:s24] =	ssyncset.done $0x0  }
0xa8: {  	s25 =	simm.s32 $0x1B8E;
	[sflag:s24] =	ssyncadd.s32 $0xFFFFFFFF  }
0xa9: {  	s26 =	simm.s32 $execute0_lowered;
	[smem:$0x3FD2] =	sst s25  }
0xaa: {  	s8 =	sshll.u32 s26, $0x1;
	_ =	strace $0x80000046;
	[dreg:$0x1] =	wrdreg $0xFFFFFFFF  }
0xab: {  	s28 =	simm.s32 $_size_execute0_lowered;
	s7 =	sadd.s32 s7, s8;
	[dreg:$0x0] =	wrdreg $0x0  }
0xac: {  	s8 =	sshll.u32 s28, $0x1;
	[dreg:$0x2] =	wrdreg s7  }
0xad: {  	[dreg:$0x3] =	wrdreg s8  }
0xae: {  	[dreg:$0x4] =	wrdreg $0xC0  }
0xaf: {  	_ =	task [dreg:s11], $0x5FFFF  }
0xb0: {  	[dreg:$0x1] =	wrdreg $0xFFFFFFFF  }
0xb1: {  	[dreg:$0x0] =	wrdreg $0x60  }
0xb2: {  	[dreg:$0x2] =	wrdreg s2  }
0xb3: {  	[dreg:$0x3] =	wrdreg s19  }
0xb4: {  	[dreg:$0x4] =	wrdreg s4  }
0xb5: {  	[dreg:$0x5] =	wrdreg s5  }
0xb6: {  	[dreg:$0x6] =	wrdreg s6  }
0xb7: {  	[dreg:$0x7] =	wrdreg $0xA8000  }
0xb8: {  	[dreg:$0x8] =	wrdreg $0x9  }
0xb9: {  	_ =	task.clear_ibuf [dreg:s11], $0x9FFFF;
	_ =	strace $0x90000046  }
0xba: {  	s29 =	simm.s32 $0x9;
	_ =	strace $0x80000048  }
0xbb: {  	_ =	swait.ge [sflag:s29], $0x1  }
0xbc: {  	[sflag:s29] =	ssyncadd.s32 $0xFFFFFFFF  }
0xbd: {  	_ =	strace $0x90000048  }
0xbe: {  	_ =	sfence  }
0xbf: {  	s30 =	sld [smem:$0x0];
	_ =	sdelay $0x2  }
0xc0: {  	s31 =	sshll.u32 s1, $0xD;
	s1 =	sshrl.u32 s1, $0x2  }
0xc1: {  	s3 =	sand.u32 $0x4000, s31;
	s1 =	sadd.s32 s1, s30  }
0xc2: {  	s0 =	sor.u32 s3, s0;
	s1 =	sshll.u32 s1, $0x11  }
0xc3: {  	s0 =	sor.u32 s1, s0  }
0xc4: {  	s0 =	sadd.s32 $0x8F2B, s0  }
0xc5: {  	[sflag:s0] =	ssyncadd.remote.s32 $0x1  }
0xc6: {  	_ =	sfence.sel $0xFFFF  }
0xc7: {  	[dreg:$0x0] =	wrdreg $0xFFFFFFFF;
	(pc) =	sbr.abs _section_cstart, $3  }
0xc8: {  	[dreg:$0x1] =	wrdreg $0xFFFFFFFF  }
0xc9: {  	_ =	task.clear_ibuf [dreg:s11], $0x2FFFF;
	_ =	strace $0x9FFFFFFF  }
0xca: {  	(tm) =	ssettm $0x7FFFFFFF  }
0xcb: {  	_ =	shalt  }
tec
execute0_lowered:
.L_overlay_start_1:
0x0: {  	(tag) =	ssettag $0x1  }
0x1: {  	s1 =	rddreg [dreg:$0x0]  }
0x2: {  	s0 =	rddreg [dreg:$0x1]  }
0x3: {  	s5 =	rddreg [dreg:$0x2]  }
0x4: {  	s4 =	rddreg [dreg:$0x3]  }
0x5: {  	s2 =	rddreg [dreg:$0x5];
	s7 =	stileid.u32  }
0x6: {  	s29 =	simm.s32 $0x0;
	s6 =	srdreg.scid;
	s3 =	smul.u32 $0x2700, s7  }
0x7: {  	s26 =	sand.u32 $0x1, s6;
	s17 =	sshll.u32 s7, $0x1;
	[smem:$0x7FF] =	sst s29  }
0x8: {  	s8 =	smul.u32 $0x4E000, s7;
	s6 =	sor.u32 s26, s17;
	[dreg:$0x12] =	wrdreg s3  }
0x9: {  	s9 =	sadd.s32 s4, s3;
	s10 =	smul.u32 $0x500, s6;
	s4 =	sadd.s32 $0x27000, s4  }
0xa: {  	s6 =	smul.u32 $0x2800, s6;
	_ =	strace $0x80000047;
	[dreg:$0x7] =	wrdreg s9  }
0xb: {  	s20 =	sshll.u32 s7, $0x6;
	s8 =	sshrl.u32 s8, $0x2;
	[dreg:$0x8] =	wrdreg s4  }
0xc: {  	s18 =	sadd.s32 s0, s10;
	s6 =	sshrl.u32 s6, $0x3;
	s9 =	rddreg [dreg:$0x7]  }
0xd: {  	s19 =	sadd.s32 s5, s10;
	[dreg:$0x9] =	wrdreg s18;
	s6 =	sadd.s32 $0x280, s6  }
0xe: {  	s8 =	sadd.s32 s8, s2;
	[dreg:$0xa] =	wrdreg s19;
	s0 =	sadd.s32 s0, s6  }
0xf: {  	s4 =	sor.u32 $0x1C03, s20;
	s21 =	sadd.s32 s5, s6;
	[dreg:$0xb] =	wrdreg s0  }
0x10: {  	s28 =	sshrl.u32 s8, $0x3;
	s6 =	simm.s32 $0x3;
	[dreg:$0xc] =	wrdreg s21  }
0x11: {  	[spmem:s28], [sflag:s4] =	dma.local [hbm:s9], $0x2700  }
0x12: {  	p0 =	sne.s32 s7, $0x0;
	_ =	swait.ge [sflag:s6], $0x2700  }
0x13: {  	s3 =	simm.s32 @!p0 $0x3;
	s8 =	sadd.s32 $0x138000, s2;
	[sflag:s6] =	ssyncset.done $0x0  }
0x14: {  	s9 =	sshrl.u32 @!p0 s8, $0x3;
	s0 =	rddreg [dreg:$0x8];
	[sflag:s6] =	ssyncadd.s32 $0xFFFFD900  }
0x15: {  	[spmem:s9], [sflag:s4] =	dma.local @!p0 [hbm:s0], $0x100  }
0x16: {  	_ =	swait.ge @!p0 [sflag:s3], $0x100  }
0x17: {  	[sflag:s3] =	ssyncset.done @!p0 $0x0  }
0x18: {  	[sflag:s3] =	ssyncadd.s32 @!p0 $0xFFFFFF00  }
0x19: {  	[bflag:$0x0] =	sbarrier.arrive $0xFFFF  }
0x1a: {  	s22 =	rddreg [dreg:$0x9]  }
0x1b: {  	[tilespmem:s29], [sflag:$0x3] =	stream.linear.gather [hbm4b:s22+s29], $0x1400, $0x38;
	[tilespmem:$0x1E080] =	vst v63  }
0x1c: {  	_ =	swait.ge [sflag:s6], $0x1400  }
0x1d: {  	[sflag:s6] =	ssyncset.done $0x0  }
0x1e: {  	s3 =	simm.s32 $0x1400;
	s23 =	rddreg [dreg:$0xa];
	[sflag:s6] =	ssyncadd.s32 $0xFFFFEC00  }
0x1f: {  	[tilespmem:s3], [sflag:$0x3] =	stream.linear.gather [hbm4b:s23+s29], $0x1400, $0x38;
	[tilespmem:$0x1E080] =	vst v63  }
0x20: {  	_ =	swait.ge [sflag:s6], $0x1400  }
0x21: {  	[sflag:s6] =	ssyncset.done $0x0  }
0x22: {  	s11 =	simm.s32 $0x2800;
	s10 =	simm.s32 $0x7D;
	[sflag:s6] =	ssyncadd.s32 $0xFFFFEC00  }
0x23: {  	[tilespmem:s11], [sflag:$0x1] =	stream.indirect.gather [hbm4b:s1+s10], $0x80, s29, s10, $0xb8;
	[tilespmem:$0x1E080] =	vst v63  }
0x24: {  	s24 =	simm.s32 $0x80;
	s13 =	simm.s32 $0x6800;
	s14 =	simm.s32 $0x1  }
0x25: {  	[tilespmem:s13], [sflag:$0x2] =	stream.indirect.gather [hbm4b:s1+s10], $0x80, s24, s10, $0xb8;
	[tilespmem:$0x1E080] =	vst v63  }
0x26: {  	_ =	swait.ge [sflag:s14], $0x3E80  }
0x27: {  	[sflag:s14] =	ssyncset.done $0x0  }
0x28: {  	[sflag:s14] =	ssyncadd.s32 $0xFFFFC180  }
0x29: {  	[spmem:s2] =	stream.indirect.scatter.add.f32 [tilespmem:s11], [sflag:$0x3], $0x80, s3, s10, $0xb8;
	[tilespmem:$0x1E080] =	vst v63  }
0x2a: {  	_ =	swait.ge [sflag:s6], $0x3E80  }
0x2b: {  	[sflag:s6] =	ssyncset.done $0x0  }
0x2c: {  	s25 =	simm.s32 $0x100;
	s16 =	simm.s32 $0x2;
	[sflag:s6] =	ssyncadd.s32 $0xFFFFC180  }
0x2d: {  	[tilespmem:s11], [sflag:$0x1] =	stream.indirect.gather [hbm4b:s1+s10], $0x80, s25, s10, $0xb8;
	[tilespmem:$0x1E080] =	vst v63  }
0x2e: {  	_ =	swait.ge [sflag:s16], $0x3E80  }
0x2f: {  	[sflag:s16] =	ssyncset.done $0x0  }
0x30: {  	s0 =	simm.s32 $0x1480;
	[sflag:s16] =	ssyncadd.s32 $0xFFFFC180  }
0x31: {  	[spmem:s2] =	stream.indirect.scatter.add.f32 [tilespmem:s13], [sflag:$0x3], $0x80, s0, s10, $0xb8;
	[tilespmem:$0x1E080] =	vst v63  }
0x32: {  	_ =	swait.ge [sflag:s6], $0x3E80  }
0x33: {  	[sflag:s6] =	ssyncset.done $0x0  }
0x34: {  	s30 =	simm.s32 $0x180;
	[sflag:s6] =	ssyncadd.s32 $0xFFFFC180  }
0x35: {  	[tilespmem:s13], [sflag:$0x2] =	stream.indirect.gather [hbm4b:s1+s10], $0x80, s30, s10, $0xb8;
	[tilespmem:$0x1E080] =	vst v63  }
0x36: {  	_ =	swait.ge [sflag:s14], $0x3E80  }
0x37: {  	[sflag:s14] =	ssyncset.done $0x0  }
0x38: {  	s31 =	simm.s32 $0x1500;
	[sflag:s14] =	ssyncadd.s32 $0xFFFFC180  }
0x39: {  	[spmem:s2] =	stream.indirect.scatter.add.f32 [tilespmem:s11], [sflag:$0x3], $0x80, s31, s10, $0xb8;
	[tilespmem:$0x1E080] =	vst v63  }
0x3a: {  	_ =	swait.ge [sflag:s6], $0x3E80  }
0x3b: {  	[sflag:s6] =	ssyncset.done $0x0  }
0x3c: {  	s7 =	simm.s32 $0x200;
	[sflag:s6] =	ssyncadd.s32 $0xFFFFC180  }
0x3d: {  	[tilespmem:s11], [sflag:$0x1] =	stream.indirect.gather [hbm4b:s1+s10], $0x80, s7, s10, $0xb8;
	[tilespmem:$0x1E080] =	vst v63  }
0x3e: {  	_ =	swait.ge [sflag:s16], $0x3E80  }
0x3f: {  	[sflag:s16] =	ssyncset.done $0x0  }
0x40: {  	s8 =	simm.s32 $0x1580;
	[sflag:s16] =	ssyncadd.s32 $0xFFFFC180  }
0x41: {  	[spmem:s2] =	stream.indirect.scatter.add.f32 [tilespmem:s13], [sflag:$0x3], $0x80, s8, s10, $0xb8;
	[tilespmem:$0x1E080] =	vst v63  }
0x42: {  	_ =	swait.ge [sflag:s6], $0x3E80  }
0x43: {  	[sflag:s6] =	ssyncset.done $0x0  }
0x44: {  	s12 =	simm.s32 $0x280;
	[sflag:s6] =	ssyncadd.s32 $0xFFFFC180  }
0x45: {  	[tilespmem:s13], [sflag:$0x2] =	stream.indirect.gather [hbm4b:s1+s10], $0x80, s12, s10, $0xb8;
	[tilespmem:$0x1E080] =	vst v63  }
0x46: {  	_ =	swait.ge [sflag:s14], $0x3E80  }
0x47: {  	[sflag:s14] =	ssyncset.done $0x0  }
0x48: {  	s15 =	simm.s32 $0x1600;
	[sflag:s14] =	ssyncadd.s32 $0xFFFFC180  }
0x49: {  	[spmem:s2] =	stream.indirect.scatter.add.f32 [tilespmem:s11], [sflag:$0x3], $0x80, s15, s10, $0xb8;
	[tilespmem:$0x1E080] =	vst v63  }
0x4a: {  	_ =	swait.ge [sflag:s6], $0x3E80  }
0x4b: {  	[sflag:s6] =	ssyncset.done $0x0  }
0x4c: {  	s17 =	simm.s32 $0x300;
	[sflag:s6] =	ssyncadd.s32 $0xFFFFC180  }
0x4d: {  	[tilespmem:s11], [sflag:$0x1] =	stream.indirect.gather [hbm4b:s1+s10], $0x80, s17, s10, $0xb8;
	[tilespmem:$0x1E080] =	vst v63  }
0x4e: {  	_ =	swait.ge [sflag:s16], $0x3E80  }
0x4f: {  	[sflag:s16] =	ssyncset.done $0x0  }
0x50: {  	s18 =	simm.s32 $0x1680;
	[sflag:s16] =	ssyncadd.s32 $0xFFFFC180  }
0x51: {  	[spmem:s2] =	stream.indirect.scatter.add.f32 [tilespmem:s13], [sflag:$0x3], $0x80, s18, s10, $0xb8;
	[tilespmem:$0x1E080] =	vst v63  }
0x52: {  	_ =	swait.ge [sflag:s6], $0x3E80  }
0x53: {  	[sflag:s6] =	ssyncset.done $0x0  }
0x54: {  	s19 =	simm.s32 $0x380;
	[sflag:s6] =	ssyncadd.s32 $0xFFFFC180  }
0x55: {  	[tilespmem:s13], [sflag:$0x2] =	stream.indirect.gather [hbm4b:s1+s10], $0x80, s19, s10, $0xb8;
	[tilespmem:$0x1E080] =	vst v63  }
0x56: {  	_ =	swait.ge [sflag:s14], $0x3E80  }
0x57: {  	[sflag:s14] =	ssyncset.done $0x0  }
0x58: {  	s20 =	simm.s32 $0x1700;
	[sflag:s14] =	ssyncadd.s32 $0xFFFFC180  }
0x59: {  	[spmem:s2] =	stream.indirect.scatter.add.f32 [tilespmem:s11], [sflag:$0x3], $0x80, s20, s10, $0xb8;
	[tilespmem:$0x1E080] =	vst v63  }
0x5a: {  	_ =	swait.ge [sflag:s6], $0x3E80  }
0x5b: {  	[sflag:s6] =	ssyncset.done $0x0  }
0x5c: {  	s21 =	simm.s32 $0x400;
	[sflag:s6] =	ssyncadd.s32 $0xFFFFC180  }
0x5d: {  	[tilespmem:s11], [sflag:$0x1] =	stream.indirect.gather [hbm4b:s1+s10], $0x80, s21, s10, $0xb8;
	[tilespmem:$0x1E080] =	vst v63  }
0x5e: {  	_ =	swait.ge [sflag:s16], $0x3E80  }
0x5f: {  	[sflag:s16] =	ssyncset.done $0x0  }
0x60: {  	s22 =	simm.s32 $0x1780;
	[sflag:s16] =	ssyncadd.s32 $0xFFFFC180  }
0x61: {  	[spmem:s2] =	stream.indirect.scatter.add.f32 [tilespmem:s13], [sflag:$0x3], $0x80, s22, s10, $0xb8;
	[tilespmem:$0x1E080] =	vst v63  }
0x62: {  	_ =	swait.ge [sflag:s6], $0x3E80  }
0x63: {  	[sflag:s6] =	ssyncset.done $0x0  }
0x64: {  	s23 =	simm.s32 $0x480;
	[sflag:s6] =	ssyncadd.s32 $0xFFFFC180  }
0x65: {  	[tilespmem:s13], [sflag:$0x2] =	stream.indirect.gather [hbm4b:s1+s10], $0x80, s23, s10, $0xb8;
	[tilespmem:$0x1E080] =	vst v63  }
0x66: {  	_ =	swait.ge [sflag:s14], $0x3E80  }
0x67: {  	[sflag:s14] =	ssyncset.done $0x0  }
0x68: {  	s24 =	simm.s32 $0x1800;
	[sflag:s14] =	ssyncadd.s32 $0xFFFFC180  }
0x69: {  	[spmem:s2] =	stream.indirect.scatter.add.f32 [tilespmem:s11], [sflag:$0x3], $0x80, s24, s10, $0xb8;
	[tilespmem:$0x1E080] =	vst v63  }
0x6a: {  	_ =	swait.ge [sflag:s6], $0x3E80  }
0x6b: {  	[sflag:s6] =	ssyncset.done $0x0  }
0x6c: {  	s25 =	simm.s32 $0x500;
	[sflag:s6] =	ssyncadd.s32 $0xFFFFC180  }
0x6d: {  	[tilespmem:s11], [sflag:$0x1] =	stream.indirect.gather [hbm4b:s1+s10], $0x80, s25, s10, $0xb8;
	[tilespmem:$0x1E080] =	vst v63  }
0x6e: {  	_ =	swait.ge [sflag:s16], $0x3E80  }
0x6f: {  	[sflag:s16] =	ssyncset.done $0x0  }
0x70: {  	s30 =	simm.s32 $0x1880;
	[sflag:s16] =	ssyncadd.s32 $0xFFFFC180  }
0x71: {  	[spmem:s2] =	stream.indirect.scatter.add.f32 [tilespmem:s13], [sflag:$0x3], $0x80, s30, s10, $0xb8;
	[tilespmem:$0x1E080] =	vst v63  }
0x72: {  	_ =	swait.ge [sflag:s6], $0x3E80  }
0x73: {  	[sflag:s6] =	ssyncset.done $0x0  }
0x74: {  	s31 =	simm.s32 $0x580;
	[sflag:s6] =	ssyncadd.s32 $0xFFFFC180  }
0x75: {  	[tilespmem:s13], [sflag:$0x2] =	stream.indirect.gather [hbm4b:s1+s10], $0x80, s31, s10, $0xb8;
	[tilespmem:$0x1E080] =	vst v63  }
0x76: {  	_ =	swait.ge [sflag:s14], $0x3E80  }
0x77: {  	[sflag:s14] =	ssyncset.done $0x0  }
0x78: {  	s7 =	simm.s32 $0x1900;
	[sflag:s14] =	ssyncadd.s32 $0xFFFFC180  }
0x79: {  	[spmem:s2] =	stream.indirect.scatter.add.f32 [tilespmem:s11], [sflag:$0x3], $0x80, s7, s10, $0xb8;
	[tilespmem:$0x1E080] =	vst v63  }
0x7a: {  	_ =	swait.ge [sflag:s6], $0x3E80  }
0x7b: {  	[sflag:s6] =	ssyncset.done $0x0  }
0x7c: {  	s8 =	simm.s32 $0x600;
	[sflag:s6] =	ssyncadd.s32 $0xFFFFC180  }
0x7d: {  	[tilespmem:s11], [sflag:$0x1] =	stream.indirect.gather [hbm4b:s1+s10], $0x80, s8, s10, $0xb8;
	[tilespmem:$0x1E080] =	vst v63  }
0x7e: {  	_ =	swait.ge [sflag:s16], $0x3E80  }
0x7f: {  	[sflag:s16] =	ssyncset.done $0x0  }
0x80: {  	s12 =	simm.s32 $0x1980;
	[sflag:s16] =	ssyncadd.s32 $0xFFFFC180  }
0x81: {  	[spmem:s2] =	stream.indirect.scatter.add.f32 [tilespmem:s13], [sflag:$0x3], $0x80, s12, s10, $0xb8;
	[tilespmem:$0x1E080] =	vst v63  }
0x82: {  	_ =	swait.ge [sflag:s6], $0x3E80  }
0x83: {  	[sflag:s6] =	ssyncset.done $0x0  }
0x84: {  	s15 =	simm.s32 $0x680;
	[sflag:s6] =	ssyncadd.s32 $0xFFFFC180  }
0x85: {  	[tilespmem:s13], [sflag:$0x2] =	stream.indirect.gather [hbm4b:s1+s10], $0x80, s15, s10, $0xb8;
	[tilespmem:$0x1E080] =	vst v63  }
0x86: {  	_ =	swait.ge [sflag:s14], $0x3E80  }
0x87: {  	[sflag:s14] =	ssyncset.done $0x0  }
0x88: {  	s17 =	simm.s32 $0x1A00;
	[sflag:s14] =	ssyncadd.s32 $0xFFFFC180  }
0x89: {  	[spmem:s2] =	stream.indirect.scatter.add.f32 [tilespmem:s11], [sflag:$0x3], $0x80, s17, s10, $0xb8;
	[tilespmem:$0x1E080] =	vst v63  }
0x8a: {  	_ =	swait.ge [sflag:s6], $0x3E80  }
0x8b: {  	[sflag:s6] =	ssyncset.done $0x0  }
0x8c: {  	s18 =	simm.s32 $0x700;
	[sflag:s6] =	ssyncadd.s32 $0xFFFFC180  }
0x8d: {  	[tilespmem:s11], [sflag:$0x1] =	stream.indirect.gather [hbm4b:s1+s10], $0x80, s18, s10, $0xb8;
	[tilespmem:$0x1E080] =	vst v63  }
0x8e: {  	_ =	swait.ge [sflag:s16], $0x3E80  }
0x8f: {  	[sflag:s16] =	ssyncset.done $0x0  }
0x90: {  	s19 =	simm.s32 $0x1A80;
	[sflag:s16] =	ssyncadd.s32 $0xFFFFC180  }
0x91: {  	[spmem:s2] =	stream.indirect.scatter.add.f32 [tilespmem:s13], [sflag:$0x3], $0x80, s19, s10, $0xb8;
	[tilespmem:$0x1E080] =	vst v63  }
0x92: {  	_ =	swait.ge [sflag:s6], $0x3E80  }
0x93: {  	[sflag:s6] =	ssyncset.done $0x0  }
0x94: {  	s20 =	simm.s32 $0x780;
	[sflag:s6] =	ssyncadd.s32 $0xFFFFC180  }
0x95: {  	[tilespmem:s13], [sflag:$0x2] =	stream.indirect.gather [hbm4b:s1+s10], $0x80, s20, s10, $0xb8;
	[tilespmem:$0x1E080] =	vst v63  }
0x96: {  	_ =	swait.ge [sflag:s14], $0x3E80  }
0x97: {  	[sflag:s14] =	ssyncset.done $0x0  }
0x98: {  	s21 =	simm.s32 $0x1B00;
	[sflag:s14] =	ssyncadd.s32 $0xFFFFC180  }
0x99: {  	[spmem:s2] =	stream.indirect.scatter.add.f32 [tilespmem:s11], [sflag:$0x3], $0x80, s21, s10, $0xb8;
	[tilespmem:$0x1E080] =	vst v63  }
0x9a: {  	_ =	swait.ge [sflag:s6], $0x3E80  }
0x9b: {  	[sflag:s6] =	ssyncset.done $0x0  }
0x9c: {  	s22 =	simm.s32 $0x800;
	[sflag:s6] =	ssyncadd.s32 $0xFFFFC180  }
0x9d: {  	[tilespmem:s11], [sflag:$0x1] =	stream.indirect.gather [hbm4b:s1+s10], $0x80, s22, s10, $0xb8;
	[tilespmem:$0x1E080] =	vst v63  }
0x9e: {  	_ =	swait.ge [sflag:s16], $0x3E80  }
0x9f: {  	[sflag:s16] =	ssyncset.done $0x0  }
0xa0: {  	s23 =	simm.s32 $0x1B80;
	[sflag:s16] =	ssyncadd.s32 $0xFFFFC180  }
0xa1: {  	[spmem:s2] =	stream.indirect.scatter.add.f32 [tilespmem:s13], [sflag:$0x3], $0x80, s23, s10, $0xb8;
	[tilespmem:$0x1E080] =	vst v63  }
0xa2: {  	_ =	swait.ge [sflag:s6], $0x3E80  }
0xa3: {  	[sflag:s6] =	ssyncset.done $0x0  }
0xa4: {  	s24 =	simm.s32 $0x880;
	[sflag:s6] =	ssyncadd.s32 $0xFFFFC180  }
0xa5: {  	[tilespmem:s13], [sflag:$0x2] =	stream.indirect.gather [hbm4b:s1+s10], $0x80, s24, s10, $0xb8;
	[tilespmem:$0x1E080] =	vst v63  }
0xa6: {  	_ =	swait.ge [sflag:s14], $0x3E80  }
0xa7: {  	[sflag:s14] =	ssyncset.done $0x0  }
0xa8: {  	s25 =	simm.s32 $0x1C00;
	[sflag:s14] =	ssyncadd.s32 $0xFFFFC180  }
0xa9: {  	[spmem:s2] =	stream.indirect.scatter.add.f32 [tilespmem:s11], [sflag:$0x3], $0x80, s25, s10, $0xb8;
	[tilespmem:$0x1E080] =	vst v63  }
0xaa: {  	_ =	swait.ge [sflag:s6], $0x3E80  }
0xab: {  	[sflag:s6] =	ssyncset.done $0x0  }
0xac: {  	s30 =	simm.s32 $0x900;
	[sflag:s6] =	ssyncadd.s32 $0xFFFFC180  }
0xad: {  	[tilespmem:s11], [sflag:$0x1] =	stream.indirect.gather [hbm4b:s1+s10], $0x80, s30, s10, $0xb8;
	[tilespmem:$0x1E080] =	vst v63  }
0xae: {  	_ =	swait.ge [sflag:s16], $0x3E80  }
0xaf: {  	[sflag:s16] =	ssyncset.done $0x0  }
0xb0: {  	s31 =	simm.s32 $0x1C80;
	[sflag:s16] =	ssyncadd.s32 $0xFFFFC180  }
0xb1: {  	[spmem:s2] =	stream.indirect.scatter.add.f32 [tilespmem:s13], [sflag:$0x3], $0x80, s31, s10, $0xb8;
	[tilespmem:$0x1E080] =	vst v63  }
0xb2: {  	_ =	swait.ge [sflag:s6], $0x3E80  }
0xb3: {  	[sflag:s6] =	ssyncset.done $0x0  }
0xb4: {  	s7 =	simm.s32 $0x980;
	[sflag:s6] =	ssyncadd.s32 $0xFFFFC180  }
0xb5: {  	[tilespmem:s13], [sflag:$0x2] =	stream.indirect.gather [hbm4b:s1+s10], $0x80, s7, s10, $0xb8;
	[tilespmem:$0x1E080] =	vst v63  }
0xb6: {  	_ =	swait.ge [sflag:s14], $0x3E80  }
0xb7: {  	[sflag:s14] =	ssyncset.done $0x0  }
0xb8: {  	s8 =	simm.s32 $0x1D00;
	[sflag:s14] =	ssyncadd.s32 $0xFFFFC180  }
0xb9: {  	[spmem:s2] =	stream.indirect.scatter.add.f32 [tilespmem:s11], [sflag:$0x3], $0x80, s8, s10, $0xb8;
	[tilespmem:$0x1E080] =	vst v63  }
0xba: {  	_ =	swait.ge [sflag:s6], $0x3E80  }
0xbb: {  	[sflag:s6] =	ssyncset.done $0x0  }
0xbc: {  	s12 =	simm.s32 $0xA00;
	[sflag:s6] =	ssyncadd.s32 $0xFFFFC180  }
0xbd: {  	[tilespmem:s11], [sflag:$0x1] =	stream.indirect.gather [hbm4b:s1+s10], $0x80, s12, s10, $0xb8;
	[tilespmem:$0x1E080] =	vst v63  }
0xbe: {  	_ =	swait.ge [sflag:s16], $0x3E80  }
0xbf: {  	[sflag:s16] =	ssyncset.done $0x0  }
0xc0: {  	s15 =	simm.s32 $0x1D80;
	[sflag:s16] =	ssyncadd.s32 $0xFFFFC180  }
0xc1: {  	[spmem:s2] =	stream.indirect.scatter.add.f32 [tilespmem:s13], [sflag:$0x3], $0x80, s15, s10, $0xb8;
	[tilespmem:$0x1E080] =	vst v63  }
0xc2: {  	_ =	swait.ge [sflag:s6], $0x3E80  }
0xc3: {  	[sflag:s6] =	ssyncset.done $0x0  }
0xc4: {  	s17 =	simm.s32 $0xA80;
	[sflag:s6] =	ssyncadd.s32 $0xFFFFC180  }
0xc5: {  	[tilespmem:s13], [sflag:$0x2] =	stream.indirect.gather [hbm4b:s1+s10], $0x80, s17, s10, $0xb8;
	[tilespmem:$0x1E080] =	vst v63  }
0xc6: {  	_ =	swait.ge [sflag:s14], $0x3E80  }
0xc7: {  	[sflag:s14] =	ssyncset.done $0x0  }
0xc8: {  	s18 =	simm.s32 $0x1E00;
	[sflag:s14] =	ssyncadd.s32 $0xFFFFC180  }
0xc9: {  	[spmem:s2] =	stream.indirect.scatter.add.f32 [tilespmem:s11], [sflag:$0x3], $0x80, s18, s10, $0xb8;
	[tilespmem:$0x1E080] =	vst v63  }
0xca: {  	_ =	swait.ge [sflag:s6], $0x3E80  }
0xcb: {  	[sflag:s6] =	ssyncset.done $0x0  }
0xcc: {  	s19 =	simm.s32 $0xB00;
	[sflag:s6] =	ssyncadd.s32 $0xFFFFC180  }
0xcd: {  	[tilespmem:s11], [sflag:$0x1] =	stream.indirect.gather [hbm4b:s1+s10], $0x80, s19, s10, $0xb8;
	[tilespmem:$0x1E080] =	vst v63  }
0xce: {  	_ =	swait.ge [sflag:s16], $0x3E80  }
0xcf: {  	[sflag:s16] =	ssyncset.done $0x0  }
0xd0: {  	s20 =	simm.s32 $0x1E80;
	[sflag:s16] =	ssyncadd.s32 $0xFFFFC180  }
0xd1: {  	[spmem:s2] =	stream.indirect.scatter.add.f32 [tilespmem:s13], [sflag:$0x3], $0x80, s20, s10, $0xb8;
	[tilespmem:$0x1E080] =	vst v63  }
0xd2: {  	_ =	swait.ge [sflag:s6], $0x3E80  }
0xd3: {  	[sflag:s6] =	ssyncset.done $0x0  }
0xd4: {  	s21 =	simm.s32 $0xB80;
	[sflag:s6] =	ssyncadd.s32 $0xFFFFC180  }
0xd5: {  	[tilespmem:s13], [sflag:$0x2] =	stream.indirect.gather [hbm4b:s1+s10], $0x80, s21, s10, $0xb8;
	[tilespmem:$0x1E080] =	vst v63  }
0xd6: {  	_ =	swait.ge [sflag:s14], $0x3E80  }
0xd7: {  	[sflag:s14] =	ssyncset.done $0x0  }
0xd8: {  	s22 =	simm.s32 $0x1F00;
	[sflag:s14] =	ssyncadd.s32 $0xFFFFC180  }
0xd9: {  	[spmem:s2] =	stream.indirect.scatter.add.f32 [tilespmem:s11], [sflag:$0x3], $0x80, s22, s10, $0xb8;
	[tilespmem:$0x1E080] =	vst v63  }
0xda: {  	_ =	swait.ge [sflag:s6], $0x3E80  }
0xdb: {  	[sflag:s6] =	ssyncset.done $0x0  }
0xdc: {  	s23 =	simm.s32 $0xC00;
	[sflag:s6] =	ssyncadd.s32 $0xFFFFC180  }
0xdd: {  	[tilespmem:s11], [sflag:$0x1] =	stream.indirect.gather [hbm4b:s1+s10], $0x80, s23, s10, $0xb8;
	[tilespmem:$0x1E080] =	vst v63  }
0xde: {  	_ =	swait.ge [sflag:s16], $0x3E80  }
0xdf: {  	[sflag:s16] =	ssyncset.done $0x0  }
0xe0: {  	s24 =	simm.s32 $0x1F80;
	[sflag:s16] =	ssyncadd.s32 $0xFFFFC180  }
0xe1: {  	[spmem:s2] =	stream.indirect.scatter.add.f32 [tilespmem:s13], [sflag:$0x3], $0x80, s24, s10, $0xb8;
	[tilespmem:$0x1E080] =	vst v63  }
0xe2: {  	_ =	swait.ge [sflag:s6], $0x3E80  }
0xe3: {  	[sflag:s6] =	ssyncset.done $0x0  }
0xe4: {  	s25 =	simm.s32 $0xC80;
	[sflag:s6] =	ssyncadd.s32 $0xFFFFC180  }
0xe5: {  	[tilespmem:s13], [sflag:$0x2] =	stream.indirect.gather [hbm4b:s1+s10], $0x80, s25, s10, $0xb8;
	[tilespmem:$0x1E080] =	vst v63  }
0xe6: {  	_ =	swait.ge [sflag:s14], $0x3E80  }
0xe7: {  	[sflag:s14] =	ssyncset.done $0x0  }
0xe8: {  	s30 =	simm.s32 $0x2000;
	[sflag:s14] =	ssyncadd.s32 $0xFFFFC180  }
0xe9: {  	[spmem:s2] =	stream.indirect.scatter.add.f32 [tilespmem:s11], [sflag:$0x3], $0x80, s30, s10, $0xb8;
	[tilespmem:$0x1E080] =	vst v63  }
0xea: {  	_ =	swait.ge [sflag:s6], $0x3E80  }
0xeb: {  	[sflag:s6] =	ssyncset.done $0x0  }
0xec: {  	s31 =	simm.s32 $0xD00;
	[sflag:s6] =	ssyncadd.s32 $0xFFFFC180  }
0xed: {  	[tilespmem:s11], [sflag:$0x1] =	stream.indirect.gather [hbm4b:s1+s10], $0x80, s31, s10, $0xb8;
	[tilespmem:$0x1E080] =	vst v63  }
0xee: {  	_ =	swait.ge [sflag:s16], $0x3E80  }
0xef: {  	[sflag:s16] =	ssyncset.done $0x0  }
0xf0: {  	s7 =	simm.s32 $0x2080;
	[sflag:s16] =	ssyncadd.s32 $0xFFFFC180  }
0xf1: {  	[spmem:s2] =	stream.indirect.scatter.add.f32 [tilespmem:s13], [sflag:$0x3], $0x80, s7, s10, $0xb8;
	[tilespmem:$0x1E080] =	vst v63  }
0xf2: {  	_ =	swait.ge [sflag:s6], $0x3E80  }
0xf3: {  	[sflag:s6] =	ssyncset.done $0x0  }
0xf4: {  	s8 =	simm.s32 $0xD80;
	[sflag:s6] =	ssyncadd.s32 $0xFFFFC180  }
0xf5: {  	[tilespmem:s13], [sflag:$0x2] =	stream.indirect.gather [hbm4b:s1+s10], $0x80, s8, s10, $0xb8;
	[tilespmem:$0x1E080] =	vst v63  }
0xf6: {  	_ =	swait.ge [sflag:s14], $0x3E80  }
0xf7: {  	[sflag:s14] =	ssyncset.done $0x0  }
0xf8: {  	s12 =	simm.s32 $0x2100;
	[sflag:s14] =	ssyncadd.s32 $0xFFFFC180  }
0xf9: {  	[spmem:s2] =	stream.indirect.scatter.add.f32 [tilespmem:s11], [sflag:$0x3], $0x80, s12, s10, $0xb8;
	[tilespmem:$0x1E080] =	vst v63  }
0xfa: {  	_ =	swait.ge [sflag:s6], $0x3E80  }
0xfb: {  	[sflag:s6] =	ssyncset.done $0x0  }
0xfc: {  	s15 =	simm.s32 $0xE00;
	[sflag:s6] =	ssyncadd.s32 $0xFFFFC180  }
0xfd: {  	[tilespmem:s11], [sflag:$0x1] =	stream.indirect.gather [hbm4b:s1+s10], $0x80, s15, s10, $0xb8;
	[tilespmem:$0x1E080] =	vst v63  }
0xfe: {  	_ =	swait.ge [sflag:s16], $0x3E80  }
0xff: {  	[sflag:s16] =	ssyncset.done $0x0  }
0x100: {  	s17 =	simm.s32 $0x2180;
	[sflag:s16] =	ssyncadd.s32 $0xFFFFC180  }
0x101: {  	[spmem:s2] =	stream.indirect.scatter.add.f32 [tilespmem:s13], [sflag:$0x3], $0x80, s17, s10, $0xb8;
	[tilespmem:$0x1E080] =	vst v63  }
0x102: {  	_ =	swait.ge [sflag:s6], $0x3E80  }
0x103: {  	[sflag:s6] =	ssyncset.done $0x0  }
0x104: {  	s18 =	simm.s32 $0xE80;
	[sflag:s6] =	ssyncadd.s32 $0xFFFFC180  }
0x105: {  	[tilespmem:s13], [sflag:$0x2] =	stream.indirect.gather [hbm4b:s1+s10], $0x80, s18, s10, $0xb8;
	[tilespmem:$0x1E080] =	vst v63  }
0x106: {  	_ =	swait.ge [sflag:s14], $0x3E80  }
0x107: {  	[sflag:s14] =	ssyncset.done $0x0  }
0x108: {  	s19 =	simm.s32 $0x2200;
	[sflag:s14] =	ssyncadd.s32 $0xFFFFC180  }
0x109: {  	[spmem:s2] =	stream.indirect.scatter.add.f32 [tilespmem:s11], [sflag:$0x3], $0x80, s19, s10, $0xb8;
	[tilespmem:$0x1E080] =	vst v63  }
0x10a: {  	_ =	swait.ge [sflag:s6], $0x3E80  }
0x10b: {  	[sflag:s6] =	ssyncset.done $0x0  }
0x10c: {  	s20 =	simm.s32 $0xF00;
	[sflag:s6] =	ssyncadd.s32 $0xFFFFC180  }
0x10d: {  	[tilespmem:s11], [sflag:$0x1] =	stream.indirect.gather [hbm4b:s1+s10], $0x80, s20, s10, $0xb8;
	[tilespmem:$0x1E080] =	vst v63  }
0x10e: {  	_ =	swait.ge [sflag:s16], $0x3E80  }
0x10f: {  	[sflag:s16] =	ssyncset.done $0x0  }
0x110: {  	s21 =	simm.s32 $0x2280;
	[sflag:s16] =	ssyncadd.s32 $0xFFFFC180  }
0x111: {  	[spmem:s2] =	stream.indirect.scatter.add.f32 [tilespmem:s13], [sflag:$0x3], $0x80, s21, s10, $0xb8;
	[tilespmem:$0x1E080] =	vst v63  }
0x112: {  	_ =	swait.ge [sflag:s6], $0x3E80  }
0x113: {  	[sflag:s6] =	ssyncset.done $0x0  }
0x114: {  	s22 =	simm.s32 $0xF80;
	[sflag:s6] =	ssyncadd.s32 $0xFFFFC180  }
0x115: {  	[tilespmem:s13], [sflag:$0x2] =	stream.indirect.gather [hbm4b:s1+s10], $0x80, s22, s10, $0xb8;
	[tilespmem:$0x1E080] =	vst v63  }
0x116: {  	_ =	swait.ge [sflag:s14], $0x3E80  }
0x117: {  	[sflag:s14] =	ssyncset.done $0x0  }
0x118: {  	s23 =	simm.s32 $0x2300;
	[sflag:s14] =	ssyncadd.s32 $0xFFFFC180  }
0x119: {  	[spmem:s2] =	stream.indirect.scatter.add.f32 [tilespmem:s11], [sflag:$0x3], $0x80, s23, s10, $0xb8;
	[tilespmem:$0x1E080] =	vst v63  }
0x11a: {  	_ =	swait.ge [sflag:s6], $0x3E80  }
0x11b: {  	[sflag:s6] =	ssyncset.done $0x0  }
0x11c: {  	s24 =	simm.s32 $0x1000;
	[sflag:s6] =	ssyncadd.s32 $0xFFFFC180  }
0x11d: {  	[tilespmem:s11], [sflag:$0x1] =	stream.indirect.gather [hbm4b:s1+s10], $0x80, s24, s10, $0xb8;
	[tilespmem:$0x1E080] =	vst v63  }
0x11e: {  	_ =	swait.ge [sflag:s16], $0x3E80  }
0x11f: {  	[sflag:s16] =	ssyncset.done $0x0  }
0x120: {  	s25 =	simm.s32 $0x2380;
	[sflag:s16] =	ssyncadd.s32 $0xFFFFC180  }
0x121: {  	[spmem:s2] =	stream.indirect.scatter.add.f32 [tilespmem:s13], [sflag:$0x3], $0x80, s25, s10, $0xb8;
	[tilespmem:$0x1E080] =	vst v63  }
0x122: {  	_ =	swait.ge [sflag:s6], $0x3E80  }
0x123: {  	[sflag:s6] =	ssyncset.done $0x0  }
0x124: {  	s31 =	simm.s32 $0x1080;
	[sflag:s6] =	ssyncadd.s32 $0xFFFFC180  }
0x125: {  	[tilespmem:s13], [sflag:$0x2] =	stream.indirect.gather [hbm4b:s1+s10], $0x80, s31, s10, $0xb8;
	[tilespmem:$0x1E080] =	vst v63  }
0x126: {  	_ =	swait.ge [sflag:s14], $0x3E80  }
0x127: {  	[sflag:s14] =	ssyncset.done $0x0  }
0x128: {  	s30 =	simm.s32 $0x2400;
	[sflag:s14] =	ssyncadd.s32 $0xFFFFC180  }
0x129: {  	[spmem:s2] =	stream.indirect.scatter.add.f32 [tilespmem:s11], [sflag:$0x3], $0x80, s30, s10, $0xb8;
	[tilespmem:$0x1E080] =	vst v63  }
0x12a: {  	_ =	swait.ge [sflag:s6], $0x3E80  }
0x12b: {  	[sflag:s6] =	ssyncset.done $0x0  }
0x12c: {  	s24 =	simm.s32 $0x1100;
	[sflag:s6] =	ssyncadd.s32 $0xFFFFC180  }
0x12d: {  	[tilespmem:s11], [sflag:$0x1] =	stream.indirect.gather [hbm4b:s1+s10], $0x80, s24, s10, $0xb8;
	[tilespmem:$0x1E080] =	vst v63  }
0x12e: {  	_ =	swait.ge [sflag:s16], $0x3E80  }
0x12f: {  	[sflag:s16] =	ssyncset.done $0x0  }
0x130: {  	s23 =	simm.s32 $0x2480;
	[sflag:s16] =	ssyncadd.s32 $0xFFFFC180  }
0x131: {  	[spmem:s2] =	stream.indirect.scatter.add.f32 [tilespmem:s13], [sflag:$0x3], $0x80, s23, s10, $0xb8;
	[tilespmem:$0x1E080] =	vst v63  }
0x132: {  	_ =	swait.ge [sflag:s6], $0x3E80  }
0x133: {  	[sflag:s6] =	ssyncset.done $0x0  }
0x134: {  	s22 =	simm.s32 $0x1180;
	[sflag:s6] =	ssyncadd.s32 $0xFFFFC180  }
0x135: {  	[tilespmem:s13], [sflag:$0x2] =	stream.indirect.gather [hbm4b:s1+s10], $0x80, s22, s10, $0xb8;
	[tilespmem:$0x1E080] =	vst v63  }
0x136: {  	_ =	swait.ge [sflag:s14], $0x3E80  }
0x137: {  	[sflag:s14] =	ssyncset.done $0x0  }
0x138: {  	s21 =	simm.s32 $0x2500;
	[sflag:s14] =	ssyncadd.s32 $0xFFFFC180  }
0x139: {  	[spmem:s2] =	stream.indirect.scatter.add.f32 [tilespmem:s11], [sflag:$0x3], $0x80, s21, s10, $0xb8;
	[tilespmem:$0x1E080] =	vst v63  }
0x13a: {  	_ =	swait.ge [sflag:s6], $0x3E80  }
0x13b: {  	[sflag:s6] =	ssyncset.done $0x0  }
0x13c: {  	s20 =	simm.s32 $0x1200;
	[sflag:s6] =	ssyncadd.s32 $0xFFFFC180  }
0x13d: {  	[tilespmem:s11], [sflag:$0x1] =	stream.indirect.gather [hbm4b:s1+s10], $0x80, s20, s10, $0xb8;
	[tilespmem:$0x1E080] =	vst v63  }
0x13e: {  	_ =	swait.ge [sflag:s16], $0x3E80  }
0x13f: {  	[sflag:s16] =	ssyncset.done $0x0  }
0x140: {  	s19 =	simm.s32 $0x2580;
	[sflag:s16] =	ssyncadd.s32 $0xFFFFC180  }
0x141: {  	[spmem:s2] =	stream.indirect.scatter.add.f32 [tilespmem:s13], [sflag:$0x3], $0x80, s19, s10, $0xb8;
	[tilespmem:$0x1E080] =	vst v63  }
0x142: {  	_ =	swait.ge [sflag:s6], $0x3E80  }
0x143: {  	[sflag:s6] =	ssyncset.done $0x0  }
0x144: {  	s18 =	simm.s32 $0x1280;
	[sflag:s6] =	ssyncadd.s32 $0xFFFFC180  }
0x145: {  	[tilespmem:s13], [sflag:$0x2] =	stream.indirect.gather [hbm4b:s1+s10], $0x80, s18, s10, $0xb8;
	[tilespmem:$0x1E080] =	vst v63  }
0x146: {  	_ =	swait.ge [sflag:s14], $0x3E80  }
0x147: {  	[sflag:s14] =	ssyncset.done $0x0  }
0x148: {  	s17 =	simm.s32 $0x2600;
	[sflag:s14] =	ssyncadd.s32 $0xFFFFC180  }
0x149: {  	[spmem:s2] =	stream.indirect.scatter.add.f32 [tilespmem:s11], [sflag:$0x3], $0x80, s17, s10, $0xb8;
	[tilespmem:$0x1E080] =	vst v63  }
0x14a: {  	_ =	swait.ge [sflag:s6], $0x3E80  }
0x14b: {  	[sflag:s6] =	ssyncset.done $0x0  }
0x14c: {  	s15 =	simm.s32 $0x1300;
	[sflag:s6] =	ssyncadd.s32 $0xFFFFC180  }
0x14d: {  	[tilespmem:s11], [sflag:$0x1] =	stream.indirect.gather [hbm4b:s1+s10], $0x80, s15, s10, $0xb8;
	[tilespmem:$0x1E080] =	vst v63  }
0x14e: {  	_ =	swait.ge [sflag:s16], $0x3E80  }
0x14f: {  	[sflag:s16] =	ssyncset.done $0x0  }
0x150: {  	s12 =	simm.s32 $0x2680;
	[sflag:s16] =	ssyncadd.s32 $0xFFFFC180  }
0x151: {  	[spmem:s2] =	stream.indirect.scatter.add.f32 [tilespmem:s13], [sflag:$0x3], $0x80, s12, s10, $0xb8;
	[tilespmem:$0x1E080] =	vst v63  }
0x152: {  	_ =	swait.ge [sflag:s6], $0x3E80  }
0x153: {  	[sflag:s6] =	ssyncset.done $0x0  }
0x154: {  	s8 =	simm.s32 $0x1380;
	[sflag:s6] =	ssyncadd.s32 $0xFFFFC180  }
0x155: {  	[tilespmem:s13], [sflag:$0x2] =	stream.indirect.gather [hbm4b:s1+s10], $0x80, s8, s10, $0xb8;
	[tilespmem:$0x1E080] =	vst v63  }
0x156: {  	_ =	swait.ge [sflag:s14], $0x3E80  }
0x157: {  	[sflag:s14] =	ssyncset.done $0x0  }
0x158: {  	s7 =	simm.s32 $0x2700;
	[sflag:s14] =	ssyncadd.s32 $0xFFFFC180  }
0x159: {  	[spmem:s2] =	stream.indirect.scatter.add.f32 [tilespmem:s11], [sflag:$0x3], $0x80, s7, s10, $0xb8;
	[tilespmem:$0x1E080] =	vst v63  }
0x15a: {  	_ =	swait.ge [sflag:s6], $0x3E80  }
0x15b: {  	[sflag:s6] =	ssyncset.done $0x0  }
0x15c: {  	[sflag:s6] =	ssyncadd.s32 $0xFFFFC180  }
0x15d: {  	_ =	swait.ge [sflag:s16], $0x3E80  }
0x15e: {  	[sflag:s16] =	ssyncset.done $0x0  }
0x15f: {  	s5 =	simm.s32 $0x2780;
	[sflag:s16] =	ssyncadd.s32 $0xFFFFC180  }
0x160: {  	[spmem:s2] =	stream.indirect.scatter.add.f32 [tilespmem:s13], [sflag:$0x3], $0x80, s5, s10, $0xb8;
	[tilespmem:$0x1E080] =	vst v63  }
0x161: {  	_ =	swait.ge [sflag:s6], $0x3E80  }
0x162: {  	[sflag:s6] =	ssyncset.done $0x0  }
0x163: {  	s25 =	rddreg [dreg:$0xb];
	[sflag:s6] =	ssyncadd.s32 $0xFFFFC180  }
0x164: {  	[tilespmem:s29], [sflag:$0x3] =	stream.linear.gather [hbm4b:s25+s29], $0x1400, $0x38;
	[tilespmem:$0x1E080] =	vst v63  }
0x165: {  	_ =	swait.ge [sflag:s6], $0x1400  }
0x166: {  	[sflag:s6] =	ssyncset.done $0x0  }
0x167: {  	s25 =	rddreg [dreg:$0xc];
	[sflag:s6] =	ssyncadd.s32 $0xFFFFEC00  }
0x168: {  	[tilespmem:s3], [sflag:$0x3] =	stream.linear.gather [hbm4b:s25+s29], $0x1400, $0x38;
	[tilespmem:$0x1E080] =	vst v63  }
0x169: {  	_ =	swait.ge [sflag:s6], $0x1400  }
0x16a: {  	[sflag:s6] =	ssyncset.done $0x0  }
0x16b: {  	[sflag:s6] =	ssyncadd.s32 $0xFFFFEC00  }
0x16c: {  	[tilespmem:s11], [sflag:$0x1] =	stream.indirect.gather [hbm4b:s1+s10], $0x80, s29, s10, $0xb8;
	[tilespmem:$0x1E080] =	vst v63  }
0x16d: {  	s29 =	simm.s32 $0x80  }
0x16e: {  	[tilespmem:s13], [sflag:$0x2] =	stream.indirect.gather [hbm4b:s1+s10], $0x80, s29, s10, $0xb8;
	[tilespmem:$0x1E080] =	vst v63  }
0x16f: {  	_ =	swait.ge [sflag:s14], $0x3E80  }
0x170: {  	[sflag:s14] =	ssyncset.done $0x0  }
0x171: {  	[sflag:s14] =	ssyncadd.s32 $0xFFFFC180  }
0x172: {  	[spmem:s2] =	stream.indirect.scatter.add.f32 [tilespmem:s11], [sflag:$0x3], $0x80, s3, s10, $0xb8;
	[tilespmem:$0x1E080] =	vst v63  }
0x173: {  	_ =	swait.ge [sflag:s6], $0x3E80  }
0x174: {  	[sflag:s6] =	ssyncset.done $0x0  }
0x175: {  	s29 =	simm.s32 $0x100;
	[sflag:s6] =	ssyncadd.s32 $0xFFFFC180  }
0x176: {  	[tilespmem:s11], [sflag:$0x1] =	stream.indirect.gather [hbm4b:s1+s10], $0x80, s29, s10, $0xb8;
	[tilespmem:$0x1E080] =	vst v63  }
0x177: {  	_ =	swait.ge [sflag:s16], $0x3E80  }
0x178: {  	[sflag:s16] =	ssyncset.done $0x0  }
0x179: {  	[sflag:s16] =	ssyncadd.s32 $0xFFFFC180  }
0x17a: {  	[spmem:s2] =	stream.indirect.scatter.add.f32 [tilespmem:s13], [sflag:$0x3], $0x80, s0, s10, $0xb8;
	[tilespmem:$0x1E080] =	vst v63  }
0x17b: {  	_ =	swait.ge [sflag:s6], $0x3E80  }
0x17c: {  	[sflag:s6] =	ssyncset.done $0x0  }
0x17d: {  	s25 =	simm.s32 $0x180;
	[sflag:s6] =	ssyncadd.s32 $0xFFFFC180  }
0x17e: {  	[tilespmem:s13], [sflag:$0x2] =	stream.indirect.gather [hbm4b:s1+s10], $0x80, s25, s10, $0xb8;
	[tilespmem:$0x1E080] =	vst v63  }
0x17f: {  	_ =	swait.ge [sflag:s14], $0x3E80  }
0x180: {  	[sflag:s14] =	ssyncset.done $0x0  }
0x181: {  	s29 =	simm.s32 $0x1500;
	[sflag:s14] =	ssyncadd.s32 $0xFFFFC180  }
0x182: {  	[spmem:s2] =	stream.indirect.scatter.add.f32 [tilespmem:s11], [sflag:$0x3], $0x80, s29, s10, $0xb8;
	[tilespmem:$0x1E080] =	vst v63  }
0x183: {  	_ =	swait.ge [sflag:s6], $0x3E80  }
0x184: {  	[sflag:s6] =	ssyncset.done $0x0  }
0x185: {  	s25 =	simm.s32 $0x200;
	[sflag:s6] =	ssyncadd.s32 $0xFFFFC180  }
0x186: {  	[tilespmem:s11], [sflag:$0x1] =	stream.indirect.gather [hbm4b:s1+s10], $0x80, s25, s10, $0xb8;
	[tilespmem:$0x1E080] =	vst v63  }
0x187: {  	_ =	swait.ge [sflag:s16], $0x3E80  }
0x188: {  	[sflag:s16] =	ssyncset.done $0x0  }
0x189: {  	s29 =	simm.s32 $0x1580;
	[sflag:s16] =	ssyncadd.s32 $0xFFFFC180  }
0x18a: {  	[spmem:s2] =	stream.indirect.scatter.add.f32 [tilespmem:s13], [sflag:$0x3], $0x80, s29, s10, $0xb8;
	[tilespmem:$0x1E080] =	vst v63  }
0x18b: {  	_ =	swait.ge [sflag:s6], $0x3E80  }
0x18c: {  	[sflag:s6] =	ssyncset.done $0x0  }
0x18d: {  	s25 =	simm.s32 $0x280;
	[sflag:s6] =	ssyncadd.s32 $0xFFFFC180  }
0x18e: {  	[tilespmem:s13], [sflag:$0x2] =	stream.indirect.gather [hbm4b:s1+s10], $0x80, s25, s10, $0xb8;
	[tilespmem:$0x1E080] =	vst v63  }
0x18f: {  	_ =	swait.ge [sflag:s14], $0x3E80  }
0x190: {  	[sflag:s14] =	ssyncset.done $0x0  }
0x191: {  	s29 =	simm.s32 $0x1600;
	[sflag:s14] =	ssyncadd.s32 $0xFFFFC180  }
0x192: {  	[spmem:s2] =	stream.indirect.scatter.add.f32 [tilespmem:s11], [sflag:$0x3], $0x80, s29, s10, $0xb8;
	[tilespmem:$0x1E080] =	vst v63  }
0x193: {  	_ =	swait.ge [sflag:s6], $0x3E80  }
0x194: {  	[sflag:s6] =	ssyncset.done $0x0  }
0x195: {  	s25 =	simm.s32 $0x300;
	[sflag:s6] =	ssyncadd.s32 $0xFFFFC180  }
0x196: {  	[tilespmem:s11], [sflag:$0x1] =	stream.indirect.gather [hbm4b:s1+s10], $0x80, s25, s10, $0xb8;
	[tilespmem:$0x1E080] =	vst v63  }
0x197: {  	_ =	swait.ge [sflag:s16], $0x3E80  }
0x198: {  	[sflag:s16] =	ssyncset.done $0x0  }
0x199: {  	s29 =	simm.s32 $0x1680;
	[sflag:s16] =	ssyncadd.s32 $0xFFFFC180  }
0x19a: {  	[spmem:s2] =	stream.indirect.scatter.add.f32 [tilespmem:s13], [sflag:$0x3], $0x80, s29, s10, $0xb8;
	[tilespmem:$0x1E080] =	vst v63  }
0x19b: {  	_ =	swait.ge [sflag:s6], $0x3E80  }
0x19c: {  	[sflag:s6] =	ssyncset.done $0x0  }
0x19d: {  	s25 =	simm.s32 $0x380;
	[sflag:s6] =	ssyncadd.s32 $0xFFFFC180  }
0x19e: {  	[tilespmem:s13], [sflag:$0x2] =	stream.indirect.gather [hbm4b:s1+s10], $0x80, s25, s10, $0xb8;
	[tilespmem:$0x1E080] =	vst v63  }
0x19f: {  	_ =	swait.ge [sflag:s14], $0x3E80  }
0x1a0: {  	[sflag:s14] =	ssyncset.done $0x0  }
0x1a1: {  	s29 =	simm.s32 $0x1700;
	[sflag:s14] =	ssyncadd.s32 $0xFFFFC180  }
0x1a2: {  	[spmem:s2] =	stream.indirect.scatter.add.f32 [tilespmem:s11], [sflag:$0x3], $0x80, s29, s10, $0xb8;
	[tilespmem:$0x1E080] =	vst v63  }
0x1a3: {  	_ =	swait.ge [sflag:s6], $0x3E80  }
0x1a4: {  	[sflag:s6] =	ssyncset.done $0x0  }
0x1a5: {  	s25 =	simm.s32 $0x400;
	[sflag:s6] =	ssyncadd.s32 $0xFFFFC180  }
0x1a6: {  	[tilespmem:s11], [sflag:$0x1] =	stream.indirect.gather [hbm4b:s1+s10], $0x80, s25, s10, $0xb8;
	[tilespmem:$0x1E080] =	vst v63  }
0x1a7: {  	_ =	swait.ge [sflag:s16], $0x3E80  }
0x1a8: {  	[sflag:s16] =	ssyncset.done $0x0  }
0x1a9: {  	s29 =	simm.s32 $0x1780;
	[sflag:s16] =	ssyncadd.s32 $0xFFFFC180  }
0x1aa: {  	[spmem:s2] =	stream.indirect.scatter.add.f32 [tilespmem:s13], [sflag:$0x3], $0x80, s29, s10, $0xb8;
	[tilespmem:$0x1E080] =	vst v63  }
0x1ab: {  	_ =	swait.ge [sflag:s6], $0x3E80  }
0x1ac: {  	[sflag:s6] =	ssyncset.done $0x0  }
0x1ad: {  	s25 =	simm.s32 $0x480;
	[sflag:s6] =	ssyncadd.s32 $0xFFFFC180  }
0x1ae: {  	[tilespmem:s13], [sflag:$0x2] =	stream.indirect.gather [hbm4b:s1+s10], $0x80, s25, s10, $0xb8;
	[tilespmem:$0x1E080] =	vst v63  }
0x1af: {  	_ =	swait.ge [sflag:s14], $0x3E80  }
0x1b0: {  	[sflag:s14] =	ssyncset.done $0x0  }
0x1b1: {  	s29 =	simm.s32 $0x1800;
	[sflag:s14] =	ssyncadd.s32 $0xFFFFC180  }
0x1b2: {  	[spmem:s2] =	stream.indirect.scatter.add.f32 [tilespmem:s11], [sflag:$0x3], $0x80, s29, s10, $0xb8;
	[tilespmem:$0x1E080] =	vst v63  }
0x1b3: {  	_ =	swait.ge [sflag:s6], $0x3E80  }
0x1b4: {  	[sflag:s6] =	ssyncset.done $0x0  }
0x1b5: {  	s25 =	simm.s32 $0x500;
	[sflag:s6] =	ssyncadd.s32 $0xFFFFC180  }
0x1b6: {  	[tilespmem:s11], [sflag:$0x1] =	stream.indirect.gather [hbm4b:s1+s10], $0x80, s25, s10, $0xb8;
	[tilespmem:$0x1E080] =	vst v63  }
0x1b7: {  	_ =	swait.ge [sflag:s16], $0x3E80  }
0x1b8: {  	[sflag:s16] =	ssyncset.done $0x0  }
0x1b9: {  	s29 =	simm.s32 $0x1880;
	[sflag:s16] =	ssyncadd.s32 $0xFFFFC180  }
0x1ba: {  	[spmem:s2] =	stream.indirect.scatter.add.f32 [tilespmem:s13], [sflag:$0x3], $0x80, s29, s10, $0xb8;
	[tilespmem:$0x1E080] =	vst v63  }
0x1bb: {  	_ =	swait.ge [sflag:s6], $0x3E80  }
0x1bc: {  	[sflag:s6] =	ssyncset.done $0x0  }
0x1bd: {  	s25 =	simm.s32 $0x580;
	[sflag:s6] =	ssyncadd.s32 $0xFFFFC180  }
0x1be: {  	[tilespmem:s13], [sflag:$0x2] =	stream.indirect.gather [hbm4b:s1+s10], $0x80, s25, s10, $0xb8;
	[tilespmem:$0x1E080] =	vst v63  }
0x1bf: {  	_ =	swait.ge [sflag:s14], $0x3E80  }
0x1c0: {  	[sflag:s14] =	ssyncset.done $0x0  }
0x1c1: {  	s29 =	simm.s32 $0x1900;
	[sflag:s14] =	ssyncadd.s32 $0xFFFFC180  }
0x1c2: {  	[spmem:s2] =	stream.indirect.scatter.add.f32 [tilespmem:s11], [sflag:$0x3], $0x80, s29, s10, $0xb8;
	[tilespmem:$0x1E080] =	vst v63  }
0x1c3: {  	_ =	swait.ge [sflag:s6], $0x3E80  }
0x1c4: {  	[sflag:s6] =	ssyncset.done $0x0  }
0x1c5: {  	s25 =	simm.s32 $0x600;
	[sflag:s6] =	ssyncadd.s32 $0xFFFFC180  }
0x1c6: {  	[tilespmem:s11], [sflag:$0x1] =	stream.indirect.gather [hbm4b:s1+s10], $0x80, s25, s10, $0xb8;
	[tilespmem:$0x1E080] =	vst v63  }
0x1c7: {  	_ =	swait.ge [sflag:s16], $0x3E80  }
0x1c8: {  	[sflag:s16] =	ssyncset.done $0x0  }
0x1c9: {  	s29 =	simm.s32 $0x1980;
	[sflag:s16] =	ssyncadd.s32 $0xFFFFC180  }
0x1ca: {  	[spmem:s2] =	stream.indirect.scatter.add.f32 [tilespmem:s13], [sflag:$0x3], $0x80, s29, s10, $0xb8;
	[tilespmem:$0x1E080] =	vst v63  }
0x1cb: {  	_ =	swait.ge [sflag:s6], $0x3E80  }
0x1cc: {  	[sflag:s6] =	ssyncset.done $0x0  }
0x1cd: {  	s25 =	simm.s32 $0x680;
	[sflag:s6] =	ssyncadd.s32 $0xFFFFC180  }
0x1ce: {  	[tilespmem:s13], [sflag:$0x2] =	stream.indirect.gather [hbm4b:s1+s10], $0x80, s25, s10, $0xb8;
	[tilespmem:$0x1E080] =	vst v63  }
0x1cf: {  	_ =	swait.ge [sflag:s14], $0x3E80  }
0x1d0: {  	[sflag:s14] =	ssyncset.done $0x0  }
0x1d1: {  	s29 =	simm.s32 $0x1A00;
	[sflag:s14] =	ssyncadd.s32 $0xFFFFC180  }
0x1d2: {  	[spmem:s2] =	stream.indirect.scatter.add.f32 [tilespmem:s11], [sflag:$0x3], $0x80, s29, s10, $0xb8;
	[tilespmem:$0x1E080] =	vst v63  }
0x1d3: {  	_ =	swait.ge [sflag:s6], $0x3E80  }
0x1d4: {  	[sflag:s6] =	ssyncset.done $0x0  }
0x1d5: {  	s25 =	simm.s32 $0x700;
	[sflag:s6] =	ssyncadd.s32 $0xFFFFC180  }
0x1d6: {  	[tilespmem:s11], [sflag:$0x1] =	stream.indirect.gather [hbm4b:s1+s10], $0x80, s25, s10, $0xb8;
	[tilespmem:$0x1E080] =	vst v63  }
0x1d7: {  	_ =	swait.ge [sflag:s16], $0x3E80  }
0x1d8: {  	[sflag:s16] =	ssyncset.done $0x0  }
0x1d9: {  	s29 =	simm.s32 $0x1A80;
	[sflag:s16] =	ssyncadd.s32 $0xFFFFC180  }
0x1da: {  	[spmem:s2] =	stream.indirect.scatter.add.f32 [tilespmem:s13], [sflag:$0x3], $0x80, s29, s10, $0xb8;
	[tilespmem:$0x1E080] =	vst v63  }
0x1db: {  	_ =	swait.ge [sflag:s6], $0x3E80  }
0x1dc: {  	[sflag:s6] =	ssyncset.done $0x0  }
0x1dd: {  	s25 =	simm.s32 $0x780;
	[sflag:s6] =	ssyncadd.s32 $0xFFFFC180  }
0x1de: {  	[tilespmem:s13], [sflag:$0x2] =	stream.indirect.gather [hbm4b:s1+s10], $0x80, s25, s10, $0xb8;
	[tilespmem:$0x1E080] =	vst v63  }
0x1df: {  	_ =	swait.ge [sflag:s14], $0x3E80  }
0x1e0: {  	[sflag:s14] =	ssyncset.done $0x0  }
0x1e1: {  	s29 =	simm.s32 $0x1B00;
	[sflag:s14] =	ssyncadd.s32 $0xFFFFC180  }
0x1e2: {  	[spmem:s2] =	stream.indirect.scatter.add.f32 [tilespmem:s11], [sflag:$0x3], $0x80, s29, s10, $0xb8;
	[tilespmem:$0x1E080] =	vst v63  }
0x1e3: {  	_ =	swait.ge [sflag:s6], $0x3E80  }
0x1e4: {  	[sflag:s6] =	ssyncset.done $0x0  }
0x1e5: {  	s25 =	simm.s32 $0x800;
	[sflag:s6] =	ssyncadd.s32 $0xFFFFC180  }
0x1e6: {  	[tilespmem:s11], [sflag:$0x1] =	stream.indirect.gather [hbm4b:s1+s10], $0x80, s25, s10, $0xb8;
	[tilespmem:$0x1E080] =	vst v63  }
0x1e7: {  	_ =	swait.ge [sflag:s16], $0x3E80  }
0x1e8: {  	[sflag:s16] =	ssyncset.done $0x0  }
0x1e9: {  	s29 =	simm.s32 $0x1B80;
	[sflag:s16] =	ssyncadd.s32 $0xFFFFC180  }
0x1ea: {  	[spmem:s2] =	stream.indirect.scatter.add.f32 [tilespmem:s13], [sflag:$0x3], $0x80, s29, s10, $0xb8;
	[tilespmem:$0x1E080] =	vst v63  }
0x1eb: {  	_ =	swait.ge [sflag:s6], $0x3E80  }
0x1ec: {  	[sflag:s6] =	ssyncset.done $0x0  }
0x1ed: {  	s25 =	simm.s32 $0x880;
	[sflag:s6] =	ssyncadd.s32 $0xFFFFC180  }
0x1ee: {  	[tilespmem:s13], [sflag:$0x2] =	stream.indirect.gather [hbm4b:s1+s10], $0x80, s25, s10, $0xb8;
	[tilespmem:$0x1E080] =	vst v63  }
0x1ef: {  	_ =	swait.ge [sflag:s14], $0x3E80  }
0x1f0: {  	[sflag:s14] =	ssyncset.done $0x0  }
0x1f1: {  	s29 =	simm.s32 $0x1C00;
	[sflag:s14] =	ssyncadd.s32 $0xFFFFC180  }
0x1f2: {  	[spmem:s2] =	stream.indirect.scatter.add.f32 [tilespmem:s11], [sflag:$0x3], $0x80, s29, s10, $0xb8;
	[tilespmem:$0x1E080] =	vst v63  }
0x1f3: {  	_ =	swait.ge [sflag:s6], $0x3E80  }
0x1f4: {  	[sflag:s6] =	ssyncset.done $0x0  }
0x1f5: {  	s25 =	simm.s32 $0x900;
	[sflag:s6] =	ssyncadd.s32 $0xFFFFC180  }
0x1f6: {  	[tilespmem:s11], [sflag:$0x1] =	stream.indirect.gather [hbm4b:s1+s10], $0x80, s25, s10, $0xb8;
	[tilespmem:$0x1E080] =	vst v63  }
0x1f7: {  	_ =	swait.ge [sflag:s16], $0x3E80  }
0x1f8: {  	[sflag:s16] =	ssyncset.done $0x0  }
0x1f9: {  	s29 =	simm.s32 $0x1C80;
	[sflag:s16] =	ssyncadd.s32 $0xFFFFC180  }
0x1fa: {  	[spmem:s2] =	stream.indirect.scatter.add.f32 [tilespmem:s13], [sflag:$0x3], $0x80, s29, s10, $0xb8;
	[tilespmem:$0x1E080] =	vst v63  }
0x1fb: {  	_ =	swait.ge [sflag:s6], $0x3E80  }
0x1fc: {  	[sflag:s6] =	ssyncset.done $0x0  }
0x1fd: {  	s25 =	simm.s32 $0x980;
	[sflag:s6] =	ssyncadd.s32 $0xFFFFC180  }
0x1fe: {  	[tilespmem:s13], [sflag:$0x2] =	stream.indirect.gather [hbm4b:s1+s10], $0x80, s25, s10, $0xb8;
	[tilespmem:$0x1E080] =	vst v63  }
0x1ff: {  	_ =	swait.ge [sflag:s14], $0x3E80  }
0x200: {  	[sflag:s14] =	ssyncset.done $0x0  }
0x201: {  	s29 =	simm.s32 $0x1D00;
	[sflag:s14] =	ssyncadd.s32 $0xFFFFC180  }
0x202: {  	[spmem:s2] =	stream.indirect.scatter.add.f32 [tilespmem:s11], [sflag:$0x3], $0x80, s29, s10, $0xb8;
	[tilespmem:$0x1E080] =	vst v63  }
0x203: {  	_ =	swait.ge [sflag:s6], $0x3E80  }
0x204: {  	[sflag:s6] =	ssyncset.done $0x0  }
0x205: {  	s25 =	simm.s32 $0xA00;
	[sflag:s6] =	ssyncadd.s32 $0xFFFFC180  }
0x206: {  	[tilespmem:s11], [sflag:$0x1] =	stream.indirect.gather [hbm4b:s1+s10], $0x80, s25, s10, $0xb8;
	[tilespmem:$0x1E080] =	vst v63  }
0x207: {  	_ =	swait.ge [sflag:s16], $0x3E80  }
0x208: {  	[sflag:s16] =	ssyncset.done $0x0  }
0x209: {  	s29 =	simm.s32 $0x1D80;
	[sflag:s16] =	ssyncadd.s32 $0xFFFFC180  }
0x20a: {  	[spmem:s2] =	stream.indirect.scatter.add.f32 [tilespmem:s13], [sflag:$0x3], $0x80, s29, s10, $0xb8;
	[tilespmem:$0x1E080] =	vst v63  }
0x20b: {  	_ =	swait.ge [sflag:s6], $0x3E80  }
0x20c: {  	[sflag:s6] =	ssyncset.done $0x0  }
0x20d: {  	s25 =	simm.s32 $0xA80;
	[sflag:s6] =	ssyncadd.s32 $0xFFFFC180  }
0x20e: {  	[tilespmem:s13], [sflag:$0x2] =	stream.indirect.gather [hbm4b:s1+s10], $0x80, s25, s10, $0xb8;
	[tilespmem:$0x1E080] =	vst v63  }
0x20f: {  	_ =	swait.ge [sflag:s14], $0x3E80  }
0x210: {  	[sflag:s14] =	ssyncset.done $0x0  }
0x211: {  	s29 =	simm.s32 $0x1E00;
	[sflag:s14] =	ssyncadd.s32 $0xFFFFC180  }
0x212: {  	[spmem:s2] =	stream.indirect.scatter.add.f32 [tilespmem:s11], [sflag:$0x3], $0x80, s29, s10, $0xb8;
	[tilespmem:$0x1E080] =	vst v63  }
0x213: {  	_ =	swait.ge [sflag:s6], $0x3E80  }
0x214: {  	[sflag:s6] =	ssyncset.done $0x0  }
0x215: {  	s25 =	simm.s32 $0xB00;
	[sflag:s6] =	ssyncadd.s32 $0xFFFFC180  }
0x216: {  	[tilespmem:s11], [sflag:$0x1] =	stream.indirect.gather [hbm4b:s1+s10], $0x80, s25, s10, $0xb8;
	[tilespmem:$0x1E080] =	vst v63  }
0x217: {  	_ =	swait.ge [sflag:s16], $0x3E80  }
0x218: {  	[sflag:s16] =	ssyncset.done $0x0  }
0x219: {  	s29 =	simm.s32 $0x1E80;
	[sflag:s16] =	ssyncadd.s32 $0xFFFFC180  }
0x21a: {  	[spmem:s2] =	stream.indirect.scatter.add.f32 [tilespmem:s13], [sflag:$0x3], $0x80, s29, s10, $0xb8;
	[tilespmem:$0x1E080] =	vst v63  }
0x21b: {  	_ =	swait.ge [sflag:s6], $0x3E80  }
0x21c: {  	[sflag:s6] =	ssyncset.done $0x0  }
0x21d: {  	s25 =	simm.s32 $0xB80;
	[sflag:s6] =	ssyncadd.s32 $0xFFFFC180  }
0x21e: {  	[tilespmem:s13], [sflag:$0x2] =	stream.indirect.gather [hbm4b:s1+s10], $0x80, s25, s10, $0xb8;
	[tilespmem:$0x1E080] =	vst v63  }
0x21f: {  	_ =	swait.ge [sflag:s14], $0x3E80  }
0x220: {  	[sflag:s14] =	ssyncset.done $0x0  }
0x221: {  	s29 =	simm.s32 $0x1F00;
	[sflag:s14] =	ssyncadd.s32 $0xFFFFC180  }
0x222: {  	[spmem:s2] =	stream.indirect.scatter.add.f32 [tilespmem:s11], [sflag:$0x3], $0x80, s29, s10, $0xb8;
	[tilespmem:$0x1E080] =	vst v63  }
0x223: {  	_ =	swait.ge [sflag:s6], $0x3E80  }
0x224: {  	[sflag:s6] =	ssyncset.done $0x0  }
0x225: {  	s25 =	simm.s32 $0xC00;
	[sflag:s6] =	ssyncadd.s32 $0xFFFFC180  }
0x226: {  	[tilespmem:s11], [sflag:$0x1] =	stream.indirect.gather [hbm4b:s1+s10], $0x80, s25, s10, $0xb8;
	[tilespmem:$0x1E080] =	vst v63  }
0x227: {  	_ =	swait.ge [sflag:s16], $0x3E80  }
0x228: {  	[sflag:s16] =	ssyncset.done $0x0  }
0x229: {  	s29 =	simm.s32 $0x1F80;
	[sflag:s16] =	ssyncadd.s32 $0xFFFFC180  }
0x22a: {  	[spmem:s2] =	stream.indirect.scatter.add.f32 [tilespmem:s13], [sflag:$0x3], $0x80, s29, s10, $0xb8;
	[tilespmem:$0x1E080] =	vst v63  }
0x22b: {  	_ =	swait.ge [sflag:s6], $0x3E80  }
0x22c: {  	[sflag:s6] =	ssyncset.done $0x0  }
0x22d: {  	s25 =	simm.s32 $0xC80;
	[sflag:s6] =	ssyncadd.s32 $0xFFFFC180  }
0x22e: {  	[tilespmem:s13], [sflag:$0x2] =	stream.indirect.gather [hbm4b:s1+s10], $0x80, s25, s10, $0xb8;
	[tilespmem:$0x1E080] =	vst v63  }
0x22f: {  	_ =	swait.ge [sflag:s14], $0x3E80  }
0x230: {  	[sflag:s14] =	ssyncset.done $0x0  }
0x231: {  	s29 =	simm.s32 $0x2000;
	[sflag:s14] =	ssyncadd.s32 $0xFFFFC180  }
0x232: {  	[spmem:s2] =	stream.indirect.scatter.add.f32 [tilespmem:s11], [sflag:$0x3], $0x80, s29, s10, $0xb8;
	[tilespmem:$0x1E080] =	vst v63  }
0x233: {  	_ =	swait.ge [sflag:s6], $0x3E80  }
0x234: {  	[sflag:s6] =	ssyncset.done $0x0  }
0x235: {  	s25 =	simm.s32 $0xD00;
	[sflag:s6] =	ssyncadd.s32 $0xFFFFC180  }
0x236: {  	[tilespmem:s11], [sflag:$0x1] =	stream.indirect.gather [hbm4b:s1+s10], $0x80, s25, s10, $0xb8;
	[tilespmem:$0x1E080] =	vst v63  }
0x237: {  	_ =	swait.ge [sflag:s16], $0x3E80  }
0x238: {  	[sflag:s16] =	ssyncset.done $0x0  }
0x239: {  	s29 =	simm.s32 $0x2080;
	[sflag:s16] =	ssyncadd.s32 $0xFFFFC180  }
0x23a: {  	[spmem:s2] =	stream.indirect.scatter.add.f32 [tilespmem:s13], [sflag:$0x3], $0x80, s29, s10, $0xb8;
	[tilespmem:$0x1E080] =	vst v63  }
0x23b: {  	_ =	swait.ge [sflag:s6], $0x3E80  }
0x23c: {  	[sflag:s6] =	ssyncset.done $0x0  }
0x23d: {  	s25 =	simm.s32 $0xD80;
	[sflag:s6] =	ssyncadd.s32 $0xFFFFC180  }
0x23e: {  	[tilespmem:s13], [sflag:$0x2] =	stream.indirect.gather [hbm4b:s1+s10], $0x80, s25, s10, $0xb8;
	[tilespmem:$0x1E080] =	vst v63  }
0x23f: {  	_ =	swait.ge [sflag:s14], $0x3E80  }
0x240: {  	[sflag:s14] =	ssyncset.done $0x0  }
0x241: {  	s29 =	simm.s32 $0x2100;
	[sflag:s14] =	ssyncadd.s32 $0xFFFFC180  }
0x242: {  	[spmem:s2] =	stream.indirect.scatter.add.f32 [tilespmem:s11], [sflag:$0x3], $0x80, s29, s10, $0xb8;
	[tilespmem:$0x1E080] =	vst v63  }
0x243: {  	_ =	swait.ge [sflag:s6], $0x3E80  }
0x244: {  	[sflag:s6] =	ssyncset.done $0x0  }
0x245: {  	s25 =	simm.s32 $0xE00;
	[sflag:s6] =	ssyncadd.s32 $0xFFFFC180  }
0x246: {  	[tilespmem:s11], [sflag:$0x1] =	stream.indirect.gather [hbm4b:s1+s10], $0x80, s25, s10, $0xb8;
	[tilespmem:$0x1E080] =	vst v63  }
0x247: {  	_ =	swait.ge [sflag:s16], $0x3E80  }
0x248: {  	[sflag:s16] =	ssyncset.done $0x0  }
0x249: {  	s29 =	simm.s32 $0x2180;
	[sflag:s16] =	ssyncadd.s32 $0xFFFFC180  }
0x24a: {  	[spmem:s2] =	stream.indirect.scatter.add.f32 [tilespmem:s13], [sflag:$0x3], $0x80, s29, s10, $0xb8;
	[tilespmem:$0x1E080] =	vst v63  }
0x24b: {  	_ =	swait.ge [sflag:s6], $0x3E80  }
0x24c: {  	[sflag:s6] =	ssyncset.done $0x0  }
0x24d: {  	s25 =	simm.s32 $0xE80;
	[sflag:s6] =	ssyncadd.s32 $0xFFFFC180  }
0x24e: {  	[tilespmem:s13], [sflag:$0x2] =	stream.indirect.gather [hbm4b:s1+s10], $0x80, s25, s10, $0xb8;
	[tilespmem:$0x1E080] =	vst v63  }
0x24f: {  	_ =	swait.ge [sflag:s14], $0x3E80  }
0x250: {  	[sflag:s14] =	ssyncset.done $0x0  }
0x251: {  	s29 =	simm.s32 $0x2200;
	[sflag:s14] =	ssyncadd.s32 $0xFFFFC180  }
0x252: {  	[spmem:s2] =	stream.indirect.scatter.add.f32 [tilespmem:s11], [sflag:$0x3], $0x80, s29, s10, $0xb8;
	[tilespmem:$0x1E080] =	vst v63  }
0x253: {  	_ =	swait.ge [sflag:s6], $0x3E80  }
0x254: {  	[sflag:s6] =	ssyncset.done $0x0  }
0x255: {  	s25 =	simm.s32 $0xF00;
	[sflag:s6] =	ssyncadd.s32 $0xFFFFC180  }
0x256: {  	[tilespmem:s11], [sflag:$0x1] =	stream.indirect.gather [hbm4b:s1+s10], $0x80, s25, s10, $0xb8;
	[tilespmem:$0x1E080] =	vst v63  }
0x257: {  	_ =	swait.ge [sflag:s16], $0x3E80  }
0x258: {  	[sflag:s16] =	ssyncset.done $0x0  }
0x259: {  	s29 =	simm.s32 $0x2280;
	[sflag:s16] =	ssyncadd.s32 $0xFFFFC180  }
0x25a: {  	[spmem:s2] =	stream.indirect.scatter.add.f32 [tilespmem:s13], [sflag:$0x3], $0x80, s29, s10, $0xb8;
	[tilespmem:$0x1E080] =	vst v63  }
0x25b: {  	_ =	swait.ge [sflag:s6], $0x3E80  }
0x25c: {  	[sflag:s6] =	ssyncset.done $0x0  }
0x25d: {  	s25 =	simm.s32 $0xF80;
	[sflag:s6] =	ssyncadd.s32 $0xFFFFC180  }
0x25e: {  	[tilespmem:s13], [sflag:$0x2] =	stream.indirect.gather [hbm4b:s1+s10], $0x80, s25, s10, $0xb8;
	[tilespmem:$0x1E080] =	vst v63  }
0x25f: {  	_ =	swait.ge [sflag:s14], $0x3E80  }
0x260: {  	[sflag:s14] =	ssyncset.done $0x0  }
0x261: {  	s29 =	simm.s32 $0x2300;
	[sflag:s14] =	ssyncadd.s32 $0xFFFFC180  }
0x262: {  	[spmem:s2] =	stream.indirect.scatter.add.f32 [tilespmem:s11], [sflag:$0x3], $0x80, s29, s10, $0xb8;
	[tilespmem:$0x1E080] =	vst v63  }
0x263: {  	_ =	swait.ge [sflag:s6], $0x3E80  }
0x264: {  	[sflag:s6] =	ssyncset.done $0x0  }
0x265: {  	s25 =	simm.s32 $0x1000;
	[sflag:s6] =	ssyncadd.s32 $0xFFFFC180  }
0x266: {  	[tilespmem:s11], [sflag:$0x1] =	stream.indirect.gather [hbm4b:s1+s10], $0x80, s25, s10, $0xb8;
	[tilespmem:$0x1E080] =	vst v63  }
0x267: {  	_ =	swait.ge [sflag:s16], $0x3E80  }
0x268: {  	[sflag:s16] =	ssyncset.done $0x0  }
0x269: {  	s29 =	simm.s32 $0x2380;
	[sflag:s16] =	ssyncadd.s32 $0xFFFFC180  }
0x26a: {  	[spmem:s2] =	stream.indirect.scatter.add.f32 [tilespmem:s13], [sflag:$0x3], $0x80, s29, s10, $0xb8;
	[tilespmem:$0x1E080] =	vst v63  }
0x26b: {  	_ =	swait.ge [sflag:s6], $0x3E80  }
0x26c: {  	[sflag:s6] =	ssyncset.done $0x0  }
0x26d: {  	[sflag:s6] =	ssyncadd.s32 $0xFFFFC180  }
0x26e: {  	[tilespmem:s13], [sflag:$0x2] =	stream.indirect.gather [hbm4b:s1+s10], $0x80, s31, s10, $0xb8;
	[tilespmem:$0x1E080] =	vst v63  }
0x26f: {  	_ =	swait.ge [sflag:s14], $0x3E80  }
0x270: {  	[sflag:s14] =	ssyncset.done $0x0  }
0x271: {  	[sflag:s14] =	ssyncadd.s32 $0xFFFFC180  }
0x272: {  	[spmem:s2] =	stream.indirect.scatter.add.f32 [tilespmem:s11], [sflag:$0x3], $0x80, s30, s10, $0xb8;
	[tilespmem:$0x1E080] =	vst v63  }
0x273: {  	_ =	swait.ge [sflag:s6], $0x3E80  }
0x274: {  	[sflag:s6] =	ssyncset.done $0x0  }
0x275: {  	[sflag:s6] =	ssyncadd.s32 $0xFFFFC180  }
0x276: {  	[tilespmem:s11], [sflag:$0x1] =	stream.indirect.gather [hbm4b:s1+s10], $0x80, s24, s10, $0xb8;
	[tilespmem:$0x1E080] =	vst v63  }
0x277: {  	_ =	swait.ge [sflag:s16], $0x3E80  }
0x278: {  	[sflag:s16] =	ssyncset.done $0x0  }
0x279: {  	[sflag:s16] =	ssyncadd.s32 $0xFFFFC180  }
0x27a: {  	[spmem:s2] =	stream.indirect.scatter.add.f32 [tilespmem:s13], [sflag:$0x3], $0x80, s23, s10, $0xb8;
	[tilespmem:$0x1E080] =	vst v63  }
0x27b: {  	_ =	swait.ge [sflag:s6], $0x3E80  }
0x27c: {  	[sflag:s6] =	ssyncset.done $0x0  }
0x27d: {  	[sflag:s6] =	ssyncadd.s32 $0xFFFFC180  }
0x27e: {  	[tilespmem:s13], [sflag:$0x2] =	stream.indirect.gather [hbm4b:s1+s10], $0x80, s22, s10, $0xb8;
	[tilespmem:$0x1E080] =	vst v63  }
0x27f: {  	_ =	swait.ge [sflag:s14], $0x3E80  }
0x280: {  	[sflag:s14] =	ssyncset.done $0x0  }
0x281: {  	[sflag:s14] =	ssyncadd.s32 $0xFFFFC180  }
0x282: {  	[spmem:s2] =	stream.indirect.scatter.add.f32 [tilespmem:s11], [sflag:$0x3], $0x80, s21, s10, $0xb8;
	[tilespmem:$0x1E080] =	vst v63  }
0x283: {  	_ =	swait.ge [sflag:s6], $0x3E80  }
0x284: {  	[sflag:s6] =	ssyncset.done $0x0  }
0x285: {  	[sflag:s6] =	ssyncadd.s32 $0xFFFFC180  }
0x286: {  	[tilespmem:s11], [sflag:$0x1] =	stream.indirect.gather [hbm4b:s1+s10], $0x80, s20, s10, $0xb8;
	[tilespmem:$0x1E080] =	vst v63  }
0x287: {  	_ =	swait.ge [sflag:s16], $0x3E80  }
0x288: {  	[sflag:s16] =	ssyncset.done $0x0  }
0x289: {  	[sflag:s16] =	ssyncadd.s32 $0xFFFFC180  }
0x28a: {  	[spmem:s2] =	stream.indirect.scatter.add.f32 [tilespmem:s13], [sflag:$0x3], $0x80, s19, s10, $0xb8;
	[tilespmem:$0x1E080] =	vst v63  }
0x28b: {  	_ =	swait.ge [sflag:s6], $0x3E80  }
0x28c: {  	[sflag:s6] =	ssyncset.done $0x0  }
0x28d: {  	[sflag:s6] =	ssyncadd.s32 $0xFFFFC180  }
0x28e: {  	[tilespmem:s13], [sflag:$0x2] =	stream.indirect.gather [hbm4b:s1+s10], $0x80, s18, s10, $0xb8;
	[tilespmem:$0x1E080] =	vst v63  }
0x28f: {  	_ =	swait.ge [sflag:s14], $0x3E80  }
0x290: {  	[sflag:s14] =	ssyncset.done $0x0  }
0x291: {  	[sflag:s14] =	ssyncadd.s32 $0xFFFFC180  }
0x292: {  	[spmem:s2] =	stream.indirect.scatter.add.f32 [tilespmem:s11], [sflag:$0x3], $0x80, s17, s10, $0xb8;
	[tilespmem:$0x1E080] =	vst v63  }
0x293: {  	_ =	swait.ge [sflag:s6], $0x3E80  }
0x294: {  	[sflag:s6] =	ssyncset.done $0x0  }
0x295: {  	[sflag:s6] =	ssyncadd.s32 $0xFFFFC180  }
0x296: {  	[tilespmem:s11], [sflag:$0x1] =	stream.indirect.gather [hbm4b:s1+s10], $0x80, s15, s10, $0xb8;
	[tilespmem:$0x1E080] =	vst v63  }
0x297: {  	_ =	swait.ge [sflag:s16], $0x3E80  }
0x298: {  	[sflag:s16] =	ssyncset.done $0x0  }
0x299: {  	[sflag:s16] =	ssyncadd.s32 $0xFFFFC180  }
0x29a: {  	[spmem:s2] =	stream.indirect.scatter.add.f32 [tilespmem:s13], [sflag:$0x3], $0x80, s12, s10, $0xb8;
	[tilespmem:$0x1E080] =	vst v63  }
0x29b: {  	_ =	swait.ge [sflag:s6], $0x3E80  }
0x29c: {  	[sflag:s6] =	ssyncset.done $0x0  }
0x29d: {  	[sflag:s6] =	ssyncadd.s32 $0xFFFFC180  }
0x29e: {  	[tilespmem:s13], [sflag:$0x2] =	stream.indirect.gather [hbm4b:s1+s10], $0x80, s8, s10, $0xb8;
	[tilespmem:$0x1E080] =	vst v63  }
0x29f: {  	_ =	swait.ge [sflag:s14], $0x3E80  }
0x2a0: {  	[sflag:s14] =	ssyncset.done $0x0  }
0x2a1: {  	[sflag:s14] =	ssyncadd.s32 $0xFFFFC180  }
0x2a2: {  	[spmem:s2] =	stream.indirect.scatter.add.f32 [tilespmem:s11], [sflag:$0x3], $0x80, s7, s10, $0xb8;
	[tilespmem:$0x1E080] =	vst v63  }
0x2a3: {  	_ =	swait.ge [sflag:s6], $0x3E80  }
0x2a4: {  	[sflag:s6] =	ssyncset.done $0x0  }
0x2a5: {  	[sflag:s6] =	ssyncadd.s32 $0xFFFFC180  }
0x2a6: {  	_ =	swait.ge [sflag:s16], $0x3E80  }
0x2a7: {  	[sflag:s16] =	ssyncset.done $0x0  }
0x2a8: {  	[sflag:s16] =	ssyncadd.s32 $0xFFFFC180  }
0x2a9: {  	[spmem:s2] =	stream.indirect.scatter.add.f32 [tilespmem:s13], [sflag:$0x3], $0x80, s5, s10, $0xb8;
	[tilespmem:$0x1E080] =	vst v63  }
0x2aa: {  	_ =	swait.ge [sflag:s6], $0x3E80  }
0x2ab: {  	s24 =	smul.u32 $0x27100, s26;
	s26 =	ssub.s32 $0x2, s26;
	[sflag:s6] =	ssyncset.done $0x0  }
0x2ac: {  	s31 =	sshrl.u32 s26, $0x1;
	s29 =	rddreg [dreg:$0x4];
	[sflag:s6] =	ssyncadd.s32 $0xFFFFC180  }
0x2ad: {  	s26 =	ssub.s32 s26, s31;
	[bflag:$0x0] =	sbarrier.arrive $0xFFFF  }
0x2ae: {  	s26 =	smax.u32 s26, $0x1;
	s5 =	sadd.s32 s29, s24;
	s30 =	rddreg [dreg:$0x12]  }
0x2af: {  	s26 =	sadd.s32 $0xFFFFFFFF, s26;
	[dreg:$0xd] =	wrdreg s28;
	s3 =	sadd.s32 s30, s5  }
0x2b0: {  	p1 =	sne.s32 s26, $0x0;
	[dreg:$0x10] =	wrdreg s3  }
0x2b1: {  	[hbm:s3], [sflag:s4] =	dma.local [spmem:s28], $0x2700  }
.Ltmp0:
0x2b2: {  	_ =	swait.ge [sflag:s6], $0x2700;
	[dreg:$0xe] =	wrdreg s9;
	(pc) =	sbr.rel @!p1 .LBB2_3-.Ltmp0, $4  }
0x2b3: {  	s3 =	sadd.s32 @!p0 $0x27000, s5;
	[dreg:$0xf] =	wrdreg s4;
	[sflag:s6] =	ssyncset.done $0x0  }
0x2b4: {  	s0 =	simm.s32 @!p0 $0x3;
	[dreg:$0x11] =	wrdreg s3;
	[sflag:s6] =	ssyncadd.s32 $0xFFFFD900  }
0x2b5: {  	[hbm:s3], [sflag:s4] =	dma.local @!p0 [spmem:s9], $0x100  }
0x2b6: {  	_ =	swait.ge @!p0 [sflag:s0], $0x100  }
0x2b7: {  	s7 =	simm.s32 $0x0  }
0x2b8: {  	s30 =	simm.s32 $0x80;
	s31 =	simm.s32 $0x100;
	s12 =	simm.s32 $0x180  }
0x2b9: {  	s15 =	simm.s32 $0x1500;
	s17 =	simm.s32 $0x200;
	s18 =	simm.s32 $0x1580  }
0x2ba: {  	s19 =	simm.s32 $0x280;
	s20 =	simm.s32 $0x1600;
	s21 =	simm.s32 $0x300  }
0x2bb: {  	s22 =	simm.s32 $0x1680;
	s23 =	simm.s32 $0x380;
	s24 =	simm.s32 $0x1700  }
0x2bc: {  	s25 =	simm.s32 $0x400;
	s28 =	simm.s32 $0x1780;
	s5 =	simm.s32 $0x480  }
.LBB2_2:
0x2bd: {  	s29 =	rddreg [dreg:$0x7]  }
0x2be: {  	[sflag:s0] =	ssyncset.done @!p0 $0x0;
	s8 =	rddreg [dreg:$0xd]  }
0x2bf: {  	s3 =	rddreg [dreg:$0xf];
	[sflag:s0] =	ssyncadd.s32 @!p0 $0xFFFFFF00  }
0x2c0: {  	[spmem:s8], [sflag:s3] =	dma.local [hbm:s29], $0x2700  }
0x2c1: {  	_ =	swait.ge [sflag:s6], $0x2700  }
0x2c2: {  	[sflag:s6] =	ssyncset.done $0x0;
	s29 =	rddreg [dreg:$0x8]  }
0x2c3: {  	s9 =	rddreg [dreg:$0xe];
	[sflag:s6] =	ssyncadd.s32 $0xFFFFD900  }
0x2c4: {  	[spmem:s9], [sflag:s3] =	dma.local @!p0 [hbm:s29], $0x100  }
0x2c5: {  	_ =	swait.ge @!p0 [sflag:s0], $0x100  }
0x2c6: {  	[sflag:s0] =	ssyncset.done @!p0 $0x0  }
0x2c7: {  	[sflag:s0] =	ssyncadd.s32 @!p0 $0xFFFFFF00  }
0x2c8: {  	[bflag:$0x0] =	sbarrier.arrive $0xFFFF  }
0x2c9: {  	s0 =	rddreg [dreg:$0x9]  }
0x2ca: {  	[tilespmem:s7], [sflag:$0x3] =	stream.linear.gather [hbm4b:s0+s7], $0x1400, $0x38;
	[tilespmem:$0x1E080] =	vst v63  }
0x2cb: {  	_ =	swait.ge [sflag:s6], $0x1400  }
0x2cc: {  	[sflag:s6] =	ssyncset.done $0x0  }
0x2cd: {  	s0 =	simm.s32 $0x1400;
	s4 =	rddreg [dreg:$0xa];
	[sflag:s6] =	ssyncadd.s32 $0xFFFFEC00  }
0x2ce: {  	[tilespmem:s0], [sflag:$0x3] =	stream.linear.gather [hbm4b:s4+s7], $0x1400, $0x38;
	[tilespmem:$0x1E080] =	vst v63  }
0x2cf: {  	_ =	swait.ge [sflag:s6], $0x1400  }
0x2d0: {  	[sflag:s6] =	ssyncset.done $0x0  }
0x2d1: {  	[sflag:s6] =	ssyncadd.s32 $0xFFFFEC00  }
0x2d2: {  	[tilespmem:s11], [sflag:$0x1] =	stream.indirect.gather [hbm4b:s1+s10], $0x80, s7, s10, $0xb8;
	[tilespmem:$0x1E080] =	vst v63  }
0x2d3: {  	_ = 	snop  }
0x2d4: {  	[tilespmem:s13], [sflag:$0x2] =	stream.indirect.gather [hbm4b:s1+s10], $0x80, s30, s10, $0xb8;
	[tilespmem:$0x1E080] =	vst v63  }
0x2d5: {  	_ =	swait.ge [sflag:s14], $0x3E80  }
0x2d6: {  	[sflag:s14] =	ssyncset.done $0x0  }
0x2d7: {  	[sflag:s14] =	ssyncadd.s32 $0xFFFFC180  }
0x2d8: {  	[spmem:s2] =	stream.indirect.scatter.add.f32 [tilespmem:s11], [sflag:$0x3], $0x80, s0, s10, $0xb8;
	[tilespmem:$0x1E080] =	vst v63  }
0x2d9: {  	_ =	swait.ge [sflag:s6], $0x3E80  }
0x2da: {  	[sflag:s6] =	ssyncset.done $0x0  }
0x2db: {  	[sflag:s6] =	ssyncadd.s32 $0xFFFFC180  }
0x2dc: {  	[tilespmem:s11], [sflag:$0x1] =	stream.indirect.gather [hbm4b:s1+s10], $0x80, s31, s10, $0xb8;
	[tilespmem:$0x1E080] =	vst v63  }
0x2dd: {  	_ =	swait.ge [sflag:s16], $0x3E80  }
0x2de: {  	[sflag:s16] =	ssyncset.done $0x0  }
0x2df: {  	s4 =	simm.s32 $0x1480;
	[sflag:s16] =	ssyncadd.s32 $0xFFFFC180  }
0x2e0: {  	[spmem:s2] =	stream.indirect.scatter.add.f32 [tilespmem:s13], [sflag:$0x3], $0x80, s4, s10, $0xb8;
	[tilespmem:$0x1E080] =	vst v63  }
0x2e1: {  	_ =	swait.ge [sflag:s6], $0x3E80  }
0x2e2: {  	[sflag:s6] =	ssyncset.done $0x0  }
0x2e3: {  	[sflag:s6] =	ssyncadd.s32 $0xFFFFC180  }
0x2e4: {  	[tilespmem:s13], [sflag:$0x2] =	stream.indirect.gather [hbm4b:s1+s10], $0x80, s12, s10, $0xb8;
	[tilespmem:$0x1E080] =	vst v63  }
0x2e5: {  	_ =	swait.ge [sflag:s14], $0x3E80  }
0x2e6: {  	[sflag:s14] =	ssyncset.done $0x0  }
0x2e7: {  	[sflag:s14] =	ssyncadd.s32 $0xFFFFC180  }
0x2e8: {  	[spmem:s2] =	stream.indirect.scatter.add.f32 [tilespmem:s11], [sflag:$0x3], $0x80, s15, s10, $0xb8;
	[tilespmem:$0x1E080] =	vst v63  }
0x2e9: {  	_ =	swait.ge [sflag:s6], $0x3E80  }
0x2ea: {  	[sflag:s6] =	ssyncset.done $0x0  }
0x2eb: {  	[sflag:s6] =	ssyncadd.s32 $0xFFFFC180  }
0x2ec: {  	[tilespmem:s11], [sflag:$0x1] =	stream.indirect.gather [hbm4b:s1+s10], $0x80, s17, s10, $0xb8;
	[tilespmem:$0x1E080] =	vst v63  }
0x2ed: {  	_ =	swait.ge [sflag:s16], $0x3E80  }
0x2ee: {  	[sflag:s16] =	ssyncset.done $0x0  }
0x2ef: {  	[sflag:s16] =	ssyncadd.s32 $0xFFFFC180  }
0x2f0: {  	[spmem:s2] =	stream.indirect.scatter.add.f32 [tilespmem:s13], [sflag:$0x3], $0x80, s18, s10, $0xb8;
	[tilespmem:$0x1E080] =	vst v63  }
0x2f1: {  	_ =	swait.ge [sflag:s6], $0x3E80  }
0x2f2: {  	[sflag:s6] =	ssyncset.done $0x0  }
0x2f3: {  	[sflag:s6] =	ssyncadd.s32 $0xFFFFC180  }
0x2f4: {  	[tilespmem:s13], [sflag:$0x2] =	stream.indirect.gather [hbm4b:s1+s10], $0x80, s19, s10, $0xb8;
	[tilespmem:$0x1E080] =	vst v63  }
0x2f5: {  	_ =	swait.ge [sflag:s14], $0x3E80  }
0x2f6: {  	[sflag:s14] =	ssyncset.done $0x0  }
0x2f7: {  	[sflag:s14] =	ssyncadd.s32 $0xFFFFC180  }
0x2f8: {  	[spmem:s2] =	stream.indirect.scatter.add.f32 [tilespmem:s11], [sflag:$0x3], $0x80, s20, s10, $0xb8;
	[tilespmem:$0x1E080] =	vst v63  }
0x2f9: {  	_ =	swait.ge [sflag:s6], $0x3E80  }
0x2fa: {  	[sflag:s6] =	ssyncset.done $0x0  }
0x2fb: {  	[sflag:s6] =	ssyncadd.s32 $0xFFFFC180  }
0x2fc: {  	[tilespmem:s11], [sflag:$0x1] =	stream.indirect.gather [hbm4b:s1+s10], $0x80, s21, s10, $0xb8;
	[tilespmem:$0x1E080] =	vst v63  }
0x2fd: {  	_ =	swait.ge [sflag:s16], $0x3E80  }
0x2fe: {  	[sflag:s16] =	ssyncset.done $0x0  }
0x2ff: {  	[sflag:s16] =	ssyncadd.s32 $0xFFFFC180  }
0x300: {  	[spmem:s2] =	stream.indirect.scatter.add.f32 [tilespmem:s13], [sflag:$0x3], $0x80, s22, s10, $0xb8;
	[tilespmem:$0x1E080] =	vst v63  }
0x301: {  	_ =	swait.ge [sflag:s6], $0x3E80  }
0x302: {  	[sflag:s6] =	ssyncset.done $0x0  }
0x303: {  	[sflag:s6] =	ssyncadd.s32 $0xFFFFC180  }
0x304: {  	[tilespmem:s13], [sflag:$0x2] =	stream.indirect.gather [hbm4b:s1+s10], $0x80, s23, s10, $0xb8;
	[tilespmem:$0x1E080] =	vst v63  }
0x305: {  	_ =	swait.ge [sflag:s14], $0x3E80  }
0x306: {  	[sflag:s14] =	ssyncset.done $0x0  }
0x307: {  	[sflag:s14] =	ssyncadd.s32 $0xFFFFC180  }
0x308: {  	[spmem:s2] =	stream.indirect.scatter.add.f32 [tilespmem:s11], [sflag:$0x3], $0x80, s24, s10, $0xb8;
	[tilespmem:$0x1E080] =	vst v63  }
0x309: {  	_ =	swait.ge [sflag:s6], $0x3E80  }
0x30a: {  	[sflag:s6] =	ssyncset.done $0x0  }
0x30b: {  	[sflag:s6] =	ssyncadd.s32 $0xFFFFC180  }
0x30c: {  	[tilespmem:s11], [sflag:$0x1] =	stream.indirect.gather [hbm4b:s1+s10], $0x80, s25, s10, $0xb8;
	[tilespmem:$0x1E080] =	vst v63  }
0x30d: {  	_ =	swait.ge [sflag:s16], $0x3E80  }
0x30e: {  	[sflag:s16] =	ssyncset.done $0x0  }
0x30f: {  	[sflag:s16] =	ssyncadd.s32 $0xFFFFC180  }
0x310: {  	[spmem:s2] =	stream.indirect.scatter.add.f32 [tilespmem:s13], [sflag:$0x3], $0x80, s28, s10, $0xb8;
	[tilespmem:$0x1E080] =	vst v63  }
0x311: {  	_ =	swait.ge [sflag:s6], $0x3E80  }
0x312: {  	[sflag:s6] =	ssyncset.done $0x0  }
0x313: {  	[sflag:s6] =	ssyncadd.s32 $0xFFFFC180  }
0x314: {  	[tilespmem:s13], [sflag:$0x2] =	stream.indirect.gather [hbm4b:s1+s10], $0x80, s5, s10, $0xb8;
	[tilespmem:$0x1E080] =	vst v63  }
0x315: {  	_ =	swait.ge [sflag:s14], $0x3E80  }
0x316: {  	[sflag:s14] =	ssyncset.done $0x0  }
0x317: {  	s4 =	simm.s32 $0x1800;
	[sflag:s14] =	ssyncadd.s32 $0xFFFFC180  }
0x318: {  	[spmem:s2] =	stream.indirect.scatter.add.f32 [tilespmem:s11], [sflag:$0x3], $0x80, s4, s10, $0xb8;
	[tilespmem:$0x1E080] =	vst v63  }
0x319: {  	_ =	swait.ge [sflag:s6], $0x3E80  }
0x31a: {  	[sflag:s6] =	ssyncset.done $0x0  }
0x31b: {  	s29 =	simm.s32 $0x500;
	[sflag:s6] =	ssyncadd.s32 $0xFFFFC180  }
0x31c: {  	[tilespmem:s11], [sflag:$0x1] =	stream.indirect.gather [hbm4b:s1+s10], $0x80, s29, s10, $0xb8;
	[tilespmem:$0x1E080] =	vst v63  }
0x31d: {  	_ =	swait.ge [sflag:s16], $0x3E80  }
0x31e: {  	[sflag:s16] =	ssyncset.done $0x0  }
0x31f: {  	s29 =	simm.s32 $0x1880;
	[sflag:s16] =	ssyncadd.s32 $0xFFFFC180  }
0x320: {  	[spmem:s2] =	stream.indirect.scatter.add.f32 [tilespmem:s13], [sflag:$0x3], $0x80, s29, s10, $0xb8;
	[tilespmem:$0x1E080] =	vst v63  }
0x321: {  	_ =	swait.ge [sflag:s6], $0x3E80  }
0x322: {  	[sflag:s6] =	ssyncset.done $0x0  }
0x323: {  	s29 =	simm.s32 $0x580;
	[sflag:s6] =	ssyncadd.s32 $0xFFFFC180  }
0x324: {  	[tilespmem:s13], [sflag:$0x2] =	stream.indirect.gather [hbm4b:s1+s10], $0x80, s29, s10, $0xb8;
	[tilespmem:$0x1E080] =	vst v63  }
0x325: {  	_ =	swait.ge [sflag:s14], $0x3E80  }
0x326: {  	[sflag:s14] =	ssyncset.done $0x0  }
0x327: {  	s29 =	simm.s32 $0x1900;
	[sflag:s14] =	ssyncadd.s32 $0xFFFFC180  }
0x328: {  	[spmem:s2] =	stream.indirect.scatter.add.f32 [tilespmem:s11], [sflag:$0x3], $0x80, s29, s10, $0xb8;
	[tilespmem:$0x1E080] =	vst v63  }
0x329: {  	_ =	swait.ge [sflag:s6], $0x3E80  }
0x32a: {  	[sflag:s6] =	ssyncset.done $0x0  }
0x32b: {  	s29 =	simm.s32 $0x600;
	[sflag:s6] =	ssyncadd.s32 $0xFFFFC180  }
0x32c: {  	[tilespmem:s11], [sflag:$0x1] =	stream.indirect.gather [hbm4b:s1+s10], $0x80, s29, s10, $0xb8;
	[tilespmem:$0x1E080] =	vst v63  }
0x32d: {  	_ =	swait.ge [sflag:s16], $0x3E80  }
0x32e: {  	[sflag:s16] =	ssyncset.done $0x0  }
0x32f: {  	s29 =	simm.s32 $0x1980;
	[sflag:s16] =	ssyncadd.s32 $0xFFFFC180  }
0x330: {  	[spmem:s2] =	stream.indirect.scatter.add.f32 [tilespmem:s13], [sflag:$0x3], $0x80, s29, s10, $0xb8;
	[tilespmem:$0x1E080] =	vst v63  }
0x331: {  	_ =	swait.ge [sflag:s6], $0x3E80  }
0x332: {  	[sflag:s6] =	ssyncset.done $0x0  }
0x333: {  	s29 =	simm.s32 $0x680;
	[sflag:s6] =	ssyncadd.s32 $0xFFFFC180  }
0x334: {  	[tilespmem:s13], [sflag:$0x2] =	stream.indirect.gather [hbm4b:s1+s10], $0x80, s29, s10, $0xb8;
	[tilespmem:$0x1E080] =	vst v63  }
0x335: {  	_ =	swait.ge [sflag:s14], $0x3E80  }
0x336: {  	[sflag:s14] =	ssyncset.done $0x0  }
0x337: {  	s29 =	simm.s32 $0x1A00;
	[sflag:s14] =	ssyncadd.s32 $0xFFFFC180  }
0x338: {  	[spmem:s2] =	stream.indirect.scatter.add.f32 [tilespmem:s11], [sflag:$0x3], $0x80, s29, s10, $0xb8;
	[tilespmem:$0x1E080] =	vst v63  }
0x339: {  	_ =	swait.ge [sflag:s6], $0x3E80  }
0x33a: {  	[sflag:s6] =	ssyncset.done $0x0  }
0x33b: {  	s29 =	simm.s32 $0x700;
	[sflag:s6] =	ssyncadd.s32 $0xFFFFC180  }
0x33c: {  	[tilespmem:s11], [sflag:$0x1] =	stream.indirect.gather [hbm4b:s1+s10], $0x80, s29, s10, $0xb8;
	[tilespmem:$0x1E080] =	vst v63  }
0x33d: {  	_ =	swait.ge [sflag:s16], $0x3E80  }
0x33e: {  	[sflag:s16] =	ssyncset.done $0x0  }
0x33f: {  	s29 =	simm.s32 $0x1A80;
	[sflag:s16] =	ssyncadd.s32 $0xFFFFC180  }
0x340: {  	[spmem:s2] =	stream.indirect.scatter.add.f32 [tilespmem:s13], [sflag:$0x3], $0x80, s29, s10, $0xb8;
	[tilespmem:$0x1E080] =	vst v63  }
0x341: {  	_ =	swait.ge [sflag:s6], $0x3E80  }
0x342: {  	[sflag:s6] =	ssyncset.done $0x0  }
0x343: {  	s29 =	simm.s32 $0x780;
	[sflag:s6] =	ssyncadd.s32 $0xFFFFC180  }
0x344: {  	[tilespmem:s13], [sflag:$0x2] =	stream.indirect.gather [hbm4b:s1+s10], $0x80, s29, s10, $0xb8;
	[tilespmem:$0x1E080] =	vst v63  }
0x345: {  	_ =	swait.ge [sflag:s14], $0x3E80  }
0x346: {  	[sflag:s14] =	ssyncset.done $0x0  }
0x347: {  	s29 =	simm.s32 $0x1B00;
	[sflag:s14] =	ssyncadd.s32 $0xFFFFC180  }
0x348: {  	[spmem:s2] =	stream.indirect.scatter.add.f32 [tilespmem:s11], [sflag:$0x3], $0x80, s29, s10, $0xb8;
	[tilespmem:$0x1E080] =	vst v63  }
0x349: {  	_ =	swait.ge [sflag:s6], $0x3E80  }
0x34a: {  	[sflag:s6] =	ssyncset.done $0x0  }
0x34b: {  	s29 =	simm.s32 $0x800;
	[sflag:s6] =	ssyncadd.s32 $0xFFFFC180  }
0x34c: {  	[tilespmem:s11], [sflag:$0x1] =	stream.indirect.gather [hbm4b:s1+s10], $0x80, s29, s10, $0xb8;
	[tilespmem:$0x1E080] =	vst v63  }
0x34d: {  	_ =	swait.ge [sflag:s16], $0x3E80  }
0x34e: {  	[sflag:s16] =	ssyncset.done $0x0  }
0x34f: {  	s29 =	simm.s32 $0x1B80;
	[sflag:s16] =	ssyncadd.s32 $0xFFFFC180  }
0x350: {  	[spmem:s2] =	stream.indirect.scatter.add.f32 [tilespmem:s13], [sflag:$0x3], $0x80, s29, s10, $0xb8;
	[tilespmem:$0x1E080] =	vst v63  }
0x351: {  	_ =	swait.ge [sflag:s6], $0x3E80  }
0x352: {  	[sflag:s6] =	ssyncset.done $0x0  }
0x353: {  	s29 =	simm.s32 $0x880;
	[sflag:s6] =	ssyncadd.s32 $0xFFFFC180  }
0x354: {  	[tilespmem:s13], [sflag:$0x2] =	stream.indirect.gather [hbm4b:s1+s10], $0x80, s29, s10, $0xb8;
	[tilespmem:$0x1E080] =	vst v63  }
0x355: {  	_ =	swait.ge [sflag:s14], $0x3E80  }
0x356: {  	[sflag:s14] =	ssyncset.done $0x0  }
0x357: {  	s29 =	simm.s32 $0x1C00;
	[sflag:s14] =	ssyncadd.s32 $0xFFFFC180  }
0x358: {  	[spmem:s2] =	stream.indirect.scatter.add.f32 [tilespmem:s11], [sflag:$0x3], $0x80, s29, s10, $0xb8;
	[tilespmem:$0x1E080] =	vst v63  }
0x359: {  	_ =	swait.ge [sflag:s6], $0x3E80  }
0x35a: {  	[sflag:s6] =	ssyncset.done $0x0  }
0x35b: {  	s29 =	simm.s32 $0x900;
	[sflag:s6] =	ssyncadd.s32 $0xFFFFC180  }
0x35c: {  	[tilespmem:s11], [sflag:$0x1] =	stream.indirect.gather [hbm4b:s1+s10], $0x80, s29, s10, $0xb8;
	[tilespmem:$0x1E080] =	vst v63  }
0x35d: {  	_ =	swait.ge [sflag:s16], $0x3E80  }
0x35e: {  	[sflag:s16] =	ssyncset.done $0x0  }
0x35f: {  	s29 =	simm.s32 $0x1C80;
	[sflag:s16] =	ssyncadd.s32 $0xFFFFC180  }
0x360: {  	[spmem:s2] =	stream.indirect.scatter.add.f32 [tilespmem:s13], [sflag:$0x3], $0x80, s29, s10, $0xb8;
	[tilespmem:$0x1E080] =	vst v63  }
0x361: {  	_ =	swait.ge [sflag:s6], $0x3E80  }
0x362: {  	[sflag:s6] =	ssyncset.done $0x0  }
0x363: {  	s29 =	simm.s32 $0x980;
	[sflag:s6] =	ssyncadd.s32 $0xFFFFC180  }
0x364: {  	[tilespmem:s13], [sflag:$0x2] =	stream.indirect.gather [hbm4b:s1+s10], $0x80, s29, s10, $0xb8;
	[tilespmem:$0x1E080] =	vst v63  }
0x365: {  	_ =	swait.ge [sflag:s14], $0x3E80  }
0x366: {  	[sflag:s14] =	ssyncset.done $0x0  }
0x367: {  	s29 =	simm.s32 $0x1D00;
	[sflag:s14] =	ssyncadd.s32 $0xFFFFC180  }
0x368: {  	[spmem:s2] =	stream.indirect.scatter.add.f32 [tilespmem:s11], [sflag:$0x3], $0x80, s29, s10, $0xb8;
	[tilespmem:$0x1E080] =	vst v63  }
0x369: {  	_ =	swait.ge [sflag:s6], $0x3E80  }
0x36a: {  	[sflag:s6] =	ssyncset.done $0x0  }
0x36b: {  	s29 =	simm.s32 $0xA00;
	[sflag:s6] =	ssyncadd.s32 $0xFFFFC180  }
0x36c: {  	[tilespmem:s11], [sflag:$0x1] =	stream.indirect.gather [hbm4b:s1+s10], $0x80, s29, s10, $0xb8;
	[tilespmem:$0x1E080] =	vst v63  }
0x36d: {  	_ =	swait.ge [sflag:s16], $0x3E80  }
0x36e: {  	[sflag:s16] =	ssyncset.done $0x0  }
0x36f: {  	s29 =	simm.s32 $0x1D80;
	[sflag:s16] =	ssyncadd.s32 $0xFFFFC180  }
0x370: {  	[spmem:s2] =	stream.indirect.scatter.add.f32 [tilespmem:s13], [sflag:$0x3], $0x80, s29, s10, $0xb8;
	[tilespmem:$0x1E080] =	vst v63  }
0x371: {  	_ =	swait.ge [sflag:s6], $0x3E80  }
0x372: {  	[sflag:s6] =	ssyncset.done $0x0  }
0x373: {  	s29 =	simm.s32 $0xA80;
	[sflag:s6] =	ssyncadd.s32 $0xFFFFC180  }
0x374: {  	[tilespmem:s13], [sflag:$0x2] =	stream.indirect.gather [hbm4b:s1+s10], $0x80, s29, s10, $0xb8;
	[tilespmem:$0x1E080] =	vst v63  }
0x375: {  	_ =	swait.ge [sflag:s14], $0x3E80  }
0x376: {  	[sflag:s14] =	ssyncset.done $0x0  }
0x377: {  	s29 =	simm.s32 $0x1E00;
	[sflag:s14] =	ssyncadd.s32 $0xFFFFC180  }
0x378: {  	[spmem:s2] =	stream.indirect.scatter.add.f32 [tilespmem:s11], [sflag:$0x3], $0x80, s29, s10, $0xb8;
	[tilespmem:$0x1E080] =	vst v63  }
0x379: {  	_ =	swait.ge [sflag:s6], $0x3E80  }
0x37a: {  	[sflag:s6] =	ssyncset.done $0x0  }
0x37b: {  	s29 =	simm.s32 $0xB00;
	[sflag:s6] =	ssyncadd.s32 $0xFFFFC180  }
0x37c: {  	[tilespmem:s11], [sflag:$0x1] =	stream.indirect.gather [hbm4b:s1+s10], $0x80, s29, s10, $0xb8;
	[tilespmem:$0x1E080] =	vst v63  }
0x37d: {  	_ =	swait.ge [sflag:s16], $0x3E80  }
0x37e: {  	[sflag:s16] =	ssyncset.done $0x0  }
0x37f: {  	s29 =	simm.s32 $0x1E80;
	[sflag:s16] =	ssyncadd.s32 $0xFFFFC180  }
0x380: {  	[spmem:s2] =	stream.indirect.scatter.add.f32 [tilespmem:s13], [sflag:$0x3], $0x80, s29, s10, $0xb8;
	[tilespmem:$0x1E080] =	vst v63  }
0x381: {  	_ =	swait.ge [sflag:s6], $0x3E80  }
0x382: {  	[sflag:s6] =	ssyncset.done $0x0  }
0x383: {  	s29 =	simm.s32 $0xB80;
	[sflag:s6] =	ssyncadd.s32 $0xFFFFC180  }
0x384: {  	[tilespmem:s13], [sflag:$0x2] =	stream.indirect.gather [hbm4b:s1+s10], $0x80, s29, s10, $0xb8;
	[tilespmem:$0x1E080] =	vst v63  }
0x385: {  	_ =	swait.ge [sflag:s14], $0x3E80  }
0x386: {  	[sflag:s14] =	ssyncset.done $0x0  }
0x387: {  	s29 =	simm.s32 $0x1F00;
	[sflag:s14] =	ssyncadd.s32 $0xFFFFC180  }
0x388: {  	[spmem:s2] =	stream.indirect.scatter.add.f32 [tilespmem:s11], [sflag:$0x3], $0x80, s29, s10, $0xb8;
	[tilespmem:$0x1E080] =	vst v63  }
0x389: {  	_ =	swait.ge [sflag:s6], $0x3E80  }
0x38a: {  	[sflag:s6] =	ssyncset.done $0x0  }
0x38b: {  	s29 =	simm.s32 $0xC00;
	[sflag:s6] =	ssyncadd.s32 $0xFFFFC180  }
0x38c: {  	[tilespmem:s11], [sflag:$0x1] =	stream.indirect.gather [hbm4b:s1+s10], $0x80, s29, s10, $0xb8;
	[tilespmem:$0x1E080] =	vst v63  }
0x38d: {  	_ =	swait.ge [sflag:s16], $0x3E80  }
0x38e: {  	[sflag:s16] =	ssyncset.done $0x0  }
0x38f: {  	s29 =	simm.s32 $0x1F80;
	[sflag:s16] =	ssyncadd.s32 $0xFFFFC180  }
0x390: {  	[spmem:s2] =	stream.indirect.scatter.add.f32 [tilespmem:s13], [sflag:$0x3], $0x80, s29, s10, $0xb8;
	[tilespmem:$0x1E080] =	vst v63  }
0x391: {  	_ =	swait.ge [sflag:s6], $0x3E80  }
0x392: {  	[sflag:s6] =	ssyncset.done $0x0  }
0x393: {  	s29 =	simm.s32 $0xC80;
	[sflag:s6] =	ssyncadd.s32 $0xFFFFC180  }
0x394: {  	[tilespmem:s13], [sflag:$0x2] =	stream.indirect.gather [hbm4b:s1+s10], $0x80, s29, s10, $0xb8;
	[tilespmem:$0x1E080] =	vst v63  }
0x395: {  	_ =	swait.ge [sflag:s14], $0x3E80  }
0x396: {  	[sflag:s14] =	ssyncset.done $0x0  }
0x397: {  	s29 =	simm.s32 $0x2000;
	[sflag:s14] =	ssyncadd.s32 $0xFFFFC180  }
0x398: {  	[spmem:s2] =	stream.indirect.scatter.add.f32 [tilespmem:s11], [sflag:$0x3], $0x80, s29, s10, $0xb8;
	[tilespmem:$0x1E080] =	vst v63  }
0x399: {  	_ =	swait.ge [sflag:s6], $0x3E80  }
0x39a: {  	[sflag:s6] =	ssyncset.done $0x0  }
0x39b: {  	s29 =	simm.s32 $0xD00;
	[sflag:s6] =	ssyncadd.s32 $0xFFFFC180  }
0x39c: {  	[tilespmem:s11], [sflag:$0x1] =	stream.indirect.gather [hbm4b:s1+s10], $0x80, s29, s10, $0xb8;
	[tilespmem:$0x1E080] =	vst v63  }
0x39d: {  	_ =	swait.ge [sflag:s16], $0x3E80  }
0x39e: {  	[sflag:s16] =	ssyncset.done $0x0  }
0x39f: {  	s29 =	simm.s32 $0x2080;
	[sflag:s16] =	ssyncadd.s32 $0xFFFFC180  }
0x3a0: {  	[spmem:s2] =	stream.indirect.scatter.add.f32 [tilespmem:s13], [sflag:$0x3], $0x80, s29, s10, $0xb8;
	[tilespmem:$0x1E080] =	vst v63  }
0x3a1: {  	_ =	swait.ge [sflag:s6], $0x3E80  }
0x3a2: {  	[sflag:s6] =	ssyncset.done $0x0  }
0x3a3: {  	s29 =	simm.s32 $0xD80;
	[sflag:s6] =	ssyncadd.s32 $0xFFFFC180  }
0x3a4: {  	[tilespmem:s13], [sflag:$0x2] =	stream.indirect.gather [hbm4b:s1+s10], $0x80, s29, s10, $0xb8;
	[tilespmem:$0x1E080] =	vst v63  }
0x3a5: {  	_ =	swait.ge [sflag:s14], $0x3E80  }
0x3a6: {  	[sflag:s14] =	ssyncset.done $0x0  }
0x3a7: {  	s29 =	simm.s32 $0x2100;
	[sflag:s14] =	ssyncadd.s32 $0xFFFFC180  }
0x3a8: {  	[spmem:s2] =	stream.indirect.scatter.add.f32 [tilespmem:s11], [sflag:$0x3], $0x80, s29, s10, $0xb8;
	[tilespmem:$0x1E080] =	vst v63  }
0x3a9: {  	_ =	swait.ge [sflag:s6], $0x3E80  }
0x3aa: {  	[sflag:s6] =	ssyncset.done $0x0  }
0x3ab: {  	s29 =	simm.s32 $0xE00;
	[sflag:s6] =	ssyncadd.s32 $0xFFFFC180  }
0x3ac: {  	[tilespmem:s11], [sflag:$0x1] =	stream.indirect.gather [hbm4b:s1+s10], $0x80, s29, s10, $0xb8;
	[tilespmem:$0x1E080] =	vst v63  }
0x3ad: {  	_ =	swait.ge [sflag:s16], $0x3E80  }
0x3ae: {  	[sflag:s16] =	ssyncset.done $0x0  }
0x3af: {  	s29 =	simm.s32 $0x2180;
	[sflag:s16] =	ssyncadd.s32 $0xFFFFC180  }
0x3b0: {  	[spmem:s2] =	stream.indirect.scatter.add.f32 [tilespmem:s13], [sflag:$0x3], $0x80, s29, s10, $0xb8;
	[tilespmem:$0x1E080] =	vst v63  }
0x3b1: {  	_ =	swait.ge [sflag:s6], $0x3E80  }
0x3b2: {  	[sflag:s6] =	ssyncset.done $0x0  }
0x3b3: {  	s29 =	simm.s32 $0xE80;
	[sflag:s6] =	ssyncadd.s32 $0xFFFFC180  }
0x3b4: {  	[tilespmem:s13], [sflag:$0x2] =	stream.indirect.gather [hbm4b:s1+s10], $0x80, s29, s10, $0xb8;
	[tilespmem:$0x1E080] =	vst v63  }
0x3b5: {  	_ =	swait.ge [sflag:s14], $0x3E80  }
0x3b6: {  	[sflag:s14] =	ssyncset.done $0x0  }
0x3b7: {  	s29 =	simm.s32 $0x2200;
	[sflag:s14] =	ssyncadd.s32 $0xFFFFC180  }
0x3b8: {  	[spmem:s2] =	stream.indirect.scatter.add.f32 [tilespmem:s11], [sflag:$0x3], $0x80, s29, s10, $0xb8;
	[tilespmem:$0x1E080] =	vst v63  }
0x3b9: {  	_ =	swait.ge [sflag:s6], $0x3E80  }
0x3ba: {  	[sflag:s6] =	ssyncset.done $0x0  }
0x3bb: {  	s29 =	simm.s32 $0xF00;
	[sflag:s6] =	ssyncadd.s32 $0xFFFFC180  }
0x3bc: {  	[tilespmem:s11], [sflag:$0x1] =	stream.indirect.gather [hbm4b:s1+s10], $0x80, s29, s10, $0xb8;
	[tilespmem:$0x1E080] =	vst v63  }
0x3bd: {  	_ =	swait.ge [sflag:s16], $0x3E80  }
0x3be: {  	[sflag:s16] =	ssyncset.done $0x0  }
0x3bf: {  	s29 =	simm.s32 $0x2280;
	[sflag:s16] =	ssyncadd.s32 $0xFFFFC180  }
0x3c0: {  	[spmem:s2] =	stream.indirect.scatter.add.f32 [tilespmem:s13], [sflag:$0x3], $0x80, s29, s10, $0xb8;
	[tilespmem:$0x1E080] =	vst v63  }
0x3c1: {  	_ =	swait.ge [sflag:s6], $0x3E80  }
0x3c2: {  	[sflag:s6] =	ssyncset.done $0x0  }
0x3c3: {  	s29 =	simm.s32 $0xF80;
	[sflag:s6] =	ssyncadd.s32 $0xFFFFC180  }
0x3c4: {  	[tilespmem:s13], [sflag:$0x2] =	stream.indirect.gather [hbm4b:s1+s10], $0x80, s29, s10, $0xb8;
	[tilespmem:$0x1E080] =	vst v63  }
0x3c5: {  	_ =	swait.ge [sflag:s14], $0x3E80  }
0x3c6: {  	[sflag:s14] =	ssyncset.done $0x0  }
0x3c7: {  	s29 =	simm.s32 $0x2300;
	[sflag:s14] =	ssyncadd.s32 $0xFFFFC180  }
0x3c8: {  	[spmem:s2] =	stream.indirect.scatter.add.f32 [tilespmem:s11], [sflag:$0x3], $0x80, s29, s10, $0xb8;
	[tilespmem:$0x1E080] =	vst v63  }
0x3c9: {  	_ =	swait.ge [sflag:s6], $0x3E80  }
0x3ca: {  	[sflag:s6] =	ssyncset.done $0x0  }
0x3cb: {  	s29 =	simm.s32 $0x1000;
	[sflag:s6] =	ssyncadd.s32 $0xFFFFC180  }
0x3cc: {  	[tilespmem:s11], [sflag:$0x1] =	stream.indirect.gather [hbm4b:s1+s10], $0x80, s29, s10, $0xb8;
	[tilespmem:$0x1E080] =	vst v63  }
0x3cd: {  	_ =	swait.ge [sflag:s16], $0x3E80  }
0x3ce: {  	[sflag:s16] =	ssyncset.done $0x0  }
0x3cf: {  	s29 =	simm.s32 $0x2380;
	[sflag:s16] =	ssyncadd.s32 $0xFFFFC180  }
0x3d0: {  	[spmem:s2] =	stream.indirect.scatter.add.f32 [tilespmem:s13], [sflag:$0x3], $0x80, s29, s10, $0xb8;
	[tilespmem:$0x1E080] =	vst v63  }
0x3d1: {  	_ =	swait.ge [sflag:s6], $0x3E80  }
0x3d2: {  	[sflag:s6] =	ssyncset.done $0x0  }
0x3d3: {  	s29 =	simm.s32 $0x1080;
	[sflag:s6] =	ssyncadd.s32 $0xFFFFC180  }
0x3d4: {  	[tilespmem:s13], [sflag:$0x2] =	stream.indirect.gather [hbm4b:s1+s10], $0x80, s29, s10, $0xb8;
	[tilespmem:$0x1E080] =	vst v63  }
0x3d5: {  	_ =	swait.ge [sflag:s14], $0x3E80  }
0x3d6: {  	[sflag:s14] =	ssyncset.done $0x0  }
0x3d7: {  	s29 =	simm.s32 $0x2400;
	[sflag:s14] =	ssyncadd.s32 $0xFFFFC180  }
0x3d8: {  	[spmem:s2] =	stream.indirect.scatter.add.f32 [tilespmem:s11], [sflag:$0x3], $0x80, s29, s10, $0xb8;
	[tilespmem:$0x1E080] =	vst v63  }
0x3d9: {  	_ =	swait.ge [sflag:s6], $0x3E80  }
0x3da: {  	[sflag:s6] =	ssyncset.done $0x0  }
0x3db: {  	s29 =	simm.s32 $0x1100;
	[sflag:s6] =	ssyncadd.s32 $0xFFFFC180  }
0x3dc: {  	[tilespmem:s11], [sflag:$0x1] =	stream.indirect.gather [hbm4b:s1+s10], $0x80, s29, s10, $0xb8;
	[tilespmem:$0x1E080] =	vst v63  }
0x3dd: {  	_ =	swait.ge [sflag:s16], $0x3E80  }
0x3de: {  	[sflag:s16] =	ssyncset.done $0x0  }
0x3df: {  	s29 =	simm.s32 $0x2480;
	[sflag:s16] =	ssyncadd.s32 $0xFFFFC180  }
0x3e0: {  	[spmem:s2] =	stream.indirect.scatter.add.f32 [tilespmem:s13], [sflag:$0x3], $0x80, s29, s10, $0xb8;
	[tilespmem:$0x1E080] =	vst v63  }
0x3e1: {  	_ =	swait.ge [sflag:s6], $0x3E80  }
0x3e2: {  	[sflag:s6] =	ssyncset.done $0x0  }
0x3e3: {  	s29 =	simm.s32 $0x1180;
	[sflag:s6] =	ssyncadd.s32 $0xFFFFC180  }
0x3e4: {  	[tilespmem:s13], [sflag:$0x2] =	stream.indirect.gather [hbm4b:s1+s10], $0x80, s29, s10, $0xb8;
	[tilespmem:$0x1E080] =	vst v63  }
0x3e5: {  	_ =	swait.ge [sflag:s14], $0x3E80  }
0x3e6: {  	[sflag:s14] =	ssyncset.done $0x0  }
0x3e7: {  	s29 =	simm.s32 $0x2500;
	[sflag:s14] =	ssyncadd.s32 $0xFFFFC180  }
0x3e8: {  	[spmem:s2] =	stream.indirect.scatter.add.f32 [tilespmem:s11], [sflag:$0x3], $0x80, s29, s10, $0xb8;
	[tilespmem:$0x1E080] =	vst v63  }
0x3e9: {  	_ =	swait.ge [sflag:s6], $0x3E80  }
0x3ea: {  	[sflag:s6] =	ssyncset.done $0x0  }
0x3eb: {  	s29 =	simm.s32 $0x1200;
	[sflag:s6] =	ssyncadd.s32 $0xFFFFC180  }
0x3ec: {  	[tilespmem:s11], [sflag:$0x1] =	stream.indirect.gather [hbm4b:s1+s10], $0x80, s29, s10, $0xb8;
	[tilespmem:$0x1E080] =	vst v63  }
0x3ed: {  	_ =	swait.ge [sflag:s16], $0x3E80  }
0x3ee: {  	[sflag:s16] =	ssyncset.done $0x0  }
0x3ef: {  	s29 =	simm.s32 $0x2580;
	[sflag:s16] =	ssyncadd.s32 $0xFFFFC180  }
0x3f0: {  	[spmem:s2] =	stream.indirect.scatter.add.f32 [tilespmem:s13], [sflag:$0x3], $0x80, s29, s10, $0xb8;
	[tilespmem:$0x1E080] =	vst v63  }
0x3f1: {  	_ =	swait.ge [sflag:s6], $0x3E80  }
0x3f2: {  	[sflag:s6] =	ssyncset.done $0x0  }
0x3f3: {  	s29 =	simm.s32 $0x1280;
	[sflag:s6] =	ssyncadd.s32 $0xFFFFC180  }
0x3f4: {  	[tilespmem:s13], [sflag:$0x2] =	stream.indirect.gather [hbm4b:s1+s10], $0x80, s29, s10, $0xb8;
	[tilespmem:$0x1E080] =	vst v63  }
0x3f5: {  	_ =	swait.ge [sflag:s14], $0x3E80  }
0x3f6: {  	[sflag:s14] =	ssyncset.done $0x0  }
0x3f7: {  	s29 =	simm.s32 $0x2600;
	[sflag:s14] =	ssyncadd.s32 $0xFFFFC180  }
0x3f8: {  	[spmem:s2] =	stream.indirect.scatter.add.f32 [tilespmem:s11], [sflag:$0x3], $0x80, s29, s10, $0xb8;
	[tilespmem:$0x1E080] =	vst v63  }
0x3f9: {  	_ =	swait.ge [sflag:s6], $0x3E80  }
0x3fa: {  	[sflag:s6] =	ssyncset.done $0x0  }
0x3fb: {  	s29 =	simm.s32 $0x1300;
	[sflag:s6] =	ssyncadd.s32 $0xFFFFC180  }
0x3fc: {  	[tilespmem:s11], [sflag:$0x1] =	stream.indirect.gather [hbm4b:s1+s10], $0x80, s29, s10, $0xb8;
	[tilespmem:$0x1E080] =	vst v63  }
0x3fd: {  	_ =	swait.ge [sflag:s16], $0x3E80  }
0x3fe: {  	[sflag:s16] =	ssyncset.done $0x0  }
0x3ff: {  	s29 =	simm.s32 $0x2680;
	[sflag:s16] =	ssyncadd.s32 $0xFFFFC180  }
0x400: {  	[spmem:s2] =	stream.indirect.scatter.add.f32 [tilespmem:s13], [sflag:$0x3], $0x80, s29, s10, $0xb8;
	[tilespmem:$0x1E080] =	vst v63  }
0x401: {  	_ =	swait.ge [sflag:s6], $0x3E80  }
0x402: {  	[sflag:s6] =	ssyncset.done $0x0  }
0x403: {  	s29 =	simm.s32 $0x1380;
	[sflag:s6] =	ssyncadd.s32 $0xFFFFC180  }
0x404: {  	[tilespmem:s13], [sflag:$0x2] =	stream.indirect.gather [hbm4b:s1+s10], $0x80, s29, s10, $0xb8;
	[tilespmem:$0x1E080] =	vst v63  }
0x405: {  	_ =	swait.ge [sflag:s14], $0x3E80  }
0x406: {  	[sflag:s14] =	ssyncset.done $0x0  }
0x407: {  	s29 =	simm.s32 $0x2700;
	[sflag:s14] =	ssyncadd.s32 $0xFFFFC180  }
0x408: {  	[spmem:s2] =	stream.indirect.scatter.add.f32 [tilespmem:s11], [sflag:$0x3], $0x80, s29, s10, $0xb8;
	[tilespmem:$0x1E080] =	vst v63  }
0x409: {  	_ =	swait.ge [sflag:s6], $0x3E80  }
0x40a: {  	[sflag:s6] =	ssyncset.done $0x0  }
0x40b: {  	[sflag:s6] =	ssyncadd.s32 $0xFFFFC180  }
0x40c: {  	_ =	swait.ge [sflag:s16], $0x3E80  }
0x40d: {  	[sflag:s16] =	ssyncset.done $0x0  }
0x40e: {  	s29 =	simm.s32 $0x2780;
	[sflag:s16] =	ssyncadd.s32 $0xFFFFC180  }
0x40f: {  	[spmem:s2] =	stream.indirect.scatter.add.f32 [tilespmem:s13], [sflag:$0x3], $0x80, s29, s10, $0xb8;
	[tilespmem:$0x1E080] =	vst v63  }
0x410: {  	_ =	swait.ge [sflag:s6], $0x3E80  }
0x411: {  	[sflag:s6] =	ssyncset.done $0x0  }
0x412: {  	s29 =	rddreg [dreg:$0xb];
	[sflag:s6] =	ssyncadd.s32 $0xFFFFC180  }
0x413: {  	[tilespmem:s7], [sflag:$0x3] =	stream.linear.gather [hbm4b:s29+s7], $0x1400, $0x38;
	[tilespmem:$0x1E080] =	vst v63  }
0x414: {  	_ =	swait.ge [sflag:s6], $0x1400  }
0x415: {  	[sflag:s6] =	ssyncset.done $0x0  }
0x416: {  	s29 =	rddreg [dreg:$0xc];
	[sflag:s6] =	ssyncadd.s32 $0xFFFFEC00  }
0x417: {  	[tilespmem:s0], [sflag:$0x3] =	stream.linear.gather [hbm4b:s29+s7], $0x1400, $0x38;
	[tilespmem:$0x1E080] =	vst v63  }
0x418: {  	_ =	swait.ge [sflag:s6], $0x1400  }
0x419: {  	[sflag:s6] =	ssyncset.done $0x0  }
0x41a: {  	[sflag:s6] =	ssyncadd.s32 $0xFFFFEC00  }
0x41b: {  	[tilespmem:s11], [sflag:$0x1] =	stream.indirect.gather [hbm4b:s1+s10], $0x80, s7, s10, $0xb8;
	[tilespmem:$0x1E080] =	vst v63  }
0x41c: {  	_ = 	snop  }
0x41d: {  	[tilespmem:s13], [sflag:$0x2] =	stream.indirect.gather [hbm4b:s1+s10], $0x80, s30, s10, $0xb8;
	[tilespmem:$0x1E080] =	vst v63  }
0x41e: {  	_ =	swait.ge [sflag:s14], $0x3E80  }
0x41f: {  	[sflag:s14] =	ssyncset.done $0x0  }
0x420: {  	[sflag:s14] =	ssyncadd.s32 $0xFFFFC180  }
0x421: {  	[spmem:s2] =	stream.indirect.scatter.add.f32 [tilespmem:s11], [sflag:$0x3], $0x80, s0, s10, $0xb8;
	[tilespmem:$0x1E080] =	vst v63  }
0x422: {  	_ =	swait.ge [sflag:s6], $0x3E80  }
0x423: {  	[sflag:s6] =	ssyncset.done $0x0  }
0x424: {  	[sflag:s6] =	ssyncadd.s32 $0xFFFFC180  }
0x425: {  	[tilespmem:s11], [sflag:$0x1] =	stream.indirect.gather [hbm4b:s1+s10], $0x80, s31, s10, $0xb8;
	[tilespmem:$0x1E080] =	vst v63  }
0x426: {  	_ =	swait.ge [sflag:s16], $0x3E80  }
0x427: {  	[sflag:s16] =	ssyncset.done $0x0  }
0x428: {  	s29 =	simm.s32 $0x1480;
	[sflag:s16] =	ssyncadd.s32 $0xFFFFC180  }
0x429: {  	[spmem:s2] =	stream.indirect.scatter.add.f32 [tilespmem:s13], [sflag:$0x3], $0x80, s29, s10, $0xb8;
	[tilespmem:$0x1E080] =	vst v63  }
0x42a: {  	_ =	swait.ge [sflag:s6], $0x3E80  }
0x42b: {  	[sflag:s6] =	ssyncset.done $0x0  }
0x42c: {  	[sflag:s6] =	ssyncadd.s32 $0xFFFFC180  }
0x42d: {  	[tilespmem:s13], [sflag:$0x2] =	stream.indirect.gather [hbm4b:s1+s10], $0x80, s12, s10, $0xb8;
	[tilespmem:$0x1E080] =	vst v63  }
0x42e: {  	_ =	swait.ge [sflag:s14], $0x3E80  }
0x42f: {  	[sflag:s14] =	ssyncset.done $0x0  }
0x430: {  	[sflag:s14] =	ssyncadd.s32 $0xFFFFC180  }
0x431: {  	[spmem:s2] =	stream.indirect.scatter.add.f32 [tilespmem:s11], [sflag:$0x3], $0x80, s15, s10, $0xb8;
	[tilespmem:$0x1E080] =	vst v63  }
0x432: {  	_ =	swait.ge [sflag:s6], $0x3E80  }
0x433: {  	[sflag:s6] =	ssyncset.done $0x0  }
0x434: {  	[sflag:s6] =	ssyncadd.s32 $0xFFFFC180  }
0x435: {  	[tilespmem:s11], [sflag:$0x1] =	stream.indirect.gather [hbm4b:s1+s10], $0x80, s17, s10, $0xb8;
	[tilespmem:$0x1E080] =	vst v63  }
0x436: {  	_ =	swait.ge [sflag:s16], $0x3E80  }
0x437: {  	[sflag:s16] =	ssyncset.done $0x0  }
0x438: {  	[sflag:s16] =	ssyncadd.s32 $0xFFFFC180  }
0x439: {  	[spmem:s2] =	stream.indirect.scatter.add.f32 [tilespmem:s13], [sflag:$0x3], $0x80, s18, s10, $0xb8;
	[tilespmem:$0x1E080] =	vst v63  }
0x43a: {  	_ =	swait.ge [sflag:s6], $0x3E80  }
0x43b: {  	[sflag:s6] =	ssyncset.done $0x0  }
0x43c: {  	[sflag:s6] =	ssyncadd.s32 $0xFFFFC180  }
0x43d: {  	[tilespmem:s13], [sflag:$0x2] =	stream.indirect.gather [hbm4b:s1+s10], $0x80, s19, s10, $0xb8;
	[tilespmem:$0x1E080] =	vst v63  }
0x43e: {  	_ =	swait.ge [sflag:s14], $0x3E80  }
0x43f: {  	[sflag:s14] =	ssyncset.done $0x0  }
0x440: {  	[sflag:s14] =	ssyncadd.s32 $0xFFFFC180  }
0x441: {  	[spmem:s2] =	stream.indirect.scatter.add.f32 [tilespmem:s11], [sflag:$0x3], $0x80, s20, s10, $0xb8;
	[tilespmem:$0x1E080] =	vst v63  }
0x442: {  	_ =	swait.ge [sflag:s6], $0x3E80  }
0x443: {  	[sflag:s6] =	ssyncset.done $0x0  }
0x444: {  	[sflag:s6] =	ssyncadd.s32 $0xFFFFC180  }
0x445: {  	[tilespmem:s11], [sflag:$0x1] =	stream.indirect.gather [hbm4b:s1+s10], $0x80, s21, s10, $0xb8;
	[tilespmem:$0x1E080] =	vst v63  }
0x446: {  	_ =	swait.ge [sflag:s16], $0x3E80  }
0x447: {  	[sflag:s16] =	ssyncset.done $0x0  }
0x448: {  	[sflag:s16] =	ssyncadd.s32 $0xFFFFC180  }
0x449: {  	[spmem:s2] =	stream.indirect.scatter.add.f32 [tilespmem:s13], [sflag:$0x3], $0x80, s22, s10, $0xb8;
	[tilespmem:$0x1E080] =	vst v63  }
0x44a: {  	_ =	swait.ge [sflag:s6], $0x3E80  }
0x44b: {  	[sflag:s6] =	ssyncset.done $0x0  }
0x44c: {  	[sflag:s6] =	ssyncadd.s32 $0xFFFFC180  }
0x44d: {  	[tilespmem:s13], [sflag:$0x2] =	stream.indirect.gather [hbm4b:s1+s10], $0x80, s23, s10, $0xb8;
	[tilespmem:$0x1E080] =	vst v63  }
0x44e: {  	_ =	swait.ge [sflag:s14], $0x3E80  }
0x44f: {  	[sflag:s14] =	ssyncset.done $0x0  }
0x450: {  	[sflag:s14] =	ssyncadd.s32 $0xFFFFC180  }
0x451: {  	[spmem:s2] =	stream.indirect.scatter.add.f32 [tilespmem:s11], [sflag:$0x3], $0x80, s24, s10, $0xb8;
	[tilespmem:$0x1E080] =	vst v63  }
0x452: {  	_ =	swait.ge [sflag:s6], $0x3E80  }
0x453: {  	[sflag:s6] =	ssyncset.done $0x0  }
0x454: {  	[sflag:s6] =	ssyncadd.s32 $0xFFFFC180  }
0x455: {  	[tilespmem:s11], [sflag:$0x1] =	stream.indirect.gather [hbm4b:s1+s10], $0x80, s25, s10, $0xb8;
	[tilespmem:$0x1E080] =	vst v63  }
0x456: {  	_ =	swait.ge [sflag:s16], $0x3E80  }
0x457: {  	[sflag:s16] =	ssyncset.done $0x0  }
0x458: {  	[sflag:s16] =	ssyncadd.s32 $0xFFFFC180  }
0x459: {  	[spmem:s2] =	stream.indirect.scatter.add.f32 [tilespmem:s13], [sflag:$0x3], $0x80, s28, s10, $0xb8;
	[tilespmem:$0x1E080] =	vst v63  }
0x45a: {  	_ =	swait.ge [sflag:s6], $0x3E80  }
0x45b: {  	[sflag:s6] =	ssyncset.done $0x0  }
0x45c: {  	[sflag:s6] =	ssyncadd.s32 $0xFFFFC180  }
0x45d: {  	[tilespmem:s13], [sflag:$0x2] =	stream.indirect.gather [hbm4b:s1+s10], $0x80, s5, s10, $0xb8;
	[tilespmem:$0x1E080] =	vst v63  }
0x45e: {  	_ =	swait.ge [sflag:s14], $0x3E80  }
0x45f: {  	[sflag:s14] =	ssyncset.done $0x0  }
0x460: {  	[sflag:s14] =	ssyncadd.s32 $0xFFFFC180  }
0x461: {  	[spmem:s2] =	stream.indirect.scatter.add.f32 [tilespmem:s11], [sflag:$0x3], $0x80, s4, s10, $0xb8;
	[tilespmem:$0x1E080] =	vst v63  }
0x462: {  	_ =	swait.ge [sflag:s6], $0x3E80  }
0x463: {  	[sflag:s6] =	ssyncset.done $0x0  }
0x464: {  	s29 =	simm.s32 $0x500;
	[sflag:s6] =	ssyncadd.s32 $0xFFFFC180  }
0x465: {  	[tilespmem:s11], [sflag:$0x1] =	stream.indirect.gather [hbm4b:s1+s10], $0x80, s29, s10, $0xb8;
	[tilespmem:$0x1E080] =	vst v63  }
0x466: {  	_ =	swait.ge [sflag:s16], $0x3E80  }
0x467: {  	[sflag:s16] =	ssyncset.done $0x0  }
0x468: {  	s29 =	simm.s32 $0x1880;
	[sflag:s16] =	ssyncadd.s32 $0xFFFFC180  }
0x469: {  	[spmem:s2] =	stream.indirect.scatter.add.f32 [tilespmem:s13], [sflag:$0x3], $0x80, s29, s10, $0xb8;
	[tilespmem:$0x1E080] =	vst v63  }
0x46a: {  	_ =	swait.ge [sflag:s6], $0x3E80  }
0x46b: {  	[sflag:s6] =	ssyncset.done $0x0  }
0x46c: {  	s29 =	simm.s32 $0x580;
	[sflag:s6] =	ssyncadd.s32 $0xFFFFC180  }
0x46d: {  	[tilespmem:s13], [sflag:$0x2] =	stream.indirect.gather [hbm4b:s1+s10], $0x80, s29, s10, $0xb8;
	[tilespmem:$0x1E080] =	vst v63  }
0x46e: {  	_ =	swait.ge [sflag:s14], $0x3E80  }
0x46f: {  	[sflag:s14] =	ssyncset.done $0x0  }
0x470: {  	s29 =	simm.s32 $0x1900;
	[sflag:s14] =	ssyncadd.s32 $0xFFFFC180  }
0x471: {  	[spmem:s2] =	stream.indirect.scatter.add.f32 [tilespmem:s11], [sflag:$0x3], $0x80, s29, s10, $0xb8;
	[tilespmem:$0x1E080] =	vst v63  }
0x472: {  	_ =	swait.ge [sflag:s6], $0x3E80  }
0x473: {  	[sflag:s6] =	ssyncset.done $0x0  }
0x474: {  	s29 =	simm.s32 $0x600;
	[sflag:s6] =	ssyncadd.s32 $0xFFFFC180  }
0x475: {  	[tilespmem:s11], [sflag:$0x1] =	stream.indirect.gather [hbm4b:s1+s10], $0x80, s29, s10, $0xb8;
	[tilespmem:$0x1E080] =	vst v63  }
0x476: {  	_ =	swait.ge [sflag:s16], $0x3E80  }
0x477: {  	[sflag:s16] =	ssyncset.done $0x0  }
0x478: {  	s29 =	simm.s32 $0x1980;
	[sflag:s16] =	ssyncadd.s32 $0xFFFFC180  }
0x479: {  	[spmem:s2] =	stream.indirect.scatter.add.f32 [tilespmem:s13], [sflag:$0x3], $0x80, s29, s10, $0xb8;
	[tilespmem:$0x1E080] =	vst v63  }
0x47a: {  	_ =	swait.ge [sflag:s6], $0x3E80  }
0x47b: {  	[sflag:s6] =	ssyncset.done $0x0  }
0x47c: {  	s29 =	simm.s32 $0x680;
	[sflag:s6] =	ssyncadd.s32 $0xFFFFC180  }
0x47d: {  	[tilespmem:s13], [sflag:$0x2] =	stream.indirect.gather [hbm4b:s1+s10], $0x80, s29, s10, $0xb8;
	[tilespmem:$0x1E080] =	vst v63  }
0x47e: {  	_ =	swait.ge [sflag:s14], $0x3E80  }
0x47f: {  	[sflag:s14] =	ssyncset.done $0x0  }
0x480: {  	s29 =	simm.s32 $0x1A00;
	[sflag:s14] =	ssyncadd.s32 $0xFFFFC180  }
0x481: {  	[spmem:s2] =	stream.indirect.scatter.add.f32 [tilespmem:s11], [sflag:$0x3], $0x80, s29, s10, $0xb8;
	[tilespmem:$0x1E080] =	vst v63  }
0x482: {  	_ =	swait.ge [sflag:s6], $0x3E80  }
0x483: {  	[sflag:s6] =	ssyncset.done $0x0  }
0x484: {  	s29 =	simm.s32 $0x700;
	[sflag:s6] =	ssyncadd.s32 $0xFFFFC180  }
0x485: {  	[tilespmem:s11], [sflag:$0x1] =	stream.indirect.gather [hbm4b:s1+s10], $0x80, s29, s10, $0xb8;
	[tilespmem:$0x1E080] =	vst v63  }
0x486: {  	_ =	swait.ge [sflag:s16], $0x3E80  }
0x487: {  	[sflag:s16] =	ssyncset.done $0x0  }
0x488: {  	s29 =	simm.s32 $0x1A80;
	[sflag:s16] =	ssyncadd.s32 $0xFFFFC180  }
0x489: {  	[spmem:s2] =	stream.indirect.scatter.add.f32 [tilespmem:s13], [sflag:$0x3], $0x80, s29, s10, $0xb8;
	[tilespmem:$0x1E080] =	vst v63  }
0x48a: {  	_ =	swait.ge [sflag:s6], $0x3E80  }
0x48b: {  	[sflag:s6] =	ssyncset.done $0x0  }
0x48c: {  	s29 =	simm.s32 $0x780;
	[sflag:s6] =	ssyncadd.s32 $0xFFFFC180  }
0x48d: {  	[tilespmem:s13], [sflag:$0x2] =	stream.indirect.gather [hbm4b:s1+s10], $0x80, s29, s10, $0xb8;
	[tilespmem:$0x1E080] =	vst v63  }
0x48e: {  	_ =	swait.ge [sflag:s14], $0x3E80  }
0x48f: {  	[sflag:s14] =	ssyncset.done $0x0  }
0x490: {  	s29 =	simm.s32 $0x1B00;
	[sflag:s14] =	ssyncadd.s32 $0xFFFFC180  }
0x491: {  	[spmem:s2] =	stream.indirect.scatter.add.f32 [tilespmem:s11], [sflag:$0x3], $0x80, s29, s10, $0xb8;
	[tilespmem:$0x1E080] =	vst v63  }
0x492: {  	_ =	swait.ge [sflag:s6], $0x3E80  }
0x493: {  	[sflag:s6] =	ssyncset.done $0x0  }
0x494: {  	s29 =	simm.s32 $0x800;
	[sflag:s6] =	ssyncadd.s32 $0xFFFFC180  }
0x495: {  	[tilespmem:s11], [sflag:$0x1] =	stream.indirect.gather [hbm4b:s1+s10], $0x80, s29, s10, $0xb8;
	[tilespmem:$0x1E080] =	vst v63  }
0x496: {  	_ =	swait.ge [sflag:s16], $0x3E80  }
0x497: {  	[sflag:s16] =	ssyncset.done $0x0  }
0x498: {  	s29 =	simm.s32 $0x1B80;
	[sflag:s16] =	ssyncadd.s32 $0xFFFFC180  }
0x499: {  	[spmem:s2] =	stream.indirect.scatter.add.f32 [tilespmem:s13], [sflag:$0x3], $0x80, s29, s10, $0xb8;
	[tilespmem:$0x1E080] =	vst v63  }
0x49a: {  	_ =	swait.ge [sflag:s6], $0x3E80  }
0x49b: {  	[sflag:s6] =	ssyncset.done $0x0  }
0x49c: {  	s29 =	simm.s32 $0x880;
	[sflag:s6] =	ssyncadd.s32 $0xFFFFC180  }
0x49d: {  	[tilespmem:s13], [sflag:$0x2] =	stream.indirect.gather [hbm4b:s1+s10], $0x80, s29, s10, $0xb8;
	[tilespmem:$0x1E080] =	vst v63  }
0x49e: {  	_ =	swait.ge [sflag:s14], $0x3E80  }
0x49f: {  	[sflag:s14] =	ssyncset.done $0x0  }
0x4a0: {  	s29 =	simm.s32 $0x1C00;
	[sflag:s14] =	ssyncadd.s32 $0xFFFFC180  }
0x4a1: {  	[spmem:s2] =	stream.indirect.scatter.add.f32 [tilespmem:s11], [sflag:$0x3], $0x80, s29, s10, $0xb8;
	[tilespmem:$0x1E080] =	vst v63  }
0x4a2: {  	_ =	swait.ge [sflag:s6], $0x3E80  }
0x4a3: {  	[sflag:s6] =	ssyncset.done $0x0  }
0x4a4: {  	s29 =	simm.s32 $0x900;
	[sflag:s6] =	ssyncadd.s32 $0xFFFFC180  }
0x4a5: {  	[tilespmem:s11], [sflag:$0x1] =	stream.indirect.gather [hbm4b:s1+s10], $0x80, s29, s10, $0xb8;
	[tilespmem:$0x1E080] =	vst v63  }
0x4a6: {  	_ =	swait.ge [sflag:s16], $0x3E80  }
0x4a7: {  	[sflag:s16] =	ssyncset.done $0x0  }
0x4a8: {  	s29 =	simm.s32 $0x1C80;
	[sflag:s16] =	ssyncadd.s32 $0xFFFFC180  }
0x4a9: {  	[spmem:s2] =	stream.indirect.scatter.add.f32 [tilespmem:s13], [sflag:$0x3], $0x80, s29, s10, $0xb8;
	[tilespmem:$0x1E080] =	vst v63  }
0x4aa: {  	_ =	swait.ge [sflag:s6], $0x3E80  }
0x4ab: {  	[sflag:s6] =	ssyncset.done $0x0  }
0x4ac: {  	s29 =	simm.s32 $0x980;
	[sflag:s6] =	ssyncadd.s32 $0xFFFFC180  }
0x4ad: {  	[tilespmem:s13], [sflag:$0x2] =	stream.indirect.gather [hbm4b:s1+s10], $0x80, s29, s10, $0xb8;
	[tilespmem:$0x1E080] =	vst v63  }
0x4ae: {  	_ =	swait.ge [sflag:s14], $0x3E80  }
0x4af: {  	[sflag:s14] =	ssyncset.done $0x0  }
0x4b0: {  	s29 =	simm.s32 $0x1D00;
	[sflag:s14] =	ssyncadd.s32 $0xFFFFC180  }
0x4b1: {  	[spmem:s2] =	stream.indirect.scatter.add.f32 [tilespmem:s11], [sflag:$0x3], $0x80, s29, s10, $0xb8;
	[tilespmem:$0x1E080] =	vst v63  }
0x4b2: {  	_ =	swait.ge [sflag:s6], $0x3E80  }
0x4b3: {  	[sflag:s6] =	ssyncset.done $0x0  }
0x4b4: {  	s29 =	simm.s32 $0xA00;
	[sflag:s6] =	ssyncadd.s32 $0xFFFFC180  }
0x4b5: {  	[tilespmem:s11], [sflag:$0x1] =	stream.indirect.gather [hbm4b:s1+s10], $0x80, s29, s10, $0xb8;
	[tilespmem:$0x1E080] =	vst v63  }
0x4b6: {  	_ =	swait.ge [sflag:s16], $0x3E80  }
0x4b7: {  	[sflag:s16] =	ssyncset.done $0x0  }
0x4b8: {  	s29 =	simm.s32 $0x1D80;
	[sflag:s16] =	ssyncadd.s32 $0xFFFFC180  }
0x4b9: {  	[spmem:s2] =	stream.indirect.scatter.add.f32 [tilespmem:s13], [sflag:$0x3], $0x80, s29, s10, $0xb8;
	[tilespmem:$0x1E080] =	vst v63  }
0x4ba: {  	_ =	swait.ge [sflag:s6], $0x3E80  }
0x4bb: {  	[sflag:s6] =	ssyncset.done $0x0  }
0x4bc: {  	s29 =	simm.s32 $0xA80;
	[sflag:s6] =	ssyncadd.s32 $0xFFFFC180  }
0x4bd: {  	[tilespmem:s13], [sflag:$0x2] =	stream.indirect.gather [hbm4b:s1+s10], $0x80, s29, s10, $0xb8;
	[tilespmem:$0x1E080] =	vst v63  }
0x4be: {  	_ =	swait.ge [sflag:s14], $0x3E80  }
0x4bf: {  	[sflag:s14] =	ssyncset.done $0x0  }
0x4c0: {  	s29 =	simm.s32 $0x1E00;
	[sflag:s14] =	ssyncadd.s32 $0xFFFFC180  }
0x4c1: {  	[spmem:s2] =	stream.indirect.scatter.add.f32 [tilespmem:s11], [sflag:$0x3], $0x80, s29, s10, $0xb8;
	[tilespmem:$0x1E080] =	vst v63  }
0x4c2: {  	_ =	swait.ge [sflag:s6], $0x3E80  }
0x4c3: {  	[sflag:s6] =	ssyncset.done $0x0  }
0x4c4: {  	s29 =	simm.s32 $0xB00;
	[sflag:s6] =	ssyncadd.s32 $0xFFFFC180  }
0x4c5: {  	[tilespmem:s11], [sflag:$0x1] =	stream.indirect.gather [hbm4b:s1+s10], $0x80, s29, s10, $0xb8;
	[tilespmem:$0x1E080] =	vst v63  }
0x4c6: {  	_ =	swait.ge [sflag:s16], $0x3E80  }
0x4c7: {  	[sflag:s16] =	ssyncset.done $0x0  }
0x4c8: {  	s29 =	simm.s32 $0x1E80;
	[sflag:s16] =	ssyncadd.s32 $0xFFFFC180  }
0x4c9: {  	[spmem:s2] =	stream.indirect.scatter.add.f32 [tilespmem:s13], [sflag:$0x3], $0x80, s29, s10, $0xb8;
	[tilespmem:$0x1E080] =	vst v63  }
0x4ca: {  	_ =	swait.ge [sflag:s6], $0x3E80  }
0x4cb: {  	[sflag:s6] =	ssyncset.done $0x0  }
0x4cc: {  	s29 =	simm.s32 $0xB80;
	[sflag:s6] =	ssyncadd.s32 $0xFFFFC180  }
0x4cd: {  	[tilespmem:s13], [sflag:$0x2] =	stream.indirect.gather [hbm4b:s1+s10], $0x80, s29, s10, $0xb8;
	[tilespmem:$0x1E080] =	vst v63  }
0x4ce: {  	_ =	swait.ge [sflag:s14], $0x3E80  }
0x4cf: {  	[sflag:s14] =	ssyncset.done $0x0  }
0x4d0: {  	s29 =	simm.s32 $0x1F00;
	[sflag:s14] =	ssyncadd.s32 $0xFFFFC180  }
0x4d1: {  	[spmem:s2] =	stream.indirect.scatter.add.f32 [tilespmem:s11], [sflag:$0x3], $0x80, s29, s10, $0xb8;
	[tilespmem:$0x1E080] =	vst v63  }
0x4d2: {  	_ =	swait.ge [sflag:s6], $0x3E80  }
0x4d3: {  	[sflag:s6] =	ssyncset.done $0x0  }
0x4d4: {  	s29 =	simm.s32 $0xC00;
	[sflag:s6] =	ssyncadd.s32 $0xFFFFC180  }
0x4d5: {  	[tilespmem:s11], [sflag:$0x1] =	stream.indirect.gather [hbm4b:s1+s10], $0x80, s29, s10, $0xb8;
	[tilespmem:$0x1E080] =	vst v63  }
0x4d6: {  	_ =	swait.ge [sflag:s16], $0x3E80  }
0x4d7: {  	[sflag:s16] =	ssyncset.done $0x0  }
0x4d8: {  	s29 =	simm.s32 $0x1F80;
	[sflag:s16] =	ssyncadd.s32 $0xFFFFC180  }
0x4d9: {  	[spmem:s2] =	stream.indirect.scatter.add.f32 [tilespmem:s13], [sflag:$0x3], $0x80, s29, s10, $0xb8;
	[tilespmem:$0x1E080] =	vst v63  }
0x4da: {  	_ =	swait.ge [sflag:s6], $0x3E80  }
0x4db: {  	[sflag:s6] =	ssyncset.done $0x0  }
0x4dc: {  	s29 =	simm.s32 $0xC80;
	[sflag:s6] =	ssyncadd.s32 $0xFFFFC180  }
0x4dd: {  	[tilespmem:s13], [sflag:$0x2] =	stream.indirect.gather [hbm4b:s1+s10], $0x80, s29, s10, $0xb8;
	[tilespmem:$0x1E080] =	vst v63  }
0x4de: {  	_ =	swait.ge [sflag:s14], $0x3E80  }
0x4df: {  	[sflag:s14] =	ssyncset.done $0x0  }
0x4e0: {  	s29 =	simm.s32 $0x2000;
	[sflag:s14] =	ssyncadd.s32 $0xFFFFC180  }
0x4e1: {  	[spmem:s2] =	stream.indirect.scatter.add.f32 [tilespmem:s11], [sflag:$0x3], $0x80, s29, s10, $0xb8;
	[tilespmem:$0x1E080] =	vst v63  }
0x4e2: {  	_ =	swait.ge [sflag:s6], $0x3E80  }
0x4e3: {  	[sflag:s6] =	ssyncset.done $0x0  }
0x4e4: {  	s29 =	simm.s32 $0xD00;
	[sflag:s6] =	ssyncadd.s32 $0xFFFFC180  }
0x4e5: {  	[tilespmem:s11], [sflag:$0x1] =	stream.indirect.gather [hbm4b:s1+s10], $0x80, s29, s10, $0xb8;
	[tilespmem:$0x1E080] =	vst v63  }
0x4e6: {  	_ =	swait.ge [sflag:s16], $0x3E80  }
0x4e7: {  	[sflag:s16] =	ssyncset.done $0x0  }
0x4e8: {  	s29 =	simm.s32 $0x2080;
	[sflag:s16] =	ssyncadd.s32 $0xFFFFC180  }
0x4e9: {  	[spmem:s2] =	stream.indirect.scatter.add.f32 [tilespmem:s13], [sflag:$0x3], $0x80, s29, s10, $0xb8;
	[tilespmem:$0x1E080] =	vst v63  }
0x4ea: {  	_ =	swait.ge [sflag:s6], $0x3E80  }
0x4eb: {  	[sflag:s6] =	ssyncset.done $0x0  }
0x4ec: {  	s29 =	simm.s32 $0xD80;
	[sflag:s6] =	ssyncadd.s32 $0xFFFFC180  }
0x4ed: {  	[tilespmem:s13], [sflag:$0x2] =	stream.indirect.gather [hbm4b:s1+s10], $0x80, s29, s10, $0xb8;
	[tilespmem:$0x1E080] =	vst v63  }
0x4ee: {  	_ =	swait.ge [sflag:s14], $0x3E80  }
0x4ef: {  	[sflag:s14] =	ssyncset.done $0x0  }
0x4f0: {  	s29 =	simm.s32 $0x2100;
	[sflag:s14] =	ssyncadd.s32 $0xFFFFC180  }
0x4f1: {  	[spmem:s2] =	stream.indirect.scatter.add.f32 [tilespmem:s11], [sflag:$0x3], $0x80, s29, s10, $0xb8;
	[tilespmem:$0x1E080] =	vst v63  }
0x4f2: {  	_ =	swait.ge [sflag:s6], $0x3E80  }
0x4f3: {  	[sflag:s6] =	ssyncset.done $0x0  }
0x4f4: {  	s29 =	simm.s32 $0xE00;
	[sflag:s6] =	ssyncadd.s32 $0xFFFFC180  }
0x4f5: {  	[tilespmem:s11], [sflag:$0x1] =	stream.indirect.gather [hbm4b:s1+s10], $0x80, s29, s10, $0xb8;
	[tilespmem:$0x1E080] =	vst v63  }
0x4f6: {  	_ =	swait.ge [sflag:s16], $0x3E80  }
0x4f7: {  	[sflag:s16] =	ssyncset.done $0x0  }
0x4f8: {  	s29 =	simm.s32 $0x2180;
	[sflag:s16] =	ssyncadd.s32 $0xFFFFC180  }
0x4f9: {  	[spmem:s2] =	stream.indirect.scatter.add.f32 [tilespmem:s13], [sflag:$0x3], $0x80, s29, s10, $0xb8;
	[tilespmem:$0x1E080] =	vst v63  }
0x4fa: {  	_ =	swait.ge [sflag:s6], $0x3E80  }
0x4fb: {  	[sflag:s6] =	ssyncset.done $0x0  }
0x4fc: {  	s29 =	simm.s32 $0xE80;
	[sflag:s6] =	ssyncadd.s32 $0xFFFFC180  }
0x4fd: {  	[tilespmem:s13], [sflag:$0x2] =	stream.indirect.gather [hbm4b:s1+s10], $0x80, s29, s10, $0xb8;
	[tilespmem:$0x1E080] =	vst v63  }
0x4fe: {  	_ =	swait.ge [sflag:s14], $0x3E80  }
0x4ff: {  	[sflag:s14] =	ssyncset.done $0x0  }
0x500: {  	s29 =	simm.s32 $0x2200;
	[sflag:s14] =	ssyncadd.s32 $0xFFFFC180  }
0x501: {  	[spmem:s2] =	stream.indirect.scatter.add.f32 [tilespmem:s11], [sflag:$0x3], $0x80, s29, s10, $0xb8;
	[tilespmem:$0x1E080] =	vst v63  }
0x502: {  	_ =	swait.ge [sflag:s6], $0x3E80  }
0x503: {  	[sflag:s6] =	ssyncset.done $0x0  }
0x504: {  	s29 =	simm.s32 $0xF00;
	[sflag:s6] =	ssyncadd.s32 $0xFFFFC180  }
0x505: {  	[tilespmem:s11], [sflag:$0x1] =	stream.indirect.gather [hbm4b:s1+s10], $0x80, s29, s10, $0xb8;
	[tilespmem:$0x1E080] =	vst v63  }
0x506: {  	_ =	swait.ge [sflag:s16], $0x3E80  }
0x507: {  	[sflag:s16] =	ssyncset.done $0x0  }
0x508: {  	s29 =	simm.s32 $0x2280;
	[sflag:s16] =	ssyncadd.s32 $0xFFFFC180  }
0x509: {  	[spmem:s2] =	stream.indirect.scatter.add.f32 [tilespmem:s13], [sflag:$0x3], $0x80, s29, s10, $0xb8;
	[tilespmem:$0x1E080] =	vst v63  }
0x50a: {  	_ =	swait.ge [sflag:s6], $0x3E80  }
0x50b: {  	[sflag:s6] =	ssyncset.done $0x0  }
0x50c: {  	s29 =	simm.s32 $0xF80;
	[sflag:s6] =	ssyncadd.s32 $0xFFFFC180  }
0x50d: {  	[tilespmem:s13], [sflag:$0x2] =	stream.indirect.gather [hbm4b:s1+s10], $0x80, s29, s10, $0xb8;
	[tilespmem:$0x1E080] =	vst v63  }
0x50e: {  	_ =	swait.ge [sflag:s14], $0x3E80  }
0x50f: {  	[sflag:s14] =	ssyncset.done $0x0  }
0x510: {  	s29 =	simm.s32 $0x2300;
	[sflag:s14] =	ssyncadd.s32 $0xFFFFC180  }
0x511: {  	[spmem:s2] =	stream.indirect.scatter.add.f32 [tilespmem:s11], [sflag:$0x3], $0x80, s29, s10, $0xb8;
	[tilespmem:$0x1E080] =	vst v63  }
0x512: {  	_ =	swait.ge [sflag:s6], $0x3E80  }
0x513: {  	[sflag:s6] =	ssyncset.done $0x0  }
0x514: {  	s29 =	simm.s32 $0x1000;
	[sflag:s6] =	ssyncadd.s32 $0xFFFFC180  }
0x515: {  	[tilespmem:s11], [sflag:$0x1] =	stream.indirect.gather [hbm4b:s1+s10], $0x80, s29, s10, $0xb8;
	[tilespmem:$0x1E080] =	vst v63  }
0x516: {  	_ =	swait.ge [sflag:s16], $0x3E80  }
0x517: {  	[sflag:s16] =	ssyncset.done $0x0  }
0x518: {  	s29 =	simm.s32 $0x2380;
	[sflag:s16] =	ssyncadd.s32 $0xFFFFC180  }
0x519: {  	[spmem:s2] =	stream.indirect.scatter.add.f32 [tilespmem:s13], [sflag:$0x3], $0x80, s29, s10, $0xb8;
	[tilespmem:$0x1E080] =	vst v63  }
0x51a: {  	_ =	swait.ge [sflag:s6], $0x3E80  }
0x51b: {  	[sflag:s6] =	ssyncset.done $0x0  }
0x51c: {  	s29 =	simm.s32 $0x1080;
	[sflag:s6] =	ssyncadd.s32 $0xFFFFC180  }
0x51d: {  	[tilespmem:s13], [sflag:$0x2] =	stream.indirect.gather [hbm4b:s1+s10], $0x80, s29, s10, $0xb8;
	[tilespmem:$0x1E080] =	vst v63  }
0x51e: {  	_ =	swait.ge [sflag:s14], $0x3E80  }
0x51f: {  	[sflag:s14] =	ssyncset.done $0x0  }
0x520: {  	s29 =	simm.s32 $0x2400;
	[sflag:s14] =	ssyncadd.s32 $0xFFFFC180  }
0x521: {  	[spmem:s2] =	stream.indirect.scatter.add.f32 [tilespmem:s11], [sflag:$0x3], $0x80, s29, s10, $0xb8;
	[tilespmem:$0x1E080] =	vst v63  }
0x522: {  	_ =	swait.ge [sflag:s6], $0x3E80  }
0x523: {  	[sflag:s6] =	ssyncset.done $0x0  }
0x524: {  	s29 =	simm.s32 $0x1100;
	[sflag:s6] =	ssyncadd.s32 $0xFFFFC180  }
0x525: {  	[tilespmem:s11], [sflag:$0x1] =	stream.indirect.gather [hbm4b:s1+s10], $0x80, s29, s10, $0xb8;
	[tilespmem:$0x1E080] =	vst v63  }
0x526: {  	_ =	swait.ge [sflag:s16], $0x3E80  }
0x527: {  	[sflag:s16] =	ssyncset.done $0x0  }
0x528: {  	s29 =	simm.s32 $0x2480;
	[sflag:s16] =	ssyncadd.s32 $0xFFFFC180  }
0x529: {  	[spmem:s2] =	stream.indirect.scatter.add.f32 [tilespmem:s13], [sflag:$0x3], $0x80, s29, s10, $0xb8;
	[tilespmem:$0x1E080] =	vst v63  }
0x52a: {  	_ =	swait.ge [sflag:s6], $0x3E80  }
0x52b: {  	[sflag:s6] =	ssyncset.done $0x0  }
0x52c: {  	s29 =	simm.s32 $0x1180;
	[sflag:s6] =	ssyncadd.s32 $0xFFFFC180  }
0x52d: {  	[tilespmem:s13], [sflag:$0x2] =	stream.indirect.gather [hbm4b:s1+s10], $0x80, s29, s10, $0xb8;
	[tilespmem:$0x1E080] =	vst v63  }
0x52e: {  	_ =	swait.ge [sflag:s14], $0x3E80  }
0x52f: {  	[sflag:s14] =	ssyncset.done $0x0  }
0x530: {  	s29 =	simm.s32 $0x2500;
	[sflag:s14] =	ssyncadd.s32 $0xFFFFC180  }
0x531: {  	[spmem:s2] =	stream.indirect.scatter.add.f32 [tilespmem:s11], [sflag:$0x3], $0x80, s29, s10, $0xb8;
	[tilespmem:$0x1E080] =	vst v63  }
0x532: {  	_ =	swait.ge [sflag:s6], $0x3E80  }
0x533: {  	[sflag:s6] =	ssyncset.done $0x0  }
0x534: {  	s29 =	simm.s32 $0x1200;
	[sflag:s6] =	ssyncadd.s32 $0xFFFFC180  }
0x535: {  	[tilespmem:s11], [sflag:$0x1] =	stream.indirect.gather [hbm4b:s1+s10], $0x80, s29, s10, $0xb8;
	[tilespmem:$0x1E080] =	vst v63  }
0x536: {  	_ =	swait.ge [sflag:s16], $0x3E80  }
0x537: {  	[sflag:s16] =	ssyncset.done $0x0  }
0x538: {  	s29 =	simm.s32 $0x2580;
	[sflag:s16] =	ssyncadd.s32 $0xFFFFC180  }
0x539: {  	[spmem:s2] =	stream.indirect.scatter.add.f32 [tilespmem:s13], [sflag:$0x3], $0x80, s29, s10, $0xb8;
	[tilespmem:$0x1E080] =	vst v63  }
0x53a: {  	_ =	swait.ge [sflag:s6], $0x3E80  }
0x53b: {  	[sflag:s6] =	ssyncset.done $0x0  }
0x53c: {  	s29 =	simm.s32 $0x1280;
	[sflag:s6] =	ssyncadd.s32 $0xFFFFC180  }
0x53d: {  	[tilespmem:s13], [sflag:$0x2] =	stream.indirect.gather [hbm4b:s1+s10], $0x80, s29, s10, $0xb8;
	[tilespmem:$0x1E080] =	vst v63  }
0x53e: {  	_ =	swait.ge [sflag:s14], $0x3E80  }
0x53f: {  	[sflag:s14] =	ssyncset.done $0x0  }
0x540: {  	s29 =	simm.s32 $0x2600;
	[sflag:s14] =	ssyncadd.s32 $0xFFFFC180  }
0x541: {  	[spmem:s2] =	stream.indirect.scatter.add.f32 [tilespmem:s11], [sflag:$0x3], $0x80, s29, s10, $0xb8;
	[tilespmem:$0x1E080] =	vst v63  }
0x542: {  	_ =	swait.ge [sflag:s6], $0x3E80  }
0x543: {  	[sflag:s6] =	ssyncset.done $0x0  }
0x544: {  	s29 =	simm.s32 $0x1300;
	[sflag:s6] =	ssyncadd.s32 $0xFFFFC180  }
0x545: {  	[tilespmem:s11], [sflag:$0x1] =	stream.indirect.gather [hbm4b:s1+s10], $0x80, s29, s10, $0xb8;
	[tilespmem:$0x1E080] =	vst v63  }
0x546: {  	_ =	swait.ge [sflag:s16], $0x3E80  }
0x547: {  	[sflag:s16] =	ssyncset.done $0x0  }
0x548: {  	s29 =	simm.s32 $0x2680;
	[sflag:s16] =	ssyncadd.s32 $0xFFFFC180  }
0x549: {  	[spmem:s2] =	stream.indirect.scatter.add.f32 [tilespmem:s13], [sflag:$0x3], $0x80, s29, s10, $0xb8;
	[tilespmem:$0x1E080] =	vst v63  }
0x54a: {  	_ =	swait.ge [sflag:s6], $0x3E80  }
0x54b: {  	[sflag:s6] =	ssyncset.done $0x0  }
0x54c: {  	s29 =	simm.s32 $0x1380;
	[sflag:s6] =	ssyncadd.s32 $0xFFFFC180  }
0x54d: {  	[tilespmem:s13], [sflag:$0x2] =	stream.indirect.gather [hbm4b:s1+s10], $0x80, s29, s10, $0xb8;
	[tilespmem:$0x1E080] =	vst v63  }
0x54e: {  	_ =	swait.ge [sflag:s14], $0x3E80  }
0x54f: {  	[sflag:s14] =	ssyncset.done $0x0  }
0x550: {  	s29 =	simm.s32 $0x2700;
	[sflag:s14] =	ssyncadd.s32 $0xFFFFC180  }
0x551: {  	[spmem:s2] =	stream.indirect.scatter.add.f32 [tilespmem:s11], [sflag:$0x3], $0x80, s29, s10, $0xb8;
	[tilespmem:$0x1E080] =	vst v63  }
0x552: {  	_ =	swait.ge [sflag:s6], $0x3E80  }
0x553: {  	[sflag:s6] =	ssyncset.done $0x0  }
0x554: {  	[sflag:s6] =	ssyncadd.s32 $0xFFFFC180  }
0x555: {  	_ =	swait.ge [sflag:s16], $0x3E80  }
0x556: {  	[sflag:s16] =	ssyncset.done $0x0  }
0x557: {  	s29 =	simm.s32 $0x2780;
	[sflag:s16] =	ssyncadd.s32 $0xFFFFC180  }
0x558: {  	[spmem:s2] =	stream.indirect.scatter.add.f32 [tilespmem:s13], [sflag:$0x3], $0x80, s29, s10, $0xb8;
	[tilespmem:$0x1E080] =	vst v63  }
0x559: {  	_ =	swait.ge [sflag:s6], $0x3E80  }
0x55a: {  	[sflag:s6] =	ssyncset.done $0x0  }
0x55b: {  	[sflag:s6] =	ssyncadd.s32 $0xFFFFC180  }
0x55c: {  	s26 =	sadd.s32 $0xFFFFFFFF, s26;
	[bflag:$0x0] =	sbarrier.arrive $0xFFFF  }
0x55d: {  	p1 =	sne.s32 s26, $0x0;
	s29 =	rddreg [dreg:$0x10]  }
0x55e: {  	[hbm:s29], [sflag:s3] =	dma.local [spmem:s8], $0x2700  }
.Ltmp1:
0x55f: {  	_ =	swait.ge [sflag:s6], $0x2700;
	(pc) =	sbr.rel @p1 .LBB2_2-.Ltmp1, $4  }
0x560: {  	[sflag:s6] =	ssyncset.done $0x0  }
0x561: {  	s0 =	simm.s32 @!p0 $0x3;
	s4 =	rddreg [dreg:$0x11];
	[sflag:s6] =	ssyncadd.s32 $0xFFFFD900  }
0x562: {  	[hbm:s4], [sflag:s3] =	dma.local @!p0 [spmem:s9], $0x100  }
0x563: {  	_ =	swait.ge @!p0 [sflag:s0], $0x100  }
.LBB2_3:
0x564: {  	[sflag:s0] =	ssyncset.done @!p0 $0x0  }
0x565: {  	[sflag:s0] =	ssyncadd.s32 @!p0 $0xFFFFFF00  }
0x566: {  	_ =	sfence.sel $0x180000  }
0x567: {  	[bflag:$0x0] =	sbarrier.arrive $0xFFFF  }
0x568: {  	_ =	strace $0x90000047  }
0x569: {  	[bflag:$0x2] =	sbarrier.arrive $0xFFFF  }
0x56a: {  	s0 =	rddreg [dreg:$0x6]  }
0x56b: {  	s0 =	sadd.s32 @!p0 $0x100000, s0  }
0x56c: {  	[sflag:s0] =	ssyncadd.tile.s32 @!p0 $0x1;
	_ =	shalt  }
.Lfunc_end2:
_tile_overlayer_lowered:
.L_overlay_start_2:
0x56d: {  	(tag) =	ssettag $0x2  }
0x56e: {  	s0 =	rddreg [dreg:$0x0];
	s2 =	stileid.u32  }
0x56f: {  	s1 =	rddreg [dreg:$0x1];
	p0 =	sne.s32 s2, $0x0  }
0x570: {  	s3 =	rddreg [dreg:$0x2];
	[bflag:$0x3] =	sbarrier.arrive $0xFFFF;
	s2 =	simm.s32 @!p0 $0x1C03  }
0x571: {  	[timem:s3], [sflag:s2] =	dma.local @!p0 [hbm:s0], s1  }
0x572: {  	s0 =	simm.s32 @!p0 $0x3  }
0x573: {  	_ =	swait.ge @!p0 [sflag:s0], s1  }
0x574: {  	s1 =	ssub.s32 @!p0 $0x0, s1;
	[sflag:s0] =	ssyncset.done @!p0 $0x0  }
0x575: {  	[sflag:s0] =	ssyncadd.s32 @!p0 s1  }
0x576: {  	[bflag:$0x3] =	sbarrier.arrive $0xFFFF  }
0x577: {  	_ =	shalt  }

</sc_bundles>
